<compile_context>
chip_gen: v7x
topology: tpu7x:2x2x1
jax: 0.10.2.dev20260603
libtpu: 0.0.44.dev20260713+nightly
codegen_flags: <defaults>
</compile_context>

<pallas_src>
import functools

import jax
import jax.numpy as jnp
from jax import lax
from jax.experimental import pallas as pl
from jax.experimental.pallas import tpu as pltpu
from jax.experimental.pallas import tpu_sc as plsc

N = 10000
E = 320000
D = 128

NC = 2
NS = 16
NW = NC * NS
EPW = E // NW
CH = 128
NCHUNK = EPW // CH
TAIL = EPW - NCHUNK * CH
NB = 3
NI = 2 * NB
LEFT = NCHUNK % NB
RZ = 80

def _zero_vec16():
    return jnp.zeros((16,), jnp.float32)


@functools.cache
def _deg_kernel():
    return pl.kernel(
        _deg_body,
        out_type=jax.ShapeDtypeStruct((NW, 1, N), jnp.float32),
        mesh=plsc.VectorSubcoreMesh(core_axis_name="c", subcore_axis_name="s"),
        compiler_params=pltpu.CompilerParams(needs_layout_passes=False),
        scratch_types=[
            pltpu.VMEM((1, N), jnp.float32),
            pltpu.VMEM((EPW,), jnp.int32),
        ],
    )


def _deg_body(ei_hbm, out_hbm, hist, dbuf):
    c = lax.axis_index("c")
    s = lax.axis_index("s")
    wid = s * NC + c

    pltpu.sync_copy(ei_hbm.at[pl.ds(E + wid * EPW, EPW)], dbuf)

    def zero_body(i, carry):
        hist[0, pl.ds(i * 16, 16)] = _zero_vec16()
        return carry

    lax.fori_loop(0, N // 16, zero_body, 0)

    ones = jnp.ones((16,), jnp.float32)
    zi16 = jnp.zeros((16,), jnp.int32)

    def body(j, carry):
        d16 = dbuf[pl.ds(j * 16, 16)]
        plsc.addupdate_scatter(hist, [zi16, d16], ones)
        return carry

    lax.fori_loop(0, EPW // 16, body, 0)
    pltpu.sync_copy(hist, out_hbm.at[wid])


@functools.cache
def _agg_kernel():
    return pl.kernel(
        _agg_body,
        out_type=jax.ShapeDtypeStruct((NC * N, D), jnp.float32),
        mesh=plsc.VectorSubcoreMesh(core_axis_name="c", subcore_axis_name="s"),
        compiler_params=pltpu.CompilerParams(needs_layout_passes=False),
        scratch_types=(
            [pltpu.VMEM_SHARED((N, D), jnp.float32)]
            + [pltpu.VMEM((CH, D), jnp.float32)] * NB
            + [pltpu.VMEM((CH,), jnp.int32)] * NI
            + [pltpu.VMEM((CH,), jnp.int32)] * NI
            + [pltpu.VMEM((TAIL,), jnp.int32)] * 2
            + [pltpu.SemaphoreType.DMA] * (2 * NB + NI)
        ),
    )


NRCH = N // RZ
RCPT = (NRCH + NS - 1) // NS


def _agg_body(hp_hbm, ei_hbm, out_hbm, acc, *bufs):
    o = 0
    rows = bufs[o:o + NB]; o += NB
    sbuf = bufs[o:o + NI]; o += NI
    dbuf = bufs[o:o + NI]; o += NI
    sbuf_t, dbuf_t = bufs[o:o + 2]; o += 2
    gsem = bufs[o:o + NB]; o += NB
    ssem = bufs[o:o + NB]; o += NB
    isem = bufs[o:o + NI]; o += NI
    c = lax.axis_index("c")
    s = lax.axis_index("s")
    wid = s * NC + c
    ebase = wid * EPW

    def zrow(i, carry):
        for j in range(D // 16):
            rows[0][i, pl.ds(j * 16, 16)] = _zero_vec16()
        return carry

    lax.fori_loop(0, RZ, zrow, 0)
    for r in range(RCPT):
        chunk = s + r * NS
        @pl.when(chunk < NRCH)
        def _():
            pltpu.sync_copy(rows[0].at[pl.ds(0, RZ), :], acc.at[pl.ds(chunk * RZ, RZ), :])
    plsc.subcore_barrier()

    def _start_idx(k, j):
        pltpu.async_copy(ei_hbm.at[pl.ds(ebase + k * CH, CH)], sbuf[j], isem[j])
        pltpu.async_copy(ei_hbm.at[pl.ds(E + ebase + k * CH, CH)], dbuf[j], isem[j])

    def _wait_idx(k, j):
        pltpu.make_async_copy(ei_hbm.at[pl.ds(ebase + k * CH, CH)], sbuf[j], isem[j]).wait()
        pltpu.make_async_copy(ei_hbm.at[pl.ds(E + ebase + k * CH, CH)], dbuf[j], isem[j]).wait()

    def _start_gather(b, j):
        pltpu.async_copy(hp_hbm.at[sbuf[j]], rows[b], gsem[b])

    def _wait_gather(b, j):
        pltpu.make_async_copy(hp_hbm.at[sbuf[j]], rows[b], gsem[b]).wait()

    def _start_scatter(b, j):
        pltpu.async_copy(rows[b], acc.at[dbuf[j]], ssem[b], add=True)

    def _wait_scatter(b, j):
        pltpu.make_async_copy(rows[b], acc.at[dbuf[j]], ssem[b]).wait()

    for b in range(NB):
        _start_idx(b, b)
        _wait_idx(b, b)
        _start_gather(b, b)

    def body(i, carry):
        for h in range(2):
            for b in range(NB):
                k = i * NI + h * NB + b
                j = h * NB + b
                _wait_gather(b, j)
                _start_scatter(b, j)
                jn = (j + NB) % NI
                @pl.when(k + NB < NCHUNK)
                def _():
                    _start_idx(k + NB, jn)
                    _wait_scatter(b, j)
                    _wait_idx(k + NB, jn)
                    _start_gather(b, jn)
        return carry

    lax.fori_loop(0, NCHUNK // NI, body, 0)
    done = (NCHUNK // NI) * NI
    for k in range(done, NCHUNK):
        b = k % NB
        j = k % NI
        _wait_gather(b, j)
        _start_scatter(b, j)
    for k in range(NCHUNK - NB, NCHUNK):
        _wait_scatter(k % NB, k % NI)

    tbase = ebase + NCHUNK * CH
    pltpu.sync_copy(ei_hbm.at[pl.ds(tbase, TAIL)], sbuf_t)
    pltpu.sync_copy(ei_hbm.at[pl.ds(E + tbase, TAIL)], dbuf_t)
    trows = rows[0].at[pl.ds(0, TAIL), :]
    pltpu.async_copy(hp_hbm.at[sbuf_t], trows, gsem[0]).wait()
    pltpu.sync_copy(trows, acc.at[dbuf_t], add=True)

    plsc.subcore_barrier()
    for r in range(RCPT):
        chunk = s + r * NS
        @pl.when(chunk < NRCH)
        def _():
            pltpu.sync_copy(
                acc.at[pl.ds(chunk * RZ, RZ), :],
                out_hbm.at[pl.ds(c * N + chunk * RZ, RZ), :],
            )


@functools.cache
def _agg1_kernel():
    return pl.kernel(
        _agg1_body,
        out_type=jax.ShapeDtypeStruct((NW, 1, N), jnp.float32),
        mesh=plsc.VectorSubcoreMesh(core_axis_name="c", subcore_axis_name="s"),
        compiler_params=pltpu.CompilerParams(needs_layout_passes=False),
        scratch_types=[
            pltpu.VMEM((N,), jnp.float32),
            pltpu.VMEM((1, N), jnp.float32),
            pltpu.VMEM((EPW,), jnp.int32),
            pltpu.VMEM((EPW,), jnp.int32),
        ],
    )


def _agg1_body(z_hbm, ei_hbm, out_hbm, zp, acc, sbuf, dbuf):
    c = lax.axis_index("c")
    s = lax.axis_index("s")
    wid = s * NC + c

    pltpu.sync_copy(z_hbm, zp)
    pltpu.sync_copy(ei_hbm.at[pl.ds(wid * EPW, EPW)], sbuf)
    pltpu.sync_copy(ei_hbm.at[pl.ds(E + wid * EPW, EPW)], dbuf)

    def zero_body(i, carry):
        acc[0, pl.ds(i * 16, 16)] = _zero_vec16()
        return carry

    lax.fori_loop(0, N // 16, zero_body, 0)

    zi16 = jnp.zeros((16,), jnp.int32)

    def body(j, carry):
        s16 = sbuf[pl.ds(j * 16, 16)]
        d16 = dbuf[pl.ds(j * 16, 16)]
        vals = plsc.load_gather(zp, [s16])
        plsc.addupdate_scatter(acc, [zi16, d16], vals)
        return carry

    lax.fori_loop(0, EPW // 16, body, 0)
    pltpu.sync_copy(acc, out_hbm.at[wid])


_RB = 2000


def _prep_body(dp_ref, or_ref, oc_ref):
    deg = jnp.sum(dp_ref[...], axis=0) + 1.0
    dinv = lax.rsqrt(deg)
    or_ref[...] = dinv
    oc_ref[...] = dinv.T


def _prep(degparts):
    return pl.pallas_call(
        _prep_body,
        out_shape=[
            jax.ShapeDtypeStruct((1, N), jnp.float32),
            jax.ShapeDtypeStruct((N, 1), jnp.float32),
        ],
    )(degparts)


def _mm_body(x_ref, w_ref, dinv_ref, o_ref):
    p = jnp.dot(x_ref[...], w_ref[...], preferred_element_type=jnp.float32)
    o_ref[...] = p * dinv_ref[...]


def _mm(x, W, dinv_col):
    kd = W.shape[0]
    od = W.shape[1]
    return pl.pallas_call(
        _mm_body,
        out_shape=jax.ShapeDtypeStruct((N, od), jnp.float32),
        grid=(N // _RB,),
        in_specs=[
            pl.BlockSpec((_RB, kd), lambda i: (i, 0)),
            pl.BlockSpec((kd, od), lambda i: (0, 0)),
            pl.BlockSpec((_RB, 1), lambda i: (i, 0)),
        ],
        out_specs=pl.BlockSpec((_RB, od), lambda i: (i, 0)),
    )(x, W, dinv_col)


def _combmm_body(p0_ref, p1_ref, pp_ref, dinv_ref, b_ref, w_ref, o_ref):
    t = dinv_ref[...] * (p0_ref[...] + p1_ref[...] + pp_ref[...]) + b_ref[...]
    t = jnp.maximum(t, 0.0)
    p = jnp.dot(t, w_ref[...], preferred_element_type=jnp.float32)
    o_ref[...] = p * dinv_ref[...]


def _combmm(parts, pp, dinv_col, bias_row, Wn):
    hb = N // _RB
    return pl.pallas_call(
        _combmm_body,
        out_shape=jax.ShapeDtypeStruct((N, D), jnp.float32),
        grid=(N // _RB,),
        in_specs=[
            pl.BlockSpec((_RB, D), lambda i: (i, 0)),
            pl.BlockSpec((_RB, D), lambda i: (i + hb, 0)),
            pl.BlockSpec((_RB, D), lambda i: (i, 0)),
            pl.BlockSpec((_RB, 1), lambda i: (i, 0)),
            pl.BlockSpec((1, D), lambda i: (0, 0)),
            pl.BlockSpec((D, D), lambda i: (0, 0)),
        ],
        out_specs=pl.BlockSpec((_RB, D), lambda i: (i, 0)),
    )(parts, parts, pp, dinv_col, bias_row, Wn)


def _combz_body(parts_ref, pp_ref, dinv_ref, b_ref, w_ref, o_ref):
    agg = parts_ref[pl.ds(0, N), :] + parts_ref[pl.ds(N, N), :]
    t = dinv_ref[...] * (agg + pp_ref[...]) + b_ref[...]
    t = jnp.maximum(t, 0.0)
    z = jnp.dot(t, w_ref[...], preferred_element_type=jnp.float32)
    o_ref[...] = (z * dinv_ref[...])[:, 0]


def _combz(parts, pp, dinv_col, bias_row, w_col):
    return pl.pallas_call(
        _combz_body,
        out_shape=jax.ShapeDtypeStruct((N,), jnp.float32),
    )(parts, pp, dinv_col, bias_row, w_col)


def _comb3_body(parts_ref, z_ref, dinv_ref, b_ref, o_ref):
    agg = jnp.sum(parts_ref[...], axis=0)
    z = z_ref[...].reshape(1, N)
    o_ref[...] = dinv_ref[...] * (agg + z) + b_ref[0, 0]


def _comb3(parts3, z_flat, dinv_row, b3):
    return pl.pallas_call(
        _comb3_body,
        out_shape=jax.ShapeDtypeStruct((1, N), jnp.float32),
    )(parts3, z_flat, dinv_row, b3)


@jax.jit
def kernel(x, edge_index, W1, b1, W2, b2, W3, b3):
    ei = edge_index.astype(jnp.int32).reshape(2 * E)

    degparts = _deg_kernel()(ei)
    dinv_row, dinv_col = _prep(degparts)

    pp1 = _mm(x, W1, dinv_col)
    parts = _agg_kernel()(pp1, ei)
    pp2 = _combmm(parts, pp1, dinv_col, b1.reshape(1, D), W2)
    parts = _agg_kernel()(pp2, ei)
    z = _combz(parts, pp2, dinv_col, b2.reshape(1, D), W3)

    parts3 = _agg1_kernel()(z, ei)
    out_row = _comb3(parts3, z, dinv_row, b3.reshape(1, 1))
    return out_row.reshape(N, 1)

# --- scband reference (transcript-rebuilt; emitter-appended) ---
"""Pipeline reference for scband-gcnmodel-18786186953527 (READ-ONLY COPY).

The authoritative reference and input builder live on the scoring server;
editing this copy changes nothing except your own understanding.
"""

import jax, jax.numpy as jnp
import numpy as np

N_NODES = 10000
N_EDGES = 320000
D_FEAT = 128
HIDDEN = 128


def setup_inputs(seed: int = 0) -> dict:
    key = jax.random.key(seed)
    k = jax.random.split(key, 8)
    x = jax.random.normal(k[0], (N_NODES, D_FEAT), dtype=jnp.float32)
    edge_index = jax.random.randint(k[1], (2, N_EDGES), 0, N_NODES, dtype=jnp.int64)
    # GCNConv layer params (glorot-ish scale)
    W1 = jax.random.normal(k[2], (D_FEAT, HIDDEN), dtype=jnp.float32) * (1.0 / np.sqrt(D_FEAT))
    b1 = jnp.zeros((HIDDEN,), dtype=jnp.float32)
    W2 = jax.random.normal(k[3], (HIDDEN, HIDDEN), dtype=jnp.float32) * (1.0 / np.sqrt(HIDDEN))
    b2 = jnp.zeros((HIDDEN,), dtype=jnp.float32)
    W3 = jax.random.normal(k[4], (HIDDEN, 1), dtype=jnp.float32) * (1.0 / np.sqrt(HIDDEN))
    b3 = jnp.zeros((1,), dtype=jnp.float32)
    return {"x": x, "edge_index": edge_index, "W1": W1, "b1": b1, "W2": W2, "b2": b2, "W3": W3, "b3": b3}


def _gcn_conv(x, edge_index, W, b):
    # PyG GCNConv: add self-loops, symmetric normalization D^-1/2 (A+I) D^-1/2, then linear.
    num_nodes = x.shape[0]
    loop = jnp.arange(num_nodes, dtype=edge_index.dtype)
    src = jnp.concatenate([edge_index[0], loop])
    dst = jnp.concatenate([edge_index[1], loop])
    ones = jnp.ones(src.shape[0], dtype=x.dtype)
    deg = jax.ops.segment_sum(ones, dst, num_segments=num_nodes)
    deg_inv_sqrt = jnp.where(deg > 0, deg ** -0.5, 0.0)
    norm = deg_inv_sqrt[src] * deg_inv_sqrt[dst]
    h = x @ W  # transform first (in_ch >= out_ch path of PyG)
    msgs = h[src] * norm[:, None]
    out = jax.ops.segment_sum(msgs, dst, num_segments=num_nodes)
    return out + b


def reference(x, edge_index, W1, b1, W2, b2, W3, b3):
    h = _gcn_conv(x, edge_index, W1, b1)
    h = jax.nn.relu(h)
    # torch.dropout(train=self.training): eval mode -> identity
    h = _gcn_conv(h, edge_index, W2, b2)
    h = jax.nn.relu(h)
    out = _gcn_conv(h, edge_index, W3, b3)
    return out

if __name__ == "__main__":
    import jax
    _d = setup_inputs()
    print(jax.jit(kernel)(*tuple(_d.values())))

</pallas_src>

<mosaic_0001>
#map = affine_map<(d0, d1) -> (0)>
#map1 = affine_map<(d0, d1) -> (0, 0, 0)>
module attributes {stable_mosaic.version = 14 : i64} {
  func.func @_deg_body(%arg0: i32, %arg1: i32, %arg2: memref<640000xi32, #tpu.memory_space<hbm>>, %arg3: memref<32x1x10000xf32, #tpu.memory_space<hbm>>, %arg4: memref<1x10000xf32, #tpu.memory_space<vmem>>, %arg5: memref<10000xi32, #tpu.memory_space<vmem>>) attributes {dimension_semantics = [#tpu.dimension_semantics<core_parallel>, #tpu.dimension_semantics<subcore_parallel>], iteration_bounds = array<i64: 2, 16>, scalar_prefetch = 0 : i64, scratch_operands = 2 : i64, tpu.core_type = #tpu.core_type<sc_vector_subcore>, window_params = [{transform_indices = #map}, {transform_indices = #map1}]} {
    %mul3A = arith.constant 2 : i32
    %mul3A_0 = arith.muli %arg1, %mul3A : i32
    %add3A = arith.addi %mul3A_0, %arg0 : i32
    %mul3A_1 = arith.constant 10000 : i32
    %mul3A_2 = arith.muli %add3A, %mul3A_1 : i32
    %add3A_3 = arith.constant 320000 : i32
    %add3A_4 = arith.addi %add3A_3, %mul3A_2 : i32
    "tpu.region"() ({
      %run_scoped3A = tpu.sem_alloc : memref<!tpu.dma_semaphore, #tpu.memory_space<semaphore_mem>>
      %dma_start3A = tpu.memref_slice %arg2[%add3A_4] : memref<640000xi32, #tpu.memory_space<hbm>> -> memref<10000xi32, #tpu.memory_space<hbm>>
      %dma_start3A_19 = tpu.memref_slice %arg2[%add3A_4] : memref<640000xi32, #tpu.memory_space<hbm>> -> memref<10000xi32, #tpu.memory_space<hbm>>
      tpu.enqueue_dma source(%dma_start3A_19 : memref<10000xi32, #tpu.memory_space<hbm>>) target(%arg5 : memref<10000xi32, #tpu.memory_space<vmem>>) target_semaphore(%run_scoped3A : memref<!tpu.dma_semaphore, #tpu.memory_space<semaphore_mem>>)
      %dma_wait3A = tpu.memref_slice %arg2[%add3A_4] : memref<640000xi32, #tpu.memory_space<hbm>> -> memref<10000xi32, #tpu.memory_space<hbm>>
      %dma_wait3A_20 = tpu.memref_slice %arg2[%add3A_4] : memref<640000xi32, #tpu.memory_space<hbm>> -> memref<10000xi32, #tpu.memory_space<hbm>>
      tpu.wait_dma2 semaphore(%run_scoped3A : memref<!tpu.dma_semaphore, #tpu.memory_space<semaphore_mem>>) src(%dma_wait3A_20 : memref<10000xi32, #tpu.memory_space<hbm>>) dst(%arg5 : memref<10000xi32, #tpu.memory_space<vmem>>)
      tpu.yield
    }) : () -> ()
    %scan3A = arith.constant 0 : i32
    %scan3A_5 = arith.constant 0 : i32
    %scan3A_6 = arith.constant 625 : i32
    %scan3A_7 = arith.addi %scan3A_5, %scan3A_6 : i32
    %scan3A_8 = arith.constant 1 : i32
    scf.for %scan3A_19 = %scan3A_5 to %scan3A_7 step %scan3A_8  : i32 {
      %broadcast_in_dim3A_20 = arith.constant 0.000000e+00 : f32
      %broadcast_in_dim3A_21 = vector.broadcast %broadcast_in_dim3A_20 : f32 to vector<16xf32>
      %mul3A_22 = arith.constant 16 : i32
      %mul3A_23 = arith.muli %scan3A_19, %mul3A_22 : i32
      %swap3A = arith.constant 0 : i32
      %swap3A_24 = arith.index_cast %swap3A : i32 to index
      %swap3A_25 = arith.index_cast %mul3A_23 : i32 to index
      %swap3A_26 = tpu.vector_load %arg4[%swap3A_24, %swap3A_25] {strides = array<i32>} : memref<1x10000xf32, #tpu.memory_space<vmem>>, vector<16xf32>,
      tpu.vector_store %arg4[%swap3A_24, %swap3A_25], %broadcast_in_dim3A_21 {strides = array<i32>} : memref<1x10000xf32, #tpu.memory_space<vmem>>, vector<16xf32>,
    }
    %scan3A_9 = arith.constant 625 : i32
    %broadcast_in_dim3A = arith.constant 1.000000e+00 : f32
    %broadcast_in_dim3A_10 = vector.broadcast %broadcast_in_dim3A : f32 to vector<16xf32>
    %broadcast_in_dim3A_11 = arith.constant 0 : i32
    %broadcast_in_dim3A_12 = vector.broadcast %broadcast_in_dim3A_11 : i32 to vector<16xi32>
    %scan3A_13 = arith.constant 0 : i32
    %scan3A_14 = arith.constant 0 : i32
    %scan3A_15 = arith.constant 625 : i32
    %scan3A_16 = arith.addi %scan3A_14, %scan3A_15 : i32
    %scan3A_17 = arith.constant 1 : i32
    scf.for %scan3A_19 = %scan3A_14 to %scan3A_16 step %scan3A_17  : i32 {
      %mul3A_20 = arith.constant 16 : i32
      %mul3A_21 = arith.muli %scan3A_19, %mul3A_20 : i32
      %get3A = arith.index_cast %mul3A_21 : i32 to index
      %get3A_22 = tpu.vector_load %arg5[%get3A] {strides = array<i32>} : memref<10000xi32, #tpu.memory_space<vmem>>, vector<16xi32>,
      tpu.vector_store_idx %arg4[%broadcast_in_dim3A_12, %get3A_22], %broadcast_in_dim3A_10 {add = true} : memref<1x10000xf32, #tpu.memory_space<vmem>>[vector<16xi32>, vector<16xi32>], vector<16xf32>,
    }
    %scan3A_18 = arith.constant 625 : i32
    "tpu.region"() ({
      %run_scoped3A = tpu.sem_alloc : memref<!tpu.dma_semaphore, #tpu.memory_space<semaphore_mem>>
      %dma_start3A = arith.constant 0 : i32
      %dma_start3A_19 = arith.constant 0 : i32
      %dma_start3A_20 = tpu.memref_slice %arg3[%add3A, %dma_start3A, %dma_start3A_19] : memref<32x1x10000xf32, #tpu.memory_space<hbm>> -> memref<1x1x10000xf32, #tpu.memory_space<hbm>>
      %dma_start3A_21 = tpu.memref_squeeze %dma_start3A_20 : memref<1x1x10000xf32, #tpu.memory_space<hbm>> -> memref<1x10000xf32, #tpu.memory_space<hbm>>
      %dma_start3A_22 = arith.constant 0 : i32
      %dma_start3A_23 = arith.constant 0 : i32
      %dma_start3A_24 = tpu.memref_slice %arg3[%add3A, %dma_start3A_22, %dma_start3A_23] : memref<32x1x10000xf32, #tpu.memory_space<hbm>> -> memref<1x1x10000xf32, #tpu.memory_space<hbm>>
      %dma_start3A_25 = tpu.memref_squeeze %dma_start3A_24 : memref<1x1x10000xf32, #tpu.memory_space<hbm>> -> memref<1x10000xf32, #tpu.memory_space<hbm>>
      tpu.enqueue_dma source(%arg4 : memref<1x10000xf32, #tpu.memory_space<vmem>>) target(%dma_start3A_25 : memref<1x10000xf32, #tpu.memory_space<hbm>>) target_semaphore(%run_scoped3A : memref<!tpu.dma_semaphore, #tpu.memory_space<semaphore_mem>>)
      %dma_wait3A = arith.constant 0 : i32
      %dma_wait3A_26 = arith.constant 0 : i32
      %dma_wait3A_27 = tpu.memref_slice %arg3[%add3A, %dma_wait3A, %dma_wait3A_26] : memref<32x1x10000xf32, #tpu.memory_space<hbm>> -> memref<1x1x10000xf32, #tpu.memory_space<hbm>>
      %dma_wait3A_28 = tpu.memref_squeeze %dma_wait3A_27 : memref<1x1x10000xf32, #tpu.memory_space<hbm>> -> memref<1x10000xf32, #tpu.memory_space<hbm>>
      %dma_wait3A_29 = arith.constant 0 : i32
      %dma_wait3A_30 = arith.constant 0 : i32
      %dma_wait3A_31 = tpu.memref_slice %arg3[%add3A, %dma_wait3A_29, %dma_wait3A_30] : memref<32x1x10000xf32, #tpu.memory_space<hbm>> -> memref<1x1x10000xf32, #tpu.memory_space<hbm>>
      %dma_wait3A_32 = tpu.memref_squeeze %dma_wait3A_31 : memref<1x1x10000xf32, #tpu.memory_space<hbm>> -> memref<1x10000xf32, #tpu.memory_space<hbm>>
      tpu.wait_dma2 semaphore(%run_scoped3A : memref<!tpu.dma_semaphore, #tpu.memory_space<semaphore_mem>>) src(%arg4 : memref<1x10000xf32, #tpu.memory_space<vmem>>) dst(%dma_wait3A_32 : memref<1x10000xf32, #tpu.memory_space<hbm>>)
      tpu.yield
    }) : () -> ()
    return
  }
}

#map = affine_map<(d0, d1) -> (0)>
#map1 = affine_map<(d0, d1) -> (0, 0, 0)>
module attributes {stable_mosaic.version = 14 : i64} {
  func.func @_agg1_body(%arg0: i32, %arg1: i32, %arg2: memref<10000xf32, #tpu.memory_space<hbm>>, %arg3: memref<640000xi32, #tpu.memory_space<hbm>>, %arg4: memref<32x1x10000xf32, #tpu.memory_space<hbm>>, %arg5: memref<10000xf32, #tpu.memory_space<vmem>>, %arg6: memref<1x10000xf32, #tpu.memory_space<vmem>>, %arg7: memref<10000xi32, #tpu.memory_space<vmem>>, %arg8: memref<10000xi32, #tpu.memory_space<vmem>>) attributes {dimension_semantics = [#tpu.dimension_semantics<core_parallel>, #tpu.dimension_semantics<subcore_parallel>], iteration_bounds = array<i64: 2, 16>, scalar_prefetch = 0 : i64, scratch_operands = 4 : i64, tpu.core_type = #tpu.core_type<sc_vector_subcore>, window_params = [{transform_indices = #map}, {transform_indices = #map}, {transform_indices = #map1}]} {
    %mul3A = arith.constant 2 : i32
    %mul3A_0 = arith.muli %arg1, %mul3A : i32
    %add3A = arith.addi %mul3A_0, %arg0 : i32
    "tpu.region"() ({
      %run_scoped3A = tpu.sem_alloc : memref<!tpu.dma_semaphore, #tpu.memory_space<semaphore_mem>>
      tpu.enqueue_dma source(%arg2 : memref<10000xf32, #tpu.memory_space<hbm>>) target(%arg5 : memref<10000xf32, #tpu.memory_space<vmem>>) target_semaphore(%run_scoped3A : memref<!tpu.dma_semaphore, #tpu.memory_space<semaphore_mem>>)
      tpu.wait_dma2 semaphore(%run_scoped3A : memref<!tpu.dma_semaphore, #tpu.memory_space<semaphore_mem>>) src(%arg2 : memref<10000xf32, #tpu.memory_space<hbm>>) dst(%arg5 : memref<10000xf32, #tpu.memory_space<vmem>>)
      tpu.yield
    }) : () -> ()
    %mul3A_1 = arith.constant 10000 : i32
    %mul3A_2 = arith.muli %add3A, %mul3A_1 : i32
    "tpu.region"() ({
      %run_scoped3A = tpu.sem_alloc : memref<!tpu.dma_semaphore, #tpu.memory_space<semaphore_mem>>
      %dma_start3A = tpu.memref_slice %arg3[%mul3A_2] : memref<640000xi32, #tpu.memory_space<hbm>> -> memref<10000xi32, #tpu.memory_space<hbm>>
      %dma_start3A_19 = tpu.memref_slice %arg3[%mul3A_2] : memref<640000xi32, #tpu.memory_space<hbm>> -> memref<10000xi32, #tpu.memory_space<hbm>>
      tpu.enqueue_dma source(%dma_start3A_19 : memref<10000xi32, #tpu.memory_space<hbm>>) target(%arg7 : memref<10000xi32, #tpu.memory_space<vmem>>) target_semaphore(%run_scoped3A : memref<!tpu.dma_semaphore, #tpu.memory_space<semaphore_mem>>)
      %dma_wait3A = tpu.memref_slice %arg3[%mul3A_2] : memref<640000xi32, #tpu.memory_space<hbm>> -> memref<10000xi32, #tpu.memory_space<hbm>>
      %dma_wait3A_20 = tpu.memref_slice %arg3[%mul3A_2] : memref<640000xi32, #tpu.memory_space<hbm>> -> memref<10000xi32, #tpu.memory_space<hbm>>
      tpu.wait_dma2 semaphore(%run_scoped3A : memref<!tpu.dma_semaphore, #tpu.memory_space<semaphore_mem>>) src(%dma_wait3A_20 : memref<10000xi32, #tpu.memory_space<hbm>>) dst(%arg7 : memref<10000xi32, #tpu.memory_space<vmem>>)
      tpu.yield
    }) : () -> ()
    %mul3A_3 = arith.constant 10000 : i32
    %mul3A_4 = arith.muli %add3A, %mul3A_3 : i32
    %add3A_5 = arith.constant 320000 : i32
    %add3A_6 = arith.addi %add3A_5, %mul3A_4 : i32
    "tpu.region"() ({
      %run_scoped3A = tpu.sem_alloc : memref<!tpu.dma_semaphore, #tpu.memory_space<semaphore_mem>>
      %dma_start3A = tpu.memref_slice %arg3[%add3A_6] : memref<640000xi32, #tpu.memory_space<hbm>> -> memref<10000xi32, #tpu.memory_space<hbm>>
      %dma_start3A_19 = tpu.memref_slice %arg3[%add3A_6] : memref<640000xi32, #tpu.memory_space<hbm>> -> memref<10000xi32, #tpu.memory_space<hbm>>
      tpu.enqueue_dma source(%dma_start3A_19 : memref<10000xi32, #tpu.memory_space<hbm>>) target(%arg8 : memref<10000xi32, #tpu.memory_space<vmem>>) target_semaphore(%run_scoped3A : memref<!tpu.dma_semaphore, #tpu.memory_space<semaphore_mem>>)
      %dma_wait3A = tpu.memref_slice %arg3[%add3A_6] : memref<640000xi32, #tpu.memory_space<hbm>> -> memref<10000xi32, #tpu.memory_space<hbm>>
      %dma_wait3A_20 = tpu.memref_slice %arg3[%add3A_6] : memref<640000xi32, #tpu.memory_space<hbm>> -> memref<10000xi32, #tpu.memory_space<hbm>>
      tpu.wait_dma2 semaphore(%run_scoped3A : memref<!tpu.dma_semaphore, #tpu.memory_space<semaphore_mem>>) src(%dma_wait3A_20 : memref<10000xi32, #tpu.memory_space<hbm>>) dst(%arg8 : memref<10000xi32, #tpu.memory_space<vmem>>)
      tpu.yield
    }) : () -> ()
    %scan3A = arith.constant 0 : i32
    %scan3A_7 = arith.constant 0 : i32
    %scan3A_8 = arith.constant 625 : i32
    %scan3A_9 = arith.addi %scan3A_7, %scan3A_8 : i32
    %scan3A_10 = arith.constant 1 : i32
    scf.for %scan3A_19 = %scan3A_7 to %scan3A_9 step %scan3A_10  : i32 {
      %broadcast_in_dim3A_20 = arith.constant 0.000000e+00 : f32
      %broadcast_in_dim3A_21 = vector.broadcast %broadcast_in_dim3A_20 : f32 to vector<16xf32>
      %mul3A_22 = arith.constant 16 : i32
      %mul3A_23 = arith.muli %scan3A_19, %mul3A_22 : i32
      %swap3A = arith.constant 0 : i32
      %swap3A_24 = arith.index_cast %swap3A : i32 to index
      %swap3A_25 = arith.index_cast %mul3A_23 : i32 to index
      %swap3A_26 = tpu.vector_load %arg6[%swap3A_24, %swap3A_25] {strides = array<i32>} : memref<1x10000xf32, #tpu.memory_space<vmem>>, vector<16xf32>,
      tpu.vector_store %arg6[%swap3A_24, %swap3A_25], %broadcast_in_dim3A_21 {strides = array<i32>} : memref<1x10000xf32, #tpu.memory_space<vmem>>, vector<16xf32>,
    }
    %scan3A_11 = arith.constant 625 : i32
    %broadcast_in_dim3A = arith.constant 0 : i32
    %broadcast_in_dim3A_12 = vector.broadcast %broadcast_in_dim3A : i32 to vector<16xi32>
    %scan3A_13 = arith.constant 0 : i32
    %scan3A_14 = arith.constant 0 : i32
    %scan3A_15 = arith.constant 625 : i32
    %scan3A_16 = arith.addi %scan3A_14, %scan3A_15 : i32
    %scan3A_17 = arith.constant 1 : i32
    scf.for %scan3A_19 = %scan3A_14 to %scan3A_16 step %scan3A_17  : i32 {
      %mul3A_20 = arith.constant 16 : i32
      %mul3A_21 = arith.muli %scan3A_19, %mul3A_20 : i32
      %get3A = arith.index_cast %mul3A_21 : i32 to index
      %get3A_22 = tpu.vector_load %arg7[%get3A] {strides = array<i32>} : memref<10000xi32, #tpu.memory_space<vmem>>, vector<16xi32>,
      %mul3A_23 = arith.constant 16 : i32
      %mul3A_24 = arith.muli %scan3A_19, %mul3A_23 : i32
      %get3A_25 = arith.index_cast %mul3A_24 : i32 to index
      %get3A_26 = tpu.vector_load %arg8[%get3A_25] {strides = array<i32>} : memref<10000xi32, #tpu.memory_space<vmem>>, vector<16xi32>,
      %gather3A = tpu.vector_load_idx %arg5[%get3A_22] : memref<10000xf32, #tpu.memory_space<vmem>>[vector<16xi32>], vector<16xf32>,
      tpu.vector_store_idx %arg6[%broadcast_in_dim3A_12, %get3A_26], %gather3A {add = true} : memref<1x10000xf32, #tpu.memory_space<vmem>>[vector<16xi32>, vector<16xi32>], vector<16xf32>,
    }
    %scan3A_18 = arith.constant 625 : i32
    "tpu.region"() ({
      %run_scoped3A = tpu.sem_alloc : memref<!tpu.dma_semaphore, #tpu.memory_space<semaphore_mem>>
      %dma_start3A = arith.constant 0 : i32
      %dma_start3A_19 = arith.constant 0 : i32
      %dma_start3A_20 = tpu.memref_slice %arg4[%add3A, %dma_start3A, %dma_start3A_19] : memref<32x1x10000xf32, #tpu.memory_space<hbm>> -> memref<1x1x10000xf32, #tpu.memory_space<hbm>>
      %dma_start3A_21 = tpu.memref_squeeze %dma_start3A_20 : memref<1x1x10000xf32, #tpu.memory_space<hbm>> -> memref<1x10000xf32, #tpu.memory_space<hbm>>
      %dma_start3A_22 = arith.constant 0 : i32
      %dma_start3A_23 = arith.constant 0 : i32
      %dma_start3A_24 = tpu.memref_slice %arg4[%add3A, %dma_start3A_22, %dma_start3A_23] : memref<32x1x10000xf32, #tpu.memory_space<hbm>> -> memref<1x1x10000xf32, #tpu.memory_space<hbm>>
      %dma_start3A_25 = tpu.memref_squeeze %dma_start3A_24 : memref<1x1x10000xf32, #tpu.memory_space<hbm>> -> memref<1x10000xf32, #tpu.memory_space<hbm>>
      tpu.enqueue_dma source(%arg6 : memref<1x10000xf32, #tpu.memory_space<vmem>>) target(%dma_start3A_25 : memref<1x10000xf32, #tpu.memory_space<hbm>>) target_semaphore(%run_scoped3A : memref<!tpu.dma_semaphore, #tpu.memory_space<semaphore_mem>>)
      %dma_wait3A = arith.constant 0 : i32
      %dma_wait3A_26 = arith.constant 0 : i32
      %dma_wait3A_27 = tpu.memref_slice %arg4[%add3A, %dma_wait3A, %dma_wait3A_26] : memref<32x1x10000xf32, #tpu.memory_space<hbm>> -> memref<1x1x10000xf32, #tpu.memory_space<hbm>>
      %dma_wait3A_28 = tpu.memref_squeeze %dma_wait3A_27 : memref<1x1x10000xf32, #tpu.memory_space<hbm>> -> memref<1x10000xf32, #tpu.memory_space<hbm>>
      %dma_wait3A_29 = arith.constant 0 : i32
      %dma_wait3A_30 = arith.constant 0 : i32
      %dma_wait3A_31 = tpu.memref_slice %arg4[%add3A, %dma_wait3A_29, %dma_wait3A_30] : memref<32x1x10000xf32, #tpu.memory_space<hbm>> -> memref<1x1x10000xf32, #tpu.memory_space<hbm>>
      %dma_wait3A_32 = tpu.memref_squeeze %dma_wait3A_31 : memref<1x1x10000xf32, #tpu.memory_space<hbm>> -> memref<1x10000xf32, #tpu.memory_space<hbm>>
      tpu.wait_dma2 semaphore(%run_scoped3A : memref<!tpu.dma_semaphore, #tpu.memory_space<semaphore_mem>>) src(%arg6 : memref<1x10000xf32, #tpu.memory_space<vmem>>) dst(%dma_wait3A_32 : memref<1x10000xf32, #tpu.memory_space<hbm>>)
      tpu.yield
    }) : () -> ()
    return
  }
}

#map = affine_map<(d0, d1) -> (0, 0)>
#map1 = affine_map<(d0, d1) -> (0)>
module attributes {stable_mosaic.version = 14 : i64} {
  func.func @_agg_body(%arg0: i32, %arg1: i32, %arg2: memref<10000x128xf32, #tpu.memory_space<hbm>>, %arg3: memref<640000xi32, #tpu.memory_space<hbm>>, %arg4: memref<20000x128xf32, #tpu.memory_space<hbm>>, %arg5: memref<10000x128xf32, #tpu.memory_space<vmem_shared>>, %arg6: memref<128x128xf32, #tpu.memory_space<vmem>>, %arg7: memref<128x128xf32, #tpu.memory_space<vmem>>, %arg8: memref<128x128xf32, #tpu.memory_space<vmem>>, %arg9: memref<128xi32, #tpu.memory_space<vmem>>, %arg10: memref<128xi32, #tpu.memory_space<vmem>>, %arg11: memref<128xi32, #tpu.memory_space<vmem>>, %arg12: memref<128xi32, #tpu.memory_space<vmem>>, %arg13: memref<128xi32, #tpu.memory_space<vmem>>, %arg14: memref<128xi32, #tpu.memory_space<vmem>>, %arg15: memref<128xi32, #tpu.memory_space<vmem>>, %arg16: memref<128xi32, #tpu.memory_space<vmem>>, %arg17: memref<128xi32, #tpu.memory_space<vmem>>, %arg18: memref<128xi32, #tpu.memory_space<vmem>>, %arg19: memref<128xi32, #tpu.memory_space<vmem>>, %arg20: memref<128xi32, #tpu.memory_space<vmem>>, %arg21: memref<16xi32, #tpu.memory_space<vmem>>, %arg22: memref<16xi32, #tpu.memory_space<vmem>>, %arg23: memref<!tpu.dma_semaphore, #tpu.memory_space<semaphore_mem>>, %arg24: memref<!tpu.dma_semaphore, #tpu.memory_space<semaphore_mem>>, %arg25: memref<!tpu.dma_semaphore, #tpu.memory_space<semaphore_mem>>, %arg26: memref<!tpu.dma_semaphore, #tpu.memory_space<semaphore_mem>>, %arg27: memref<!tpu.dma_semaphore, #tpu.memory_space<semaphore_mem>>, %arg28: memref<!tpu.dma_semaphore, #tpu.memory_space<semaphore_mem>>, %arg29: memref<!tpu.dma_semaphore, #tpu.memory_space<semaphore_mem>>, %arg30: memref<!tpu.dma_semaphore, #tpu.memory_space<semaphore_mem>>, %arg31: memref<!tpu.dma_semaphore, #tpu.memory_space<semaphore_mem>>, %arg32: memref<!tpu.dma_semaphore, #tpu.memory_space<semaphore_mem>>, %arg33: memref<!tpu.dma_semaphore, #tpu.memory_space<semaphore_mem>>, %arg34: memref<!tpu.dma_semaphore, #tpu.memory_space<semaphore_mem>>) attributes {dimension_semantics = [#tpu.dimension_semantics<core_parallel>, #tpu.dimension_semantics<subcore_parallel>], iteration_bounds = array<i64: 2, 16>, scalar_prefetch = 0 : i64, scratch_operands = 30 : i64, tpu.core_type = #tpu.core_type<sc_vector_subcore>, window_params = [{transform_indices = #map}, {transform_indices = #map1}, {transform_indices = #map}]} {
    %mul3A = arith.constant 2 : i32
    %mul3A_0 = arith.muli %arg1, %mul3A : i32
    %add3A = arith.addi %mul3A_0, %arg0 : i32
    %mul3A_1 = arith.constant 10000 : i32
    %mul3A_2 = arith.muli %add3A, %mul3A_1 : i32
    %scan3A = arith.constant 0 : i32
    %scan3A_3 = arith.constant 0 : i32
    %scan3A_4 = arith.constant 80 : i32
    %scan3A_5 = arith.addi %scan3A_3, %scan3A_4 : i32
    %scan3A_6 = arith.constant 1 : i32
    scf.for %scan3A_216 = %scan3A_3 to %scan3A_5 step %scan3A_6  : i32 {
      %broadcast_in_dim3A = arith.constant 0.000000e+00 : f32
      %broadcast_in_dim3A_217 = vector.broadcast %broadcast_in_dim3A : f32 to vector<16xf32>
      %swap3A = arith.index_cast %scan3A_216 : i32 to index
      %swap3A_218 = arith.constant 0 : index
      %swap3A_219 = tpu.vector_load %arg6[%swap3A, %swap3A_218] {strides = array<i32>} : memref<128x128xf32, #tpu.memory_space<vmem>>, vector<16xf32>,
      tpu.vector_store %arg6[%swap3A, %swap3A_218], %broadcast_in_dim3A_217 {strides = array<i32>} : memref<128x128xf32, #tpu.memory_space<vmem>>, vector<16xf32>,
      %broadcast_in_dim3A_220 = arith.constant 0.000000e+00 : f32
      %broadcast_in_dim3A_221 = vector.broadcast %broadcast_in_dim3A_220 : f32 to vector<16xf32>
      %swap3A_222 = arith.index_cast %scan3A_216 : i32 to index
      %swap3A_223 = arith.constant 16 : index
      %swap3A_224 = tpu.vector_load %arg6[%swap3A_222, %swap3A_223] {strides = array<i32>} : memref<128x128xf32, #tpu.memory_space<vmem>>, vector<16xf32>,
      tpu.vector_store %arg6[%swap3A_222, %swap3A_223], %broadcast_in_dim3A_221 {strides = array<i32>} : memref<128x128xf32, #tpu.memory_space<vmem>>, vector<16xf32>,
      %broadcast_in_dim3A_225 = arith.constant 0.000000e+00 : f32
      %broadcast_in_dim3A_226 = vector.broadcast %broadcast_in_dim3A_225 : f32 to vector<16xf32>
      %swap3A_227 = arith.index_cast %scan3A_216 : i32 to index
      %swap3A_228 = arith.constant 32 : index
      %swap3A_229 = tpu.vector_load %arg6[%swap3A_227, %swap3A_228] {strides = array<i32>} : memref<128x128xf32, #tpu.memory_space<vmem>>, vector<16xf32>,
      tpu.vector_store %arg6[%swap3A_227, %swap3A_228], %broadcast_in_dim3A_226 {strides = array<i32>} : memref<128x128xf32, #tpu.memory_space<vmem>>, vector<16xf32>,
      %broadcast_in_dim3A_230 = arith.constant 0.000000e+00 : f32
      %broadcast_in_dim3A_231 = vector.broadcast %broadcast_in_dim3A_230 : f32 to vector<16xf32>
      %swap3A_232 = arith.index_cast %scan3A_216 : i32 to index
      %swap3A_233 = arith.constant 48 : index
      %swap3A_234 = tpu.vector_load %arg6[%swap3A_232, %swap3A_233] {strides = array<i32>} : memref<128x128xf32, #tpu.memory_space<vmem>>, vector<16xf32>,
      tpu.vector_store %arg6[%swap3A_232, %swap3A_233], %broadcast_in_dim3A_231 {strides = array<i32>} : memref<128x128xf32, #tpu.memory_space<vmem>>, vector<16xf32>,
      %broadcast_in_dim3A_235 = arith.constant 0.000000e+00 : f32
      %broadcast_in_dim3A_236 = vector.broadcast %broadcast_in_dim3A_235 : f32 to vector<16xf32>
      %swap3A_237 = arith.index_cast %scan3A_216 : i32 to index
      %swap3A_238 = arith.constant 64 : index
      %swap3A_239 = tpu.vector_load %arg6[%swap3A_237, %swap3A_238] {strides = array<i32>} : memref<128x128xf32, #tpu.memory_space<vmem>>, vector<16xf32>,
      tpu.vector_store %arg6[%swap3A_237, %swap3A_238], %broadcast_in_dim3A_236 {strides = array<i32>} : memref<128x128xf32, #tpu.memory_space<vmem>>, vector<16xf32>,
      %broadcast_in_dim3A_240 = arith.constant 0.000000e+00 : f32
      %broadcast_in_dim3A_241 = vector.broadcast %broadcast_in_dim3A_240 : f32 to vector<16xf32>
      %swap3A_242 = arith.index_cast %scan3A_216 : i32 to index
      %swap3A_243 = arith.constant 80 : index
      %swap3A_244 = tpu.vector_load %arg6[%swap3A_242, %swap3A_243] {strides = array<i32>} : memref<128x128xf32, #tpu.memory_space<vmem>>, vector<16xf32>,
      tpu.vector_store %arg6[%swap3A_242, %swap3A_243], %broadcast_in_dim3A_241 {strides = array<i32>} : memref<128x128xf32, #tpu.memory_space<vmem>>, vector<16xf32>,
      %broadcast_in_dim3A_245 = arith.constant 0.000000e+00 : f32
      %broadcast_in_dim3A_246 = vector.broadcast %broadcast_in_dim3A_245 : f32 to vector<16xf32>
      %swap3A_247 = arith.index_cast %scan3A_216 : i32 to index
      %swap3A_248 = arith.constant 96 : index
      %swap3A_249 = tpu.vector_load %arg6[%swap3A_247, %swap3A_248] {strides = array<i32>} : memref<128x128xf32, #tpu.memory_space<vmem>>, vector<16xf32>,
      tpu.vector_store %arg6[%swap3A_247, %swap3A_248], %broadcast_in_dim3A_246 {strides = array<i32>} : memref<128x128xf32, #tpu.memory_space<vmem>>, vector<16xf32>,
      %broadcast_in_dim3A_250 = arith.constant 0.000000e+00 : f32
      %broadcast_in_dim3A_251 = vector.broadcast %broadcast_in_dim3A_250 : f32 to vector<16xf32>
      %swap3A_252 = arith.index_cast %scan3A_216 : i32 to index
      %swap3A_253 = arith.constant 112 : index
      %swap3A_254 = tpu.vector_load %arg6[%swap3A_252, %swap3A_253] {strides = array<i32>} : memref<128x128xf32, #tpu.memory_space<vmem>>, vector<16xf32>,
      tpu.vector_store %arg6[%swap3A_252, %swap3A_253], %broadcast_in_dim3A_251 {strides = array<i32>} : memref<128x128xf32, #tpu.memory_space<vmem>>, vector<16xf32>,
    }
    %scan3A_7 = arith.constant 80 : i32
    %add3A_8 = arith.constant 0 : i32
    %add3A_9 = arith.addi %arg1, %add3A_8 : i32
    %lt3A = arith.constant 125 : i32
    %lt3A_10 = arith.cmpi slt, %add3A_9, %lt3A : i32
    %convert_element_type3A = arith.extui %lt3A_10 : i1 to i32
    %cond3A = arith.constant 0 : i32
    %cond3A_11 = arith.cmpi ne, %convert_element_type3A, %cond3A : i32
    scf.if %cond3A_11 {
      %mul3A_216 = arith.constant 80 : i32
      %mul3A_217 = arith.muli %add3A_9, %mul3A_216 : i32
      "tpu.region"() ({
        %run_scoped3A = tpu.sem_alloc : memref<!tpu.dma_semaphore, #tpu.memory_space<semaphore_mem>>
        %dma_start3A_218 = arith.constant 0 : i32
        %dma_start3A_219 = arith.constant 0 : i32
        %dma_start3A_220 = tpu.memref_slice %arg6[%dma_start3A_218, %dma_start3A_219] : memref<128x128xf32, #tpu.memory_space<vmem>> -> memref<80x128xf32, #tpu.memory_space<vmem>>
        %dma_start3A_221 = arith.constant 0 : i32
        %dma_start3A_222 = tpu.memref_slice %arg5[%mul3A_217, %dma_start3A_221] : memref<10000x128xf32, #tpu.memory_space<vmem_shared>> -> memref<80x128xf32, #tpu.memory_space<vmem_shared>>
        %dma_start3A_223 = arith.constant 0 : i32
        %dma_start3A_224 = tpu.memref_slice %arg5[%mul3A_217, %dma_start3A_223] : memref<10000x128xf32, #tpu.memory_space<vmem_shared>> -> memref<80x128xf32, #tpu.memory_space<vmem_shared>>
        %dma_start3A_225 = arith.constant 0 : i32
        %dma_start3A_226 = arith.constant 0 : i32
        %dma_start3A_227 = tpu.memref_slice %arg6[%dma_start3A_225, %dma_start3A_226] : memref<128x128xf32, #tpu.memory_space<vmem>> -> memref<80x128xf32, #tpu.memory_space<vmem>>
        tpu.enqueue_dma source(%dma_start3A_227 : memref<80x128xf32, #tpu.memory_space<vmem>>) target(%dma_start3A_224 : memref<80x128xf32, #tpu.memory_space<vmem_shared>>) target_semaphore(%run_scoped3A : memref<!tpu.dma_semaphore, #tpu.memory_space<semaphore_mem>>)
        %dma_wait3A_228 = arith.constant 0 : i32
        %dma_wait3A_229 = arith.constant 0 : i32
        %dma_wait3A_230 = tpu.memref_slice %arg6[%dma_wait3A_228, %dma_wait3A_229] : memref<128x128xf32, #tpu.memory_space<vmem>> -> memref<80x128xf32, #tpu.memory_space<vmem>>
        %dma_wait3A_231 = arith.constant 0 : i32
        %dma_wait3A_232 = tpu.memref_slice %arg5[%mul3A_217, %dma_wait3A_231] : memref<10000x128xf32, #tpu.memory_space<vmem_shared>> -> memref<80x128xf32, #tpu.memory_space<vmem_shared>>
        %dma_wait3A_233 = arith.constant 0 : i32
        %dma_wait3A_234 = tpu.memref_slice %arg5[%mul3A_217, %dma_wait3A_233] : memref<10000x128xf32, #tpu.memory_space<vmem_shared>> -> memref<80x128xf32, #tpu.memory_space<vmem_shared>>
        %dma_wait3A_235 = arith.constant 0 : i32
        %dma_wait3A_236 = arith.constant 0 : i32
        %dma_wait3A_237 = tpu.memref_slice %arg6[%dma_wait3A_235, %dma_wait3A_236] : memref<128x128xf32, #tpu.memory_space<vmem>> -> memref<80x128xf32, #tpu.memory_space<vmem>>
        tpu.wait_dma2 semaphore(%run_scoped3A : memref<!tpu.dma_semaphore, #tpu.memory_space<semaphore_mem>>) src(%dma_wait3A_237 : memref<80x128xf32, #tpu.memory_space<vmem>>) dst(%dma_wait3A_234 : memref<80x128xf32, #tpu.memory_space<vmem_shared>>)
        tpu.yield
      }) : () -> ()
    } else {
    }
    %add3A_12 = arith.constant 16 : i32
    %add3A_13 = arith.addi %arg1, %add3A_12 : i32
    %lt3A_14 = arith.constant 125 : i32
    %lt3A_15 = arith.cmpi slt, %add3A_13, %lt3A_14 : i32
    %convert_element_type3A_16 = arith.extui %lt3A_15 : i1 to i32
    %cond3A_17 = arith.constant 0 : i32
    %cond3A_18 = arith.cmpi ne, %convert_element_type3A_16, %cond3A_17 : i32
    scf.if %cond3A_18 {
      %mul3A_216 = arith.constant 80 : i32
      %mul3A_217 = arith.muli %add3A_13, %mul3A_216 : i32
      "tpu.region"() ({
        %run_scoped3A = tpu.sem_alloc : memref<!tpu.dma_semaphore, #tpu.memory_space<semaphore_mem>>
        %dma_start3A_218 = arith.constant 0 : i32
        %dma_start3A_219 = arith.constant 0 : i32
        %dma_start3A_220 = tpu.memref_slice %arg6[%dma_start3A_218, %dma_start3A_219] : memref<128x128xf32, #tpu.memory_space<vmem>> -> memref<80x128xf32, #tpu.memory_space<vmem>>
        %dma_start3A_221 = arith.constant 0 : i32
        %dma_start3A_222 = tpu.memref_slice %arg5[%mul3A_217, %dma_start3A_221] : memref<10000x128xf32, #tpu.memory_space<vmem_shared>> -> memref<80x128xf32, #tpu.memory_space<vmem_shared>>
        %dma_start3A_223 = arith.constant 0 : i32
        %dma_start3A_224 = tpu.memref_slice %arg5[%mul3A_217, %dma_start3A_223] : memref<10000x128xf32, #tpu.memory_space<vmem_shared>> -> memref<80x128xf32, #tpu.memory_space<vmem_shared>>
        %dma_start3A_225 = arith.constant 0 : i32
        %dma_start3A_226 = arith.constant 0 : i32
        %dma_start3A_227 = tpu.memref_slice %arg6[%dma_start3A_225, %dma_start3A_226] : memref<128x128xf32, #tpu.memory_space<vmem>> -> memref<80x128xf32, #tpu.memory_space<vmem>>
        tpu.enqueue_dma source(%dma_start3A_227 : memref<80x128xf32, #tpu.memory_space<vmem>>) target(%dma_start3A_224 : memref<80x128xf32, #tpu.memory_space<vmem_shared>>) target_semaphore(%run_scoped3A : memref<!tpu.dma_semaphore, #tpu.memory_space<semaphore_mem>>)
        %dma_wait3A_228 = arith.constant 0 : i32
        %dma_wait3A_229 = arith.constant 0 : i32
        %dma_wait3A_230 = tpu.memref_slice %arg6[%dma_wait3A_228, %dma_wait3A_229] : memref<128x128xf32, #tpu.memory_space<vmem>> -> memref<80x128xf32, #tpu.memory_space<vmem>>
        %dma_wait3A_231 = arith.constant 0 : i32
        %dma_wait3A_232 = tpu.memref_slice %arg5[%mul3A_217, %dma_wait3A_231] : memref<10000x128xf32, #tpu.memory_space<vmem_shared>> -> memref<80x128xf32, #tpu.memory_space<vmem_shared>>
        %dma_wait3A_233 = arith.constant 0 : i32
        %dma_wait3A_234 = tpu.memref_slice %arg5[%mul3A_217, %dma_wait3A_233] : memref<10000x128xf32, #tpu.memory_space<vmem_shared>> -> memref<80x128xf32, #tpu.memory_space<vmem_shared>>
        %dma_wait3A_235 = arith.constant 0 : i32
        %dma_wait3A_236 = arith.constant 0 : i32
        %dma_wait3A_237 = tpu.memref_slice %arg6[%dma_wait3A_235, %dma_wait3A_236] : memref<128x128xf32, #tpu.memory_space<vmem>> -> memref<80x128xf32, #tpu.memory_space<vmem>>
        tpu.wait_dma2 semaphore(%run_scoped3A : memref<!tpu.dma_semaphore, #tpu.memory_space<semaphore_mem>>) src(%dma_wait3A_237 : memref<80x128xf32, #tpu.memory_space<vmem>>) dst(%dma_wait3A_234 : memref<80x128xf32, #tpu.memory_space<vmem_shared>>)
        tpu.yield
      }) : () -> ()
    } else {
    }
    %add3A_19 = arith.constant 32 : i32
    %add3A_20 = arith.addi %arg1, %add3A_19 : i32
    %lt3A_21 = arith.constant 125 : i32
    %lt3A_22 = arith.cmpi slt, %add3A_20, %lt3A_21 : i32
    %convert_element_type3A_23 = arith.extui %lt3A_22 : i1 to i32
    %cond3A_24 = arith.constant 0 : i32
    %cond3A_25 = arith.cmpi ne, %convert_element_type3A_23, %cond3A_24 : i32
    scf.if %cond3A_25 {
      %mul3A_216 = arith.constant 80 : i32
      %mul3A_217 = arith.muli %add3A_20, %mul3A_216 : i32
      "tpu.region"() ({
        %run_scoped3A = tpu.sem_alloc : memref<!tpu.dma_semaphore, #tpu.memory_space<semaphore_mem>>
        %dma_start3A_218 = arith.constant 0 : i32
        %dma_start3A_219 = arith.constant 0 : i32
        %dma_start3A_220 = tpu.memref_slice %arg6[%dma_start3A_218, %dma_start3A_219] : memref<128x128xf32, #tpu.memory_space<vmem>> -> memref<80x128xf32, #tpu.memory_space<vmem>>
        %dma_start3A_221 = arith.constant 0 : i32
        %dma_start3A_222 = tpu.memref_slice %arg5[%mul3A_217, %dma_start3A_221] : memref<10000x128xf32, #tpu.memory_space<vmem_shared>> -> memref<80x128xf32, #tpu.memory_space<vmem_shared>>
        %dma_start3A_223 = arith.constant 0 : i32
        %dma_start3A_224 = tpu.memref_slice %arg5[%mul3A_217, %dma_start3A_223] : memref<10000x128xf32, #tpu.memory_space<vmem_shared>> -> memref<80x128xf32, #tpu.memory_space<vmem_shared>>
        %dma_start3A_225 = arith.constant 0 : i32
        %dma_start3A_226 = arith.constant 0 : i32
        %dma_start3A_227 = tpu.memref_slice %arg6[%dma_start3A_225, %dma_start3A_226] : memref<128x128xf32, #tpu.memory_space<vmem>> -> memref<80x128xf32, #tpu.memory_space<vmem>>
        tpu.enqueue_dma source(%dma_start3A_227 : memref<80x128xf32, #tpu.memory_space<vmem>>) target(%dma_start3A_224 : memref<80x128xf32, #tpu.memory_space<vmem_shared>>) target_semaphore(%run_scoped3A : memref<!tpu.dma_semaphore, #tpu.memory_space<semaphore_mem>>)
        %dma_wait3A_228 = arith.constant 0 : i32
        %dma_wait3A_229 = arith.constant 0 : i32
        %dma_wait3A_230 = tpu.memref_slice %arg6[%dma_wait3A_228, %dma_wait3A_229] : memref<128x128xf32, #tpu.memory_space<vmem>> -> memref<80x128xf32, #tpu.memory_space<vmem>>
        %dma_wait3A_231 = arith.constant 0 : i32
        %dma_wait3A_232 = tpu.memref_slice %arg5[%mul3A_217, %dma_wait3A_231] : memref<10000x128xf32, #tpu.memory_space<vmem_shared>> -> memref<80x128xf32, #tpu.memory_space<vmem_shared>>
        %dma_wait3A_233 = arith.constant 0 : i32
        %dma_wait3A_234 = tpu.memref_slice %arg5[%mul3A_217, %dma_wait3A_233] : memref<10000x128xf32, #tpu.memory_space<vmem_shared>> -> memref<80x128xf32, #tpu.memory_space<vmem_shared>>
        %dma_wait3A_235 = arith.constant 0 : i32
        %dma_wait3A_236 = arith.constant 0 : i32
        %dma_wait3A_237 = tpu.memref_slice %arg6[%dma_wait3A_235, %dma_wait3A_236] : memref<128x128xf32, #tpu.memory_space<vmem>> -> memref<80x128xf32, #tpu.memory_space<vmem>>
        tpu.wait_dma2 semaphore(%run_scoped3A : memref<!tpu.dma_semaphore, #tpu.memory_space<semaphore_mem>>) src(%dma_wait3A_237 : memref<80x128xf32, #tpu.memory_space<vmem>>) dst(%dma_wait3A_234 : memref<80x128xf32, #tpu.memory_space<vmem_shared>>)
        tpu.yield
      }) : () -> ()
    } else {
    }
    %add3A_26 = arith.constant 48 : i32
    %add3A_27 = arith.addi %arg1, %add3A_26 : i32
    %lt3A_28 = arith.constant 125 : i32
    %lt3A_29 = arith.cmpi slt, %add3A_27, %lt3A_28 : i32
    %convert_element_type3A_30 = arith.extui %lt3A_29 : i1 to i32
    %cond3A_31 = arith.constant 0 : i32
    %cond3A_32 = arith.cmpi ne, %convert_element_type3A_30, %cond3A_31 : i32
    scf.if %cond3A_32 {
      %mul3A_216 = arith.constant 80 : i32
      %mul3A_217 = arith.muli %add3A_27, %mul3A_216 : i32
      "tpu.region"() ({
        %run_scoped3A = tpu.sem_alloc : memref<!tpu.dma_semaphore, #tpu.memory_space<semaphore_mem>>
        %dma_start3A_218 = arith.constant 0 : i32
        %dma_start3A_219 = arith.constant 0 : i32
        %dma_start3A_220 = tpu.memref_slice %arg6[%dma_start3A_218, %dma_start3A_219] : memref<128x128xf32, #tpu.memory_space<vmem>> -> memref<80x128xf32, #tpu.memory_space<vmem>>
        %dma_start3A_221 = arith.constant 0 : i32
        %dma_start3A_222 = tpu.memref_slice %arg5[%mul3A_217, %dma_start3A_221] : memref<10000x128xf32, #tpu.memory_space<vmem_shared>> -> memref<80x128xf32, #tpu.memory_space<vmem_shared>>
        %dma_start3A_223 = arith.constant 0 : i32
        %dma_start3A_224 = tpu.memref_slice %arg5[%mul3A_217, %dma_start3A_223] : memref<10000x128xf32, #tpu.memory_space<vmem_shared>> -> memref<80x128xf32, #tpu.memory_space<vmem_shared>>
        %dma_start3A_225 = arith.constant 0 : i32
        %dma_start3A_226 = arith.constant 0 : i32
        %dma_start3A_227 = tpu.memref_slice %arg6[%dma_start3A_225, %dma_start3A_226] : memref<128x128xf32, #tpu.memory_space<vmem>> -> memref<80x128xf32, #tpu.memory_space<vmem>>
        tpu.enqueue_dma source(%dma_start3A_227 : memref<80x128xf32, #tpu.memory_space<vmem>>) target(%dma_start3A_224 : memref<80x128xf32, #tpu.memory_space<vmem_shared>>) target_semaphore(%run_scoped3A : memref<!tpu.dma_semaphore, #tpu.memory_space<semaphore_mem>>)
        %dma_wait3A_228 = arith.constant 0 : i32
        %dma_wait3A_229 = arith.constant 0 : i32
        %dma_wait3A_230 = tpu.memref_slice %arg6[%dma_wait3A_228, %dma_wait3A_229] : memref<128x128xf32, #tpu.memory_space<vmem>> -> memref<80x128xf32, #tpu.memory_space<vmem>>
        %dma_wait3A_231 = arith.constant 0 : i32
        %dma_wait3A_232 = tpu.memref_slice %arg5[%mul3A_217, %dma_wait3A_231] : memref<10000x128xf32, #tpu.memory_space<vmem_shared>> -> memref<80x128xf32, #tpu.memory_space<vmem_shared>>
        %dma_wait3A_233 = arith.constant 0 : i32
        %dma_wait3A_234 = tpu.memref_slice %arg5[%mul3A_217, %dma_wait3A_233] : memref<10000x128xf32, #tpu.memory_space<vmem_shared>> -> memref<80x128xf32, #tpu.memory_space<vmem_shared>>
        %dma_wait3A_235 = arith.constant 0 : i32
        %dma_wait3A_236 = arith.constant 0 : i32
        %dma_wait3A_237 = tpu.memref_slice %arg6[%dma_wait3A_235, %dma_wait3A_236] : memref<128x128xf32, #tpu.memory_space<vmem>> -> memref<80x128xf32, #tpu.memory_space<vmem>>
        tpu.wait_dma2 semaphore(%run_scoped3A : memref<!tpu.dma_semaphore, #tpu.memory_space<semaphore_mem>>) src(%dma_wait3A_237 : memref<80x128xf32, #tpu.memory_space<vmem>>) dst(%dma_wait3A_234 : memref<80x128xf32, #tpu.memory_space<vmem_shared>>)
        tpu.yield
      }) : () -> ()
    } else {
    }
    %add3A_33 = arith.constant 64 : i32
    %add3A_34 = arith.addi %arg1, %add3A_33 : i32
    %lt3A_35 = arith.constant 125 : i32
    %lt3A_36 = arith.cmpi slt, %add3A_34, %lt3A_35 : i32
    %convert_element_type3A_37 = arith.extui %lt3A_36 : i1 to i32
    %cond3A_38 = arith.constant 0 : i32
    %cond3A_39 = arith.cmpi ne, %convert_element_type3A_37, %cond3A_38 : i32
    scf.if %cond3A_39 {
      %mul3A_216 = arith.constant 80 : i32
      %mul3A_217 = arith.muli %add3A_34, %mul3A_216 : i32
      "tpu.region"() ({
        %run_scoped3A = tpu.sem_alloc : memref<!tpu.dma_semaphore, #tpu.memory_space<semaphore_mem>>
        %dma_start3A_218 = arith.constant 0 : i32
        %dma_start3A_219 = arith.constant 0 : i32
        %dma_start3A_220 = tpu.memref_slice %arg6[%dma_start3A_218, %dma_start3A_219] : memref<128x128xf32, #tpu.memory_space<vmem>> -> memref<80x128xf32, #tpu.memory_space<vmem>>
        %dma_start3A_221 = arith.constant 0 : i32
        %dma_start3A_222 = tpu.memref_slice %arg5[%mul3A_217, %dma_start3A_221] : memref<10000x128xf32, #tpu.memory_space<vmem_shared>> -> memref<80x128xf32, #tpu.memory_space<vmem_shared>>
        %dma_start3A_223 = arith.constant 0 : i32
        %dma_start3A_224 = tpu.memref_slice %arg5[%mul3A_217, %dma_start3A_223] : memref<10000x128xf32, #tpu.memory_space<vmem_shared>> -> memref<80x128xf32, #tpu.memory_space<vmem_shared>>
        %dma_start3A_225 = arith.constant 0 : i32
        %dma_start3A_226 = arith.constant 0 : i32
        %dma_start3A_227 = tpu.memref_slice %arg6[%dma_start3A_225, %dma_start3A_226] : memref<128x128xf32, #tpu.memory_space<vmem>> -> memref<80x128xf32, #tpu.memory_space<vmem>>
        tpu.enqueue_dma source(%dma_start3A_227 : memref<80x128xf32, #tpu.memory_space<vmem>>) target(%dma_start3A_224 : memref<80x128xf32, #tpu.memory_space<vmem_shared>>) target_semaphore(%run_scoped3A : memref<!tpu.dma_semaphore, #tpu.memory_space<semaphore_mem>>)
        %dma_wait3A_228 = arith.constant 0 : i32
        %dma_wait3A_229 = arith.constant 0 : i32
        %dma_wait3A_230 = tpu.memref_slice %arg6[%dma_wait3A_228, %dma_wait3A_229] : memref<128x128xf32, #tpu.memory_space<vmem>> -> memref<80x128xf32, #tpu.memory_space<vmem>>
        %dma_wait3A_231 = arith.constant 0 : i32
        %dma_wait3A_232 = tpu.memref_slice %arg5[%mul3A_217, %dma_wait3A_231] : memref<10000x128xf32, #tpu.memory_space<vmem_shared>> -> memref<80x128xf32, #tpu.memory_space<vmem_shared>>
        %dma_wait3A_233 = arith.constant 0 : i32
        %dma_wait3A_234 = tpu.memref_slice %arg5[%mul3A_217, %dma_wait3A_233] : memref<10000x128xf32, #tpu.memory_space<vmem_shared>> -> memref<80x128xf32, #tpu.memory_space<vmem_shared>>
        %dma_wait3A_235 = arith.constant 0 : i32
        %dma_wait3A_236 = arith.constant 0 : i32
        %dma_wait3A_237 = tpu.memref_slice %arg6[%dma_wait3A_235, %dma_wait3A_236] : memref<128x128xf32, #tpu.memory_space<vmem>> -> memref<80x128xf32, #tpu.memory_space<vmem>>
        tpu.wait_dma2 semaphore(%run_scoped3A : memref<!tpu.dma_semaphore, #tpu.memory_space<semaphore_mem>>) src(%dma_wait3A_237 : memref<80x128xf32, #tpu.memory_space<vmem>>) dst(%dma_wait3A_234 : memref<80x128xf32, #tpu.memory_space<vmem_shared>>)
        tpu.yield
      }) : () -> ()
    } else {
    }
    %add3A_40 = arith.constant 80 : i32
    %add3A_41 = arith.addi %arg1, %add3A_40 : i32
    %lt3A_42 = arith.constant 125 : i32
    %lt3A_43 = arith.cmpi slt, %add3A_41, %lt3A_42 : i32
    %convert_element_type3A_44 = arith.extui %lt3A_43 : i1 to i32
    %cond3A_45 = arith.constant 0 : i32
    %cond3A_46 = arith.cmpi ne, %convert_element_type3A_44, %cond3A_45 : i32
    scf.if %cond3A_46 {
      %mul3A_216 = arith.constant 80 : i32
      %mul3A_217 = arith.muli %add3A_41, %mul3A_216 : i32
      "tpu.region"() ({
        %run_scoped3A = tpu.sem_alloc : memref<!tpu.dma_semaphore, #tpu.memory_space<semaphore_mem>>
        %dma_start3A_218 = arith.constant 0 : i32
        %dma_start3A_219 = arith.constant 0 : i32
        %dma_start3A_220 = tpu.memref_slice %arg6[%dma_start3A_218, %dma_start3A_219] : memref<128x128xf32, #tpu.memory_space<vmem>> -> memref<80x128xf32, #tpu.memory_space<vmem>>
        %dma_start3A_221 = arith.constant 0 : i32
        %dma_start3A_222 = tpu.memref_slice %arg5[%mul3A_217, %dma_start3A_221] : memref<10000x128xf32, #tpu.memory_space<vmem_shared>> -> memref<80x128xf32, #tpu.memory_space<vmem_shared>>
        %dma_start3A_223 = arith.constant 0 : i32
        %dma_start3A_224 = tpu.memref_slice %arg5[%mul3A_217, %dma_start3A_223] : memref<10000x128xf32, #tpu.memory_space<vmem_shared>> -> memref<80x128xf32, #tpu.memory_space<vmem_shared>>
        %dma_start3A_225 = arith.constant 0 : i32
        %dma_start3A_226 = arith.constant 0 : i32
        %dma_start3A_227 = tpu.memref_slice %arg6[%dma_start3A_225, %dma_start3A_226] : memref<128x128xf32, #tpu.memory_space<vmem>> -> memref<80x128xf32, #tpu.memory_space<vmem>>
        tpu.enqueue_dma source(%dma_start3A_227 : memref<80x128xf32, #tpu.memory_space<vmem>>) target(%dma_start3A_224 : memref<80x128xf32, #tpu.memory_space<vmem_shared>>) target_semaphore(%run_scoped3A : memref<!tpu.dma_semaphore, #tpu.memory_space<semaphore_mem>>)
        %dma_wait3A_228 = arith.constant 0 : i32
        %dma_wait3A_229 = arith.constant 0 : i32
        %dma_wait3A_230 = tpu.memref_slice %arg6[%dma_wait3A_228, %dma_wait3A_229] : memref<128x128xf32, #tpu.memory_space<vmem>> -> memref<80x128xf32, #tpu.memory_space<vmem>>
        %dma_wait3A_231 = arith.constant 0 : i32
        %dma_wait3A_232 = tpu.memref_slice %arg5[%mul3A_217, %dma_wait3A_231] : memref<10000x128xf32, #tpu.memory_space<vmem_shared>> -> memref<80x128xf32, #tpu.memory_space<vmem_shared>>
        %dma_wait3A_233 = arith.constant 0 : i32
        %dma_wait3A_234 = tpu.memref_slice %arg5[%mul3A_217, %dma_wait3A_233] : memref<10000x128xf32, #tpu.memory_space<vmem_shared>> -> memref<80x128xf32, #tpu.memory_space<vmem_shared>>
        %dma_wait3A_235 = arith.constant 0 : i32
        %dma_wait3A_236 = arith.constant 0 : i32
        %dma_wait3A_237 = tpu.memref_slice %arg6[%dma_wait3A_235, %dma_wait3A_236] : memref<128x128xf32, #tpu.memory_space<vmem>> -> memref<80x128xf32, #tpu.memory_space<vmem>>
        tpu.wait_dma2 semaphore(%run_scoped3A : memref<!tpu.dma_semaphore, #tpu.memory_space<semaphore_mem>>) src(%dma_wait3A_237 : memref<80x128xf32, #tpu.memory_space<vmem>>) dst(%dma_wait3A_234 : memref<80x128xf32, #tpu.memory_space<vmem_shared>>)
        tpu.yield
      }) : () -> ()
    } else {
    }
    %add3A_47 = arith.constant 96 : i32
    %add3A_48 = arith.addi %arg1, %add3A_47 : i32
    %lt3A_49 = arith.constant 125 : i32
    %lt3A_50 = arith.cmpi slt, %add3A_48, %lt3A_49 : i32
    %convert_element_type3A_51 = arith.extui %lt3A_50 : i1 to i32
    %cond3A_52 = arith.constant 0 : i32
    %cond3A_53 = arith.cmpi ne, %convert_element_type3A_51, %cond3A_52 : i32
    scf.if %cond3A_53 {
      %mul3A_216 = arith.constant 80 : i32
      %mul3A_217 = arith.muli %add3A_48, %mul3A_216 : i32
      "tpu.region"() ({
        %run_scoped3A = tpu.sem_alloc : memref<!tpu.dma_semaphore, #tpu.memory_space<semaphore_mem>>
        %dma_start3A_218 = arith.constant 0 : i32
        %dma_start3A_219 = arith.constant 0 : i32
        %dma_start3A_220 = tpu.memref_slice %arg6[%dma_start3A_218, %dma_start3A_219] : memref<128x128xf32, #tpu.memory_space<vmem>> -> memref<80x128xf32, #tpu.memory_space<vmem>>
        %dma_start3A_221 = arith.constant 0 : i32
        %dma_start3A_222 = tpu.memref_slice %arg5[%mul3A_217, %dma_start3A_221] : memref<10000x128xf32, #tpu.memory_space<vmem_shared>> -> memref<80x128xf32, #tpu.memory_space<vmem_shared>>
        %dma_start3A_223 = arith.constant 0 : i32
        %dma_start3A_224 = tpu.memref_slice %arg5[%mul3A_217, %dma_start3A_223] : memref<10000x128xf32, #tpu.memory_space<vmem_shared>> -> memref<80x128xf32, #tpu.memory_space<vmem_shared>>
        %dma_start3A_225 = arith.constant 0 : i32
        %dma_start3A_226 = arith.constant 0 : i32
        %dma_start3A_227 = tpu.memref_slice %arg6[%dma_start3A_225, %dma_start3A_226] : memref<128x128xf32, #tpu.memory_space<vmem>> -> memref<80x128xf32, #tpu.memory_space<vmem>>
        tpu.enqueue_dma source(%dma_start3A_227 : memref<80x128xf32, #tpu.memory_space<vmem>>) target(%dma_start3A_224 : memref<80x128xf32, #tpu.memory_space<vmem_shared>>) target_semaphore(%run_scoped3A : memref<!tpu.dma_semaphore, #tpu.memory_space<semaphore_mem>>)
        %dma_wait3A_228 = arith.constant 0 : i32
        %dma_wait3A_229 = arith.constant 0 : i32
        %dma_wait3A_230 = tpu.memref_slice %arg6[%dma_wait3A_228, %dma_wait3A_229] : memref<128x128xf32, #tpu.memory_space<vmem>> -> memref<80x128xf32, #tpu.memory_space<vmem>>
        %dma_wait3A_231 = arith.constant 0 : i32
        %dma_wait3A_232 = tpu.memref_slice %arg5[%mul3A_217, %dma_wait3A_231] : memref<10000x128xf32, #tpu.memory_space<vmem_shared>> -> memref<80x128xf32, #tpu.memory_space<vmem_shared>>
        %dma_wait3A_233 = arith.constant 0 : i32
        %dma_wait3A_234 = tpu.memref_slice %arg5[%mul3A_217, %dma_wait3A_233] : memref<10000x128xf32, #tpu.memory_space<vmem_shared>> -> memref<80x128xf32, #tpu.memory_space<vmem_shared>>
        %dma_wait3A_235 = arith.constant 0 : i32
        %dma_wait3A_236 = arith.constant 0 : i32
        %dma_wait3A_237 = tpu.memref_slice %arg6[%dma_wait3A_235, %dma_wait3A_236] : memref<128x128xf32, #tpu.memory_space<vmem>> -> memref<80x128xf32, #tpu.memory_space<vmem>>
        tpu.wait_dma2 semaphore(%run_scoped3A : memref<!tpu.dma_semaphore, #tpu.memory_space<semaphore_mem>>) src(%dma_wait3A_237 : memref<80x128xf32, #tpu.memory_space<vmem>>) dst(%dma_wait3A_234 : memref<80x128xf32, #tpu.memory_space<vmem_shared>>)
        tpu.yield
      }) : () -> ()
    } else {
    }
    %add3A_54 = arith.constant 112 : i32
    %add3A_55 = arith.addi %arg1, %add3A_54 : i32
    %lt3A_56 = arith.constant 125 : i32
    %lt3A_57 = arith.cmpi slt, %add3A_55, %lt3A_56 : i32
    %convert_element_type3A_58 = arith.extui %lt3A_57 : i1 to i32
    %cond3A_59 = arith.constant 0 : i32
    %cond3A_60 = arith.cmpi ne, %convert_element_type3A_58, %cond3A_59 : i32
    scf.if %cond3A_60 {
      %mul3A_216 = arith.constant 80 : i32
      %mul3A_217 = arith.muli %add3A_55, %mul3A_216 : i32
      "tpu.region"() ({
        %run_scoped3A = tpu.sem_alloc : memref<!tpu.dma_semaphore, #tpu.memory_space<semaphore_mem>>
        %dma_start3A_218 = arith.constant 0 : i32
        %dma_start3A_219 = arith.constant 0 : i32
        %dma_start3A_220 = tpu.memref_slice %arg6[%dma_start3A_218, %dma_start3A_219] : memref<128x128xf32, #tpu.memory_space<vmem>> -> memref<80x128xf32, #tpu.memory_space<vmem>>
        %dma_start3A_221 = arith.constant 0 : i32
        %dma_start3A_222 = tpu.memref_slice %arg5[%mul3A_217, %dma_start3A_221] : memref<10000x128xf32, #tpu.memory_space<vmem_shared>> -> memref<80x128xf32, #tpu.memory_space<vmem_shared>>
        %dma_start3A_223 = arith.constant 0 : i32
        %dma_start3A_224 = tpu.memref_slice %arg5[%mul3A_217, %dma_start3A_223] : memref<10000x128xf32, #tpu.memory_space<vmem_shared>> -> memref<80x128xf32, #tpu.memory_space<vmem_shared>>
        %dma_start3A_225 = arith.constant 0 : i32
        %dma_start3A_226 = arith.constant 0 : i32
        %dma_start3A_227 = tpu.memref_slice %arg6[%dma_start3A_225, %dma_start3A_226] : memref<128x128xf32, #tpu.memory_space<vmem>> -> memref<80x128xf32, #tpu.memory_space<vmem>>
        tpu.enqueue_dma source(%dma_start3A_227 : memref<80x128xf32, #tpu.memory_space<vmem>>) target(%dma_start3A_224 : memref<80x128xf32, #tpu.memory_space<vmem_shared>>) target_semaphore(%run_scoped3A : memref<!tpu.dma_semaphore, #tpu.memory_space<semaphore_mem>>)
        %dma_wait3A_228 = arith.constant 0 : i32
        %dma_wait3A_229 = arith.constant 0 : i32
        %dma_wait3A_230 = tpu.memref_slice %arg6[%dma_wait3A_228, %dma_wait3A_229] : memref<128x128xf32, #tpu.memory_space<vmem>> -> memref<80x128xf32, #tpu.memory_space<vmem>>
        %dma_wait3A_231 = arith.constant 0 : i32
        %dma_wait3A_232 = tpu.memref_slice %arg5[%mul3A_217, %dma_wait3A_231] : memref<10000x128xf32, #tpu.memory_space<vmem_shared>> -> memref<80x128xf32, #tpu.memory_space<vmem_shared>>
        %dma_wait3A_233 = arith.constant 0 : i32
        %dma_wait3A_234 = tpu.memref_slice %arg5[%mul3A_217, %dma_wait3A_233] : memref<10000x128xf32, #tpu.memory_space<vmem_shared>> -> memref<80x128xf32, #tpu.memory_space<vmem_shared>>
        %dma_wait3A_235 = arith.constant 0 : i32
        %dma_wait3A_236 = arith.constant 0 : i32
        %dma_wait3A_237 = tpu.memref_slice %arg6[%dma_wait3A_235, %dma_wait3A_236] : memref<128x128xf32, #tpu.memory_space<vmem>> -> memref<80x128xf32, #tpu.memory_space<vmem>>
        tpu.wait_dma2 semaphore(%run_scoped3A : memref<!tpu.dma_semaphore, #tpu.memory_space<semaphore_mem>>) src(%dma_wait3A_237 : memref<80x128xf32, #tpu.memory_space<vmem>>) dst(%dma_wait3A_234 : memref<80x128xf32, #tpu.memory_space<vmem_shared>>)
        tpu.yield
      }) : () -> ()
    } else {
    }
    %barrier3A = arith.constant 0 : index
    tpu.barrier barrier_id(%barrier3A)
    %add3A_61 = arith.constant 0 : i32
    %add3A_62 = arith.addi %mul3A_2, %add3A_61 : i32
    %dma_start3A = tpu.memref_slice %arg3[%add3A_62] : memref<640000xi32, #tpu.memory_space<hbm>> -> memref<128xi32, #tpu.memory_space<hbm>>
    %dma_start3A_63 = tpu.memref_slice %arg3[%add3A_62] : memref<640000xi32, #tpu.memory_space<hbm>> -> memref<128xi32, #tpu.memory_space<hbm>>
    tpu.enqueue_dma source(%dma_start3A_63 : memref<128xi32, #tpu.memory_space<hbm>>) target(%arg9 : memref<128xi32, #tpu.memory_space<vmem>>) target_semaphore(%arg29 : memref<!tpu.dma_semaphore, #tpu.memory_space<semaphore_mem>>)
    %add3A_64 = arith.constant 320000 : i32
    %add3A_65 = arith.addi %add3A_64, %mul3A_2 : i32
    %add3A_66 = arith.constant 0 : i32
    %add3A_67 = arith.addi %add3A_65, %add3A_66 : i32
    %dma_start3A_68 = tpu.memref_slice %arg3[%add3A_67] : memref<640000xi32, #tpu.memory_space<hbm>> -> memref<128xi32, #tpu.memory_space<hbm>>
    %dma_start3A_69 = tpu.memref_slice %arg3[%add3A_67] : memref<640000xi32, #tpu.memory_space<hbm>> -> memref<128xi32, #tpu.memory_space<hbm>>
    tpu.enqueue_dma source(%dma_start3A_69 : memref<128xi32, #tpu.memory_space<hbm>>) target(%arg15 : memref<128xi32, #tpu.memory_space<vmem>>) target_semaphore(%arg29 : memref<!tpu.dma_semaphore, #tpu.memory_space<semaphore_mem>>)
    %add3A_70 = arith.constant 0 : i32
    %add3A_71 = arith.addi %mul3A_2, %add3A_70 : i32
    %dma_wait3A = tpu.memref_slice %arg3[%add3A_71] : memref<640000xi32, #tpu.memory_space<hbm>> -> memref<128xi32, #tpu.memory_space<hbm>>
    %dma_wait3A_72 = tpu.memref_slice %arg3[%add3A_71] : memref<640000xi32, #tpu.memory_space<hbm>> -> memref<128xi32, #tpu.memory_space<hbm>>
    tpu.wait_dma2 semaphore(%arg29 : memref<!tpu.dma_semaphore, #tpu.memory_space<semaphore_mem>>) src(%dma_wait3A_72 : memref<128xi32, #tpu.memory_space<hbm>>) dst(%arg9 : memref<128xi32, #tpu.memory_space<vmem>>)
    %add3A_73 = arith.constant 320000 : i32
    %add3A_74 = arith.addi %add3A_73, %mul3A_2 : i32
    %add3A_75 = arith.constant 0 : i32
    %add3A_76 = arith.addi %add3A_74, %add3A_75 : i32
    %dma_wait3A_77 = tpu.memref_slice %arg3[%add3A_76] : memref<640000xi32, #tpu.memory_space<hbm>> -> memref<128xi32, #tpu.memory_space<hbm>>
    %dma_wait3A_78 = tpu.memref_slice %arg3[%add3A_76] : memref<640000xi32, #tpu.memory_space<hbm>> -> memref<128xi32, #tpu.memory_space<hbm>>
    tpu.wait_dma2 semaphore(%arg29 : memref<!tpu.dma_semaphore, #tpu.memory_space<semaphore_mem>>) src(%dma_wait3A_78 : memref<128xi32, #tpu.memory_space<hbm>>) dst(%arg15 : memref<128xi32, #tpu.memory_space<vmem>>)
    %dma_start3A_79 = arith.constant 0 : i32
    %dma_start3A_80 = arith.constant 0 : i32
    %dma_start3A_81 = tpu.memref_slice %arg2[%dma_start3A_79, %dma_start3A_80] : memref<10000x128xf32, #tpu.memory_space<hbm>> -> memref<10000x128xf32, #tpu.memory_space<hbm>>
    tpu.enqueue_indirect_dma source(%dma_start3A_81 : memref<10000x128xf32, #tpu.memory_space<hbm>>) target(%arg6 : memref<128x128xf32, #tpu.memory_space<vmem>>) offsets(%arg9 : memref<128xi32, #tpu.memory_space<vmem>>) semaphore(%arg23 : memref<!tpu.dma_semaphore, #tpu.memory_space<semaphore_mem>>)
    %add3A_82 = arith.constant 128 : i32
    %add3A_83 = arith.addi %mul3A_2, %add3A_82 : i32
    %dma_start3A_84 = tpu.memref_slice %arg3[%add3A_83] : memref<640000xi32, #tpu.memory_space<hbm>> -> memref<128xi32, #tpu.memory_space<hbm>>
    %dma_start3A_85 = tpu.memref_slice %arg3[%add3A_83] : memref<640000xi32, #tpu.memory_space<hbm>> -> memref<128xi32, #tpu.memory_space<hbm>>
    tpu.enqueue_dma source(%dma_start3A_85 : memref<128xi32, #tpu.memory_space<hbm>>) target(%arg10 : memref<128xi32, #tpu.memory_space<vmem>>) target_semaphore(%arg30 : memref<!tpu.dma_semaphore, #tpu.memory_space<semaphore_mem>>)
    %add3A_86 = arith.constant 320000 : i32
    %add3A_87 = arith.addi %add3A_86, %mul3A_2 : i32
    %add3A_88 = arith.constant 128 : i32
    %add3A_89 = arith.addi %add3A_87, %add3A_88 : i32
    %dma_start3A_90 = tpu.memref_slice %arg3[%add3A_89] : memref<640000xi32, #tpu.memory_space<hbm>> -> memref<128xi32, #tpu.memory_space<hbm>>
    %dma_start3A_91 = tpu.memref_slice %arg3[%add3A_89] : memref<640000xi32, #tpu.memory_space<hbm>> -> memref<128xi32, #tpu.memory_space<hbm>>
    tpu.enqueue_dma source(%dma_start3A_91 : memref<128xi32, #tpu.memory_space<hbm>>) target(%arg16 : memref<128xi32, #tpu.memory_space<vmem>>) target_semaphore(%arg30 : memref<!tpu.dma_semaphore, #tpu.memory_space<semaphore_mem>>)
    %add3A_92 = arith.constant 128 : i32
    %add3A_93 = arith.addi %mul3A_2, %add3A_92 : i32
    %dma_wait3A_94 = tpu.memref_slice %arg3[%add3A_93] : memref<640000xi32, #tpu.memory_space<hbm>> -> memref<128xi32, #tpu.memory_space<hbm>>
    %dma_wait3A_95 = tpu.memref_slice %arg3[%add3A_93] : memref<640000xi32, #tpu.memory_space<hbm>> -> memref<128xi32, #tpu.memory_space<hbm>>
    tpu.wait_dma2 semaphore(%arg30 : memref<!tpu.dma_semaphore, #tpu.memory_space<semaphore_mem>>) src(%dma_wait3A_95 : memref<128xi32, #tpu.memory_space<hbm>>) dst(%arg10 : memref<128xi32, #tpu.memory_space<vmem>>)
    %add3A_96 = arith.constant 320000 : i32
    %add3A_97 = arith.addi %add3A_96, %mul3A_2 : i32
    %add3A_98 = arith.constant 128 : i32
    %add3A_99 = arith.addi %add3A_97, %add3A_98 : i32
    %dma_wait3A_100 = tpu.memref_slice %arg3[%add3A_99] : memref<640000xi32, #tpu.memory_space<hbm>> -> memref<128xi32, #tpu.memory_space<hbm>>
    %dma_wait3A_101 = tpu.memref_slice %arg3[%add3A_99] : memref<640000xi32, #tpu.memory_space<hbm>> -> memref<128xi32, #tpu.memory_space<hbm>>
    tpu.wait_dma2 semaphore(%arg30 : memref<!tpu.dma_semaphore, #tpu.memory_space<semaphore_mem>>) src(%dma_wait3A_101 : memref<128xi32, #tpu.memory_space<hbm>>) dst(%arg16 : memref<128xi32, #tpu.memory_space<vmem>>)
    %dma_start3A_102 = arith.constant 0 : i32
    %dma_start3A_103 = arith.constant 0 : i32
    %dma_start3A_104 = tpu.memref_slice %arg2[%dma_start3A_102, %dma_start3A_103] : memref<10000x128xf32, #tpu.memory_space<hbm>> -> memref<10000x128xf32, #tpu.memory_space<hbm>>
    tpu.enqueue_indirect_dma source(%dma_start3A_104 : memref<10000x128xf32, #tpu.memory_space<hbm>>) target(%arg7 : memref<128x128xf32, #tpu.memory_space<vmem>>) offsets(%arg10 : memref<128xi32, #tpu.memory_space<vmem>>) semaphore(%arg24 : memref<!tpu.dma_semaphore, #tpu.memory_space<semaphore_mem>>)
    %add3A_105 = arith.constant 256 : i32
    %add3A_106 = arith.addi %mul3A_2, %add3A_105 : i32
    %dma_start3A_107 = tpu.memref_slice %arg3[%add3A_106] : memref<640000xi32, #tpu.memory_space<hbm>> -> memref<128xi32, #tpu.memory_space<hbm>>
    %dma_start3A_108 = tpu.memref_slice %arg3[%add3A_106] : memref<640000xi32, #tpu.memory_space<hbm>> -> memref<128xi32, #tpu.memory_space<hbm>>
    tpu.enqueue_dma source(%dma_start3A_108 : memref<128xi32, #tpu.memory_space<hbm>>) target(%arg11 : memref<128xi32, #tpu.memory_space<vmem>>) target_semaphore(%arg31 : memref<!tpu.dma_semaphore, #tpu.memory_space<semaphore_mem>>)
    %add3A_109 = arith.constant 320000 : i32
    %add3A_110 = arith.addi %add3A_109, %mul3A_2 : i32
    %add3A_111 = arith.constant 256 : i32
    %add3A_112 = arith.addi %add3A_110, %add3A_111 : i32
    %dma_start3A_113 = tpu.memref_slice %arg3[%add3A_112] : memref<640000xi32, #tpu.memory_space<hbm>> -> memref<128xi32, #tpu.memory_space<hbm>>
    %dma_start3A_114 = tpu.memref_slice %arg3[%add3A_112] : memref<640000xi32, #tpu.memory_space<hbm>> -> memref<128xi32, #tpu.memory_space<hbm>>
    tpu.enqueue_dma source(%dma_start3A_114 : memref<128xi32, #tpu.memory_space<hbm>>) target(%arg17 : memref<128xi32, #tpu.memory_space<vmem>>) target_semaphore(%arg31 : memref<!tpu.dma_semaphore, #tpu.memory_space<semaphore_mem>>)
    %add3A_115 = arith.constant 256 : i32
    %add3A_116 = arith.addi %mul3A_2, %add3A_115 : i32
    %dma_wait3A_117 = tpu.memref_slice %arg3[%add3A_116] : memref<640000xi32, #tpu.memory_space<hbm>> -> memref<128xi32, #tpu.memory_space<hbm>>
    %dma_wait3A_118 = tpu.memref_slice %arg3[%add3A_116] : memref<640000xi32, #tpu.memory_space<hbm>> -> memref<128xi32, #tpu.memory_space<hbm>>
    tpu.wait_dma2 semaphore(%arg31 : memref<!tpu.dma_semaphore, #tpu.memory_space<semaphore_mem>>) src(%dma_wait3A_118 : memref<128xi32, #tpu.memory_space<hbm>>) dst(%arg11 : memref<128xi32, #tpu.memory_space<vmem>>)
    %add3A_119 = arith.constant 320000 : i32
    %add3A_120 = arith.addi %add3A_119, %mul3A_2 : i32
    %add3A_121 = arith.constant 256 : i32
    %add3A_122 = arith.addi %add3A_120, %add3A_121 : i32
    %dma_wait3A_123 = tpu.memref_slice %arg3[%add3A_122] : memref<640000xi32, #tpu.memory_space<hbm>> -> memref<128xi32, #tpu.memory_space<hbm>>
    %dma_wait3A_124 = tpu.memref_slice %arg3[%add3A_122] : memref<640000xi32, #tpu.memory_space<hbm>> -> memref<128xi32, #tpu.memory_space<hbm>>
    tpu.wait_dma2 semaphore(%arg31 : memref<!tpu.dma_semaphore, #tpu.memory_space<semaphore_mem>>) src(%dma_wait3A_124 : memref<128xi32, #tpu.memory_space<hbm>>) dst(%arg17 : memref<128xi32, #tpu.memory_space<vmem>>)
    %dma_start3A_125 = arith.constant 0 : i32
    %dma_start3A_126 = arith.constant 0 : i32
    %dma_start3A_127 = tpu.memref_slice %arg2[%dma_start3A_125, %dma_start3A_126] : memref<10000x128xf32, #tpu.memory_space<hbm>> -> memref<10000x128xf32, #tpu.memory_space<hbm>>
    tpu.enqueue_indirect_dma source(%dma_start3A_127 : memref<10000x128xf32, #tpu.memory_space<hbm>>) target(%arg8 : memref<128x128xf32, #tpu.memory_space<vmem>>) offsets(%arg11 : memref<128xi32, #tpu.memory_space<vmem>>) semaphore(%arg25 : memref<!tpu.dma_semaphore, #tpu.memory_space<semaphore_mem>>)
    %scan3A_128 = arith.constant 0 : i32
    %scan3A_129 = arith.constant 0 : i32
    %scan3A_130 = arith.constant 13 : i32
    %scan3A_131 = arith.addi %scan3A_129, %scan3A_130 : i32
    %scan3A_132 = arith.constant 1 : i32
    scf.for %scan3A_216 = %scan3A_129 to %scan3A_131 step %scan3A_132  : i32 {
      %mul3A_217 = arith.constant 6 : i32
      %mul3A_218 = arith.muli %scan3A_216, %mul3A_217 : i32
      %add3A_219 = arith.constant 0 : i32
      %add3A_220 = arith.addi %mul3A_218, %add3A_219 : i32
      %add3A_221 = arith.constant 0 : i32
      %add3A_222 = arith.addi %add3A_220, %add3A_221 : i32
      %dma_wait3A_223 = arith.constant 0 : i32
      %dma_wait3A_224 = arith.constant 0 : i32
      %dma_wait3A_225 = tpu.memref_slice %arg2[%dma_wait3A_223, %dma_wait3A_224] : memref<10000x128xf32, #tpu.memory_space<hbm>> -> memref<10000x128xf32, #tpu.memory_space<hbm>>
      tpu.wait_indirect_dma semaphore(%arg23 : memref<!tpu.dma_semaphore, #tpu.memory_space<semaphore_mem>>) src(%dma_wait3A_225 : memref<10000x128xf32, #tpu.memory_space<hbm>>) dst(%arg6 : memref<128x128xf32, #tpu.memory_space<vmem>>)
      %dma_start3A_226 = arith.constant 0 : i32
      %dma_start3A_227 = arith.constant 0 : i32
      %dma_start3A_228 = tpu.memref_slice %arg5[%dma_start3A_226, %dma_start3A_227] : memref<10000x128xf32, #tpu.memory_space<vmem_shared>> -> memref<10000x128xf32, #tpu.memory_space<vmem_shared>>
      tpu.enqueue_indirect_dma source(%arg6 : memref<128x128xf32, #tpu.memory_space<vmem>>) target(%dma_start3A_228 : memref<10000x128xf32, #tpu.memory_space<vmem_shared>>) offsets(%arg15 : memref<128xi32, #tpu.memory_space<vmem>>) semaphore(%arg26 : memref<!tpu.dma_semaphore, #tpu.memory_space<semaphore_mem>>) {add = true}
      %add3A_229 = arith.constant 3 : i32
      %add3A_230 = arith.addi %add3A_222, %add3A_229 : i32
      %lt3A_231 = arith.constant 78 : i32
      %lt3A_232 = arith.cmpi slt, %add3A_230, %lt3A_231 : i32
      %convert_element_type3A_233 = arith.extui %lt3A_232 : i1 to i32
      %cond3A_234 = arith.constant 0 : i32
      %cond3A_235 = arith.cmpi ne, %convert_element_type3A_233, %cond3A_234 : i32
      scf.if %cond3A_235 {
        %add3A_331 = arith.constant 3 : i32
        %add3A_332 = arith.addi %add3A_222, %add3A_331 : i32
        %mul3A_333 = arith.constant 128 : i32
        %mul3A_334 = arith.muli %add3A_332, %mul3A_333 : i32
        %add3A_335 = arith.addi %mul3A_2, %mul3A_334 : i32
        %dma_start3A_336 = tpu.memref_slice %arg3[%add3A_335] : memref<640000xi32, #tpu.memory_space<hbm>> -> memref<128xi32, #tpu.memory_space<hbm>>
        %dma_start3A_337 = tpu.memref_slice %arg3[%add3A_335] : memref<640000xi32, #tpu.memory_space<hbm>> -> memref<128xi32, #tpu.memory_space<hbm>>
        tpu.enqueue_dma source(%dma_start3A_337 : memref<128xi32, #tpu.memory_space<hbm>>) target(%arg12 : memref<128xi32, #tpu.memory_space<vmem>>) target_semaphore(%arg32 : memref<!tpu.dma_semaphore, #tpu.memory_space<semaphore_mem>>)
        %add3A_338 = arith.constant 320000 : i32
        %add3A_339 = arith.addi %add3A_338, %mul3A_2 : i32
        %mul3A_340 = arith.constant 128 : i32
        %mul3A_341 = arith.muli %add3A_332, %mul3A_340 : i32
        %add3A_342 = arith.addi %add3A_339, %mul3A_341 : i32
        %dma_start3A_343 = tpu.memref_slice %arg3[%add3A_342] : memref<640000xi32, #tpu.memory_space<hbm>> -> memref<128xi32, #tpu.memory_space<hbm>>
        %dma_start3A_344 = tpu.memref_slice %arg3[%add3A_342] : memref<640000xi32, #tpu.memory_space<hbm>> -> memref<128xi32, #tpu.memory_space<hbm>>
        tpu.enqueue_dma source(%dma_start3A_344 : memref<128xi32, #tpu.memory_space<hbm>>) target(%arg18 : memref<128xi32, #tpu.memory_space<vmem>>) target_semaphore(%arg32 : memref<!tpu.dma_semaphore, #tpu.memory_space<semaphore_mem>>)
        %dma_wait3A_345 = arith.constant 0 : i32
        %dma_wait3A_346 = arith.constant 0 : i32
        %dma_wait3A_347 = tpu.memref_slice %arg5[%dma_wait3A_345, %dma_wait3A_346] : memref<10000x128xf32, #tpu.memory_space<vmem_shared>> -> memref<10000x128xf32, #tpu.memory_space<vmem_shared>>
        tpu.wait_indirect_dma semaphore(%arg26 : memref<!tpu.dma_semaphore, #tpu.memory_space<semaphore_mem>>) src(%arg6 : memref<128x128xf32, #tpu.memory_space<vmem>>) dst(%dma_wait3A_347 : memref<10000x128xf32, #tpu.memory_space<vmem_shared>>)
        %add3A_348 = arith.constant 3 : i32
        %add3A_349 = arith.addi %add3A_222, %add3A_348 : i32
        %mul3A_350 = arith.constant 128 : i32
        %mul3A_351 = arith.muli %add3A_349, %mul3A_350 : i32
        %add3A_352 = arith.addi %mul3A_2, %mul3A_351 : i32
        %dma_wait3A_353 = tpu.memref_slice %arg3[%add3A_352] : memref<640000xi32, #tpu.memory_space<hbm>> -> memref<128xi32, #tpu.memory_space<hbm>>
        %dma_wait3A_354 = tpu.memref_slice %arg3[%add3A_352] : memref<640000xi32, #tpu.memory_space<hbm>> -> memref<128xi32, #tpu.memory_space<hbm>>
        tpu.wait_dma2 semaphore(%arg32 : memref<!tpu.dma_semaphore, #tpu.memory_space<semaphore_mem>>) src(%dma_wait3A_354 : memref<128xi32, #tpu.memory_space<hbm>>) dst(%arg12 : memref<128xi32, #tpu.memory_space<vmem>>)
        %add3A_355 = arith.constant 320000 : i32
        %add3A_356 = arith.addi %add3A_355, %mul3A_2 : i32
        %mul3A_357 = arith.constant 128 : i32
        %mul3A_358 = arith.muli %add3A_349, %mul3A_357 : i32
        %add3A_359 = arith.addi %add3A_356, %mul3A_358 : i32
        %dma_wait3A_360 = tpu.memref_slice %arg3[%add3A_359] : memref<640000xi32, #tpu.memory_space<hbm>> -> memref<128xi32, #tpu.memory_space<hbm>>
        %dma_wait3A_361 = tpu.memref_slice %arg3[%add3A_359] : memref<640000xi32, #tpu.memory_space<hbm>> -> memref<128xi32, #tpu.memory_space<hbm>>
        tpu.wait_dma2 semaphore(%arg32 : memref<!tpu.dma_semaphore, #tpu.memory_space<semaphore_mem>>) src(%dma_wait3A_361 : memref<128xi32, #tpu.memory_space<hbm>>) dst(%arg18 : memref<128xi32, #tpu.memory_space<vmem>>)
        %dma_start3A_362 = arith.constant 0 : i32
        %dma_start3A_363 = arith.constant 0 : i32
        %dma_start3A_364 = tpu.memref_slice %arg2[%dma_start3A_362, %dma_start3A_363] : memref<10000x128xf32, #tpu.memory_space<hbm>> -> memref<10000x128xf32, #tpu.memory_space<hbm>>
        tpu.enqueue_indirect_dma source(%dma_start3A_364 : memref<10000x128xf32, #tpu.memory_space<hbm>>) target(%arg6 : memref<128x128xf32, #tpu.memory_space<vmem>>) offsets(%arg12 : memref<128xi32, #tpu.memory_space<vmem>>) semaphore(%arg23 : memref<!tpu.dma_semaphore, #tpu.memory_space<semaphore_mem>>)
      } else {
      }
      %mul3A_236 = arith.constant 6 : i32
      %mul3A_237 = arith.muli %scan3A_216, %mul3A_236 : i32
      %add3A_238 = arith.constant 0 : i32
      %add3A_239 = arith.addi %mul3A_237, %add3A_238 : i32
      %add3A_240 = arith.constant 1 : i32
      %add3A_241 = arith.addi %add3A_239, %add3A_240 : i32
      %dma_wait3A_242 = arith.constant 0 : i32
      %dma_wait3A_243 = arith.constant 0 : i32
      %dma_wait3A_244 = tpu.memref_slice %arg2[%dma_wait3A_242, %dma_wait3A_243] : memref<10000x128xf32, #tpu.memory_space<hbm>> -> memref<10000x128xf32, #tpu.memory_space<hbm>>
      tpu.wait_indirect_dma semaphore(%arg24 : memref<!tpu.dma_semaphore, #tpu.memory_space<semaphore_mem>>) src(%dma_wait3A_244 : memref<10000x128xf32, #tpu.memory_space<hbm>>) dst(%arg7 : memref<128x128xf32, #tpu.memory_space<vmem>>)
      %dma_start3A_245 = arith.constant 0 : i32
      %dma_start3A_246 = arith.constant 0 : i32
      %dma_start3A_247 = tpu.memref_slice %arg5[%dma_start3A_245, %dma_start3A_246] : memref<10000x128xf32, #tpu.memory_space<vmem_shared>> -> memref<10000x128xf32, #tpu.memory_space<vmem_shared>>
      tpu.enqueue_indirect_dma source(%arg7 : memref<128x128xf32, #tpu.memory_space<vmem>>) target(%dma_start3A_247 : memref<10000x128xf32, #tpu.memory_space<vmem_shared>>) offsets(%arg16 : memref<128xi32, #tpu.memory_space<vmem>>) semaphore(%arg27 : memref<!tpu.dma_semaphore, #tpu.memory_space<semaphore_mem>>) {add = true}
      %add3A_248 = arith.constant 3 : i32
      %add3A_249 = arith.addi %add3A_241, %add3A_248 : i32
      %lt3A_250 = arith.constant 78 : i32
      %lt3A_251 = arith.cmpi slt, %add3A_249, %lt3A_250 : i32
      %convert_element_type3A_252 = arith.extui %lt3A_251 : i1 to i32
      %cond3A_253 = arith.constant 0 : i32
      %cond3A_254 = arith.cmpi ne, %convert_element_type3A_252, %cond3A_253 : i32
      scf.if %cond3A_254 {
        %add3A_331 = arith.constant 3 : i32
        %add3A_332 = arith.addi %add3A_241, %add3A_331 : i32
        %mul3A_333 = arith.constant 128 : i32
        %mul3A_334 = arith.muli %add3A_332, %mul3A_333 : i32
        %add3A_335 = arith.addi %mul3A_2, %mul3A_334 : i32
        %dma_start3A_336 = tpu.memref_slice %arg3[%add3A_335] : memref<640000xi32, #tpu.memory_space<hbm>> -> memref<128xi32, #tpu.memory_space<hbm>>
        %dma_start3A_337 = tpu.memref_slice %arg3[%add3A_335] : memref<640000xi32, #tpu.memory_space<hbm>> -> memref<128xi32, #tpu.memory_space<hbm>>
        tpu.enqueue_dma source(%dma_start3A_337 : memref<128xi32, #tpu.memory_space<hbm>>) target(%arg13 : memref<128xi32, #tpu.memory_space<vmem>>) target_semaphore(%arg33 : memref<!tpu.dma_semaphore, #tpu.memory_space<semaphore_mem>>)
        %add3A_338 = arith.constant 320000 : i32
        %add3A_339 = arith.addi %add3A_338, %mul3A_2 : i32
        %mul3A_340 = arith.constant 128 : i32
        %mul3A_341 = arith.muli %add3A_332, %mul3A_340 : i32
        %add3A_342 = arith.addi %add3A_339, %mul3A_341 : i32
        %dma_start3A_343 = tpu.memref_slice %arg3[%add3A_342] : memref<640000xi32, #tpu.memory_space<hbm>> -> memref<128xi32, #tpu.memory_space<hbm>>
        %dma_start3A_344 = tpu.memref_slice %arg3[%add3A_342] : memref<640000xi32, #tpu.memory_space<hbm>> -> memref<128xi32, #tpu.memory_space<hbm>>
        tpu.enqueue_dma source(%dma_start3A_344 : memref<128xi32, #tpu.memory_space<hbm>>) target(%arg19 : memref<128xi32, #tpu.memory_space<vmem>>) target_semaphore(%arg33 : memref<!tpu.dma_semaphore, #tpu.memory_space<semaphore_mem>>)
        %dma_wait3A_345 = arith.constant 0 : i32
        %dma_wait3A_346 = arith.constant 0 : i32
        %dma_wait3A_347 = tpu.memref_slice %arg5[%dma_wait3A_345, %dma_wait3A_346] : memref<10000x128xf32, #tpu.memory_space<vmem_shared>> -> memref<10000x128xf32, #tpu.memory_space<vmem_shared>>
        tpu.wait_indirect_dma semaphore(%arg27 : memref<!tpu.dma_semaphore, #tpu.memory_space<semaphore_mem>>) src(%arg7 : memref<128x128xf32, #tpu.memory_space<vmem>>) dst(%dma_wait3A_347 : memref<10000x128xf32, #tpu.memory_space<vmem_shared>>)
        %add3A_348 = arith.constant 3 : i32
        %add3A_349 = arith.addi %add3A_241, %add3A_348 : i32
        %mul3A_350 = arith.constant 128 : i32
        %mul3A_351 = arith.muli %add3A_349, %mul3A_350 : i32
        %add3A_352 = arith.addi %mul3A_2, %mul3A_351 : i32
        %dma_wait3A_353 = tpu.memref_slice %arg3[%add3A_352] : memref<640000xi32, #tpu.memory_space<hbm>> -> memref<128xi32, #tpu.memory_space<hbm>>
        %dma_wait3A_354 = tpu.memref_slice %arg3[%add3A_352] : memref<640000xi32, #tpu.memory_space<hbm>> -> memref<128xi32, #tpu.memory_space<hbm>>
        tpu.wait_dma2 semaphore(%arg33 : memref<!tpu.dma_semaphore, #tpu.memory_space<semaphore_mem>>) src(%dma_wait3A_354 : memref<128xi32, #tpu.memory_space<hbm>>) dst(%arg13 : memref<128xi32, #tpu.memory_space<vmem>>)
        %add3A_355 = arith.constant 320000 : i32
        %add3A_356 = arith.addi %add3A_355, %mul3A_2 : i32
        %mul3A_357 = arith.constant 128 : i32
        %mul3A_358 = arith.muli %add3A_349, %mul3A_357 : i32
        %add3A_359 = arith.addi %add3A_356, %mul3A_358 : i32
        %dma_wait3A_360 = tpu.memref_slice %arg3[%add3A_359] : memref<640000xi32, #tpu.memory_space<hbm>> -> memref<128xi32, #tpu.memory_space<hbm>>
        %dma_wait3A_361 = tpu.memref_slice %arg3[%add3A_359] : memref<640000xi32, #tpu.memory_space<hbm>> -> memref<128xi32, #tpu.memory_space<hbm>>
        tpu.wait_dma2 semaphore(%arg33 : memref<!tpu.dma_semaphore, #tpu.memory_space<semaphore_mem>>) src(%dma_wait3A_361 : memref<128xi32, #tpu.memory_space<hbm>>) dst(%arg19 : memref<128xi32, #tpu.memory_space<vmem>>)
        %dma_start3A_362 = arith.constant 0 : i32
        %dma_start3A_363 = arith.constant 0 : i32
        %dma_start3A_364 = tpu.memref_slice %arg2[%dma_start3A_362, %dma_start3A_363] : memref<10000x128xf32, #tpu.memory_space<hbm>> -> memref<10000x128xf32, #tpu.memory_space<hbm>>
        tpu.enqueue_indirect_dma source(%dma_start3A_364 : memref<10000x128xf32, #tpu.memory_space<hbm>>) target(%arg7 : memref<128x128xf32, #tpu.memory_space<vmem>>) offsets(%arg13 : memref<128xi32, #tpu.memory_space<vmem>>) semaphore(%arg24 : memref<!tpu.dma_semaphore, #tpu.memory_space<semaphore_mem>>)
      } else {
      }
      %mul3A_255 = arith.constant 6 : i32
      %mul3A_256 = arith.muli %scan3A_216, %mul3A_255 : i32
      %add3A_257 = arith.constant 0 : i32
      %add3A_258 = arith.addi %mul3A_256, %add3A_257 : i32
      %add3A_259 = arith.constant 2 : i32
      %add3A_260 = arith.addi %add3A_258, %add3A_259 : i32
      %dma_wait3A_261 = arith.constant 0 : i32
      %dma_wait3A_262 = arith.constant 0 : i32
      %dma_wait3A_263 = tpu.memref_slice %arg2[%dma_wait3A_261, %dma_wait3A_262] : memref<10000x128xf32, #tpu.memory_space<hbm>> -> memref<10000x128xf32, #tpu.memory_space<hbm>>
      tpu.wait_indirect_dma semaphore(%arg25 : memref<!tpu.dma_semaphore, #tpu.memory_space<semaphore_mem>>) src(%dma_wait3A_263 : memref<10000x128xf32, #tpu.memory_space<hbm>>) dst(%arg8 : memref<128x128xf32, #tpu.memory_space<vmem>>)
      %dma_start3A_264 = arith.constant 0 : i32
      %dma_start3A_265 = arith.constant 0 : i32
      %dma_start3A_266 = tpu.memref_slice %arg5[%dma_start3A_264, %dma_start3A_265] : memref<10000x128xf32, #tpu.memory_space<vmem_shared>> -> memref<10000x128xf32, #tpu.memory_space<vmem_shared>>
      tpu.enqueue_indirect_dma source(%arg8 : memref<128x128xf32, #tpu.memory_space<vmem>>) target(%dma_start3A_266 : memref<10000x128xf32, #tpu.memory_space<vmem_shared>>) offsets(%arg17 : memref<128xi32, #tpu.memory_space<vmem>>) semaphore(%arg28 : memref<!tpu.dma_semaphore, #tpu.memory_space<semaphore_mem>>) {add = true}
      %add3A_267 = arith.constant 3 : i32
      %add3A_268 = arith.addi %add3A_260, %add3A_267 : i32
      %lt3A_269 = arith.constant 78 : i32
      %lt3A_270 = arith.cmpi slt, %add3A_268, %lt3A_269 : i32
      %convert_element_type3A_271 = arith.extui %lt3A_270 : i1 to i32
      %cond3A_272 = arith.constant 0 : i32
      %cond3A_273 = arith.cmpi ne, %convert_element_type3A_271, %cond3A_272 : i32
      scf.if %cond3A_273 {
        %add3A_331 = arith.constant 3 : i32
        %add3A_332 = arith.addi %add3A_260, %add3A_331 : i32
        %mul3A_333 = arith.constant 128 : i32
        %mul3A_334 = arith.muli %add3A_332, %mul3A_333 : i32
        %add3A_335 = arith.addi %mul3A_2, %mul3A_334 : i32
        %dma_start3A_336 = tpu.memref_slice %arg3[%add3A_335] : memref<640000xi32, #tpu.memory_space<hbm>> -> memref<128xi32, #tpu.memory_space<hbm>>
        %dma_start3A_337 = tpu.memref_slice %arg3[%add3A_335] : memref<640000xi32, #tpu.memory_space<hbm>> -> memref<128xi32, #tpu.memory_space<hbm>>
        tpu.enqueue_dma source(%dma_start3A_337 : memref<128xi32, #tpu.memory_space<hbm>>) target(%arg14 : memref<128xi32, #tpu.memory_space<vmem>>) target_semaphore(%arg34 : memref<!tpu.dma_semaphore, #tpu.memory_space<semaphore_mem>>)
        %add3A_338 = arith.constant 320000 : i32
        %add3A_339 = arith.addi %add3A_338, %mul3A_2 : i32
        %mul3A_340 = arith.constant 128 : i32
        %mul3A_341 = arith.muli %add3A_332, %mul3A_340 : i32
        %add3A_342 = arith.addi %add3A_339, %mul3A_341 : i32
        %dma_start3A_343 = tpu.memref_slice %arg3[%add3A_342] : memref<640000xi32, #tpu.memory_space<hbm>> -> memref<128xi32, #tpu.memory_space<hbm>>
        %dma_start3A_344 = tpu.memref_slice %arg3[%add3A_342] : memref<640000xi32, #tpu.memory_space<hbm>> -> memref<128xi32, #tpu.memory_space<hbm>>
        tpu.enqueue_dma source(%dma_start3A_344 : memref<128xi32, #tpu.memory_space<hbm>>) target(%arg20 : memref<128xi32, #tpu.memory_space<vmem>>) target_semaphore(%arg34 : memref<!tpu.dma_semaphore, #tpu.memory_space<semaphore_mem>>)
        %dma_wait3A_345 = arith.constant 0 : i32
        %dma_wait3A_346 = arith.constant 0 : i32
        %dma_wait3A_347 = tpu.memref_slice %arg5[%dma_wait3A_345, %dma_wait3A_346] : memref<10000x128xf32, #tpu.memory_space<vmem_shared>> -> memref<10000x128xf32, #tpu.memory_space<vmem_shared>>
        tpu.wait_indirect_dma semaphore(%arg28 : memref<!tpu.dma_semaphore, #tpu.memory_space<semaphore_mem>>) src(%arg8 : memref<128x128xf32, #tpu.memory_space<vmem>>) dst(%dma_wait3A_347 : memref<10000x128xf32, #tpu.memory_space<vmem_shared>>)
        %add3A_348 = arith.constant 3 : i32
        %add3A_349 = arith.addi %add3A_260, %add3A_348 : i32
        %mul3A_350 = arith.constant 128 : i32
        %mul3A_351 = arith.muli %add3A_349, %mul3A_350 : i32
        %add3A_352 = arith.addi %mul3A_2, %mul3A_351 : i32
        %dma_wait3A_353 = tpu.memref_slice %arg3[%add3A_352] : memref<640000xi32, #tpu.memory_space<hbm>> -> memref<128xi32, #tpu.memory_space<hbm>>
        %dma_wait3A_354 = tpu.memref_slice %arg3[%add3A_352] : memref<640000xi32, #tpu.memory_space<hbm>> -> memref<128xi32, #tpu.memory_space<hbm>>
        tpu.wait_dma2 semaphore(%arg34 : memref<!tpu.dma_semaphore, #tpu.memory_space<semaphore_mem>>) src(%dma_wait3A_354 : memref<128xi32, #tpu.memory_space<hbm>>) dst(%arg14 : memref<128xi32, #tpu.memory_space<vmem>>)
        %add3A_355 = arith.constant 320000 : i32
        %add3A_356 = arith.addi %add3A_355, %mul3A_2 : i32
        %mul3A_357 = arith.constant 128 : i32
        %mul3A_358 = arith.muli %add3A_349, %mul3A_357 : i32
        %add3A_359 = arith.addi %add3A_356, %mul3A_358 : i32
        %dma_wait3A_360 = tpu.memref_slice %arg3[%add3A_359] : memref<640000xi32, #tpu.memory_space<hbm>> -> memref<128xi32, #tpu.memory_space<hbm>>
        %dma_wait3A_361 = tpu.memref_slice %arg3[%add3A_359] : memref<640000xi32, #tpu.memory_space<hbm>> -> memref<128xi32, #tpu.memory_space<hbm>>
        tpu.wait_dma2 semaphore(%arg34 : memref<!tpu.dma_semaphore, #tpu.memory_space<semaphore_mem>>) src(%dma_wait3A_361 : memref<128xi32, #tpu.memory_space<hbm>>) dst(%arg20 : memref<128xi32, #tpu.memory_space<vmem>>)
        %dma_start3A_362 = arith.constant 0 : i32
        %dma_start3A_363 = arith.constant 0 : i32
        %dma_start3A_364 = tpu.memref_slice %arg2[%dma_start3A_362, %dma_start3A_363] : memref<10000x128xf32, #tpu.memory_space<hbm>> -> memref<10000x128xf32, #tpu.memory_space<hbm>>
        tpu.enqueue_indirect_dma source(%dma_start3A_364 : memref<10000x128xf32, #tpu.memory_space<hbm>>) target(%arg8 : memref<128x128xf32, #tpu.memory_space<vmem>>) offsets(%arg14 : memref<128xi32, #tpu.memory_space<vmem>>) semaphore(%arg25 : memref<!tpu.dma_semaphore, #tpu.memory_space<semaphore_mem>>)
      } else {
      }
      %mul3A_274 = arith.constant 6 : i32
      %mul3A_275 = arith.muli %scan3A_216, %mul3A_274 : i32
      %add3A_276 = arith.constant 3 : i32
      %add3A_277 = arith.addi %mul3A_275, %add3A_276 : i32
      %add3A_278 = arith.constant 0 : i32
      %add3A_279 = arith.addi %add3A_277, %add3A_278 : i32
      %dma_wait3A_280 = arith.constant 0 : i32
      %dma_wait3A_281 = arith.constant 0 : i32
      %dma_wait3A_282 = tpu.memref_slice %arg2[%dma_wait3A_280, %dma_wait3A_281] : memref<10000x128xf32, #tpu.memory_space<hbm>> -> memref<10000x128xf32, #tpu.memory_space<hbm>>
      tpu.wait_indirect_dma semaphore(%arg23 : memref<!tpu.dma_semaphore, #tpu.memory_space<semaphore_mem>>) src(%dma_wait3A_282 : memref<10000x128xf32, #tpu.memory_space<hbm>>) dst(%arg6 : memref<128x128xf32, #tpu.memory_space<vmem>>)
      %dma_start3A_283 = arith.constant 0 : i32
      %dma_start3A_284 = arith.constant 0 : i32
      %dma_start3A_285 = tpu.memref_slice %arg5[%dma_start3A_283, %dma_start3A_284] : memref<10000x128xf32, #tpu.memory_space<vmem_shared>> -> memref<10000x128xf32, #tpu.memory_space<vmem_shared>>
      tpu.enqueue_indirect_dma source(%arg6 : memref<128x128xf32, #tpu.memory_space<vmem>>) target(%dma_start3A_285 : memref<10000x128xf32, #tpu.memory_space<vmem_shared>>) offsets(%arg18 : memref<128xi32, #tpu.memory_space<vmem>>) semaphore(%arg26 : memref<!tpu.dma_semaphore, #tpu.memory_space<semaphore_mem>>) {add = true}
      %add3A_286 = arith.constant 3 : i32
      %add3A_287 = arith.addi %add3A_279, %add3A_286 : i32
      %lt3A_288 = arith.constant 78 : i32
      %lt3A_289 = arith.cmpi slt, %add3A_287, %lt3A_288 : i32
      %convert_element_type3A_290 = arith.extui %lt3A_289 : i1 to i32
      %cond3A_291 = arith.constant 0 : i32
      %cond3A_292 = arith.cmpi ne, %convert_element_type3A_290, %cond3A_291 : i32
      scf.if %cond3A_292 {
        %add3A_331 = arith.constant 3 : i32
        %add3A_332 = arith.addi %add3A_279, %add3A_331 : i32
        %mul3A_333 = arith.constant 128 : i32
        %mul3A_334 = arith.muli %add3A_332, %mul3A_333 : i32
        %add3A_335 = arith.addi %mul3A_2, %mul3A_334 : i32
        %dma_start3A_336 = tpu.memref_slice %arg3[%add3A_335] : memref<640000xi32, #tpu.memory_space<hbm>> -> memref<128xi32, #tpu.memory_space<hbm>>
        %dma_start3A_337 = tpu.memref_slice %arg3[%add3A_335] : memref<640000xi32, #tpu.memory_space<hbm>> -> memref<128xi32, #tpu.memory_space<hbm>>
        tpu.enqueue_dma source(%dma_start3A_337 : memref<128xi32, #tpu.memory_space<hbm>>) target(%arg9 : memref<128xi32, #tpu.memory_space<vmem>>) target_semaphore(%arg29 : memref<!tpu.dma_semaphore, #tpu.memory_space<semaphore_mem>>)
        %add3A_338 = arith.constant 320000 : i32
        %add3A_339 = arith.addi %add3A_338, %mul3A_2 : i32
        %mul3A_340 = arith.constant 128 : i32
        %mul3A_341 = arith.muli %add3A_332, %mul3A_340 : i32
        %add3A_342 = arith.addi %add3A_339, %mul3A_341 : i32
        %dma_start3A_343 = tpu.memref_slice %arg3[%add3A_342] : memref<640000xi32, #tpu.memory_space<hbm>> -> memref<128xi32, #tpu.memory_space<hbm>>
        %dma_start3A_344 = tpu.memref_slice %arg3[%add3A_342] : memref<640000xi32, #tpu.memory_space<hbm>> -> memref<128xi32, #tpu.memory_space<hbm>>
        tpu.enqueue_dma source(%dma_start3A_344 : memref<128xi32, #tpu.memory_space<hbm>>) target(%arg15 : memref<128xi32, #tpu.memory_space<vmem>>) target_semaphore(%arg29 : memref<!tpu.dma_semaphore, #tpu.memory_space<semaphore_mem>>)
        %dma_wait3A_345 = arith.constant 0 : i32
        %dma_wait3A_346 = arith.constant 0 : i32
        %dma_wait3A_347 = tpu.memref_slice %arg5[%dma_wait3A_345, %dma_wait3A_346] : memref<10000x128xf32, #tpu.memory_space<vmem_shared>> -> memref<10000x128xf32, #tpu.memory_space<vmem_shared>>
        tpu.wait_indirect_dma semaphore(%arg26 : memref<!tpu.dma_semaphore, #tpu.memory_space<semaphore_mem>>) src(%arg6 : memref<128x128xf32, #tpu.memory_space<vmem>>) dst(%dma_wait3A_347 : memref<10000x128xf32, #tpu.memory_space<vmem_shared>>)
        %add3A_348 = arith.constant 3 : i32
        %add3A_349 = arith.addi %add3A_279, %add3A_348 : i32
        %mul3A_350 = arith.constant 128 : i32
        %mul3A_351 = arith.muli %add3A_349, %mul3A_350 : i32
        %add3A_352 = arith.addi %mul3A_2, %mul3A_351 : i32
        %dma_wait3A_353 = tpu.memref_slice %arg3[%add3A_352] : memref<640000xi32, #tpu.memory_space<hbm>> -> memref<128xi32, #tpu.memory_space<hbm>>
        %dma_wait3A_354 = tpu.memref_slice %arg3[%add3A_352] : memref<640000xi32, #tpu.memory_space<hbm>> -> memref<128xi32, #tpu.memory_space<hbm>>
        tpu.wait_dma2 semaphore(%arg29 : memref<!tpu.dma_semaphore, #tpu.memory_space<semaphore_mem>>) src(%dma_wait3A_354 : memref<128xi32, #tpu.memory_space<hbm>>) dst(%arg9 : memref<128xi32, #tpu.memory_space<vmem>>)
        %add3A_355 = arith.constant 320000 : i32
        %add3A_356 = arith.addi %add3A_355, %mul3A_2 : i32
        %mul3A_357 = arith.constant 128 : i32
        %mul3A_358 = arith.muli %add3A_349, %mul3A_357 : i32
        %add3A_359 = arith.addi %add3A_356, %mul3A_358 : i32
        %dma_wait3A_360 = tpu.memref_slice %arg3[%add3A_359] : memref<640000xi32, #tpu.memory_space<hbm>> -> memref<128xi32, #tpu.memory_space<hbm>>
        %dma_wait3A_361 = tpu.memref_slice %arg3[%add3A_359] : memref<640000xi32, #tpu.memory_space<hbm>> -> memref<128xi32, #tpu.memory_space<hbm>>
        tpu.wait_dma2 semaphore(%arg29 : memref<!tpu.dma_semaphore, #tpu.memory_space<semaphore_mem>>) src(%dma_wait3A_361 : memref<128xi32, #tpu.memory_space<hbm>>) dst(%arg15 : memref<128xi32, #tpu.memory_space<vmem>>)
        %dma_start3A_362 = arith.constant 0 : i32
        %dma_start3A_363 = arith.constant 0 : i32
        %dma_start3A_364 = tpu.memref_slice %arg2[%dma_start3A_362, %dma_start3A_363] : memref<10000x128xf32, #tpu.memory_space<hbm>> -> memref<10000x128xf32, #tpu.memory_space<hbm>>
        tpu.enqueue_indirect_dma source(%dma_start3A_364 : memref<10000x128xf32, #tpu.memory_space<hbm>>) target(%arg6 : memref<128x128xf32, #tpu.memory_space<vmem>>) offsets(%arg9 : memref<128xi32, #tpu.memory_space<vmem>>) semaphore(%arg23 : memref<!tpu.dma_semaphore, #tpu.memory_space<semaphore_mem>>)
      } else {
      }
      %mul3A_293 = arith.constant 6 : i32
      %mul3A_294 = arith.muli %scan3A_216, %mul3A_293 : i32
      %add3A_295 = arith.constant 3 : i32
      %add3A_296 = arith.addi %mul3A_294, %add3A_295 : i32
      %add3A_297 = arith.constant 1 : i32
      %add3A_298 = arith.addi %add3A_296, %add3A_297 : i32
      %dma_wait3A_299 = arith.constant 0 : i32
      %dma_wait3A_300 = arith.constant 0 : i32
      %dma_wait3A_301 = tpu.memref_slice %arg2[%dma_wait3A_299, %dma_wait3A_300] : memref<10000x128xf32, #tpu.memory_space<hbm>> -> memref<10000x128xf32, #tpu.memory_space<hbm>>
      tpu.wait_indirect_dma semaphore(%arg24 : memref<!tpu.dma_semaphore, #tpu.memory_space<semaphore_mem>>) src(%dma_wait3A_301 : memref<10000x128xf32, #tpu.memory_space<hbm>>) dst(%arg7 : memref<128x128xf32, #tpu.memory_space<vmem>>)
      %dma_start3A_302 = arith.constant 0 : i32
      %dma_start3A_303 = arith.constant 0 : i32
      %dma_start3A_304 = tpu.memref_slice %arg5[%dma_start3A_302, %dma_start3A_303] : memref<10000x128xf32, #tpu.memory_space<vmem_shared>> -> memref<10000x128xf32, #tpu.memory_space<vmem_shared>>
      tpu.enqueue_indirect_dma source(%arg7 : memref<128x128xf32, #tpu.memory_space<vmem>>) target(%dma_start3A_304 : memref<10000x128xf32, #tpu.memory_space<vmem_shared>>) offsets(%arg19 : memref<128xi32, #tpu.memory_space<vmem>>) semaphore(%arg27 : memref<!tpu.dma_semaphore, #tpu.memory_space<semaphore_mem>>) {add = true}
      %add3A_305 = arith.constant 3 : i32
      %add3A_306 = arith.addi %add3A_298, %add3A_305 : i32
      %lt3A_307 = arith.constant 78 : i32
      %lt3A_308 = arith.cmpi slt, %add3A_306, %lt3A_307 : i32
      %convert_element_type3A_309 = arith.extui %lt3A_308 : i1 to i32
      %cond3A_310 = arith.constant 0 : i32
      %cond3A_311 = arith.cmpi ne, %convert_element_type3A_309, %cond3A_310 : i32
      scf.if %cond3A_311 {
        %add3A_331 = arith.constant 3 : i32
        %add3A_332 = arith.addi %add3A_298, %add3A_331 : i32
        %mul3A_333 = arith.constant 128 : i32
        %mul3A_334 = arith.muli %add3A_332, %mul3A_333 : i32
        %add3A_335 = arith.addi %mul3A_2, %mul3A_334 : i32
        %dma_start3A_336 = tpu.memref_slice %arg3[%add3A_335] : memref<640000xi32, #tpu.memory_space<hbm>> -> memref<128xi32, #tpu.memory_space<hbm>>
        %dma_start3A_337 = tpu.memref_slice %arg3[%add3A_335] : memref<640000xi32, #tpu.memory_space<hbm>> -> memref<128xi32, #tpu.memory_space<hbm>>
        tpu.enqueue_dma source(%dma_start3A_337 : memref<128xi32, #tpu.memory_space<hbm>>) target(%arg10 : memref<128xi32, #tpu.memory_space<vmem>>) target_semaphore(%arg30 : memref<!tpu.dma_semaphore, #tpu.memory_space<semaphore_mem>>)
        %add3A_338 = arith.constant 320000 : i32
        %add3A_339 = arith.addi %add3A_338, %mul3A_2 : i32
        %mul3A_340 = arith.constant 128 : i32
        %mul3A_341 = arith.muli %add3A_332, %mul3A_340 : i32
        %add3A_342 = arith.addi %add3A_339, %mul3A_341 : i32
        %dma_start3A_343 = tpu.memref_slice %arg3[%add3A_342] : memref<640000xi32, #tpu.memory_space<hbm>> -> memref<128xi32, #tpu.memory_space<hbm>>
        %dma_start3A_344 = tpu.memref_slice %arg3[%add3A_342] : memref<640000xi32, #tpu.memory_space<hbm>> -> memref<128xi32, #tpu.memory_space<hbm>>
        tpu.enqueue_dma source(%dma_start3A_344 : memref<128xi32, #tpu.memory_space<hbm>>) target(%arg16 : memref<128xi32, #tpu.memory_space<vmem>>) target_semaphore(%arg30 : memref<!tpu.dma_semaphore, #tpu.memory_space<semaphore_mem>>)
        %dma_wait3A_345 = arith.constant 0 : i32
        %dma_wait3A_346 = arith.constant 0 : i32
        %dma_wait3A_347 = tpu.memref_slice %arg5[%dma_wait3A_345, %dma_wait3A_346] : memref<10000x128xf32, #tpu.memory_space<vmem_shared>> -> memref<10000x128xf32, #tpu.memory_space<vmem_shared>>
        tpu.wait_indirect_dma semaphore(%arg27 : memref<!tpu.dma_semaphore, #tpu.memory_space<semaphore_mem>>) src(%arg7 : memref<128x128xf32, #tpu.memory_space<vmem>>) dst(%dma_wait3A_347 : memref<10000x128xf32, #tpu.memory_space<vmem_shared>>)
        %add3A_348 = arith.constant 3 : i32
        %add3A_349 = arith.addi %add3A_298, %add3A_348 : i32
        %mul3A_350 = arith.constant 128 : i32
        %mul3A_351 = arith.muli %add3A_349, %mul3A_350 : i32
        %add3A_352 = arith.addi %mul3A_2, %mul3A_351 : i32
        %dma_wait3A_353 = tpu.memref_slice %arg3[%add3A_352] : memref<640000xi32, #tpu.memory_space<hbm>> -> memref<128xi32, #tpu.memory_space<hbm>>
        %dma_wait3A_354 = tpu.memref_slice %arg3[%add3A_352] : memref<640000xi32, #tpu.memory_space<hbm>> -> memref<128xi32, #tpu.memory_space<hbm>>
        tpu.wait_dma2 semaphore(%arg30 : memref<!tpu.dma_semaphore, #tpu.memory_space<semaphore_mem>>) src(%dma_wait3A_354 : memref<128xi32, #tpu.memory_space<hbm>>) dst(%arg10 : memref<128xi32, #tpu.memory_space<vmem>>)
        %add3A_355 = arith.constant 320000 : i32
        %add3A_356 = arith.addi %add3A_355, %mul3A_2 : i32
        %mul3A_357 = arith.constant 128 : i32
        %mul3A_358 = arith.muli %add3A_349, %mul3A_357 : i32
        %add3A_359 = arith.addi %add3A_356, %mul3A_358 : i32
        %dma_wait3A_360 = tpu.memref_slice %arg3[%add3A_359] : memref<640000xi32, #tpu.memory_space<hbm>> -> memref<128xi32, #tpu.memory_space<hbm>>
        %dma_wait3A_361 = tpu.memref_slice %arg3[%add3A_359] : memref<640000xi32, #tpu.memory_space<hbm>> -> memref<128xi32, #tpu.memory_space<hbm>>
        tpu.wait_dma2 semaphore(%arg30 : memref<!tpu.dma_semaphore, #tpu.memory_space<semaphore_mem>>) src(%dma_wait3A_361 : memref<128xi32, #tpu.memory_space<hbm>>) dst(%arg16 : memref<128xi32, #tpu.memory_space<vmem>>)
        %dma_start3A_362 = arith.constant 0 : i32
        %dma_start3A_363 = arith.constant 0 : i32
        %dma_start3A_364 = tpu.memref_slice %arg2[%dma_start3A_362, %dma_start3A_363] : memref<10000x128xf32, #tpu.memory_space<hbm>> -> memref<10000x128xf32, #tpu.memory_space<hbm>>
        tpu.enqueue_indirect_dma source(%dma_start3A_364 : memref<10000x128xf32, #tpu.memory_space<hbm>>) target(%arg7 : memref<128x128xf32, #tpu.memory_space<vmem>>) offsets(%arg10 : memref<128xi32, #tpu.memory_space<vmem>>) semaphore(%arg24 : memref<!tpu.dma_semaphore, #tpu.memory_space<semaphore_mem>>)
      } else {
      }
      %mul3A_312 = arith.constant 6 : i32
      %mul3A_313 = arith.muli %scan3A_216, %mul3A_312 : i32
      %add3A_314 = arith.constant 3 : i32
      %add3A_315 = arith.addi %mul3A_313, %add3A_314 : i32
      %add3A_316 = arith.constant 2 : i32
      %add3A_317 = arith.addi %add3A_315, %add3A_316 : i32
      %dma_wait3A_318 = arith.constant 0 : i32
      %dma_wait3A_319 = arith.constant 0 : i32
      %dma_wait3A_320 = tpu.memref_slice %arg2[%dma_wait3A_318, %dma_wait3A_319] : memref<10000x128xf32, #tpu.memory_space<hbm>> -> memref<10000x128xf32, #tpu.memory_space<hbm>>
      tpu.wait_indirect_dma semaphore(%arg25 : memref<!tpu.dma_semaphore, #tpu.memory_space<semaphore_mem>>) src(%dma_wait3A_320 : memref<10000x128xf32, #tpu.memory_space<hbm>>) dst(%arg8 : memref<128x128xf32, #tpu.memory_space<vmem>>)
      %dma_start3A_321 = arith.constant 0 : i32
      %dma_start3A_322 = arith.constant 0 : i32
      %dma_start3A_323 = tpu.memref_slice %arg5[%dma_start3A_321, %dma_start3A_322] : memref<10000x128xf32, #tpu.memory_space<vmem_shared>> -> memref<10000x128xf32, #tpu.memory_space<vmem_shared>>
      tpu.enqueue_indirect_dma source(%arg8 : memref<128x128xf32, #tpu.memory_space<vmem>>) target(%dma_start3A_323 : memref<10000x128xf32, #tpu.memory_space<vmem_shared>>) offsets(%arg20 : memref<128xi32, #tpu.memory_space<vmem>>) semaphore(%arg28 : memref<!tpu.dma_semaphore, #tpu.memory_space<semaphore_mem>>) {add = true}
      %add3A_324 = arith.constant 3 : i32
      %add3A_325 = arith.addi %add3A_317, %add3A_324 : i32
      %lt3A_326 = arith.constant 78 : i32
      %lt3A_327 = arith.cmpi slt, %add3A_325, %lt3A_326 : i32
      %convert_element_type3A_328 = arith.extui %lt3A_327 : i1 to i32
      %cond3A_329 = arith.constant 0 : i32
      %cond3A_330 = arith.cmpi ne, %convert_element_type3A_328, %cond3A_329 : i32
      scf.if %cond3A_330 {
        %add3A_331 = arith.constant 3 : i32
        %add3A_332 = arith.addi %add3A_317, %add3A_331 : i32
        %mul3A_333 = arith.constant 128 : i32
        %mul3A_334 = arith.muli %add3A_332, %mul3A_333 : i32
        %add3A_335 = arith.addi %mul3A_2, %mul3A_334 : i32
        %dma_start3A_336 = tpu.memref_slice %arg3[%add3A_335] : memref<640000xi32, #tpu.memory_space<hbm>> -> memref<128xi32, #tpu.memory_space<hbm>>
        %dma_start3A_337 = tpu.memref_slice %arg3[%add3A_335] : memref<640000xi32, #tpu.memory_space<hbm>> -> memref<128xi32, #tpu.memory_space<hbm>>
        tpu.enqueue_dma source(%dma_start3A_337 : memref<128xi32, #tpu.memory_space<hbm>>) target(%arg11 : memref<128xi32, #tpu.memory_space<vmem>>) target_semaphore(%arg31 : memref<!tpu.dma_semaphore, #tpu.memory_space<semaphore_mem>>)
        %add3A_338 = arith.constant 320000 : i32
        %add3A_339 = arith.addi %add3A_338, %mul3A_2 : i32
        %mul3A_340 = arith.constant 128 : i32
        %mul3A_341 = arith.muli %add3A_332, %mul3A_340 : i32
        %add3A_342 = arith.addi %add3A_339, %mul3A_341 : i32
        %dma_start3A_343 = tpu.memref_slice %arg3[%add3A_342] : memref<640000xi32, #tpu.memory_space<hbm>> -> memref<128xi32, #tpu.memory_space<hbm>>
        %dma_start3A_344 = tpu.memref_slice %arg3[%add3A_342] : memref<640000xi32, #tpu.memory_space<hbm>> -> memref<128xi32, #tpu.memory_space<hbm>>
        tpu.enqueue_dma source(%dma_start3A_344 : memref<128xi32, #tpu.memory_space<hbm>>) target(%arg17 : memref<128xi32, #tpu.memory_space<vmem>>) target_semaphore(%arg31 : memref<!tpu.dma_semaphore, #tpu.memory_space<semaphore_mem>>)
        %dma_wait3A_345 = arith.constant 0 : i32
        %dma_wait3A_346 = arith.constant 0 : i32
        %dma_wait3A_347 = tpu.memref_slice %arg5[%dma_wait3A_345, %dma_wait3A_346] : memref<10000x128xf32, #tpu.memory_space<vmem_shared>> -> memref<10000x128xf32, #tpu.memory_space<vmem_shared>>
        tpu.wait_indirect_dma semaphore(%arg28 : memref<!tpu.dma_semaphore, #tpu.memory_space<semaphore_mem>>) src(%arg8 : memref<128x128xf32, #tpu.memory_space<vmem>>) dst(%dma_wait3A_347 : memref<10000x128xf32, #tpu.memory_space<vmem_shared>>)
        %add3A_348 = arith.constant 3 : i32
        %add3A_349 = arith.addi %add3A_317, %add3A_348 : i32
        %mul3A_350 = arith.constant 128 : i32
        %mul3A_351 = arith.muli %add3A_349, %mul3A_350 : i32
        %add3A_352 = arith.addi %mul3A_2, %mul3A_351 : i32
        %dma_wait3A_353 = tpu.memref_slice %arg3[%add3A_352] : memref<640000xi32, #tpu.memory_space<hbm>> -> memref<128xi32, #tpu.memory_space<hbm>>
        %dma_wait3A_354 = tpu.memref_slice %arg3[%add3A_352] : memref<640000xi32, #tpu.memory_space<hbm>> -> memref<128xi32, #tpu.memory_space<hbm>>
        tpu.wait_dma2 semaphore(%arg31 : memref<!tpu.dma_semaphore, #tpu.memory_space<semaphore_mem>>) src(%dma_wait3A_354 : memref<128xi32, #tpu.memory_space<hbm>>) dst(%arg11 : memref<128xi32, #tpu.memory_space<vmem>>)
        %add3A_355 = arith.constant 320000 : i32
        %add3A_356 = arith.addi %add3A_355, %mul3A_2 : i32
        %mul3A_357 = arith.constant 128 : i32
        %mul3A_358 = arith.muli %add3A_349, %mul3A_357 : i32
        %add3A_359 = arith.addi %add3A_356, %mul3A_358 : i32
        %dma_wait3A_360 = tpu.memref_slice %arg3[%add3A_359] : memref<640000xi32, #tpu.memory_space<hbm>> -> memref<128xi32, #tpu.memory_space<hbm>>
        %dma_wait3A_361 = tpu.memref_slice %arg3[%add3A_359] : memref<640000xi32, #tpu.memory_space<hbm>> -> memref<128xi32, #tpu.memory_space<hbm>>
        tpu.wait_dma2 semaphore(%arg31 : memref<!tpu.dma_semaphore, #tpu.memory_space<semaphore_mem>>) src(%dma_wait3A_361 : memref<128xi32, #tpu.memory_space<hbm>>) dst(%arg17 : memref<128xi32, #tpu.memory_space<vmem>>)
        %dma_start3A_362 = arith.constant 0 : i32
        %dma_start3A_363 = arith.constant 0 : i32
        %dma_start3A_364 = tpu.memref_slice %arg2[%dma_start3A_362, %dma_start3A_363] : memref<10000x128xf32, #tpu.memory_space<hbm>> -> memref<10000x128xf32, #tpu.memory_space<hbm>>
        tpu.enqueue_indirect_dma source(%dma_start3A_364 : memref<10000x128xf32, #tpu.memory_space<hbm>>) target(%arg8 : memref<128x128xf32, #tpu.memory_space<vmem>>) offsets(%arg11 : memref<128xi32, #tpu.memory_space<vmem>>) semaphore(%arg25 : memref<!tpu.dma_semaphore, #tpu.memory_space<semaphore_mem>>)
      } else {
      }
    }
    %scan3A_133 = arith.constant 13 : i32
    %dma_wait3A_134 = arith.constant 0 : i32
    %dma_wait3A_135 = arith.constant 0 : i32
    %dma_wait3A_136 = tpu.memref_slice %arg5[%dma_wait3A_134, %dma_wait3A_135] : memref<10000x128xf32, #tpu.memory_space<vmem_shared>> -> memref<10000x128xf32, #tpu.memory_space<vmem_shared>>
    tpu.wait_indirect_dma semaphore(%arg26 : memref<!tpu.dma_semaphore, #tpu.memory_space<semaphore_mem>>) src(%arg6 : memref<128x128xf32, #tpu.memory_space<vmem>>) dst(%dma_wait3A_136 : memref<10000x128xf32, #tpu.memory_space<vmem_shared>>)
    %dma_wait3A_137 = arith.constant 0 : i32
    %dma_wait3A_138 = arith.constant 0 : i32
    %dma_wait3A_139 = tpu.memref_slice %arg5[%dma_wait3A_137, %dma_wait3A_138] : memref<10000x128xf32, #tpu.memory_space<vmem_shared>> -> memref<10000x128xf32, #tpu.memory_space<vmem_shared>>
    tpu.wait_indirect_dma semaphore(%arg27 : memref<!tpu.dma_semaphore, #tpu.memory_space<semaphore_mem>>) src(%arg7 : memref<128x128xf32, #tpu.memory_space<vmem>>) dst(%dma_wait3A_139 : memref<10000x128xf32, #tpu.memory_space<vmem_shared>>)
    %dma_wait3A_140 = arith.constant 0 : i32
    %dma_wait3A_141 = arith.constant 0 : i32
    %dma_wait3A_142 = tpu.memref_slice %arg5[%dma_wait3A_140, %dma_wait3A_141] : memref<10000x128xf32, #tpu.memory_space<vmem_shared>> -> memref<10000x128xf32, #tpu.memory_space<vmem_shared>>
    tpu.wait_indirect_dma semaphore(%arg28 : memref<!tpu.dma_semaphore, #tpu.memory_space<semaphore_mem>>) src(%arg8 : memref<128x128xf32, #tpu.memory_space<vmem>>) dst(%dma_wait3A_142 : memref<10000x128xf32, #tpu.memory_space<vmem_shared>>)
    %add3A_143 = arith.constant 9984 : i32
    %add3A_144 = arith.addi %mul3A_2, %add3A_143 : i32
    "tpu.region"() ({
      %run_scoped3A = tpu.sem_alloc : memref<!tpu.dma_semaphore, #tpu.memory_space<semaphore_mem>>
      %dma_start3A_216 = tpu.memref_slice %arg3[%add3A_144] : memref<640000xi32, #tpu.memory_space<hbm>> -> memref<16xi32, #tpu.memory_space<hbm>>
      %dma_start3A_217 = tpu.memref_slice %arg3[%add3A_144] : memref<640000xi32, #tpu.memory_space<hbm>> -> memref<16xi32, #tpu.memory_space<hbm>>
      tpu.enqueue_dma source(%dma_start3A_217 : memref<16xi32, #tpu.memory_space<hbm>>) target(%arg21 : memref<16xi32, #tpu.memory_space<vmem>>) target_semaphore(%run_scoped3A : memref<!tpu.dma_semaphore, #tpu.memory_space<semaphore_mem>>)
      %dma_wait3A_218 = tpu.memref_slice %arg3[%add3A_144] : memref<640000xi32, #tpu.memory_space<hbm>> -> memref<16xi32, #tpu.memory_space<hbm>>
      %dma_wait3A_219 = tpu.memref_slice %arg3[%add3A_144] : memref<640000xi32, #tpu.memory_space<hbm>> -> memref<16xi32, #tpu.memory_space<hbm>>
      tpu.wait_dma2 semaphore(%run_scoped3A : memref<!tpu.dma_semaphore, #tpu.memory_space<semaphore_mem>>) src(%dma_wait3A_219 : memref<16xi32, #tpu.memory_space<hbm>>) dst(%arg21 : memref<16xi32, #tpu.memory_space<vmem>>)
      tpu.yield
    }) : () -> ()
    %add3A_145 = arith.constant 320000 : i32
    %add3A_146 = arith.addi %add3A_145, %add3A_144 : i32
    "tpu.region"() ({
      %run_scoped3A = tpu.sem_alloc : memref<!tpu.dma_semaphore, #tpu.memory_space<semaphore_mem>>
      %dma_start3A_216 = tpu.memref_slice %arg3[%add3A_146] : memref<640000xi32, #tpu.memory_space<hbm>> -> memref<16xi32, #tpu.memory_space<hbm>>
      %dma_start3A_217 = tpu.memref_slice %arg3[%add3A_146] : memref<640000xi32, #tpu.memory_space<hbm>> -> memref<16xi32, #tpu.memory_space<hbm>>
      tpu.enqueue_dma source(%dma_start3A_217 : memref<16xi32, #tpu.memory_space<hbm>>) target(%arg22 : memref<16xi32, #tpu.memory_space<vmem>>) target_semaphore(%run_scoped3A : memref<!tpu.dma_semaphore, #tpu.memory_space<semaphore_mem>>)
      %dma_wait3A_218 = tpu.memref_slice %arg3[%add3A_146] : memref<640000xi32, #tpu.memory_space<hbm>> -> memref<16xi32, #tpu.memory_space<hbm>>
      %dma_wait3A_219 = tpu.memref_slice %arg3[%add3A_146] : memref<640000xi32, #tpu.memory_space<hbm>> -> memref<16xi32, #tpu.memory_space<hbm>>
      tpu.wait_dma2 semaphore(%run_scoped3A : memref<!tpu.dma_semaphore, #tpu.memory_space<semaphore_mem>>) src(%dma_wait3A_219 : memref<16xi32, #tpu.memory_space<hbm>>) dst(%arg22 : memref<16xi32, #tpu.memory_space<vmem>>)
      tpu.yield
    }) : () -> ()
    %dma_start3A_147 = arith.constant 0 : i32
    %dma_start3A_148 = arith.constant 0 : i32
    %dma_start3A_149 = tpu.memref_slice %arg6[%dma_start3A_147, %dma_start3A_148] : memref<128x128xf32, #tpu.memory_space<vmem>> -> memref<16x128xf32, #tpu.memory_space<vmem>>
    %dma_start3A_150 = arith.constant 0 : i32
    %dma_start3A_151 = arith.constant 0 : i32
    %dma_start3A_152 = tpu.memref_slice %arg2[%dma_start3A_150, %dma_start3A_151] : memref<10000x128xf32, #tpu.memory_space<hbm>> -> memref<10000x128xf32, #tpu.memory_space<hbm>>
    tpu.enqueue_indirect_dma source(%dma_start3A_152 : memref<10000x128xf32, #tpu.memory_space<hbm>>) target(%dma_start3A_149 : memref<16x128xf32, #tpu.memory_space<vmem>>) offsets(%arg21 : memref<16xi32, #tpu.memory_space<vmem>>) semaphore(%arg23 : memref<!tpu.dma_semaphore, #tpu.memory_space<semaphore_mem>>)
    %dma_wait3A_153 = arith.constant 0 : i32
    %dma_wait3A_154 = arith.constant 0 : i32
    %dma_wait3A_155 = tpu.memref_slice %arg6[%dma_wait3A_153, %dma_wait3A_154] : memref<128x128xf32, #tpu.memory_space<vmem>> -> memref<16x128xf32, #tpu.memory_space<vmem>>
    %dma_wait3A_156 = arith.constant 0 : i32
    %dma_wait3A_157 = arith.constant 0 : i32
    %dma_wait3A_158 = tpu.memref_slice %arg2[%dma_wait3A_156, %dma_wait3A_157] : memref<10000x128xf32, #tpu.memory_space<hbm>> -> memref<10000x128xf32, #tpu.memory_space<hbm>>
    tpu.wait_indirect_dma semaphore(%arg23 : memref<!tpu.dma_semaphore, #tpu.memory_space<semaphore_mem>>) src(%dma_wait3A_158 : memref<10000x128xf32, #tpu.memory_space<hbm>>) dst(%dma_wait3A_155 : memref<16x128xf32, #tpu.memory_space<vmem>>)
    "tpu.region"() ({
      %run_scoped3A = tpu.sem_alloc : memref<!tpu.dma_semaphore, #tpu.memory_space<semaphore_mem>>
      %dma_start3A_216 = arith.constant 0 : i32
      %dma_start3A_217 = arith.constant 0 : i32
      %dma_start3A_218 = tpu.memref_slice %arg6[%dma_start3A_216, %dma_start3A_217] : memref<128x128xf32, #tpu.memory_space<vmem>> -> memref<16x128xf32, #tpu.memory_space<vmem>>
      %dma_start3A_219 = arith.constant 0 : i32
      %dma_start3A_220 = arith.constant 0 : i32
      %dma_start3A_221 = tpu.memref_slice %arg5[%dma_start3A_219, %dma_start3A_220] : memref<10000x128xf32, #tpu.memory_space<vmem_shared>> -> memref<10000x128xf32, #tpu.memory_space<vmem_shared>>
      tpu.enqueue_indirect_dma source(%dma_start3A_218 : memref<16x128xf32, #tpu.memory_space<vmem>>) target(%dma_start3A_221 : memref<10000x128xf32, #tpu.memory_space<vmem_shared>>) offsets(%arg22 : memref<16xi32, #tpu.memory_space<vmem>>) semaphore(%run_scoped3A : memref<!tpu.dma_semaphore, #tpu.memory_space<semaphore_mem>>) {add = true}
      %dma_wait3A_222 = arith.constant 0 : i32
      %dma_wait3A_223 = arith.constant 0 : i32
      %dma_wait3A_224 = tpu.memref_slice %arg6[%dma_wait3A_222, %dma_wait3A_223] : memref<128x128xf32, #tpu.memory_space<vmem>> -> memref<16x128xf32, #tpu.memory_space<vmem>>
      %dma_wait3A_225 = arith.constant 0 : i32
      %dma_wait3A_226 = arith.constant 0 : i32
      %dma_wait3A_227 = tpu.memref_slice %arg5[%dma_wait3A_225, %dma_wait3A_226] : memref<10000x128xf32, #tpu.memory_space<vmem_shared>> -> memref<10000x128xf32, #tpu.memory_space<vmem_shared>>
      tpu.wait_indirect_dma semaphore(%run_scoped3A : memref<!tpu.dma_semaphore, #tpu.memory_space<semaphore_mem>>) src(%dma_wait3A_224 : memref<16x128xf32, #tpu.memory_space<vmem>>) dst(%dma_wait3A_227 : memref<10000x128xf32, #tpu.memory_space<vmem_shared>>)
      tpu.yield
    }) : () -> ()
    %barrier3A_159 = arith.constant 0 : index
    tpu.barrier barrier_id(%barrier3A_159)
    %add3A_160 = arith.constant 0 : i32
    %add3A_161 = arith.addi %arg1, %add3A_160 : i32
    %lt3A_162 = arith.constant 125 : i32
    %lt3A_163 = arith.cmpi slt, %add3A_161, %lt3A_162 : i32
    %convert_element_type3A_164 = arith.extui %lt3A_163 : i1 to i32
    %cond3A_165 = arith.constant 0 : i32
    %cond3A_166 = arith.cmpi ne, %convert_element_type3A_164, %cond3A_165 : i32
    scf.if %cond3A_166 {
      %mul3A_216 = arith.constant 80 : i32
      %mul3A_217 = arith.muli %add3A_161, %mul3A_216 : i32
      %mul3A_218 = arith.constant 10000 : i32
      %mul3A_219 = arith.muli %arg0, %mul3A_218 : i32
      %mul3A_220 = arith.constant 80 : i32
      %mul3A_221 = arith.muli %add3A_161, %mul3A_220 : i32
      %add3A_222 = arith.addi %mul3A_219, %mul3A_221 : i32
      "tpu.region"() ({
        %run_scoped3A = tpu.sem_alloc : memref<!tpu.dma_semaphore, #tpu.memory_space<semaphore_mem>>
        %dma_start3A_223 = arith.constant 0 : i32
        %dma_start3A_224 = tpu.memref_slice %arg4[%add3A_222, %dma_start3A_223] : memref<20000x128xf32, #tpu.memory_space<hbm>> -> memref<80x128xf32, #tpu.memory_space<hbm>>
        %dma_start3A_225 = arith.constant 0 : i32
        %dma_start3A_226 = tpu.memref_slice %arg5[%mul3A_217, %dma_start3A_225] : memref<10000x128xf32, #tpu.memory_space<vmem_shared>> -> memref<80x128xf32, #tpu.memory_space<vmem_shared>>
        tpu.enqueue_dma source(%dma_start3A_226 : memref<80x128xf32, #tpu.memory_space<vmem_shared>>) target(%dma_start3A_224 : memref<80x128xf32, #tpu.memory_space<hbm>>) target_semaphore(%run_scoped3A : memref<!tpu.dma_semaphore, #tpu.memory_space<semaphore_mem>>)
        %dma_wait3A_227 = arith.constant 0 : i32
        %dma_wait3A_228 = tpu.memref_slice %arg4[%add3A_222, %dma_wait3A_227] : memref<20000x128xf32, #tpu.memory_space<hbm>> -> memref<80x128xf32, #tpu.memory_space<hbm>>
        %dma_wait3A_229 = arith.constant 0 : i32
        %dma_wait3A_230 = tpu.memref_slice %arg5[%mul3A_217, %dma_wait3A_229] : memref<10000x128xf32, #tpu.memory_space<vmem_shared>> -> memref<80x128xf32, #tpu.memory_space<vmem_shared>>
        tpu.wait_dma2 semaphore(%run_scoped3A : memref<!tpu.dma_semaphore, #tpu.memory_space<semaphore_mem>>) src(%dma_wait3A_230 : memref<80x128xf32, #tpu.memory_space<vmem_shared>>) dst(%dma_wait3A_228 : memref<80x128xf32, #tpu.memory_space<hbm>>)
        tpu.yield
      }) : () -> ()
    } else {
    }
    %add3A_167 = arith.constant 16 : i32
    %add3A_168 = arith.addi %arg1, %add3A_167 : i32
    %lt3A_169 = arith.constant 125 : i32
    %lt3A_170 = arith.cmpi slt, %add3A_168, %lt3A_169 : i32
    %convert_element_type3A_171 = arith.extui %lt3A_170 : i1 to i32
    %cond3A_172 = arith.constant 0 : i32
    %cond3A_173 = arith.cmpi ne, %convert_element_type3A_171, %cond3A_172 : i32
    scf.if %cond3A_173 {
      %mul3A_216 = arith.constant 80 : i32
      %mul3A_217 = arith.muli %add3A_168, %mul3A_216 : i32
      %mul3A_218 = arith.constant 10000 : i32
      %mul3A_219 = arith.muli %arg0, %mul3A_218 : i32
      %mul3A_220 = arith.constant 80 : i32
      %mul3A_221 = arith.muli %add3A_168, %mul3A_220 : i32
      %add3A_222 = arith.addi %mul3A_219, %mul3A_221 : i32
      "tpu.region"() ({
        %run_scoped3A = tpu.sem_alloc : memref<!tpu.dma_semaphore, #tpu.memory_space<semaphore_mem>>
        %dma_start3A_223 = arith.constant 0 : i32
        %dma_start3A_224 = tpu.memref_slice %arg4[%add3A_222, %dma_start3A_223] : memref<20000x128xf32, #tpu.memory_space<hbm>> -> memref<80x128xf32, #tpu.memory_space<hbm>>
        %dma_start3A_225 = arith.constant 0 : i32
        %dma_start3A_226 = tpu.memref_slice %arg5[%mul3A_217, %dma_start3A_225] : memref<10000x128xf32, #tpu.memory_space<vmem_shared>> -> memref<80x128xf32, #tpu.memory_space<vmem_shared>>
        tpu.enqueue_dma source(%dma_start3A_226 : memref<80x128xf32, #tpu.memory_space<vmem_shared>>) target(%dma_start3A_224 : memref<80x128xf32, #tpu.memory_space<hbm>>) target_semaphore(%run_scoped3A : memref<!tpu.dma_semaphore, #tpu.memory_space<semaphore_mem>>)
        %dma_wait3A_227 = arith.constant 0 : i32
        %dma_wait3A_228 = tpu.memref_slice %arg4[%add3A_222, %dma_wait3A_227] : memref<20000x128xf32, #tpu.memory_space<hbm>> -> memref<80x128xf32, #tpu.memory_space<hbm>>
        %dma_wait3A_229 = arith.constant 0 : i32
        %dma_wait3A_230 = tpu.memref_slice %arg5[%mul3A_217, %dma_wait3A_229] : memref<10000x128xf32, #tpu.memory_space<vmem_shared>> -> memref<80x128xf32, #tpu.memory_space<vmem_shared>>
        tpu.wait_dma2 semaphore(%run_scoped3A : memref<!tpu.dma_semaphore, #tpu.memory_space<semaphore_mem>>) src(%dma_wait3A_230 : memref<80x128xf32, #tpu.memory_space<vmem_shared>>) dst(%dma_wait3A_228 : memref<80x128xf32, #tpu.memory_space<hbm>>)
        tpu.yield
      }) : () -> ()
    } else {
    }
    %add3A_174 = arith.constant 32 : i32
    %add3A_175 = arith.addi %arg1, %add3A_174 : i32
    %lt3A_176 = arith.constant 125 : i32
    %lt3A_177 = arith.cmpi slt, %add3A_175, %lt3A_176 : i32
    %convert_element_type3A_178 = arith.extui %lt3A_177 : i1 to i32
    %cond3A_179 = arith.constant 0 : i32
    %cond3A_180 = arith.cmpi ne, %convert_element_type3A_178, %cond3A_179 : i32
    scf.if %cond3A_180 {
      %mul3A_216 = arith.constant 80 : i32
      %mul3A_217 = arith.muli %add3A_175, %mul3A_216 : i32
      %mul3A_218 = arith.constant 10000 : i32
      %mul3A_219 = arith.muli %arg0, %mul3A_218 : i32
      %mul3A_220 = arith.constant 80 : i32
      %mul3A_221 = arith.muli %add3A_175, %mul3A_220 : i32
      %add3A_222 = arith.addi %mul3A_219, %mul3A_221 : i32
      "tpu.region"() ({
        %run_scoped3A = tpu.sem_alloc : memref<!tpu.dma_semaphore, #tpu.memory_space<semaphore_mem>>
        %dma_start3A_223 = arith.constant 0 : i32
        %dma_start3A_224 = tpu.memref_slice %arg4[%add3A_222, %dma_start3A_223] : memref<20000x128xf32, #tpu.memory_space<hbm>> -> memref<80x128xf32, #tpu.memory_space<hbm>>
        %dma_start3A_225 = arith.constant 0 : i32
        %dma_start3A_226 = tpu.memref_slice %arg5[%mul3A_217, %dma_start3A_225] : memref<10000x128xf32, #tpu.memory_space<vmem_shared>> -> memref<80x128xf32, #tpu.memory_space<vmem_shared>>
        tpu.enqueue_dma source(%dma_start3A_226 : memref<80x128xf32, #tpu.memory_space<vmem_shared>>) target(%dma_start3A_224 : memref<80x128xf32, #tpu.memory_space<hbm>>) target_semaphore(%run_scoped3A : memref<!tpu.dma_semaphore, #tpu.memory_space<semaphore_mem>>)
        %dma_wait3A_227 = arith.constant 0 : i32
        %dma_wait3A_228 = tpu.memref_slice %arg4[%add3A_222, %dma_wait3A_227] : memref<20000x128xf32, #tpu.memory_space<hbm>> -> memref<80x128xf32, #tpu.memory_space<hbm>>
        %dma_wait3A_229 = arith.constant 0 : i32
        %dma_wait3A_230 = tpu.memref_slice %arg5[%mul3A_217, %dma_wait3A_229] : memref<10000x128xf32, #tpu.memory_space<vmem_shared>> -> memref<80x128xf32, #tpu.memory_space<vmem_shared>>
        tpu.wait_dma2 semaphore(%run_scoped3A : memref<!tpu.dma_semaphore, #tpu.memory_space<semaphore_mem>>) src(%dma_wait3A_230 : memref<80x128xf32, #tpu.memory_space<vmem_shared>>) dst(%dma_wait3A_228 : memref<80x128xf32, #tpu.memory_space<hbm>>)
        tpu.yield
      }) : () -> ()
    } else {
    }
    %add3A_181 = arith.constant 48 : i32
    %add3A_182 = arith.addi %arg1, %add3A_181 : i32
    %lt3A_183 = arith.constant 125 : i32
    %lt3A_184 = arith.cmpi slt, %add3A_182, %lt3A_183 : i32
    %convert_element_type3A_185 = arith.extui %lt3A_184 : i1 to i32
    %cond3A_186 = arith.constant 0 : i32
    %cond3A_187 = arith.cmpi ne, %convert_element_type3A_185, %cond3A_186 : i32
    scf.if %cond3A_187 {
      %mul3A_216 = arith.constant 80 : i32
      %mul3A_217 = arith.muli %add3A_182, %mul3A_216 : i32
      %mul3A_218 = arith.constant 10000 : i32
      %mul3A_219 = arith.muli %arg0, %mul3A_218 : i32
      %mul3A_220 = arith.constant 80 : i32
      %mul3A_221 = arith.muli %add3A_182, %mul3A_220 : i32
      %add3A_222 = arith.addi %mul3A_219, %mul3A_221 : i32
      "tpu.region"() ({
        %run_scoped3A = tpu.sem_alloc : memref<!tpu.dma_semaphore, #tpu.memory_space<semaphore_mem>>
        %dma_start3A_223 = arith.constant 0 : i32
        %dma_start3A_224 = tpu.memref_slice %arg4[%add3A_222, %dma_start3A_223] : memref<20000x128xf32, #tpu.memory_space<hbm>> -> memref<80x128xf32, #tpu.memory_space<hbm>>
        %dma_start3A_225 = arith.constant 0 : i32
        %dma_start3A_226 = tpu.memref_slice %arg5[%mul3A_217, %dma_start3A_225] : memref<10000x128xf32, #tpu.memory_space<vmem_shared>> -> memref<80x128xf32, #tpu.memory_space<vmem_shared>>
        tpu.enqueue_dma source(%dma_start3A_226 : memref<80x128xf32, #tpu.memory_space<vmem_shared>>) target(%dma_start3A_224 : memref<80x128xf32, #tpu.memory_space<hbm>>) target_semaphore(%run_scoped3A : memref<!tpu.dma_semaphore, #tpu.memory_space<semaphore_mem>>)
        %dma_wait3A_227 = arith.constant 0 : i32
        %dma_wait3A_228 = tpu.memref_slice %arg4[%add3A_222, %dma_wait3A_227] : memref<20000x128xf32, #tpu.memory_space<hbm>> -> memref<80x128xf32, #tpu.memory_space<hbm>>
        %dma_wait3A_229 = arith.constant 0 : i32
        %dma_wait3A_230 = tpu.memref_slice %arg5[%mul3A_217, %dma_wait3A_229] : memref<10000x128xf32, #tpu.memory_space<vmem_shared>> -> memref<80x128xf32, #tpu.memory_space<vmem_shared>>
        tpu.wait_dma2 semaphore(%run_scoped3A : memref<!tpu.dma_semaphore, #tpu.memory_space<semaphore_mem>>) src(%dma_wait3A_230 : memref<80x128xf32, #tpu.memory_space<vmem_shared>>) dst(%dma_wait3A_228 : memref<80x128xf32, #tpu.memory_space<hbm>>)
        tpu.yield
      }) : () -> ()
    } else {
    }
    %add3A_188 = arith.constant 64 : i32
    %add3A_189 = arith.addi %arg1, %add3A_188 : i32
    %lt3A_190 = arith.constant 125 : i32
    %lt3A_191 = arith.cmpi slt, %add3A_189, %lt3A_190 : i32
    %convert_element_type3A_192 = arith.extui %lt3A_191 : i1 to i32
    %cond3A_193 = arith.constant 0 : i32
    %cond3A_194 = arith.cmpi ne, %convert_element_type3A_192, %cond3A_193 : i32
    scf.if %cond3A_194 {
      %mul3A_216 = arith.constant 80 : i32
      %mul3A_217 = arith.muli %add3A_189, %mul3A_216 : i32
      %mul3A_218 = arith.constant 10000 : i32
      %mul3A_219 = arith.muli %arg0, %mul3A_218 : i32
      %mul3A_220 = arith.constant 80 : i32
      %mul3A_221 = arith.muli %add3A_189, %mul3A_220 : i32
      %add3A_222 = arith.addi %mul3A_219, %mul3A_221 : i32
      "tpu.region"() ({
        %run_scoped3A = tpu.sem_alloc : memref<!tpu.dma_semaphore, #tpu.memory_space<semaphore_mem>>
        %dma_start3A_223 = arith.constant 0 : i32
        %dma_start3A_224 = tpu.memref_slice %arg4[%add3A_222, %dma_start3A_223] : memref<20000x128xf32, #tpu.memory_space<hbm>> -> memref<80x128xf32, #tpu.memory_space<hbm>>
        %dma_start3A_225 = arith.constant 0 : i32
        %dma_start3A_226 = tpu.memref_slice %arg5[%mul3A_217, %dma_start3A_225] : memref<10000x128xf32, #tpu.memory_space<vmem_shared>> -> memref<80x128xf32, #tpu.memory_space<vmem_shared>>
        tpu.enqueue_dma source(%dma_start3A_226 : memref<80x128xf32, #tpu.memory_space<vmem_shared>>) target(%dma_start3A_224 : memref<80x128xf32, #tpu.memory_space<hbm>>) target_semaphore(%run_scoped3A : memref<!tpu.dma_semaphore, #tpu.memory_space<semaphore_mem>>)
        %dma_wait3A_227 = arith.constant 0 : i32
        %dma_wait3A_228 = tpu.memref_slice %arg4[%add3A_222, %dma_wait3A_227] : memref<20000x128xf32, #tpu.memory_space<hbm>> -> memref<80x128xf32, #tpu.memory_space<hbm>>
        %dma_wait3A_229 = arith.constant 0 : i32
        %dma_wait3A_230 = tpu.memref_slice %arg5[%mul3A_217, %dma_wait3A_229] : memref<10000x128xf32, #tpu.memory_space<vmem_shared>> -> memref<80x128xf32, #tpu.memory_space<vmem_shared>>
        tpu.wait_dma2 semaphore(%run_scoped3A : memref<!tpu.dma_semaphore, #tpu.memory_space<semaphore_mem>>) src(%dma_wait3A_230 : memref<80x128xf32, #tpu.memory_space<vmem_shared>>) dst(%dma_wait3A_228 : memref<80x128xf32, #tpu.memory_space<hbm>>)
        tpu.yield
      }) : () -> ()
    } else {
    }
    %add3A_195 = arith.constant 80 : i32
    %add3A_196 = arith.addi %arg1, %add3A_195 : i32
    %lt3A_197 = arith.constant 125 : i32
    %lt3A_198 = arith.cmpi slt, %add3A_196, %lt3A_197 : i32
    %convert_element_type3A_199 = arith.extui %lt3A_198 : i1 to i32
    %cond3A_200 = arith.constant 0 : i32
    %cond3A_201 = arith.cmpi ne, %convert_element_type3A_199, %cond3A_200 : i32
    scf.if %cond3A_201 {
      %mul3A_216 = arith.constant 80 : i32
      %mul3A_217 = arith.muli %add3A_196, %mul3A_216 : i32
      %mul3A_218 = arith.constant 10000 : i32
      %mul3A_219 = arith.muli %arg0, %mul3A_218 : i32
      %mul3A_220 = arith.constant 80 : i32
      %mul3A_221 = arith.muli %add3A_196, %mul3A_220 : i32
      %add3A_222 = arith.addi %mul3A_219, %mul3A_221 : i32
      "tpu.region"() ({
        %run_scoped3A = tpu.sem_alloc : memref<!tpu.dma_semaphore, #tpu.memory_space<semaphore_mem>>
        %dma_start3A_223 = arith.constant 0 : i32
        %dma_start3A_224 = tpu.memref_slice %arg4[%add3A_222, %dma_start3A_223] : memref<20000x128xf32, #tpu.memory_space<hbm>> -> memref<80x128xf32, #tpu.memory_space<hbm>>
        %dma_start3A_225 = arith.constant 0 : i32
        %dma_start3A_226 = tpu.memref_slice %arg5[%mul3A_217, %dma_start3A_225] : memref<10000x128xf32, #tpu.memory_space<vmem_shared>> -> memref<80x128xf32, #tpu.memory_space<vmem_shared>>
        tpu.enqueue_dma source(%dma_start3A_226 : memref<80x128xf32, #tpu.memory_space<vmem_shared>>) target(%dma_start3A_224 : memref<80x128xf32, #tpu.memory_space<hbm>>) target_semaphore(%run_scoped3A : memref<!tpu.dma_semaphore, #tpu.memory_space<semaphore_mem>>)
        %dma_wait3A_227 = arith.constant 0 : i32
        %dma_wait3A_228 = tpu.memref_slice %arg4[%add3A_222, %dma_wait3A_227] : memref<20000x128xf32, #tpu.memory_space<hbm>> -> memref<80x128xf32, #tpu.memory_space<hbm>>
        %dma_wait3A_229 = arith.constant 0 : i32
        %dma_wait3A_230 = tpu.memref_slice %arg5[%mul3A_217, %dma_wait3A_229] : memref<10000x128xf32, #tpu.memory_space<vmem_shared>> -> memref<80x128xf32, #tpu.memory_space<vmem_shared>>
        tpu.wait_dma2 semaphore(%run_scoped3A : memref<!tpu.dma_semaphore, #tpu.memory_space<semaphore_mem>>) src(%dma_wait3A_230 : memref<80x128xf32, #tpu.memory_space<vmem_shared>>) dst(%dma_wait3A_228 : memref<80x128xf32, #tpu.memory_space<hbm>>)
        tpu.yield
      }) : () -> ()
    } else {
    }
    %add3A_202 = arith.constant 96 : i32
    %add3A_203 = arith.addi %arg1, %add3A_202 : i32
    %lt3A_204 = arith.constant 125 : i32
    %lt3A_205 = arith.cmpi slt, %add3A_203, %lt3A_204 : i32
    %convert_element_type3A_206 = arith.extui %lt3A_205 : i1 to i32
    %cond3A_207 = arith.constant 0 : i32
    %cond3A_208 = arith.cmpi ne, %convert_element_type3A_206, %cond3A_207 : i32
    scf.if %cond3A_208 {
      %mul3A_216 = arith.constant 80 : i32
      %mul3A_217 = arith.muli %add3A_203, %mul3A_216 : i32
      %mul3A_218 = arith.constant 10000 : i32
      %mul3A_219 = arith.muli %arg0, %mul3A_218 : i32
      %mul3A_220 = arith.constant 80 : i32
      %mul3A_221 = arith.muli %add3A_203, %mul3A_220 : i32
      %add3A_222 = arith.addi %mul3A_219, %mul3A_221 : i32
      "tpu.region"() ({
        %run_scoped3A = tpu.sem_alloc : memref<!tpu.dma_semaphore, #tpu.memory_space<semaphore_mem>>
        %dma_start3A_223 = arith.constant 0 : i32
        %dma_start3A_224 = tpu.memref_slice %arg4[%add3A_222, %dma_start3A_223] : memref<20000x128xf32, #tpu.memory_space<hbm>> -> memref<80x128xf32, #tpu.memory_space<hbm>>
        %dma_start3A_225 = arith.constant 0 : i32
        %dma_start3A_226 = tpu.memref_slice %arg5[%mul3A_217, %dma_start3A_225] : memref<10000x128xf32, #tpu.memory_space<vmem_shared>> -> memref<80x128xf32, #tpu.memory_space<vmem_shared>>
        tpu.enqueue_dma source(%dma_start3A_226 : memref<80x128xf32, #tpu.memory_space<vmem_shared>>) target(%dma_start3A_224 : memref<80x128xf32, #tpu.memory_space<hbm>>) target_semaphore(%run_scoped3A : memref<!tpu.dma_semaphore, #tpu.memory_space<semaphore_mem>>)
        %dma_wait3A_227 = arith.constant 0 : i32
        %dma_wait3A_228 = tpu.memref_slice %arg4[%add3A_222, %dma_wait3A_227] : memref<20000x128xf32, #tpu.memory_space<hbm>> -> memref<80x128xf32, #tpu.memory_space<hbm>>
        %dma_wait3A_229 = arith.constant 0 : i32
        %dma_wait3A_230 = tpu.memref_slice %arg5[%mul3A_217, %dma_wait3A_229] : memref<10000x128xf32, #tpu.memory_space<vmem_shared>> -> memref<80x128xf32, #tpu.memory_space<vmem_shared>>
        tpu.wait_dma2 semaphore(%run_scoped3A : memref<!tpu.dma_semaphore, #tpu.memory_space<semaphore_mem>>) src(%dma_wait3A_230 : memref<80x128xf32, #tpu.memory_space<vmem_shared>>) dst(%dma_wait3A_228 : memref<80x128xf32, #tpu.memory_space<hbm>>)
        tpu.yield
      }) : () -> ()
    } else {
    }
    %add3A_209 = arith.constant 112 : i32
    %add3A_210 = arith.addi %arg1, %add3A_209 : i32
    %lt3A_211 = arith.constant 125 : i32
    %lt3A_212 = arith.cmpi slt, %add3A_210, %lt3A_211 : i32
    %convert_element_type3A_213 = arith.extui %lt3A_212 : i1 to i32
    %cond3A_214 = arith.constant 0 : i32
    %cond3A_215 = arith.cmpi ne, %convert_element_type3A_213, %cond3A_214 : i32
    scf.if %cond3A_215 {
      %mul3A_216 = arith.constant 80 : i32
      %mul3A_217 = arith.muli %add3A_210, %mul3A_216 : i32
      %mul3A_218 = arith.constant 10000 : i32
      %mul3A_219 = arith.muli %arg0, %mul3A_218 : i32
      %mul3A_220 = arith.constant 80 : i32
      %mul3A_221 = arith.muli %add3A_210, %mul3A_220 : i32
      %add3A_222 = arith.addi %mul3A_219, %mul3A_221 : i32
      "tpu.region"() ({
        %run_scoped3A = tpu.sem_alloc : memref<!tpu.dma_semaphore, #tpu.memory_space<semaphore_mem>>
        %dma_start3A_223 = arith.constant 0 : i32
        %dma_start3A_224 = tpu.memref_slice %arg4[%add3A_222, %dma_start3A_223] : memref<20000x128xf32, #tpu.memory_space<hbm>> -> memref<80x128xf32, #tpu.memory_space<hbm>>
        %dma_start3A_225 = arith.constant 0 : i32
        %dma_start3A_226 = tpu.memref_slice %arg5[%mul3A_217, %dma_start3A_225] : memref<10000x128xf32, #tpu.memory_space<vmem_shared>> -> memref<80x128xf32, #tpu.memory_space<vmem_shared>>
        tpu.enqueue_dma source(%dma_start3A_226 : memref<80x128xf32, #tpu.memory_space<vmem_shared>>) target(%dma_start3A_224 : memref<80x128xf32, #tpu.memory_space<hbm>>) target_semaphore(%run_scoped3A : memref<!tpu.dma_semaphore, #tpu.memory_space<semaphore_mem>>)
        %dma_wait3A_227 = arith.constant 0 : i32
        %dma_wait3A_228 = tpu.memref_slice %arg4[%add3A_222, %dma_wait3A_227] : memref<20000x128xf32, #tpu.memory_space<hbm>> -> memref<80x128xf32, #tpu.memory_space<hbm>>
        %dma_wait3A_229 = arith.constant 0 : i32
        %dma_wait3A_230 = tpu.memref_slice %arg5[%mul3A_217, %dma_wait3A_229] : memref<10000x128xf32, #tpu.memory_space<vmem_shared>> -> memref<80x128xf32, #tpu.memory_space<vmem_shared>>
        tpu.wait_dma2 semaphore(%run_scoped3A : memref<!tpu.dma_semaphore, #tpu.memory_space<semaphore_mem>>) src(%dma_wait3A_230 : memref<80x128xf32, #tpu.memory_space<vmem_shared>>) dst(%dma_wait3A_228 : memref<80x128xf32, #tpu.memory_space<hbm>>)
        tpu.yield
      }) : () -> ()
    } else {
    }
    return
  }
}

#map = affine_map<(d0, d1) -> (0, 0)>
#map1 = affine_map<(d0, d1) -> (0)>
module attributes {stable_mosaic.version = 14 : i64} {
  func.func @_agg_body(%arg0: i32, %arg1: i32, %arg2: memref<10000x128xf32, #tpu.memory_space<hbm>>, %arg3: memref<640000xi32, #tpu.memory_space<hbm>>, %arg4: memref<20000x128xf32, #tpu.memory_space<hbm>>, %arg5: memref<10000x128xf32, #tpu.memory_space<vmem_shared>>, %arg6: memref<128x128xf32, #tpu.memory_space<vmem>>, %arg7: memref<128x128xf32, #tpu.memory_space<vmem>>, %arg8: memref<128x128xf32, #tpu.memory_space<vmem>>, %arg9: memref<128xi32, #tpu.memory_space<vmem>>, %arg10: memref<128xi32, #tpu.memory_space<vmem>>, %arg11: memref<128xi32, #tpu.memory_space<vmem>>, %arg12: memref<128xi32, #tpu.memory_space<vmem>>, %arg13: memref<128xi32, #tpu.memory_space<vmem>>, %arg14: memref<128xi32, #tpu.memory_space<vmem>>, %arg15: memref<128xi32, #tpu.memory_space<vmem>>, %arg16: memref<128xi32, #tpu.memory_space<vmem>>, %arg17: memref<128xi32, #tpu.memory_space<vmem>>, %arg18: memref<128xi32, #tpu.memory_space<vmem>>, %arg19: memref<128xi32, #tpu.memory_space<vmem>>, %arg20: memref<128xi32, #tpu.memory_space<vmem>>, %arg21: memref<16xi32, #tpu.memory_space<vmem>>, %arg22: memref<16xi32, #tpu.memory_space<vmem>>, %arg23: memref<!tpu.dma_semaphore, #tpu.memory_space<semaphore_mem>>, %arg24: memref<!tpu.dma_semaphore, #tpu.memory_space<semaphore_mem>>, %arg25: memref<!tpu.dma_semaphore, #tpu.memory_space<semaphore_mem>>, %arg26: memref<!tpu.dma_semaphore, #tpu.memory_space<semaphore_mem>>, %arg27: memref<!tpu.dma_semaphore, #tpu.memory_space<semaphore_mem>>, %arg28: memref<!tpu.dma_semaphore, #tpu.memory_space<semaphore_mem>>, %arg29: memref<!tpu.dma_semaphore, #tpu.memory_space<semaphore_mem>>, %arg30: memref<!tpu.dma_semaphore, #tpu.memory_space<semaphore_mem>>, %arg31: memref<!tpu.dma_semaphore, #tpu.memory_space<semaphore_mem>>, %arg32: memref<!tpu.dma_semaphore, #tpu.memory_space<semaphore_mem>>, %arg33: memref<!tpu.dma_semaphore, #tpu.memory_space<semaphore_mem>>, %arg34: memref<!tpu.dma_semaphore, #tpu.memory_space<semaphore_mem>>) attributes {dimension_semantics = [#tpu.dimension_semantics<core_parallel>, #tpu.dimension_semantics<subcore_parallel>], iteration_bounds = array<i64: 2, 16>, scalar_prefetch = 0 : i64, scratch_operands = 30 : i64, tpu.core_type = #tpu.core_type<sc_vector_subcore>, window_params = [{transform_indices = #map}, {transform_indices = #map1}, {transform_indices = #map}]} {
    %mul3A = arith.constant 2 : i32
    %mul3A_0 = arith.muli %arg1, %mul3A : i32
    %add3A = arith.addi %mul3A_0, %arg0 : i32
    %mul3A_1 = arith.constant 10000 : i32
    %mul3A_2 = arith.muli %add3A, %mul3A_1 : i32
    %scan3A = arith.constant 0 : i32
    %scan3A_3 = arith.constant 0 : i32
    %scan3A_4 = arith.constant 80 : i32
    %scan3A_5 = arith.addi %scan3A_3, %scan3A_4 : i32
    %scan3A_6 = arith.constant 1 : i32
    scf.for %scan3A_216 = %scan3A_3 to %scan3A_5 step %scan3A_6  : i32 {
      %broadcast_in_dim3A = arith.constant 0.000000e+00 : f32
      %broadcast_in_dim3A_217 = vector.broadcast %broadcast_in_dim3A : f32 to vector<16xf32>
      %swap3A = arith.index_cast %scan3A_216 : i32 to index
      %swap3A_218 = arith.constant 0 : index
      %swap3A_219 = tpu.vector_load %arg6[%swap3A, %swap3A_218] {strides = array<i32>} : memref<128x128xf32, #tpu.memory_space<vmem>>, vector<16xf32>,
      tpu.vector_store %arg6[%swap3A, %swap3A_218], %broadcast_in_dim3A_217 {strides = array<i32>} : memref<128x128xf32, #tpu.memory_space<vmem>>, vector<16xf32>,
      %broadcast_in_dim3A_220 = arith.constant 0.000000e+00 : f32
      %broadcast_in_dim3A_221 = vector.broadcast %broadcast_in_dim3A_220 : f32 to vector<16xf32>
      %swap3A_222 = arith.index_cast %scan3A_216 : i32 to index
      %swap3A_223 = arith.constant 16 : index
      %swap3A_224 = tpu.vector_load %arg6[%swap3A_222, %swap3A_223] {strides = array<i32>} : memref<128x128xf32, #tpu.memory_space<vmem>>, vector<16xf32>,
      tpu.vector_store %arg6[%swap3A_222, %swap3A_223], %broadcast_in_dim3A_221 {strides = array<i32>} : memref<128x128xf32, #tpu.memory_space<vmem>>, vector<16xf32>,
      %broadcast_in_dim3A_225 = arith.constant 0.000000e+00 : f32
      %broadcast_in_dim3A_226 = vector.broadcast %broadcast_in_dim3A_225 : f32 to vector<16xf32>
      %swap3A_227 = arith.index_cast %scan3A_216 : i32 to index
      %swap3A_228 = arith.constant 32 : index
      %swap3A_229 = tpu.vector_load %arg6[%swap3A_227, %swap3A_228] {strides = array<i32>} : memref<128x128xf32, #tpu.memory_space<vmem>>, vector<16xf32>,
      tpu.vector_store %arg6[%swap3A_227, %swap3A_228], %broadcast_in_dim3A_226 {strides = array<i32>} : memref<128x128xf32, #tpu.memory_space<vmem>>, vector<16xf32>,
      %broadcast_in_dim3A_230 = arith.constant 0.000000e+00 : f32
      %broadcast_in_dim3A_231 = vector.broadcast %broadcast_in_dim3A_230 : f32 to vector<16xf32>
      %swap3A_232 = arith.index_cast %scan3A_216 : i32 to index
      %swap3A_233 = arith.constant 48 : index
      %swap3A_234 = tpu.vector_load %arg6[%swap3A_232, %swap3A_233] {strides = array<i32>} : memref<128x128xf32, #tpu.memory_space<vmem>>, vector<16xf32>,
      tpu.vector_store %arg6[%swap3A_232, %swap3A_233], %broadcast_in_dim3A_231 {strides = array<i32>} : memref<128x128xf32, #tpu.memory_space<vmem>>, vector<16xf32>,
      %broadcast_in_dim3A_235 = arith.constant 0.000000e+00 : f32
      %broadcast_in_dim3A_236 = vector.broadcast %broadcast_in_dim3A_235 : f32 to vector<16xf32>
      %swap3A_237 = arith.index_cast %scan3A_216 : i32 to index
      %swap3A_238 = arith.constant 64 : index
      %swap3A_239 = tpu.vector_load %arg6[%swap3A_237, %swap3A_238] {strides = array<i32>} : memref<128x128xf32, #tpu.memory_space<vmem>>, vector<16xf32>,
      tpu.vector_store %arg6[%swap3A_237, %swap3A_238], %broadcast_in_dim3A_236 {strides = array<i32>} : memref<128x128xf32, #tpu.memory_space<vmem>>, vector<16xf32>,
      %broadcast_in_dim3A_240 = arith.constant 0.000000e+00 : f32
      %broadcast_in_dim3A_241 = vector.broadcast %broadcast_in_dim3A_240 : f32 to vector<16xf32>
      %swap3A_242 = arith.index_cast %scan3A_216 : i32 to index
      %swap3A_243 = arith.constant 80 : index
      %swap3A_244 = tpu.vector_load %arg6[%swap3A_242, %swap3A_243] {strides = array<i32>} : memref<128x128xf32, #tpu.memory_space<vmem>>, vector<16xf32>,
      tpu.vector_store %arg6[%swap3A_242, %swap3A_243], %broadcast_in_dim3A_241 {strides = array<i32>} : memref<128x128xf32, #tpu.memory_space<vmem>>, vector<16xf32>,
      %broadcast_in_dim3A_245 = arith.constant 0.000000e+00 : f32
      %broadcast_in_dim3A_246 = vector.broadcast %broadcast_in_dim3A_245 : f32 to vector<16xf32>
      %swap3A_247 = arith.index_cast %scan3A_216 : i32 to index
      %swap3A_248 = arith.constant 96 : index
      %swap3A_249 = tpu.vector_load %arg6[%swap3A_247, %swap3A_248] {strides = array<i32>} : memref<128x128xf32, #tpu.memory_space<vmem>>, vector<16xf32>,
      tpu.vector_store %arg6[%swap3A_247, %swap3A_248], %broadcast_in_dim3A_246 {strides = array<i32>} : memref<128x128xf32, #tpu.memory_space<vmem>>, vector<16xf32>,
      %broadcast_in_dim3A_250 = arith.constant 0.000000e+00 : f32
      %broadcast_in_dim3A_251 = vector.broadcast %broadcast_in_dim3A_250 : f32 to vector<16xf32>
      %swap3A_252 = arith.index_cast %scan3A_216 : i32 to index
      %swap3A_253 = arith.constant 112 : index
      %swap3A_254 = tpu.vector_load %arg6[%swap3A_252, %swap3A_253] {strides = array<i32>} : memref<128x128xf32, #tpu.memory_space<vmem>>, vector<16xf32>,
      tpu.vector_store %arg6[%swap3A_252, %swap3A_253], %broadcast_in_dim3A_251 {strides = array<i32>} : memref<128x128xf32, #tpu.memory_space<vmem>>, vector<16xf32>,
    }
    %scan3A_7 = arith.constant 80 : i32
    %add3A_8 = arith.constant 0 : i32
    %add3A_9 = arith.addi %arg1, %add3A_8 : i32
    %lt3A = arith.constant 125 : i32
    %lt3A_10 = arith.cmpi slt, %add3A_9, %lt3A : i32
    %convert_element_type3A = arith.extui %lt3A_10 : i1 to i32
    %cond3A = arith.constant 0 : i32
    %cond3A_11 = arith.cmpi ne, %convert_element_type3A, %cond3A : i32
    scf.if %cond3A_11 {
      %mul3A_216 = arith.constant 80 : i32
      %mul3A_217 = arith.muli %add3A_9, %mul3A_216 : i32
      "tpu.region"() ({
        %run_scoped3A = tpu.sem_alloc : memref<!tpu.dma_semaphore, #tpu.memory_space<semaphore_mem>>
        %dma_start3A_218 = arith.constant 0 : i32
        %dma_start3A_219 = arith.constant 0 : i32
        %dma_start3A_220 = tpu.memref_slice %arg6[%dma_start3A_218, %dma_start3A_219] : memref<128x128xf32, #tpu.memory_space<vmem>> -> memref<80x128xf32, #tpu.memory_space<vmem>>
        %dma_start3A_221 = arith.constant 0 : i32
        %dma_start3A_222 = tpu.memref_slice %arg5[%mul3A_217, %dma_start3A_221] : memref<10000x128xf32, #tpu.memory_space<vmem_shared>> -> memref<80x128xf32, #tpu.memory_space<vmem_shared>>
        %dma_start3A_223 = arith.constant 0 : i32
        %dma_start3A_224 = tpu.memref_slice %arg5[%mul3A_217, %dma_start3A_223] : memref<10000x128xf32, #tpu.memory_space<vmem_shared>> -> memref<80x128xf32, #tpu.memory_space<vmem_shared>>
        %dma_start3A_225 = arith.constant 0 : i32
        %dma_start3A_226 = arith.constant 0 : i32
        %dma_start3A_227 = tpu.memref_slice %arg6[%dma_start3A_225, %dma_start3A_226] : memref<128x128xf32, #tpu.memory_space<vmem>> -> memref<80x128xf32, #tpu.memory_space<vmem>>
        tpu.enqueue_dma source(%dma_start3A_227 : memref<80x128xf32, #tpu.memory_space<vmem>>) target(%dma_start3A_224 : memref<80x128xf32, #tpu.memory_space<vmem_shared>>) target_semaphore(%run_scoped3A : memref<!tpu.dma_semaphore, #tpu.memory_space<semaphore_mem>>)
        %dma_wait3A_228 = arith.constant 0 : i32
        %dma_wait3A_229 = arith.constant 0 : i32
        %dma_wait3A_230 = tpu.memref_slice %arg6[%dma_wait3A_228, %dma_wait3A_229] : memref<128x128xf32, #tpu.memory_space<vmem>> -> memref<80x128xf32, #tpu.memory_space<vmem>>
        %dma_wait3A_231 = arith.constant 0 : i32
        %dma_wait3A_232 = tpu.memref_slice %arg5[%mul3A_217, %dma_wait3A_231] : memref<10000x128xf32, #tpu.memory_space<vmem_shared>> -> memref<80x128xf32, #tpu.memory_space<vmem_shared>>
        %dma_wait3A_233 = arith.constant 0 : i32
        %dma_wait3A_234 = tpu.memref_slice %arg5[%mul3A_217, %dma_wait3A_233] : memref<10000x128xf32, #tpu.memory_space<vmem_shared>> -> memref<80x128xf32, #tpu.memory_space<vmem_shared>>
        %dma_wait3A_235 = arith.constant 0 : i32
        %dma_wait3A_236 = arith.constant 0 : i32
        %dma_wait3A_237 = tpu.memref_slice %arg6[%dma_wait3A_235, %dma_wait3A_236] : memref<128x128xf32, #tpu.memory_space<vmem>> -> memref<80x128xf32, #tpu.memory_space<vmem>>
        tpu.wait_dma2 semaphore(%run_scoped3A : memref<!tpu.dma_semaphore, #tpu.memory_space<semaphore_mem>>) src(%dma_wait3A_237 : memref<80x128xf32, #tpu.memory_space<vmem>>) dst(%dma_wait3A_234 : memref<80x128xf32, #tpu.memory_space<vmem_shared>>)
        tpu.yield
      }) : () -> ()
    } else {
    }
    %add3A_12 = arith.constant 16 : i32
    %add3A_13 = arith.addi %arg1, %add3A_12 : i32
    %lt3A_14 = arith.constant 125 : i32
    %lt3A_15 = arith.cmpi slt, %add3A_13, %lt3A_14 : i32
    %convert_element_type3A_16 = arith.extui %lt3A_15 : i1 to i32
    %cond3A_17 = arith.constant 0 : i32
    %cond3A_18 = arith.cmpi ne, %convert_element_type3A_16, %cond3A_17 : i32
    scf.if %cond3A_18 {
      %mul3A_216 = arith.constant 80 : i32
      %mul3A_217 = arith.muli %add3A_13, %mul3A_216 : i32
      "tpu.region"() ({
        %run_scoped3A = tpu.sem_alloc : memref<!tpu.dma_semaphore, #tpu.memory_space<semaphore_mem>>
        %dma_start3A_218 = arith.constant 0 : i32
        %dma_start3A_219 = arith.constant 0 : i32
        %dma_start3A_220 = tpu.memref_slice %arg6[%dma_start3A_218, %dma_start3A_219] : memref<128x128xf32, #tpu.memory_space<vmem>> -> memref<80x128xf32, #tpu.memory_space<vmem>>
        %dma_start3A_221 = arith.constant 0 : i32
        %dma_start3A_222 = tpu.memref_slice %arg5[%mul3A_217, %dma_start3A_221] : memref<10000x128xf32, #tpu.memory_space<vmem_shared>> -> memref<80x128xf32, #tpu.memory_space<vmem_shared>>
        %dma_start3A_223 = arith.constant 0 : i32
        %dma_start3A_224 = tpu.memref_slice %arg5[%mul3A_217, %dma_start3A_223] : memref<10000x128xf32, #tpu.memory_space<vmem_shared>> -> memref<80x128xf32, #tpu.memory_space<vmem_shared>>
        %dma_start3A_225 = arith.constant 0 : i32
        %dma_start3A_226 = arith.constant 0 : i32
        %dma_start3A_227 = tpu.memref_slice %arg6[%dma_start3A_225, %dma_start3A_226] : memref<128x128xf32, #tpu.memory_space<vmem>> -> memref<80x128xf32, #tpu.memory_space<vmem>>
        tpu.enqueue_dma source(%dma_start3A_227 : memref<80x128xf32, #tpu.memory_space<vmem>>) target(%dma_start3A_224 : memref<80x128xf32, #tpu.memory_space<vmem_shared>>) target_semaphore(%run_scoped3A : memref<!tpu.dma_semaphore, #tpu.memory_space<semaphore_mem>>)
        %dma_wait3A_228 = arith.constant 0 : i32
        %dma_wait3A_229 = arith.constant 0 : i32
        %dma_wait3A_230 = tpu.memref_slice %arg6[%dma_wait3A_228, %dma_wait3A_229] : memref<128x128xf32, #tpu.memory_space<vmem>> -> memref<80x128xf32, #tpu.memory_space<vmem>>
        %dma_wait3A_231 = arith.constant 0 : i32
        %dma_wait3A_232 = tpu.memref_slice %arg5[%mul3A_217, %dma_wait3A_231] : memref<10000x128xf32, #tpu.memory_space<vmem_shared>> -> memref<80x128xf32, #tpu.memory_space<vmem_shared>>
        %dma_wait3A_233 = arith.constant 0 : i32
        %dma_wait3A_234 = tpu.memref_slice %arg5[%mul3A_217, %dma_wait3A_233] : memref<10000x128xf32, #tpu.memory_space<vmem_shared>> -> memref<80x128xf32, #tpu.memory_space<vmem_shared>>
        %dma_wait3A_235 = arith.constant 0 : i32
        %dma_wait3A_236 = arith.constant 0 : i32
        %dma_wait3A_237 = tpu.memref_slice %arg6[%dma_wait3A_235, %dma_wait3A_236] : memref<128x128xf32, #tpu.memory_space<vmem>> -> memref<80x128xf32, #tpu.memory_space<vmem>>
        tpu.wait_dma2 semaphore(%run_scoped3A : memref<!tpu.dma_semaphore, #tpu.memory_space<semaphore_mem>>) src(%dma_wait3A_237 : memref<80x128xf32, #tpu.memory_space<vmem>>) dst(%dma_wait3A_234 : memref<80x128xf32, #tpu.memory_space<vmem_shared>>)
        tpu.yield
      }) : () -> ()
    } else {
    }
    %add3A_19 = arith.constant 32 : i32
    %add3A_20 = arith.addi %arg1, %add3A_19 : i32
    %lt3A_21 = arith.constant 125 : i32
    %lt3A_22 = arith.cmpi slt, %add3A_20, %lt3A_21 : i32
    %convert_element_type3A_23 = arith.extui %lt3A_22 : i1 to i32
    %cond3A_24 = arith.constant 0 : i32
    %cond3A_25 = arith.cmpi ne, %convert_element_type3A_23, %cond3A_24 : i32
    scf.if %cond3A_25 {
      %mul3A_216 = arith.constant 80 : i32
      %mul3A_217 = arith.muli %add3A_20, %mul3A_216 : i32
      "tpu.region"() ({
        %run_scoped3A = tpu.sem_alloc : memref<!tpu.dma_semaphore, #tpu.memory_space<semaphore_mem>>
        %dma_start3A_218 = arith.constant 0 : i32
        %dma_start3A_219 = arith.constant 0 : i32
        %dma_start3A_220 = tpu.memref_slice %arg6[%dma_start3A_218, %dma_start3A_219] : memref<128x128xf32, #tpu.memory_space<vmem>> -> memref<80x128xf32, #tpu.memory_space<vmem>>
        %dma_start3A_221 = arith.constant 0 : i32
        %dma_start3A_222 = tpu.memref_slice %arg5[%mul3A_217, %dma_start3A_221] : memref<10000x128xf32, #tpu.memory_space<vmem_shared>> -> memref<80x128xf32, #tpu.memory_space<vmem_shared>>
        %dma_start3A_223 = arith.constant 0 : i32
        %dma_start3A_224 = tpu.memref_slice %arg5[%mul3A_217, %dma_start3A_223] : memref<10000x128xf32, #tpu.memory_space<vmem_shared>> -> memref<80x128xf32, #tpu.memory_space<vmem_shared>>
        %dma_start3A_225 = arith.constant 0 : i32
        %dma_start3A_226 = arith.constant 0 : i32
        %dma_start3A_227 = tpu.memref_slice %arg6[%dma_start3A_225, %dma_start3A_226] : memref<128x128xf32, #tpu.memory_space<vmem>> -> memref<80x128xf32, #tpu.memory_space<vmem>>
        tpu.enqueue_dma source(%dma_start3A_227 : memref<80x128xf32, #tpu.memory_space<vmem>>) target(%dma_start3A_224 : memref<80x128xf32, #tpu.memory_space<vmem_shared>>) target_semaphore(%run_scoped3A : memref<!tpu.dma_semaphore, #tpu.memory_space<semaphore_mem>>)
        %dma_wait3A_228 = arith.constant 0 : i32
        %dma_wait3A_229 = arith.constant 0 : i32
        %dma_wait3A_230 = tpu.memref_slice %arg6[%dma_wait3A_228, %dma_wait3A_229] : memref<128x128xf32, #tpu.memory_space<vmem>> -> memref<80x128xf32, #tpu.memory_space<vmem>>
        %dma_wait3A_231 = arith.constant 0 : i32
        %dma_wait3A_232 = tpu.memref_slice %arg5[%mul3A_217, %dma_wait3A_231] : memref<10000x128xf32, #tpu.memory_space<vmem_shared>> -> memref<80x128xf32, #tpu.memory_space<vmem_shared>>
        %dma_wait3A_233 = arith.constant 0 : i32
        %dma_wait3A_234 = tpu.memref_slice %arg5[%mul3A_217, %dma_wait3A_233] : memref<10000x128xf32, #tpu.memory_space<vmem_shared>> -> memref<80x128xf32, #tpu.memory_space<vmem_shared>>
        %dma_wait3A_235 = arith.constant 0 : i32
        %dma_wait3A_236 = arith.constant 0 : i32
        %dma_wait3A_237 = tpu.memref_slice %arg6[%dma_wait3A_235, %dma_wait3A_236] : memref<128x128xf32, #tpu.memory_space<vmem>> -> memref<80x128xf32, #tpu.memory_space<vmem>>
        tpu.wait_dma2 semaphore(%run_scoped3A : memref<!tpu.dma_semaphore, #tpu.memory_space<semaphore_mem>>) src(%dma_wait3A_237 : memref<80x128xf32, #tpu.memory_space<vmem>>) dst(%dma_wait3A_234 : memref<80x128xf32, #tpu.memory_space<vmem_shared>>)
        tpu.yield
      }) : () -> ()
    } else {
    }
    %add3A_26 = arith.constant 48 : i32
    %add3A_27 = arith.addi %arg1, %add3A_26 : i32
    %lt3A_28 = arith.constant 125 : i32
    %lt3A_29 = arith.cmpi slt, %add3A_27, %lt3A_28 : i32
    %convert_element_type3A_30 = arith.extui %lt3A_29 : i1 to i32
    %cond3A_31 = arith.constant 0 : i32
    %cond3A_32 = arith.cmpi ne, %convert_element_type3A_30, %cond3A_31 : i32
    scf.if %cond3A_32 {
      %mul3A_216 = arith.constant 80 : i32
      %mul3A_217 = arith.muli %add3A_27, %mul3A_216 : i32
      "tpu.region"() ({
        %run_scoped3A = tpu.sem_alloc : memref<!tpu.dma_semaphore, #tpu.memory_space<semaphore_mem>>
        %dma_start3A_218 = arith.constant 0 : i32
        %dma_start3A_219 = arith.constant 0 : i32
        %dma_start3A_220 = tpu.memref_slice %arg6[%dma_start3A_218, %dma_start3A_219] : memref<128x128xf32, #tpu.memory_space<vmem>> -> memref<80x128xf32, #tpu.memory_space<vmem>>
        %dma_start3A_221 = arith.constant 0 : i32
        %dma_start3A_222 = tpu.memref_slice %arg5[%mul3A_217, %dma_start3A_221] : memref<10000x128xf32, #tpu.memory_space<vmem_shared>> -> memref<80x128xf32, #tpu.memory_space<vmem_shared>>
        %dma_start3A_223 = arith.constant 0 : i32
        %dma_start3A_224 = tpu.memref_slice %arg5[%mul3A_217, %dma_start3A_223] : memref<10000x128xf32, #tpu.memory_space<vmem_shared>> -> memref<80x128xf32, #tpu.memory_space<vmem_shared>>
        %dma_start3A_225 = arith.constant 0 : i32
        %dma_start3A_226 = arith.constant 0 : i32
        %dma_start3A_227 = tpu.memref_slice %arg6[%dma_start3A_225, %dma_start3A_226] : memref<128x128xf32, #tpu.memory_space<vmem>> -> memref<80x128xf32, #tpu.memory_space<vmem>>
        tpu.enqueue_dma source(%dma_start3A_227 : memref<80x128xf32, #tpu.memory_space<vmem>>) target(%dma_start3A_224 : memref<80x128xf32, #tpu.memory_space<vmem_shared>>) target_semaphore(%run_scoped3A : memref<!tpu.dma_semaphore, #tpu.memory_space<semaphore_mem>>)
        %dma_wait3A_228 = arith.constant 0 : i32
        %dma_wait3A_229 = arith.constant 0 : i32
        %dma_wait3A_230 = tpu.memref_slice %arg6[%dma_wait3A_228, %dma_wait3A_229] : memref<128x128xf32, #tpu.memory_space<vmem>> -> memref<80x128xf32, #tpu.memory_space<vmem>>
        %dma_wait3A_231 = arith.constant 0 : i32
        %dma_wait3A_232 = tpu.memref_slice %arg5[%mul3A_217, %dma_wait3A_231] : memref<10000x128xf32, #tpu.memory_space<vmem_shared>> -> memref<80x128xf32, #tpu.memory_space<vmem_shared>>
        %dma_wait3A_233 = arith.constant 0 : i32
        %dma_wait3A_234 = tpu.memref_slice %arg5[%mul3A_217, %dma_wait3A_233] : memref<10000x128xf32, #tpu.memory_space<vmem_shared>> -> memref<80x128xf32, #tpu.memory_space<vmem_shared>>
        %dma_wait3A_235 = arith.constant 0 : i32
        %dma_wait3A_236 = arith.constant 0 : i32
        %dma_wait3A_237 = tpu.memref_slice %arg6[%dma_wait3A_235, %dma_wait3A_236] : memref<128x128xf32, #tpu.memory_space<vmem>> -> memref<80x128xf32, #tpu.memory_space<vmem>>
        tpu.wait_dma2 semaphore(%run_scoped3A : memref<!tpu.dma_semaphore, #tpu.memory_space<semaphore_mem>>) src(%dma_wait3A_237 : memref<80x128xf32, #tpu.memory_space<vmem>>) dst(%dma_wait3A_234 : memref<80x128xf32, #tpu.memory_space<vmem_shared>>)
        tpu.yield
      }) : () -> ()
    } else {
    }
    %add3A_33 = arith.constant 64 : i32
    %add3A_34 = arith.addi %arg1, %add3A_33 : i32
    %lt3A_35 = arith.constant 125 : i32
    %lt3A_36 = arith.cmpi slt, %add3A_34, %lt3A_35 : i32
    %convert_element_type3A_37 = arith.extui %lt3A_36 : i1 to i32
    %cond3A_38 = arith.constant 0 : i32
    %cond3A_39 = arith.cmpi ne, %convert_element_type3A_37, %cond3A_38 : i32
    scf.if %cond3A_39 {
      %mul3A_216 = arith.constant 80 : i32
      %mul3A_217 = arith.muli %add3A_34, %mul3A_216 : i32
      "tpu.region"() ({
        %run_scoped3A = tpu.sem_alloc : memref<!tpu.dma_semaphore, #tpu.memory_space<semaphore_mem>>
        %dma_start3A_218 = arith.constant 0 : i32
        %dma_start3A_219 = arith.constant 0 : i32
        %dma_start3A_220 = tpu.memref_slice %arg6[%dma_start3A_218, %dma_start3A_219] : memref<128x128xf32, #tpu.memory_space<vmem>> -> memref<80x128xf32, #tpu.memory_space<vmem>>
        %dma_start3A_221 = arith.constant 0 : i32
        %dma_start3A_222 = tpu.memref_slice %arg5[%mul3A_217, %dma_start3A_221] : memref<10000x128xf32, #tpu.memory_space<vmem_shared>> -> memref<80x128xf32, #tpu.memory_space<vmem_shared>>
        %dma_start3A_223 = arith.constant 0 : i32
        %dma_start3A_224 = tpu.memref_slice %arg5[%mul3A_217, %dma_start3A_223] : memref<10000x128xf32, #tpu.memory_space<vmem_shared>> -> memref<80x128xf32, #tpu.memory_space<vmem_shared>>
        %dma_start3A_225 = arith.constant 0 : i32
        %dma_start3A_226 = arith.constant 0 : i32
        %dma_start3A_227 = tpu.memref_slice %arg6[%dma_start3A_225, %dma_start3A_226] : memref<128x128xf32, #tpu.memory_space<vmem>> -> memref<80x128xf32, #tpu.memory_space<vmem>>
        tpu.enqueue_dma source(%dma_start3A_227 : memref<80x128xf32, #tpu.memory_space<vmem>>) target(%dma_start3A_224 : memref<80x128xf32, #tpu.memory_space<vmem_shared>>) target_semaphore(%run_scoped3A : memref<!tpu.dma_semaphore, #tpu.memory_space<semaphore_mem>>)
        %dma_wait3A_228 = arith.constant 0 : i32
        %dma_wait3A_229 = arith.constant 0 : i32
        %dma_wait3A_230 = tpu.memref_slice %arg6[%dma_wait3A_228, %dma_wait3A_229] : memref<128x128xf32, #tpu.memory_space<vmem>> -> memref<80x128xf32, #tpu.memory_space<vmem>>
        %dma_wait3A_231 = arith.constant 0 : i32
        %dma_wait3A_232 = tpu.memref_slice %arg5[%mul3A_217, %dma_wait3A_231] : memref<10000x128xf32, #tpu.memory_space<vmem_shared>> -> memref<80x128xf32, #tpu.memory_space<vmem_shared>>
        %dma_wait3A_233 = arith.constant 0 : i32
        %dma_wait3A_234 = tpu.memref_slice %arg5[%mul3A_217, %dma_wait3A_233] : memref<10000x128xf32, #tpu.memory_space<vmem_shared>> -> memref<80x128xf32, #tpu.memory_space<vmem_shared>>
        %dma_wait3A_235 = arith.constant 0 : i32
        %dma_wait3A_236 = arith.constant 0 : i32
        %dma_wait3A_237 = tpu.memref_slice %arg6[%dma_wait3A_235, %dma_wait3A_236] : memref<128x128xf32, #tpu.memory_space<vmem>> -> memref<80x128xf32, #tpu.memory_space<vmem>>
        tpu.wait_dma2 semaphore(%run_scoped3A : memref<!tpu.dma_semaphore, #tpu.memory_space<semaphore_mem>>) src(%dma_wait3A_237 : memref<80x128xf32, #tpu.memory_space<vmem>>) dst(%dma_wait3A_234 : memref<80x128xf32, #tpu.memory_space<vmem_shared>>)
        tpu.yield
      }) : () -> ()
    } else {
    }
    %add3A_40 = arith.constant 80 : i32
    %add3A_41 = arith.addi %arg1, %add3A_40 : i32
    %lt3A_42 = arith.constant 125 : i32
    %lt3A_43 = arith.cmpi slt, %add3A_41, %lt3A_42 : i32
    %convert_element_type3A_44 = arith.extui %lt3A_43 : i1 to i32
    %cond3A_45 = arith.constant 0 : i32
    %cond3A_46 = arith.cmpi ne, %convert_element_type3A_44, %cond3A_45 : i32
    scf.if %cond3A_46 {
      %mul3A_216 = arith.constant 80 : i32
      %mul3A_217 = arith.muli %add3A_41, %mul3A_216 : i32
      "tpu.region"() ({
        %run_scoped3A = tpu.sem_alloc : memref<!tpu.dma_semaphore, #tpu.memory_space<semaphore_mem>>
        %dma_start3A_218 = arith.constant 0 : i32
        %dma_start3A_219 = arith.constant 0 : i32
        %dma_start3A_220 = tpu.memref_slice %arg6[%dma_start3A_218, %dma_start3A_219] : memref<128x128xf32, #tpu.memory_space<vmem>> -> memref<80x128xf32, #tpu.memory_space<vmem>>
        %dma_start3A_221 = arith.constant 0 : i32
        %dma_start3A_222 = tpu.memref_slice %arg5[%mul3A_217, %dma_start3A_221] : memref<10000x128xf32, #tpu.memory_space<vmem_shared>> -> memref<80x128xf32, #tpu.memory_space<vmem_shared>>
        %dma_start3A_223 = arith.constant 0 : i32
        %dma_start3A_224 = tpu.memref_slice %arg5[%mul3A_217, %dma_start3A_223] : memref<10000x128xf32, #tpu.memory_space<vmem_shared>> -> memref<80x128xf32, #tpu.memory_space<vmem_shared>>
        %dma_start3A_225 = arith.constant 0 : i32
        %dma_start3A_226 = arith.constant 0 : i32
        %dma_start3A_227 = tpu.memref_slice %arg6[%dma_start3A_225, %dma_start3A_226] : memref<128x128xf32, #tpu.memory_space<vmem>> -> memref<80x128xf32, #tpu.memory_space<vmem>>
        tpu.enqueue_dma source(%dma_start3A_227 : memref<80x128xf32, #tpu.memory_space<vmem>>) target(%dma_start3A_224 : memref<80x128xf32, #tpu.memory_space<vmem_shared>>) target_semaphore(%run_scoped3A : memref<!tpu.dma_semaphore, #tpu.memory_space<semaphore_mem>>)
        %dma_wait3A_228 = arith.constant 0 : i32
        %dma_wait3A_229 = arith.constant 0 : i32
        %dma_wait3A_230 = tpu.memref_slice %arg6[%dma_wait3A_228, %dma_wait3A_229] : memref<128x128xf32, #tpu.memory_space<vmem>> -> memref<80x128xf32, #tpu.memory_space<vmem>>
        %dma_wait3A_231 = arith.constant 0 : i32
        %dma_wait3A_232 = tpu.memref_slice %arg5[%mul3A_217, %dma_wait3A_231] : memref<10000x128xf32, #tpu.memory_space<vmem_shared>> -> memref<80x128xf32, #tpu.memory_space<vmem_shared>>
        %dma_wait3A_233 = arith.constant 0 : i32
        %dma_wait3A_234 = tpu.memref_slice %arg5[%mul3A_217, %dma_wait3A_233] : memref<10000x128xf32, #tpu.memory_space<vmem_shared>> -> memref<80x128xf32, #tpu.memory_space<vmem_shared>>
        %dma_wait3A_235 = arith.constant 0 : i32
        %dma_wait3A_236 = arith.constant 0 : i32
        %dma_wait3A_237 = tpu.memref_slice %arg6[%dma_wait3A_235, %dma_wait3A_236] : memref<128x128xf32, #tpu.memory_space<vmem>> -> memref<80x128xf32, #tpu.memory_space<vmem>>
        tpu.wait_dma2 semaphore(%run_scoped3A : memref<!tpu.dma_semaphore, #tpu.memory_space<semaphore_mem>>) src(%dma_wait3A_237 : memref<80x128xf32, #tpu.memory_space<vmem>>) dst(%dma_wait3A_234 : memref<80x128xf32, #tpu.memory_space<vmem_shared>>)
        tpu.yield
      }) : () -> ()
    } else {
    }
    %add3A_47 = arith.constant 96 : i32
    %add3A_48 = arith.addi %arg1, %add3A_47 : i32
    %lt3A_49 = arith.constant 125 : i32
    %lt3A_50 = arith.cmpi slt, %add3A_48, %lt3A_49 : i32
    %convert_element_type3A_51 = arith.extui %lt3A_50 : i1 to i32
    %cond3A_52 = arith.constant 0 : i32
    %cond3A_53 = arith.cmpi ne, %convert_element_type3A_51, %cond3A_52 : i32
    scf.if %cond3A_53 {
      %mul3A_216 = arith.constant 80 : i32
      %mul3A_217 = arith.muli %add3A_48, %mul3A_216 : i32
      "tpu.region"() ({
        %run_scoped3A = tpu.sem_alloc : memref<!tpu.dma_semaphore, #tpu.memory_space<semaphore_mem>>
        %dma_start3A_218 = arith.constant 0 : i32
        %dma_start3A_219 = arith.constant 0 : i32
        %dma_start3A_220 = tpu.memref_slice %arg6[%dma_start3A_218, %dma_start3A_219] : memref<128x128xf32, #tpu.memory_space<vmem>> -> memref<80x128xf32, #tpu.memory_space<vmem>>
        %dma_start3A_221 = arith.constant 0 : i32
        %dma_start3A_222 = tpu.memref_slice %arg5[%mul3A_217, %dma_start3A_221] : memref<10000x128xf32, #tpu.memory_space<vmem_shared>> -> memref<80x128xf32, #tpu.memory_space<vmem_shared>>
        %dma_start3A_223 = arith.constant 0 : i32
        %dma_start3A_224 = tpu.memref_slice %arg5[%mul3A_217, %dma_start3A_223] : memref<10000x128xf32, #tpu.memory_space<vmem_shared>> -> memref<80x128xf32, #tpu.memory_space<vmem_shared>>
        %dma_start3A_225 = arith.constant 0 : i32
        %dma_start3A_226 = arith.constant 0 : i32
        %dma_start3A_227 = tpu.memref_slice %arg6[%dma_start3A_225, %dma_start3A_226] : memref<128x128xf32, #tpu.memory_space<vmem>> -> memref<80x128xf32, #tpu.memory_space<vmem>>
        tpu.enqueue_dma source(%dma_start3A_227 : memref<80x128xf32, #tpu.memory_space<vmem>>) target(%dma_start3A_224 : memref<80x128xf32, #tpu.memory_space<vmem_shared>>) target_semaphore(%run_scoped3A : memref<!tpu.dma_semaphore, #tpu.memory_space<semaphore_mem>>)
        %dma_wait3A_228 = arith.constant 0 : i32
        %dma_wait3A_229 = arith.constant 0 : i32
        %dma_wait3A_230 = tpu.memref_slice %arg6[%dma_wait3A_228, %dma_wait3A_229] : memref<128x128xf32, #tpu.memory_space<vmem>> -> memref<80x128xf32, #tpu.memory_space<vmem>>
        %dma_wait3A_231 = arith.constant 0 : i32
        %dma_wait3A_232 = tpu.memref_slice %arg5[%mul3A_217, %dma_wait3A_231] : memref<10000x128xf32, #tpu.memory_space<vmem_shared>> -> memref<80x128xf32, #tpu.memory_space<vmem_shared>>
        %dma_wait3A_233 = arith.constant 0 : i32
        %dma_wait3A_234 = tpu.memref_slice %arg5[%mul3A_217, %dma_wait3A_233] : memref<10000x128xf32, #tpu.memory_space<vmem_shared>> -> memref<80x128xf32, #tpu.memory_space<vmem_shared>>
        %dma_wait3A_235 = arith.constant 0 : i32
        %dma_wait3A_236 = arith.constant 0 : i32
        %dma_wait3A_237 = tpu.memref_slice %arg6[%dma_wait3A_235, %dma_wait3A_236] : memref<128x128xf32, #tpu.memory_space<vmem>> -> memref<80x128xf32, #tpu.memory_space<vmem>>
        tpu.wait_dma2 semaphore(%run_scoped3A : memref<!tpu.dma_semaphore, #tpu.memory_space<semaphore_mem>>) src(%dma_wait3A_237 : memref<80x128xf32, #tpu.memory_space<vmem>>) dst(%dma_wait3A_234 : memref<80x128xf32, #tpu.memory_space<vmem_shared>>)
        tpu.yield
      }) : () -> ()
    } else {
    }
    %add3A_54 = arith.constant 112 : i32
    %add3A_55 = arith.addi %arg1, %add3A_54 : i32
    %lt3A_56 = arith.constant 125 : i32
    %lt3A_57 = arith.cmpi slt, %add3A_55, %lt3A_56 : i32
    %convert_element_type3A_58 = arith.extui %lt3A_57 : i1 to i32
    %cond3A_59 = arith.constant 0 : i32
    %cond3A_60 = arith.cmpi ne, %convert_element_type3A_58, %cond3A_59 : i32
    scf.if %cond3A_60 {
      %mul3A_216 = arith.constant 80 : i32
      %mul3A_217 = arith.muli %add3A_55, %mul3A_216 : i32
      "tpu.region"() ({
        %run_scoped3A = tpu.sem_alloc : memref<!tpu.dma_semaphore, #tpu.memory_space<semaphore_mem>>
        %dma_start3A_218 = arith.constant 0 : i32
        %dma_start3A_219 = arith.constant 0 : i32
        %dma_start3A_220 = tpu.memref_slice %arg6[%dma_start3A_218, %dma_start3A_219] : memref<128x128xf32, #tpu.memory_space<vmem>> -> memref<80x128xf32, #tpu.memory_space<vmem>>
        %dma_start3A_221 = arith.constant 0 : i32
        %dma_start3A_222 = tpu.memref_slice %arg5[%mul3A_217, %dma_start3A_221] : memref<10000x128xf32, #tpu.memory_space<vmem_shared>> -> memref<80x128xf32, #tpu.memory_space<vmem_shared>>
        %dma_start3A_223 = arith.constant 0 : i32
        %dma_start3A_224 = tpu.memref_slice %arg5[%mul3A_217, %dma_start3A_223] : memref<10000x128xf32, #tpu.memory_space<vmem_shared>> -> memref<80x128xf32, #tpu.memory_space<vmem_shared>>
        %dma_start3A_225 = arith.constant 0 : i32
        %dma_start3A_226 = arith.constant 0 : i32
        %dma_start3A_227 = tpu.memref_slice %arg6[%dma_start3A_225, %dma_start3A_226] : memref<128x128xf32, #tpu.memory_space<vmem>> -> memref<80x128xf32, #tpu.memory_space<vmem>>
        tpu.enqueue_dma source(%dma_start3A_227 : memref<80x128xf32, #tpu.memory_space<vmem>>) target(%dma_start3A_224 : memref<80x128xf32, #tpu.memory_space<vmem_shared>>) target_semaphore(%run_scoped3A : memref<!tpu.dma_semaphore, #tpu.memory_space<semaphore_mem>>)
        %dma_wait3A_228 = arith.constant 0 : i32
        %dma_wait3A_229 = arith.constant 0 : i32
        %dma_wait3A_230 = tpu.memref_slice %arg6[%dma_wait3A_228, %dma_wait3A_229] : memref<128x128xf32, #tpu.memory_space<vmem>> -> memref<80x128xf32, #tpu.memory_space<vmem>>
        %dma_wait3A_231 = arith.constant 0 : i32
        %dma_wait3A_232 = tpu.memref_slice %arg5[%mul3A_217, %dma_wait3A_231] : memref<10000x128xf32, #tpu.memory_space<vmem_shared>> -> memref<80x128xf32, #tpu.memory_space<vmem_shared>>
        %dma_wait3A_233 = arith.constant 0 : i32
        %dma_wait3A_234 = tpu.memref_slice %arg5[%mul3A_217, %dma_wait3A_233] : memref<10000x128xf32, #tpu.memory_space<vmem_shared>> -> memref<80x128xf32, #tpu.memory_space<vmem_shared>>
        %dma_wait3A_235 = arith.constant 0 : i32
        %dma_wait3A_236 = arith.constant 0 : i32
        %dma_wait3A_237 = tpu.memref_slice %arg6[%dma_wait3A_235, %dma_wait3A_236] : memref<128x128xf32, #tpu.memory_space<vmem>> -> memref<80x128xf32, #tpu.memory_space<vmem>>
        tpu.wait_dma2 semaphore(%run_scoped3A : memref<!tpu.dma_semaphore, #tpu.memory_space<semaphore_mem>>) src(%dma_wait3A_237 : memref<80x128xf32, #tpu.memory_space<vmem>>) dst(%dma_wait3A_234 : memref<80x128xf32, #tpu.memory_space<vmem_shared>>)
        tpu.yield
      }) : () -> ()
    } else {
    }
    %barrier3A = arith.constant 0 : index
    tpu.barrier barrier_id(%barrier3A)
    %add3A_61 = arith.constant 0 : i32
    %add3A_62 = arith.addi %mul3A_2, %add3A_61 : i32
    %dma_start3A = tpu.memref_slice %arg3[%add3A_62] : memref<640000xi32, #tpu.memory_space<hbm>> -> memref<128xi32, #tpu.memory_space<hbm>>
    %dma_start3A_63 = tpu.memref_slice %arg3[%add3A_62] : memref<640000xi32, #tpu.memory_space<hbm>> -> memref<128xi32, #tpu.memory_space<hbm>>
    tpu.enqueue_dma source(%dma_start3A_63 : memref<128xi32, #tpu.memory_space<hbm>>) target(%arg9 : memref<128xi32, #tpu.memory_space<vmem>>) target_semaphore(%arg29 : memref<!tpu.dma_semaphore, #tpu.memory_space<semaphore_mem>>)
    %add3A_64 = arith.constant 320000 : i32
    %add3A_65 = arith.addi %add3A_64, %mul3A_2 : i32
    %add3A_66 = arith.constant 0 : i32
    %add3A_67 = arith.addi %add3A_65, %add3A_66 : i32
    %dma_start3A_68 = tpu.memref_slice %arg3[%add3A_67] : memref<640000xi32, #tpu.memory_space<hbm>> -> memref<128xi32, #tpu.memory_space<hbm>>
    %dma_start3A_69 = tpu.memref_slice %arg3[%add3A_67] : memref<640000xi32, #tpu.memory_space<hbm>> -> memref<128xi32, #tpu.memory_space<hbm>>
    tpu.enqueue_dma source(%dma_start3A_69 : memref<128xi32, #tpu.memory_space<hbm>>) target(%arg15 : memref<128xi32, #tpu.memory_space<vmem>>) target_semaphore(%arg29 : memref<!tpu.dma_semaphore, #tpu.memory_space<semaphore_mem>>)
    %add3A_70 = arith.constant 0 : i32
    %add3A_71 = arith.addi %mul3A_2, %add3A_70 : i32
    %dma_wait3A = tpu.memref_slice %arg3[%add3A_71] : memref<640000xi32, #tpu.memory_space<hbm>> -> memref<128xi32, #tpu.memory_space<hbm>>
    %dma_wait3A_72 = tpu.memref_slice %arg3[%add3A_71] : memref<640000xi32, #tpu.memory_space<hbm>> -> memref<128xi32, #tpu.memory_space<hbm>>
    tpu.wait_dma2 semaphore(%arg29 : memref<!tpu.dma_semaphore, #tpu.memory_space<semaphore_mem>>) src(%dma_wait3A_72 : memref<128xi32, #tpu.memory_space<hbm>>) dst(%arg9 : memref<128xi32, #tpu.memory_space<vmem>>)
    %add3A_73 = arith.constant 320000 : i32
    %add3A_74 = arith.addi %add3A_73, %mul3A_2 : i32
    %add3A_75 = arith.constant 0 : i32
    %add3A_76 = arith.addi %add3A_74, %add3A_75 : i32
    %dma_wait3A_77 = tpu.memref_slice %arg3[%add3A_76] : memref<640000xi32, #tpu.memory_space<hbm>> -> memref<128xi32, #tpu.memory_space<hbm>>
    %dma_wait3A_78 = tpu.memref_slice %arg3[%add3A_76] : memref<640000xi32, #tpu.memory_space<hbm>> -> memref<128xi32, #tpu.memory_space<hbm>>
    tpu.wait_dma2 semaphore(%arg29 : memref<!tpu.dma_semaphore, #tpu.memory_space<semaphore_mem>>) src(%dma_wait3A_78 : memref<128xi32, #tpu.memory_space<hbm>>) dst(%arg15 : memref<128xi32, #tpu.memory_space<vmem>>)
    %dma_start3A_79 = arith.constant 0 : i32
    %dma_start3A_80 = arith.constant 0 : i32
    %dma_start3A_81 = tpu.memref_slice %arg2[%dma_start3A_79, %dma_start3A_80] : memref<10000x128xf32, #tpu.memory_space<hbm>> -> memref<10000x128xf32, #tpu.memory_space<hbm>>
    tpu.enqueue_indirect_dma source(%dma_start3A_81 : memref<10000x128xf32, #tpu.memory_space<hbm>>) target(%arg6 : memref<128x128xf32, #tpu.memory_space<vmem>>) offsets(%arg9 : memref<128xi32, #tpu.memory_space<vmem>>) semaphore(%arg23 : memref<!tpu.dma_semaphore, #tpu.memory_space<semaphore_mem>>)
    %add3A_82 = arith.constant 128 : i32
    %add3A_83 = arith.addi %mul3A_2, %add3A_82 : i32
    %dma_start3A_84 = tpu.memref_slice %arg3[%add3A_83] : memref<640000xi32, #tpu.memory_space<hbm>> -> memref<128xi32, #tpu.memory_space<hbm>>
    %dma_start3A_85 = tpu.memref_slice %arg3[%add3A_83] : memref<640000xi32, #tpu.memory_space<hbm>> -> memref<128xi32, #tpu.memory_space<hbm>>
    tpu.enqueue_dma source(%dma_start3A_85 : memref<128xi32, #tpu.memory_space<hbm>>) target(%arg10 : memref<128xi32, #tpu.memory_space<vmem>>) target_semaphore(%arg30 : memref<!tpu.dma_semaphore, #tpu.memory_space<semaphore_mem>>)
    %add3A_86 = arith.constant 320000 : i32
    %add3A_87 = arith.addi %add3A_86, %mul3A_2 : i32
    %add3A_88 = arith.constant 128 : i32
    %add3A_89 = arith.addi %add3A_87, %add3A_88 : i32
    %dma_start3A_90 = tpu.memref_slice %arg3[%add3A_89] : memref<640000xi32, #tpu.memory_space<hbm>> -> memref<128xi32, #tpu.memory_space<hbm>>
    %dma_start3A_91 = tpu.memref_slice %arg3[%add3A_89] : memref<640000xi32, #tpu.memory_space<hbm>> -> memref<128xi32, #tpu.memory_space<hbm>>
    tpu.enqueue_dma source(%dma_start3A_91 : memref<128xi32, #tpu.memory_space<hbm>>) target(%arg16 : memref<128xi32, #tpu.memory_space<vmem>>) target_semaphore(%arg30 : memref<!tpu.dma_semaphore, #tpu.memory_space<semaphore_mem>>)
    %add3A_92 = arith.constant 128 : i32
    %add3A_93 = arith.addi %mul3A_2, %add3A_92 : i32
    %dma_wait3A_94 = tpu.memref_slice %arg3[%add3A_93] : memref<640000xi32, #tpu.memory_space<hbm>> -> memref<128xi32, #tpu.memory_space<hbm>>
    %dma_wait3A_95 = tpu.memref_slice %arg3[%add3A_93] : memref<640000xi32, #tpu.memory_space<hbm>> -> memref<128xi32, #tpu.memory_space<hbm>>
    tpu.wait_dma2 semaphore(%arg30 : memref<!tpu.dma_semaphore, #tpu.memory_space<semaphore_mem>>) src(%dma_wait3A_95 : memref<128xi32, #tpu.memory_space<hbm>>) dst(%arg10 : memref<128xi32, #tpu.memory_space<vmem>>)
    %add3A_96 = arith.constant 320000 : i32
    %add3A_97 = arith.addi %add3A_96, %mul3A_2 : i32
    %add3A_98 = arith.constant 128 : i32
    %add3A_99 = arith.addi %add3A_97, %add3A_98 : i32
    %dma_wait3A_100 = tpu.memref_slice %arg3[%add3A_99] : memref<640000xi32, #tpu.memory_space<hbm>> -> memref<128xi32, #tpu.memory_space<hbm>>
    %dma_wait3A_101 = tpu.memref_slice %arg3[%add3A_99] : memref<640000xi32, #tpu.memory_space<hbm>> -> memref<128xi32, #tpu.memory_space<hbm>>
    tpu.wait_dma2 semaphore(%arg30 : memref<!tpu.dma_semaphore, #tpu.memory_space<semaphore_mem>>) src(%dma_wait3A_101 : memref<128xi32, #tpu.memory_space<hbm>>) dst(%arg16 : memref<128xi32, #tpu.memory_space<vmem>>)
    %dma_start3A_102 = arith.constant 0 : i32
    %dma_start3A_103 = arith.constant 0 : i32
    %dma_start3A_104 = tpu.memref_slice %arg2[%dma_start3A_102, %dma_start3A_103] : memref<10000x128xf32, #tpu.memory_space<hbm>> -> memref<10000x128xf32, #tpu.memory_space<hbm>>
    tpu.enqueue_indirect_dma source(%dma_start3A_104 : memref<10000x128xf32, #tpu.memory_space<hbm>>) target(%arg7 : memref<128x128xf32, #tpu.memory_space<vmem>>) offsets(%arg10 : memref<128xi32, #tpu.memory_space<vmem>>) semaphore(%arg24 : memref<!tpu.dma_semaphore, #tpu.memory_space<semaphore_mem>>)
    %add3A_105 = arith.constant 256 : i32
    %add3A_106 = arith.addi %mul3A_2, %add3A_105 : i32
    %dma_start3A_107 = tpu.memref_slice %arg3[%add3A_106] : memref<640000xi32, #tpu.memory_space<hbm>> -> memref<128xi32, #tpu.memory_space<hbm>>
    %dma_start3A_108 = tpu.memref_slice %arg3[%add3A_106] : memref<640000xi32, #tpu.memory_space<hbm>> -> memref<128xi32, #tpu.memory_space<hbm>>
    tpu.enqueue_dma source(%dma_start3A_108 : memref<128xi32, #tpu.memory_space<hbm>>) target(%arg11 : memref<128xi32, #tpu.memory_space<vmem>>) target_semaphore(%arg31 : memref<!tpu.dma_semaphore, #tpu.memory_space<semaphore_mem>>)
    %add3A_109 = arith.constant 320000 : i32
    %add3A_110 = arith.addi %add3A_109, %mul3A_2 : i32
    %add3A_111 = arith.constant 256 : i32
    %add3A_112 = arith.addi %add3A_110, %add3A_111 : i32
    %dma_start3A_113 = tpu.memref_slice %arg3[%add3A_112] : memref<640000xi32, #tpu.memory_space<hbm>> -> memref<128xi32, #tpu.memory_space<hbm>>
    %dma_start3A_114 = tpu.memref_slice %arg3[%add3A_112] : memref<640000xi32, #tpu.memory_space<hbm>> -> memref<128xi32, #tpu.memory_space<hbm>>
    tpu.enqueue_dma source(%dma_start3A_114 : memref<128xi32, #tpu.memory_space<hbm>>) target(%arg17 : memref<128xi32, #tpu.memory_space<vmem>>) target_semaphore(%arg31 : memref<!tpu.dma_semaphore, #tpu.memory_space<semaphore_mem>>)
    %add3A_115 = arith.constant 256 : i32
    %add3A_116 = arith.addi %mul3A_2, %add3A_115 : i32
    %dma_wait3A_117 = tpu.memref_slice %arg3[%add3A_116] : memref<640000xi32, #tpu.memory_space<hbm>> -> memref<128xi32, #tpu.memory_space<hbm>>
    %dma_wait3A_118 = tpu.memref_slice %arg3[%add3A_116] : memref<640000xi32, #tpu.memory_space<hbm>> -> memref<128xi32, #tpu.memory_space<hbm>>
    tpu.wait_dma2 semaphore(%arg31 : memref<!tpu.dma_semaphore, #tpu.memory_space<semaphore_mem>>) src(%dma_wait3A_118 : memref<128xi32, #tpu.memory_space<hbm>>) dst(%arg11 : memref<128xi32, #tpu.memory_space<vmem>>)
    %add3A_119 = arith.constant 320000 : i32
    %add3A_120 = arith.addi %add3A_119, %mul3A_2 : i32
    %add3A_121 = arith.constant 256 : i32
    %add3A_122 = arith.addi %add3A_120, %add3A_121 : i32
    %dma_wait3A_123 = tpu.memref_slice %arg3[%add3A_122] : memref<640000xi32, #tpu.memory_space<hbm>> -> memref<128xi32, #tpu.memory_space<hbm>>
    %dma_wait3A_124 = tpu.memref_slice %arg3[%add3A_122] : memref<640000xi32, #tpu.memory_space<hbm>> -> memref<128xi32, #tpu.memory_space<hbm>>
    tpu.wait_dma2 semaphore(%arg31 : memref<!tpu.dma_semaphore, #tpu.memory_space<semaphore_mem>>) src(%dma_wait3A_124 : memref<128xi32, #tpu.memory_space<hbm>>) dst(%arg17 : memref<128xi32, #tpu.memory_space<vmem>>)
    %dma_start3A_125 = arith.constant 0 : i32
    %dma_start3A_126 = arith.constant 0 : i32
    %dma_start3A_127 = tpu.memref_slice %arg2[%dma_start3A_125, %dma_start3A_126] : memref<10000x128xf32, #tpu.memory_space<hbm>> -> memref<10000x128xf32, #tpu.memory_space<hbm>>
    tpu.enqueue_indirect_dma source(%dma_start3A_127 : memref<10000x128xf32, #tpu.memory_space<hbm>>) target(%arg8 : memref<128x128xf32, #tpu.memory_space<vmem>>) offsets(%arg11 : memref<128xi32, #tpu.memory_space<vmem>>) semaphore(%arg25 : memref<!tpu.dma_semaphore, #tpu.memory_space<semaphore_mem>>)
    %scan3A_128 = arith.constant 0 : i32
    %scan3A_129 = arith.constant 0 : i32
    %scan3A_130 = arith.constant 13 : i32
    %scan3A_131 = arith.addi %scan3A_129, %scan3A_130 : i32
    %scan3A_132 = arith.constant 1 : i32
    scf.for %scan3A_216 = %scan3A_129 to %scan3A_131 step %scan3A_132  : i32 {
      %mul3A_217 = arith.constant 6 : i32
      %mul3A_218 = arith.muli %scan3A_216, %mul3A_217 : i32
      %add3A_219 = arith.constant 0 : i32
      %add3A_220 = arith.addi %mul3A_218, %add3A_219 : i32
      %add3A_221 = arith.constant 0 : i32
      %add3A_222 = arith.addi %add3A_220, %add3A_221 : i32
      %dma_wait3A_223 = arith.constant 0 : i32
      %dma_wait3A_224 = arith.constant 0 : i32
      %dma_wait3A_225 = tpu.memref_slice %arg2[%dma_wait3A_223, %dma_wait3A_224] : memref<10000x128xf32, #tpu.memory_space<hbm>> -> memref<10000x128xf32, #tpu.memory_space<hbm>>
      tpu.wait_indirect_dma semaphore(%arg23 : memref<!tpu.dma_semaphore, #tpu.memory_space<semaphore_mem>>) src(%dma_wait3A_225 : memref<10000x128xf32, #tpu.memory_space<hbm>>) dst(%arg6 : memref<128x128xf32, #tpu.memory_space<vmem>>)
      %dma_start3A_226 = arith.constant 0 : i32
      %dma_start3A_227 = arith.constant 0 : i32
      %dma_start3A_228 = tpu.memref_slice %arg5[%dma_start3A_226, %dma_start3A_227] : memref<10000x128xf32, #tpu.memory_space<vmem_shared>> -> memref<10000x128xf32, #tpu.memory_space<vmem_shared>>
      tpu.enqueue_indirect_dma source(%arg6 : memref<128x128xf32, #tpu.memory_space<vmem>>) target(%dma_start3A_228 : memref<10000x128xf32, #tpu.memory_space<vmem_shared>>) offsets(%arg15 : memref<128xi32, #tpu.memory_space<vmem>>) semaphore(%arg26 : memref<!tpu.dma_semaphore, #tpu.memory_space<semaphore_mem>>) {add = true}
      %add3A_229 = arith.constant 3 : i32
      %add3A_230 = arith.addi %add3A_222, %add3A_229 : i32
      %lt3A_231 = arith.constant 78 : i32
      %lt3A_232 = arith.cmpi slt, %add3A_230, %lt3A_231 : i32
      %convert_element_type3A_233 = arith.extui %lt3A_232 : i1 to i32
      %cond3A_234 = arith.constant 0 : i32
      %cond3A_235 = arith.cmpi ne, %convert_element_type3A_233, %cond3A_234 : i32
      scf.if %cond3A_235 {
        %add3A_331 = arith.constant 3 : i32
        %add3A_332 = arith.addi %add3A_222, %add3A_331 : i32
        %mul3A_333 = arith.constant 128 : i32
        %mul3A_334 = arith.muli %add3A_332, %mul3A_333 : i32
        %add3A_335 = arith.addi %mul3A_2, %mul3A_334 : i32
        %dma_start3A_336 = tpu.memref_slice %arg3[%add3A_335] : memref<640000xi32, #tpu.memory_space<hbm>> -> memref<128xi32, #tpu.memory_space<hbm>>
        %dma_start3A_337 = tpu.memref_slice %arg3[%add3A_335] : memref<640000xi32, #tpu.memory_space<hbm>> -> memref<128xi32, #tpu.memory_space<hbm>>
        tpu.enqueue_dma source(%dma_start3A_337 : memref<128xi32, #tpu.memory_space<hbm>>) target(%arg12 : memref<128xi32, #tpu.memory_space<vmem>>) target_semaphore(%arg32 : memref<!tpu.dma_semaphore, #tpu.memory_space<semaphore_mem>>)
        %add3A_338 = arith.constant 320000 : i32
        %add3A_339 = arith.addi %add3A_338, %mul3A_2 : i32
        %mul3A_340 = arith.constant 128 : i32
        %mul3A_341 = arith.muli %add3A_332, %mul3A_340 : i32
        %add3A_342 = arith.addi %add3A_339, %mul3A_341 : i32
        %dma_start3A_343 = tpu.memref_slice %arg3[%add3A_342] : memref<640000xi32, #tpu.memory_space<hbm>> -> memref<128xi32, #tpu.memory_space<hbm>>
        %dma_start3A_344 = tpu.memref_slice %arg3[%add3A_342] : memref<640000xi32, #tpu.memory_space<hbm>> -> memref<128xi32, #tpu.memory_space<hbm>>
        tpu.enqueue_dma source(%dma_start3A_344 : memref<128xi32, #tpu.memory_space<hbm>>) target(%arg18 : memref<128xi32, #tpu.memory_space<vmem>>) target_semaphore(%arg32 : memref<!tpu.dma_semaphore, #tpu.memory_space<semaphore_mem>>)
        %dma_wait3A_345 = arith.constant 0 : i32
        %dma_wait3A_346 = arith.constant 0 : i32
        %dma_wait3A_347 = tpu.memref_slice %arg5[%dma_wait3A_345, %dma_wait3A_346] : memref<10000x128xf32, #tpu.memory_space<vmem_shared>> -> memref<10000x128xf32, #tpu.memory_space<vmem_shared>>
        tpu.wait_indirect_dma semaphore(%arg26 : memref<!tpu.dma_semaphore, #tpu.memory_space<semaphore_mem>>) src(%arg6 : memref<128x128xf32, #tpu.memory_space<vmem>>) dst(%dma_wait3A_347 : memref<10000x128xf32, #tpu.memory_space<vmem_shared>>)
        %add3A_348 = arith.constant 3 : i32
        %add3A_349 = arith.addi %add3A_222, %add3A_348 : i32
        %mul3A_350 = arith.constant 128 : i32
        %mul3A_351 = arith.muli %add3A_349, %mul3A_350 : i32
        %add3A_352 = arith.addi %mul3A_2, %mul3A_351 : i32
        %dma_wait3A_353 = tpu.memref_slice %arg3[%add3A_352] : memref<640000xi32, #tpu.memory_space<hbm>> -> memref<128xi32, #tpu.memory_space<hbm>>
        %dma_wait3A_354 = tpu.memref_slice %arg3[%add3A_352] : memref<640000xi32, #tpu.memory_space<hbm>> -> memref<128xi32, #tpu.memory_space<hbm>>
        tpu.wait_dma2 semaphore(%arg32 : memref<!tpu.dma_semaphore, #tpu.memory_space<semaphore_mem>>) src(%dma_wait3A_354 : memref<128xi32, #tpu.memory_space<hbm>>) dst(%arg12 : memref<128xi32, #tpu.memory_space<vmem>>)
        %add3A_355 = arith.constant 320000 : i32
        %add3A_356 = arith.addi %add3A_355, %mul3A_2 : i32
        %mul3A_357 = arith.constant 128 : i32
        %mul3A_358 = arith.muli %add3A_349, %mul3A_357 : i32
        %add3A_359 = arith.addi %add3A_356, %mul3A_358 : i32
        %dma_wait3A_360 = tpu.memref_slice %arg3[%add3A_359] : memref<640000xi32, #tpu.memory_space<hbm>> -> memref<128xi32, #tpu.memory_space<hbm>>
        %dma_wait3A_361 = tpu.memref_slice %arg3[%add3A_359] : memref<640000xi32, #tpu.memory_space<hbm>> -> memref<128xi32, #tpu.memory_space<hbm>>
        tpu.wait_dma2 semaphore(%arg32 : memref<!tpu.dma_semaphore, #tpu.memory_space<semaphore_mem>>) src(%dma_wait3A_361 : memref<128xi32, #tpu.memory_space<hbm>>) dst(%arg18 : memref<128xi32, #tpu.memory_space<vmem>>)
        %dma_start3A_362 = arith.constant 0 : i32
        %dma_start3A_363 = arith.constant 0 : i32
        %dma_start3A_364 = tpu.memref_slice %arg2[%dma_start3A_362, %dma_start3A_363] : memref<10000x128xf32, #tpu.memory_space<hbm>> -> memref<10000x128xf32, #tpu.memory_space<hbm>>
        tpu.enqueue_indirect_dma source(%dma_start3A_364 : memref<10000x128xf32, #tpu.memory_space<hbm>>) target(%arg6 : memref<128x128xf32, #tpu.memory_space<vmem>>) offsets(%arg12 : memref<128xi32, #tpu.memory_space<vmem>>) semaphore(%arg23 : memref<!tpu.dma_semaphore, #tpu.memory_space<semaphore_mem>>)
      } else {
      }
      %mul3A_236 = arith.constant 6 : i32
      %mul3A_237 = arith.muli %scan3A_216, %mul3A_236 : i32
      %add3A_238 = arith.constant 0 : i32
      %add3A_239 = arith.addi %mul3A_237, %add3A_238 : i32
      %add3A_240 = arith.constant 1 : i32
      %add3A_241 = arith.addi %add3A_239, %add3A_240 : i32
      %dma_wait3A_242 = arith.constant 0 : i32
      %dma_wait3A_243 = arith.constant 0 : i32
      %dma_wait3A_244 = tpu.memref_slice %arg2[%dma_wait3A_242, %dma_wait3A_243] : memref<10000x128xf32, #tpu.memory_space<hbm>> -> memref<10000x128xf32, #tpu.memory_space<hbm>>
      tpu.wait_indirect_dma semaphore(%arg24 : memref<!tpu.dma_semaphore, #tpu.memory_space<semaphore_mem>>) src(%dma_wait3A_244 : memref<10000x128xf32, #tpu.memory_space<hbm>>) dst(%arg7 : memref<128x128xf32, #tpu.memory_space<vmem>>)
      %dma_start3A_245 = arith.constant 0 : i32
      %dma_start3A_246 = arith.constant 0 : i32
      %dma_start3A_247 = tpu.memref_slice %arg5[%dma_start3A_245, %dma_start3A_246] : memref<10000x128xf32, #tpu.memory_space<vmem_shared>> -> memref<10000x128xf32, #tpu.memory_space<vmem_shared>>
      tpu.enqueue_indirect_dma source(%arg7 : memref<128x128xf32, #tpu.memory_space<vmem>>) target(%dma_start3A_247 : memref<10000x128xf32, #tpu.memory_space<vmem_shared>>) offsets(%arg16 : memref<128xi32, #tpu.memory_space<vmem>>) semaphore(%arg27 : memref<!tpu.dma_semaphore, #tpu.memory_space<semaphore_mem>>) {add = true}
      %add3A_248 = arith.constant 3 : i32
      %add3A_249 = arith.addi %add3A_241, %add3A_248 : i32
      %lt3A_250 = arith.constant 78 : i32
      %lt3A_251 = arith.cmpi slt, %add3A_249, %lt3A_250 : i32
      %convert_element_type3A_252 = arith.extui %lt3A_251 : i1 to i32
      %cond3A_253 = arith.constant 0 : i32
      %cond3A_254 = arith.cmpi ne, %convert_element_type3A_252, %cond3A_253 : i32
      scf.if %cond3A_254 {
        %add3A_331 = arith.constant 3 : i32
        %add3A_332 = arith.addi %add3A_241, %add3A_331 : i32
        %mul3A_333 = arith.constant 128 : i32
        %mul3A_334 = arith.muli %add3A_332, %mul3A_333 : i32
        %add3A_335 = arith.addi %mul3A_2, %mul3A_334 : i32
        %dma_start3A_336 = tpu.memref_slice %arg3[%add3A_335] : memref<640000xi32, #tpu.memory_space<hbm>> -> memref<128xi32, #tpu.memory_space<hbm>>
        %dma_start3A_337 = tpu.memref_slice %arg3[%add3A_335] : memref<640000xi32, #tpu.memory_space<hbm>> -> memref<128xi32, #tpu.memory_space<hbm>>
        tpu.enqueue_dma source(%dma_start3A_337 : memref<128xi32, #tpu.memory_space<hbm>>) target(%arg13 : memref<128xi32, #tpu.memory_space<vmem>>) target_semaphore(%arg33 : memref<!tpu.dma_semaphore, #tpu.memory_space<semaphore_mem>>)
        %add3A_338 = arith.constant 320000 : i32
        %add3A_339 = arith.addi %add3A_338, %mul3A_2 : i32
        %mul3A_340 = arith.constant 128 : i32
        %mul3A_341 = arith.muli %add3A_332, %mul3A_340 : i32
        %add3A_342 = arith.addi %add3A_339, %mul3A_341 : i32
        %dma_start3A_343 = tpu.memref_slice %arg3[%add3A_342] : memref<640000xi32, #tpu.memory_space<hbm>> -> memref<128xi32, #tpu.memory_space<hbm>>
        %dma_start3A_344 = tpu.memref_slice %arg3[%add3A_342] : memref<640000xi32, #tpu.memory_space<hbm>> -> memref<128xi32, #tpu.memory_space<hbm>>
        tpu.enqueue_dma source(%dma_start3A_344 : memref<128xi32, #tpu.memory_space<hbm>>) target(%arg19 : memref<128xi32, #tpu.memory_space<vmem>>) target_semaphore(%arg33 : memref<!tpu.dma_semaphore, #tpu.memory_space<semaphore_mem>>)
        %dma_wait3A_345 = arith.constant 0 : i32
        %dma_wait3A_346 = arith.constant 0 : i32
        %dma_wait3A_347 = tpu.memref_slice %arg5[%dma_wait3A_345, %dma_wait3A_346] : memref<10000x128xf32, #tpu.memory_space<vmem_shared>> -> memref<10000x128xf32, #tpu.memory_space<vmem_shared>>
        tpu.wait_indirect_dma semaphore(%arg27 : memref<!tpu.dma_semaphore, #tpu.memory_space<semaphore_mem>>) src(%arg7 : memref<128x128xf32, #tpu.memory_space<vmem>>) dst(%dma_wait3A_347 : memref<10000x128xf32, #tpu.memory_space<vmem_shared>>)
        %add3A_348 = arith.constant 3 : i32
        %add3A_349 = arith.addi %add3A_241, %add3A_348 : i32
        %mul3A_350 = arith.constant 128 : i32
        %mul3A_351 = arith.muli %add3A_349, %mul3A_350 : i32
        %add3A_352 = arith.addi %mul3A_2, %mul3A_351 : i32
        %dma_wait3A_353 = tpu.memref_slice %arg3[%add3A_352] : memref<640000xi32, #tpu.memory_space<hbm>> -> memref<128xi32, #tpu.memory_space<hbm>>
        %dma_wait3A_354 = tpu.memref_slice %arg3[%add3A_352] : memref<640000xi32, #tpu.memory_space<hbm>> -> memref<128xi32, #tpu.memory_space<hbm>>
        tpu.wait_dma2 semaphore(%arg33 : memref<!tpu.dma_semaphore, #tpu.memory_space<semaphore_mem>>) src(%dma_wait3A_354 : memref<128xi32, #tpu.memory_space<hbm>>) dst(%arg13 : memref<128xi32, #tpu.memory_space<vmem>>)
        %add3A_355 = arith.constant 320000 : i32
        %add3A_356 = arith.addi %add3A_355, %mul3A_2 : i32
        %mul3A_357 = arith.constant 128 : i32
        %mul3A_358 = arith.muli %add3A_349, %mul3A_357 : i32
        %add3A_359 = arith.addi %add3A_356, %mul3A_358 : i32
        %dma_wait3A_360 = tpu.memref_slice %arg3[%add3A_359] : memref<640000xi32, #tpu.memory_space<hbm>> -> memref<128xi32, #tpu.memory_space<hbm>>
        %dma_wait3A_361 = tpu.memref_slice %arg3[%add3A_359] : memref<640000xi32, #tpu.memory_space<hbm>> -> memref<128xi32, #tpu.memory_space<hbm>>
        tpu.wait_dma2 semaphore(%arg33 : memref<!tpu.dma_semaphore, #tpu.memory_space<semaphore_mem>>) src(%dma_wait3A_361 : memref<128xi32, #tpu.memory_space<hbm>>) dst(%arg19 : memref<128xi32, #tpu.memory_space<vmem>>)
        %dma_start3A_362 = arith.constant 0 : i32
        %dma_start3A_363 = arith.constant 0 : i32
        %dma_start3A_364 = tpu.memref_slice %arg2[%dma_start3A_362, %dma_start3A_363] : memref<10000x128xf32, #tpu.memory_space<hbm>> -> memref<10000x128xf32, #tpu.memory_space<hbm>>
        tpu.enqueue_indirect_dma source(%dma_start3A_364 : memref<10000x128xf32, #tpu.memory_space<hbm>>) target(%arg7 : memref<128x128xf32, #tpu.memory_space<vmem>>) offsets(%arg13 : memref<128xi32, #tpu.memory_space<vmem>>) semaphore(%arg24 : memref<!tpu.dma_semaphore, #tpu.memory_space<semaphore_mem>>)
      } else {
      }
      %mul3A_255 = arith.constant 6 : i32
      %mul3A_256 = arith.muli %scan3A_216, %mul3A_255 : i32
      %add3A_257 = arith.constant 0 : i32
      %add3A_258 = arith.addi %mul3A_256, %add3A_257 : i32
      %add3A_259 = arith.constant 2 : i32
      %add3A_260 = arith.addi %add3A_258, %add3A_259 : i32
      %dma_wait3A_261 = arith.constant 0 : i32
      %dma_wait3A_262 = arith.constant 0 : i32
      %dma_wait3A_263 = tpu.memref_slice %arg2[%dma_wait3A_261, %dma_wait3A_262] : memref<10000x128xf32, #tpu.memory_space<hbm>> -> memref<10000x128xf32, #tpu.memory_space<hbm>>
      tpu.wait_indirect_dma semaphore(%arg25 : memref<!tpu.dma_semaphore, #tpu.memory_space<semaphore_mem>>) src(%dma_wait3A_263 : memref<10000x128xf32, #tpu.memory_space<hbm>>) dst(%arg8 : memref<128x128xf32, #tpu.memory_space<vmem>>)
      %dma_start3A_264 = arith.constant 0 : i32
      %dma_start3A_265 = arith.constant 0 : i32
      %dma_start3A_266 = tpu.memref_slice %arg5[%dma_start3A_264, %dma_start3A_265] : memref<10000x128xf32, #tpu.memory_space<vmem_shared>> -> memref<10000x128xf32, #tpu.memory_space<vmem_shared>>
      tpu.enqueue_indirect_dma source(%arg8 : memref<128x128xf32, #tpu.memory_space<vmem>>) target(%dma_start3A_266 : memref<10000x128xf32, #tpu.memory_space<vmem_shared>>) offsets(%arg17 : memref<128xi32, #tpu.memory_space<vmem>>) semaphore(%arg28 : memref<!tpu.dma_semaphore, #tpu.memory_space<semaphore_mem>>) {add = true}
      %add3A_267 = arith.constant 3 : i32
      %add3A_268 = arith.addi %add3A_260, %add3A_267 : i32
      %lt3A_269 = arith.constant 78 : i32
      %lt3A_270 = arith.cmpi slt, %add3A_268, %lt3A_269 : i32
      %convert_element_type3A_271 = arith.extui %lt3A_270 : i1 to i32
      %cond3A_272 = arith.constant 0 : i32
      %cond3A_273 = arith.cmpi ne, %convert_element_type3A_271, %cond3A_272 : i32
      scf.if %cond3A_273 {
        %add3A_331 = arith.constant 3 : i32
        %add3A_332 = arith.addi %add3A_260, %add3A_331 : i32
        %mul3A_333 = arith.constant 128 : i32
        %mul3A_334 = arith.muli %add3A_332, %mul3A_333 : i32
        %add3A_335 = arith.addi %mul3A_2, %mul3A_334 : i32
        %dma_start3A_336 = tpu.memref_slice %arg3[%add3A_335] : memref<640000xi32, #tpu.memory_space<hbm>> -> memref<128xi32, #tpu.memory_space<hbm>>
        %dma_start3A_337 = tpu.memref_slice %arg3[%add3A_335] : memref<640000xi32, #tpu.memory_space<hbm>> -> memref<128xi32, #tpu.memory_space<hbm>>
        tpu.enqueue_dma source(%dma_start3A_337 : memref<128xi32, #tpu.memory_space<hbm>>) target(%arg14 : memref<128xi32, #tpu.memory_space<vmem>>) target_semaphore(%arg34 : memref<!tpu.dma_semaphore, #tpu.memory_space<semaphore_mem>>)
        %add3A_338 = arith.constant 320000 : i32
        %add3A_339 = arith.addi %add3A_338, %mul3A_2 : i32
        %mul3A_340 = arith.constant 128 : i32
        %mul3A_341 = arith.muli %add3A_332, %mul3A_340 : i32
        %add3A_342 = arith.addi %add3A_339, %mul3A_341 : i32
        %dma_start3A_343 = tpu.memref_slice %arg3[%add3A_342] : memref<640000xi32, #tpu.memory_space<hbm>> -> memref<128xi32, #tpu.memory_space<hbm>>
        %dma_start3A_344 = tpu.memref_slice %arg3[%add3A_342] : memref<640000xi32, #tpu.memory_space<hbm>> -> memref<128xi32, #tpu.memory_space<hbm>>
        tpu.enqueue_dma source(%dma_start3A_344 : memref<128xi32, #tpu.memory_space<hbm>>) target(%arg20 : memref<128xi32, #tpu.memory_space<vmem>>) target_semaphore(%arg34 : memref<!tpu.dma_semaphore, #tpu.memory_space<semaphore_mem>>)
        %dma_wait3A_345 = arith.constant 0 : i32
        %dma_wait3A_346 = arith.constant 0 : i32
        %dma_wait3A_347 = tpu.memref_slice %arg5[%dma_wait3A_345, %dma_wait3A_346] : memref<10000x128xf32, #tpu.memory_space<vmem_shared>> -> memref<10000x128xf32, #tpu.memory_space<vmem_shared>>
        tpu.wait_indirect_dma semaphore(%arg28 : memref<!tpu.dma_semaphore, #tpu.memory_space<semaphore_mem>>) src(%arg8 : memref<128x128xf32, #tpu.memory_space<vmem>>) dst(%dma_wait3A_347 : memref<10000x128xf32, #tpu.memory_space<vmem_shared>>)
        %add3A_348 = arith.constant 3 : i32
        %add3A_349 = arith.addi %add3A_260, %add3A_348 : i32
        %mul3A_350 = arith.constant 128 : i32
        %mul3A_351 = arith.muli %add3A_349, %mul3A_350 : i32
        %add3A_352 = arith.addi %mul3A_2, %mul3A_351 : i32
        %dma_wait3A_353 = tpu.memref_slice %arg3[%add3A_352] : memref<640000xi32, #tpu.memory_space<hbm>> -> memref<128xi32, #tpu.memory_space<hbm>>
        %dma_wait3A_354 = tpu.memref_slice %arg3[%add3A_352] : memref<640000xi32, #tpu.memory_space<hbm>> -> memref<128xi32, #tpu.memory_space<hbm>>
        tpu.wait_dma2 semaphore(%arg34 : memref<!tpu.dma_semaphore, #tpu.memory_space<semaphore_mem>>) src(%dma_wait3A_354 : memref<128xi32, #tpu.memory_space<hbm>>) dst(%arg14 : memref<128xi32, #tpu.memory_space<vmem>>)
        %add3A_355 = arith.constant 320000 : i32
        %add3A_356 = arith.addi %add3A_355, %mul3A_2 : i32
        %mul3A_357 = arith.constant 128 : i32
        %mul3A_358 = arith.muli %add3A_349, %mul3A_357 : i32
        %add3A_359 = arith.addi %add3A_356, %mul3A_358 : i32
        %dma_wait3A_360 = tpu.memref_slice %arg3[%add3A_359] : memref<640000xi32, #tpu.memory_space<hbm>> -> memref<128xi32, #tpu.memory_space<hbm>>
        %dma_wait3A_361 = tpu.memref_slice %arg3[%add3A_359] : memref<640000xi32, #tpu.memory_space<hbm>> -> memref<128xi32, #tpu.memory_space<hbm>>
        tpu.wait_dma2 semaphore(%arg34 : memref<!tpu.dma_semaphore, #tpu.memory_space<semaphore_mem>>) src(%dma_wait3A_361 : memref<128xi32, #tpu.memory_space<hbm>>) dst(%arg20 : memref<128xi32, #tpu.memory_space<vmem>>)
        %dma_start3A_362 = arith.constant 0 : i32
        %dma_start3A_363 = arith.constant 0 : i32
        %dma_start3A_364 = tpu.memref_slice %arg2[%dma_start3A_362, %dma_start3A_363] : memref<10000x128xf32, #tpu.memory_space<hbm>> -> memref<10000x128xf32, #tpu.memory_space<hbm>>
        tpu.enqueue_indirect_dma source(%dma_start3A_364 : memref<10000x128xf32, #tpu.memory_space<hbm>>) target(%arg8 : memref<128x128xf32, #tpu.memory_space<vmem>>) offsets(%arg14 : memref<128xi32, #tpu.memory_space<vmem>>) semaphore(%arg25 : memref<!tpu.dma_semaphore, #tpu.memory_space<semaphore_mem>>)
      } else {
      }
      %mul3A_274 = arith.constant 6 : i32
      %mul3A_275 = arith.muli %scan3A_216, %mul3A_274 : i32
      %add3A_276 = arith.constant 3 : i32
      %add3A_277 = arith.addi %mul3A_275, %add3A_276 : i32
      %add3A_278 = arith.constant 0 : i32
      %add3A_279 = arith.addi %add3A_277, %add3A_278 : i32
      %dma_wait3A_280 = arith.constant 0 : i32
      %dma_wait3A_281 = arith.constant 0 : i32
      %dma_wait3A_282 = tpu.memref_slice %arg2[%dma_wait3A_280, %dma_wait3A_281] : memref<10000x128xf32, #tpu.memory_space<hbm>> -> memref<10000x128xf32, #tpu.memory_space<hbm>>
      tpu.wait_indirect_dma semaphore(%arg23 : memref<!tpu.dma_semaphore, #tpu.memory_space<semaphore_mem>>) src(%dma_wait3A_282 : memref<10000x128xf32, #tpu.memory_space<hbm>>) dst(%arg6 : memref<128x128xf32, #tpu.memory_space<vmem>>)
      %dma_start3A_283 = arith.constant 0 : i32
      %dma_start3A_284 = arith.constant 0 : i32
      %dma_start3A_285 = tpu.memref_slice %arg5[%dma_start3A_283, %dma_start3A_284] : memref<10000x128xf32, #tpu.memory_space<vmem_shared>> -> memref<10000x128xf32, #tpu.memory_space<vmem_shared>>
      tpu.enqueue_indirect_dma source(%arg6 : memref<128x128xf32, #tpu.memory_space<vmem>>) target(%dma_start3A_285 : memref<10000x128xf32, #tpu.memory_space<vmem_shared>>) offsets(%arg18 : memref<128xi32, #tpu.memory_space<vmem>>) semaphore(%arg26 : memref<!tpu.dma_semaphore, #tpu.memory_space<semaphore_mem>>) {add = true}
      %add3A_286 = arith.constant 3 : i32
      %add3A_287 = arith.addi %add3A_279, %add3A_286 : i32
      %lt3A_288 = arith.constant 78 : i32
      %lt3A_289 = arith.cmpi slt, %add3A_287, %lt3A_288 : i32
      %convert_element_type3A_290 = arith.extui %lt3A_289 : i1 to i32
      %cond3A_291 = arith.constant 0 : i32
      %cond3A_292 = arith.cmpi ne, %convert_element_type3A_290, %cond3A_291 : i32
      scf.if %cond3A_292 {
        %add3A_331 = arith.constant 3 : i32
        %add3A_332 = arith.addi %add3A_279, %add3A_331 : i32
        %mul3A_333 = arith.constant 128 : i32
        %mul3A_334 = arith.muli %add3A_332, %mul3A_333 : i32
        %add3A_335 = arith.addi %mul3A_2, %mul3A_334 : i32
        %dma_start3A_336 = tpu.memref_slice %arg3[%add3A_335] : memref<640000xi32, #tpu.memory_space<hbm>> -> memref<128xi32, #tpu.memory_space<hbm>>
        %dma_start3A_337 = tpu.memref_slice %arg3[%add3A_335] : memref<640000xi32, #tpu.memory_space<hbm>> -> memref<128xi32, #tpu.memory_space<hbm>>
        tpu.enqueue_dma source(%dma_start3A_337 : memref<128xi32, #tpu.memory_space<hbm>>) target(%arg9 : memref<128xi32, #tpu.memory_space<vmem>>) target_semaphore(%arg29 : memref<!tpu.dma_semaphore, #tpu.memory_space<semaphore_mem>>)
        %add3A_338 = arith.constant 320000 : i32
        %add3A_339 = arith.addi %add3A_338, %mul3A_2 : i32
        %mul3A_340 = arith.constant 128 : i32
        %mul3A_341 = arith.muli %add3A_332, %mul3A_340 : i32
        %add3A_342 = arith.addi %add3A_339, %mul3A_341 : i32
        %dma_start3A_343 = tpu.memref_slice %arg3[%add3A_342] : memref<640000xi32, #tpu.memory_space<hbm>> -> memref<128xi32, #tpu.memory_space<hbm>>
        %dma_start3A_344 = tpu.memref_slice %arg3[%add3A_342] : memref<640000xi32, #tpu.memory_space<hbm>> -> memref<128xi32, #tpu.memory_space<hbm>>
        tpu.enqueue_dma source(%dma_start3A_344 : memref<128xi32, #tpu.memory_space<hbm>>) target(%arg15 : memref<128xi32, #tpu.memory_space<vmem>>) target_semaphore(%arg29 : memref<!tpu.dma_semaphore, #tpu.memory_space<semaphore_mem>>)
        %dma_wait3A_345 = arith.constant 0 : i32
        %dma_wait3A_346 = arith.constant 0 : i32
        %dma_wait3A_347 = tpu.memref_slice %arg5[%dma_wait3A_345, %dma_wait3A_346] : memref<10000x128xf32, #tpu.memory_space<vmem_shared>> -> memref<10000x128xf32, #tpu.memory_space<vmem_shared>>
        tpu.wait_indirect_dma semaphore(%arg26 : memref<!tpu.dma_semaphore, #tpu.memory_space<semaphore_mem>>) src(%arg6 : memref<128x128xf32, #tpu.memory_space<vmem>>) dst(%dma_wait3A_347 : memref<10000x128xf32, #tpu.memory_space<vmem_shared>>)
        %add3A_348 = arith.constant 3 : i32
        %add3A_349 = arith.addi %add3A_279, %add3A_348 : i32
        %mul3A_350 = arith.constant 128 : i32
        %mul3A_351 = arith.muli %add3A_349, %mul3A_350 : i32
        %add3A_352 = arith.addi %mul3A_2, %mul3A_351 : i32
        %dma_wait3A_353 = tpu.memref_slice %arg3[%add3A_352] : memref<640000xi32, #tpu.memory_space<hbm>> -> memref<128xi32, #tpu.memory_space<hbm>>
        %dma_wait3A_354 = tpu.memref_slice %arg3[%add3A_352] : memref<640000xi32, #tpu.memory_space<hbm>> -> memref<128xi32, #tpu.memory_space<hbm>>
        tpu.wait_dma2 semaphore(%arg29 : memref<!tpu.dma_semaphore, #tpu.memory_space<semaphore_mem>>) src(%dma_wait3A_354 : memref<128xi32, #tpu.memory_space<hbm>>) dst(%arg9 : memref<128xi32, #tpu.memory_space<vmem>>)
        %add3A_355 = arith.constant 320000 : i32
        %add3A_356 = arith.addi %add3A_355, %mul3A_2 : i32
        %mul3A_357 = arith.constant 128 : i32
        %mul3A_358 = arith.muli %add3A_349, %mul3A_357 : i32
        %add3A_359 = arith.addi %add3A_356, %mul3A_358 : i32
        %dma_wait3A_360 = tpu.memref_slice %arg3[%add3A_359] : memref<640000xi32, #tpu.memory_space<hbm>> -> memref<128xi32, #tpu.memory_space<hbm>>
        %dma_wait3A_361 = tpu.memref_slice %arg3[%add3A_359] : memref<640000xi32, #tpu.memory_space<hbm>> -> memref<128xi32, #tpu.memory_space<hbm>>
        tpu.wait_dma2 semaphore(%arg29 : memref<!tpu.dma_semaphore, #tpu.memory_space<semaphore_mem>>) src(%dma_wait3A_361 : memref<128xi32, #tpu.memory_space<hbm>>) dst(%arg15 : memref<128xi32, #tpu.memory_space<vmem>>)
        %dma_start3A_362 = arith.constant 0 : i32
        %dma_start3A_363 = arith.constant 0 : i32
        %dma_start3A_364 = tpu.memref_slice %arg2[%dma_start3A_362, %dma_start3A_363] : memref<10000x128xf32, #tpu.memory_space<hbm>> -> memref<10000x128xf32, #tpu.memory_space<hbm>>
        tpu.enqueue_indirect_dma source(%dma_start3A_364 : memref<10000x128xf32, #tpu.memory_space<hbm>>) target(%arg6 : memref<128x128xf32, #tpu.memory_space<vmem>>) offsets(%arg9 : memref<128xi32, #tpu.memory_space<vmem>>) semaphore(%arg23 : memref<!tpu.dma_semaphore, #tpu.memory_space<semaphore_mem>>)
      } else {
      }
      %mul3A_293 = arith.constant 6 : i32
      %mul3A_294 = arith.muli %scan3A_216, %mul3A_293 : i32
      %add3A_295 = arith.constant 3 : i32
      %add3A_296 = arith.addi %mul3A_294, %add3A_295 : i32
      %add3A_297 = arith.constant 1 : i32
      %add3A_298 = arith.addi %add3A_296, %add3A_297 : i32
      %dma_wait3A_299 = arith.constant 0 : i32
      %dma_wait3A_300 = arith.constant 0 : i32
      %dma_wait3A_301 = tpu.memref_slice %arg2[%dma_wait3A_299, %dma_wait3A_300] : memref<10000x128xf32, #tpu.memory_space<hbm>> -> memref<10000x128xf32, #tpu.memory_space<hbm>>
      tpu.wait_indirect_dma semaphore(%arg24 : memref<!tpu.dma_semaphore, #tpu.memory_space<semaphore_mem>>) src(%dma_wait3A_301 : memref<10000x128xf32, #tpu.memory_space<hbm>>) dst(%arg7 : memref<128x128xf32, #tpu.memory_space<vmem>>)
      %dma_start3A_302 = arith.constant 0 : i32
      %dma_start3A_303 = arith.constant 0 : i32
      %dma_start3A_304 = tpu.memref_slice %arg5[%dma_start3A_302, %dma_start3A_303] : memref<10000x128xf32, #tpu.memory_space<vmem_shared>> -> memref<10000x128xf32, #tpu.memory_space<vmem_shared>>
      tpu.enqueue_indirect_dma source(%arg7 : memref<128x128xf32, #tpu.memory_space<vmem>>) target(%dma_start3A_304 : memref<10000x128xf32, #tpu.memory_space<vmem_shared>>) offsets(%arg19 : memref<128xi32, #tpu.memory_space<vmem>>) semaphore(%arg27 : memref<!tpu.dma_semaphore, #tpu.memory_space<semaphore_mem>>) {add = true}
      %add3A_305 = arith.constant 3 : i32
      %add3A_306 = arith.addi %add3A_298, %add3A_305 : i32
      %lt3A_307 = arith.constant 78 : i32
      %lt3A_308 = arith.cmpi slt, %add3A_306, %lt3A_307 : i32
      %convert_element_type3A_309 = arith.extui %lt3A_308 : i1 to i32
      %cond3A_310 = arith.constant 0 : i32
      %cond3A_311 = arith.cmpi ne, %convert_element_type3A_309, %cond3A_310 : i32
      scf.if %cond3A_311 {
        %add3A_331 = arith.constant 3 : i32
        %add3A_332 = arith.addi %add3A_298, %add3A_331 : i32
        %mul3A_333 = arith.constant 128 : i32
        %mul3A_334 = arith.muli %add3A_332, %mul3A_333 : i32
        %add3A_335 = arith.addi %mul3A_2, %mul3A_334 : i32
        %dma_start3A_336 = tpu.memref_slice %arg3[%add3A_335] : memref<640000xi32, #tpu.memory_space<hbm>> -> memref<128xi32, #tpu.memory_space<hbm>>
        %dma_start3A_337 = tpu.memref_slice %arg3[%add3A_335] : memref<640000xi32, #tpu.memory_space<hbm>> -> memref<128xi32, #tpu.memory_space<hbm>>
        tpu.enqueue_dma source(%dma_start3A_337 : memref<128xi32, #tpu.memory_space<hbm>>) target(%arg10 : memref<128xi32, #tpu.memory_space<vmem>>) target_semaphore(%arg30 : memref<!tpu.dma_semaphore, #tpu.memory_space<semaphore_mem>>)
        %add3A_338 = arith.constant 320000 : i32
        %add3A_339 = arith.addi %add3A_338, %mul3A_2 : i32
        %mul3A_340 = arith.constant 128 : i32
        %mul3A_341 = arith.muli %add3A_332, %mul3A_340 : i32
        %add3A_342 = arith.addi %add3A_339, %mul3A_341 : i32
        %dma_start3A_343 = tpu.memref_slice %arg3[%add3A_342] : memref<640000xi32, #tpu.memory_space<hbm>> -> memref<128xi32, #tpu.memory_space<hbm>>
        %dma_start3A_344 = tpu.memref_slice %arg3[%add3A_342] : memref<640000xi32, #tpu.memory_space<hbm>> -> memref<128xi32, #tpu.memory_space<hbm>>
        tpu.enqueue_dma source(%dma_start3A_344 : memref<128xi32, #tpu.memory_space<hbm>>) target(%arg16 : memref<128xi32, #tpu.memory_space<vmem>>) target_semaphore(%arg30 : memref<!tpu.dma_semaphore, #tpu.memory_space<semaphore_mem>>)
        %dma_wait3A_345 = arith.constant 0 : i32
        %dma_wait3A_346 = arith.constant 0 : i32
        %dma_wait3A_347 = tpu.memref_slice %arg5[%dma_wait3A_345, %dma_wait3A_346] : memref<10000x128xf32, #tpu.memory_space<vmem_shared>> -> memref<10000x128xf32, #tpu.memory_space<vmem_shared>>
        tpu.wait_indirect_dma semaphore(%arg27 : memref<!tpu.dma_semaphore, #tpu.memory_space<semaphore_mem>>) src(%arg7 : memref<128x128xf32, #tpu.memory_space<vmem>>) dst(%dma_wait3A_347 : memref<10000x128xf32, #tpu.memory_space<vmem_shared>>)
        %add3A_348 = arith.constant 3 : i32
        %add3A_349 = arith.addi %add3A_298, %add3A_348 : i32
        %mul3A_350 = arith.constant 128 : i32
        %mul3A_351 = arith.muli %add3A_349, %mul3A_350 : i32
        %add3A_352 = arith.addi %mul3A_2, %mul3A_351 : i32
        %dma_wait3A_353 = tpu.memref_slice %arg3[%add3A_352] : memref<640000xi32, #tpu.memory_space<hbm>> -> memref<128xi32, #tpu.memory_space<hbm>>
        %dma_wait3A_354 = tpu.memref_slice %arg3[%add3A_352] : memref<640000xi32, #tpu.memory_space<hbm>> -> memref<128xi32, #tpu.memory_space<hbm>>
        tpu.wait_dma2 semaphore(%arg30 : memref<!tpu.dma_semaphore, #tpu.memory_space<semaphore_mem>>) src(%dma_wait3A_354 : memref<128xi32, #tpu.memory_space<hbm>>) dst(%arg10 : memref<128xi32, #tpu.memory_space<vmem>>)
        %add3A_355 = arith.constant 320000 : i32
        %add3A_356 = arith.addi %add3A_355, %mul3A_2 : i32
        %mul3A_357 = arith.constant 128 : i32
        %mul3A_358 = arith.muli %add3A_349, %mul3A_357 : i32
        %add3A_359 = arith.addi %add3A_356, %mul3A_358 : i32
        %dma_wait3A_360 = tpu.memref_slice %arg3[%add3A_359] : memref<640000xi32, #tpu.memory_space<hbm>> -> memref<128xi32, #tpu.memory_space<hbm>>
        %dma_wait3A_361 = tpu.memref_slice %arg3[%add3A_359] : memref<640000xi32, #tpu.memory_space<hbm>> -> memref<128xi32, #tpu.memory_space<hbm>>
        tpu.wait_dma2 semaphore(%arg30 : memref<!tpu.dma_semaphore, #tpu.memory_space<semaphore_mem>>) src(%dma_wait3A_361 : memref<128xi32, #tpu.memory_space<hbm>>) dst(%arg16 : memref<128xi32, #tpu.memory_space<vmem>>)
        %dma_start3A_362 = arith.constant 0 : i32
        %dma_start3A_363 = arith.constant 0 : i32
        %dma_start3A_364 = tpu.memref_slice %arg2[%dma_start3A_362, %dma_start3A_363] : memref<10000x128xf32, #tpu.memory_space<hbm>> -> memref<10000x128xf32, #tpu.memory_space<hbm>>
        tpu.enqueue_indirect_dma source(%dma_start3A_364 : memref<10000x128xf32, #tpu.memory_space<hbm>>) target(%arg7 : memref<128x128xf32, #tpu.memory_space<vmem>>) offsets(%arg10 : memref<128xi32, #tpu.memory_space<vmem>>) semaphore(%arg24 : memref<!tpu.dma_semaphore, #tpu.memory_space<semaphore_mem>>)
      } else {
      }
      %mul3A_312 = arith.constant 6 : i32
      %mul3A_313 = arith.muli %scan3A_216, %mul3A_312 : i32
      %add3A_314 = arith.constant 3 : i32
      %add3A_315 = arith.addi %mul3A_313, %add3A_314 : i32
      %add3A_316 = arith.constant 2 : i32
      %add3A_317 = arith.addi %add3A_315, %add3A_316 : i32
      %dma_wait3A_318 = arith.constant 0 : i32
      %dma_wait3A_319 = arith.constant 0 : i32
      %dma_wait3A_320 = tpu.memref_slice %arg2[%dma_wait3A_318, %dma_wait3A_319] : memref<10000x128xf32, #tpu.memory_space<hbm>> -> memref<10000x128xf32, #tpu.memory_space<hbm>>
      tpu.wait_indirect_dma semaphore(%arg25 : memref<!tpu.dma_semaphore, #tpu.memory_space<semaphore_mem>>) src(%dma_wait3A_320 : memref<10000x128xf32, #tpu.memory_space<hbm>>) dst(%arg8 : memref<128x128xf32, #tpu.memory_space<vmem>>)
      %dma_start3A_321 = arith.constant 0 : i32
      %dma_start3A_322 = arith.constant 0 : i32
      %dma_start3A_323 = tpu.memref_slice %arg5[%dma_start3A_321, %dma_start3A_322] : memref<10000x128xf32, #tpu.memory_space<vmem_shared>> -> memref<10000x128xf32, #tpu.memory_space<vmem_shared>>
      tpu.enqueue_indirect_dma source(%arg8 : memref<128x128xf32, #tpu.memory_space<vmem>>) target(%dma_start3A_323 : memref<10000x128xf32, #tpu.memory_space<vmem_shared>>) offsets(%arg20 : memref<128xi32, #tpu.memory_space<vmem>>) semaphore(%arg28 : memref<!tpu.dma_semaphore, #tpu.memory_space<semaphore_mem>>) {add = true}
      %add3A_324 = arith.constant 3 : i32
      %add3A_325 = arith.addi %add3A_317, %add3A_324 : i32
      %lt3A_326 = arith.constant 78 : i32
      %lt3A_327 = arith.cmpi slt, %add3A_325, %lt3A_326 : i32
      %convert_element_type3A_328 = arith.extui %lt3A_327 : i1 to i32
      %cond3A_329 = arith.constant 0 : i32
      %cond3A_330 = arith.cmpi ne, %convert_element_type3A_328, %cond3A_329 : i32
      scf.if %cond3A_330 {
        %add3A_331 = arith.constant 3 : i32
        %add3A_332 = arith.addi %add3A_317, %add3A_331 : i32
        %mul3A_333 = arith.constant 128 : i32
        %mul3A_334 = arith.muli %add3A_332, %mul3A_333 : i32
        %add3A_335 = arith.addi %mul3A_2, %mul3A_334 : i32
        %dma_start3A_336 = tpu.memref_slice %arg3[%add3A_335] : memref<640000xi32, #tpu.memory_space<hbm>> -> memref<128xi32, #tpu.memory_space<hbm>>
        %dma_start3A_337 = tpu.memref_slice %arg3[%add3A_335] : memref<640000xi32, #tpu.memory_space<hbm>> -> memref<128xi32, #tpu.memory_space<hbm>>
        tpu.enqueue_dma source(%dma_start3A_337 : memref<128xi32, #tpu.memory_space<hbm>>) target(%arg11 : memref<128xi32, #tpu.memory_space<vmem>>) target_semaphore(%arg31 : memref<!tpu.dma_semaphore, #tpu.memory_space<semaphore_mem>>)
        %add3A_338 = arith.constant 320000 : i32
        %add3A_339 = arith.addi %add3A_338, %mul3A_2 : i32
        %mul3A_340 = arith.constant 128 : i32
        %mul3A_341 = arith.muli %add3A_332, %mul3A_340 : i32
        %add3A_342 = arith.addi %add3A_339, %mul3A_341 : i32
        %dma_start3A_343 = tpu.memref_slice %arg3[%add3A_342] : memref<640000xi32, #tpu.memory_space<hbm>> -> memref<128xi32, #tpu.memory_space<hbm>>
        %dma_start3A_344 = tpu.memref_slice %arg3[%add3A_342] : memref<640000xi32, #tpu.memory_space<hbm>> -> memref<128xi32, #tpu.memory_space<hbm>>
        tpu.enqueue_dma source(%dma_start3A_344 : memref<128xi32, #tpu.memory_space<hbm>>) target(%arg17 : memref<128xi32, #tpu.memory_space<vmem>>) target_semaphore(%arg31 : memref<!tpu.dma_semaphore, #tpu.memory_space<semaphore_mem>>)
        %dma_wait3A_345 = arith.constant 0 : i32
        %dma_wait3A_346 = arith.constant 0 : i32
        %dma_wait3A_347 = tpu.memref_slice %arg5[%dma_wait3A_345, %dma_wait3A_346] : memref<10000x128xf32, #tpu.memory_space<vmem_shared>> -> memref<10000x128xf32, #tpu.memory_space<vmem_shared>>
        tpu.wait_indirect_dma semaphore(%arg28 : memref<!tpu.dma_semaphore, #tpu.memory_space<semaphore_mem>>) src(%arg8 : memref<128x128xf32, #tpu.memory_space<vmem>>) dst(%dma_wait3A_347 : memref<10000x128xf32, #tpu.memory_space<vmem_shared>>)
        %add3A_348 = arith.constant 3 : i32
        %add3A_349 = arith.addi %add3A_317, %add3A_348 : i32
        %mul3A_350 = arith.constant 128 : i32
        %mul3A_351 = arith.muli %add3A_349, %mul3A_350 : i32
        %add3A_352 = arith.addi %mul3A_2, %mul3A_351 : i32
        %dma_wait3A_353 = tpu.memref_slice %arg3[%add3A_352] : memref<640000xi32, #tpu.memory_space<hbm>> -> memref<128xi32, #tpu.memory_space<hbm>>
        %dma_wait3A_354 = tpu.memref_slice %arg3[%add3A_352] : memref<640000xi32, #tpu.memory_space<hbm>> -> memref<128xi32, #tpu.memory_space<hbm>>
        tpu.wait_dma2 semaphore(%arg31 : memref<!tpu.dma_semaphore, #tpu.memory_space<semaphore_mem>>) src(%dma_wait3A_354 : memref<128xi32, #tpu.memory_space<hbm>>) dst(%arg11 : memref<128xi32, #tpu.memory_space<vmem>>)
        %add3A_355 = arith.constant 320000 : i32
        %add3A_356 = arith.addi %add3A_355, %mul3A_2 : i32
        %mul3A_357 = arith.constant 128 : i32
        %mul3A_358 = arith.muli %add3A_349, %mul3A_357 : i32
        %add3A_359 = arith.addi %add3A_356, %mul3A_358 : i32
        %dma_wait3A_360 = tpu.memref_slice %arg3[%add3A_359] : memref<640000xi32, #tpu.memory_space<hbm>> -> memref<128xi32, #tpu.memory_space<hbm>>
        %dma_wait3A_361 = tpu.memref_slice %arg3[%add3A_359] : memref<640000xi32, #tpu.memory_space<hbm>> -> memref<128xi32, #tpu.memory_space<hbm>>
        tpu.wait_dma2 semaphore(%arg31 : memref<!tpu.dma_semaphore, #tpu.memory_space<semaphore_mem>>) src(%dma_wait3A_361 : memref<128xi32, #tpu.memory_space<hbm>>) dst(%arg17 : memref<128xi32, #tpu.memory_space<vmem>>)
        %dma_start3A_362 = arith.constant 0 : i32
        %dma_start3A_363 = arith.constant 0 : i32
        %dma_start3A_364 = tpu.memref_slice %arg2[%dma_start3A_362, %dma_start3A_363] : memref<10000x128xf32, #tpu.memory_space<hbm>> -> memref<10000x128xf32, #tpu.memory_space<hbm>>
        tpu.enqueue_indirect_dma source(%dma_start3A_364 : memref<10000x128xf32, #tpu.memory_space<hbm>>) target(%arg8 : memref<128x128xf32, #tpu.memory_space<vmem>>) offsets(%arg11 : memref<128xi32, #tpu.memory_space<vmem>>) semaphore(%arg25 : memref<!tpu.dma_semaphore, #tpu.memory_space<semaphore_mem>>)
      } else {
      }
    }
    %scan3A_133 = arith.constant 13 : i32
    %dma_wait3A_134 = arith.constant 0 : i32
    %dma_wait3A_135 = arith.constant 0 : i32
    %dma_wait3A_136 = tpu.memref_slice %arg5[%dma_wait3A_134, %dma_wait3A_135] : memref<10000x128xf32, #tpu.memory_space<vmem_shared>> -> memref<10000x128xf32, #tpu.memory_space<vmem_shared>>
    tpu.wait_indirect_dma semaphore(%arg26 : memref<!tpu.dma_semaphore, #tpu.memory_space<semaphore_mem>>) src(%arg6 : memref<128x128xf32, #tpu.memory_space<vmem>>) dst(%dma_wait3A_136 : memref<10000x128xf32, #tpu.memory_space<vmem_shared>>)
    %dma_wait3A_137 = arith.constant 0 : i32
    %dma_wait3A_138 = arith.constant 0 : i32
    %dma_wait3A_139 = tpu.memref_slice %arg5[%dma_wait3A_137, %dma_wait3A_138] : memref<10000x128xf32, #tpu.memory_space<vmem_shared>> -> memref<10000x128xf32, #tpu.memory_space<vmem_shared>>
    tpu.wait_indirect_dma semaphore(%arg27 : memref<!tpu.dma_semaphore, #tpu.memory_space<semaphore_mem>>) src(%arg7 : memref<128x128xf32, #tpu.memory_space<vmem>>) dst(%dma_wait3A_139 : memref<10000x128xf32, #tpu.memory_space<vmem_shared>>)
    %dma_wait3A_140 = arith.constant 0 : i32
    %dma_wait3A_141 = arith.constant 0 : i32
    %dma_wait3A_142 = tpu.memref_slice %arg5[%dma_wait3A_140, %dma_wait3A_141] : memref<10000x128xf32, #tpu.memory_space<vmem_shared>> -> memref<10000x128xf32, #tpu.memory_space<vmem_shared>>
    tpu.wait_indirect_dma semaphore(%arg28 : memref<!tpu.dma_semaphore, #tpu.memory_space<semaphore_mem>>) src(%arg8 : memref<128x128xf32, #tpu.memory_space<vmem>>) dst(%dma_wait3A_142 : memref<10000x128xf32, #tpu.memory_space<vmem_shared>>)
    %add3A_143 = arith.constant 9984 : i32
    %add3A_144 = arith.addi %mul3A_2, %add3A_143 : i32
    "tpu.region"() ({
      %run_scoped3A = tpu.sem_alloc : memref<!tpu.dma_semaphore, #tpu.memory_space<semaphore_mem>>
      %dma_start3A_216 = tpu.memref_slice %arg3[%add3A_144] : memref<640000xi32, #tpu.memory_space<hbm>> -> memref<16xi32, #tpu.memory_space<hbm>>
      %dma_start3A_217 = tpu.memref_slice %arg3[%add3A_144] : memref<640000xi32, #tpu.memory_space<hbm>> -> memref<16xi32, #tpu.memory_space<hbm>>
      tpu.enqueue_dma source(%dma_start3A_217 : memref<16xi32, #tpu.memory_space<hbm>>) target(%arg21 : memref<16xi32, #tpu.memory_space<vmem>>) target_semaphore(%run_scoped3A : memref<!tpu.dma_semaphore, #tpu.memory_space<semaphore_mem>>)
      %dma_wait3A_218 = tpu.memref_slice %arg3[%add3A_144] : memref<640000xi32, #tpu.memory_space<hbm>> -> memref<16xi32, #tpu.memory_space<hbm>>
      %dma_wait3A_219 = tpu.memref_slice %arg3[%add3A_144] : memref<640000xi32, #tpu.memory_space<hbm>> -> memref<16xi32, #tpu.memory_space<hbm>>
      tpu.wait_dma2 semaphore(%run_scoped3A : memref<!tpu.dma_semaphore, #tpu.memory_space<semaphore_mem>>) src(%dma_wait3A_219 : memref<16xi32, #tpu.memory_space<hbm>>) dst(%arg21 : memref<16xi32, #tpu.memory_space<vmem>>)
      tpu.yield
    }) : () -> ()
    %add3A_145 = arith.constant 320000 : i32
    %add3A_146 = arith.addi %add3A_145, %add3A_144 : i32
    "tpu.region"() ({
      %run_scoped3A = tpu.sem_alloc : memref<!tpu.dma_semaphore, #tpu.memory_space<semaphore_mem>>
      %dma_start3A_216 = tpu.memref_slice %arg3[%add3A_146] : memref<640000xi32, #tpu.memory_space<hbm>> -> memref<16xi32, #tpu.memory_space<hbm>>
      %dma_start3A_217 = tpu.memref_slice %arg3[%add3A_146] : memref<640000xi32, #tpu.memory_space<hbm>> -> memref<16xi32, #tpu.memory_space<hbm>>
      tpu.enqueue_dma source(%dma_start3A_217 : memref<16xi32, #tpu.memory_space<hbm>>) target(%arg22 : memref<16xi32, #tpu.memory_space<vmem>>) target_semaphore(%run_scoped3A : memref<!tpu.dma_semaphore, #tpu.memory_space<semaphore_mem>>)
      %dma_wait3A_218 = tpu.memref_slice %arg3[%add3A_146] : memref<640000xi32, #tpu.memory_space<hbm>> -> memref<16xi32, #tpu.memory_space<hbm>>
      %dma_wait3A_219 = tpu.memref_slice %arg3[%add3A_146] : memref<640000xi32, #tpu.memory_space<hbm>> -> memref<16xi32, #tpu.memory_space<hbm>>
      tpu.wait_dma2 semaphore(%run_scoped3A : memref<!tpu.dma_semaphore, #tpu.memory_space<semaphore_mem>>) src(%dma_wait3A_219 : memref<16xi32, #tpu.memory_space<hbm>>) dst(%arg22 : memref<16xi32, #tpu.memory_space<vmem>>)
      tpu.yield
    }) : () -> ()
    %dma_start3A_147 = arith.constant 0 : i32
    %dma_start3A_148 = arith.constant 0 : i32
    %dma_start3A_149 = tpu.memref_slice %arg6[%dma_start3A_147, %dma_start3A_148] : memref<128x128xf32, #tpu.memory_space<vmem>> -> memref<16x128xf32, #tpu.memory_space<vmem>>
    %dma_start3A_150 = arith.constant 0 : i32
    %dma_start3A_151 = arith.constant 0 : i32
    %dma_start3A_152 = tpu.memref_slice %arg2[%dma_start3A_150, %dma_start3A_151] : memref<10000x128xf32, #tpu.memory_space<hbm>> -> memref<10000x128xf32, #tpu.memory_space<hbm>>
    tpu.enqueue_indirect_dma source(%dma_start3A_152 : memref<10000x128xf32, #tpu.memory_space<hbm>>) target(%dma_start3A_149 : memref<16x128xf32, #tpu.memory_space<vmem>>) offsets(%arg21 : memref<16xi32, #tpu.memory_space<vmem>>) semaphore(%arg23 : memref<!tpu.dma_semaphore, #tpu.memory_space<semaphore_mem>>)
    %dma_wait3A_153 = arith.constant 0 : i32
    %dma_wait3A_154 = arith.constant 0 : i32
    %dma_wait3A_155 = tpu.memref_slice %arg6[%dma_wait3A_153, %dma_wait3A_154] : memref<128x128xf32, #tpu.memory_space<vmem>> -> memref<16x128xf32, #tpu.memory_space<vmem>>
    %dma_wait3A_156 = arith.constant 0 : i32
    %dma_wait3A_157 = arith.constant 0 : i32
    %dma_wait3A_158 = tpu.memref_slice %arg2[%dma_wait3A_156, %dma_wait3A_157] : memref<10000x128xf32, #tpu.memory_space<hbm>> -> memref<10000x128xf32, #tpu.memory_space<hbm>>
    tpu.wait_indirect_dma semaphore(%arg23 : memref<!tpu.dma_semaphore, #tpu.memory_space<semaphore_mem>>) src(%dma_wait3A_158 : memref<10000x128xf32, #tpu.memory_space<hbm>>) dst(%dma_wait3A_155 : memref<16x128xf32, #tpu.memory_space<vmem>>)
    "tpu.region"() ({
      %run_scoped3A = tpu.sem_alloc : memref<!tpu.dma_semaphore, #tpu.memory_space<semaphore_mem>>
      %dma_start3A_216 = arith.constant 0 : i32
      %dma_start3A_217 = arith.constant 0 : i32
      %dma_start3A_218 = tpu.memref_slice %arg6[%dma_start3A_216, %dma_start3A_217] : memref<128x128xf32, #tpu.memory_space<vmem>> -> memref<16x128xf32, #tpu.memory_space<vmem>>
      %dma_start3A_219 = arith.constant 0 : i32
      %dma_start3A_220 = arith.constant 0 : i32
      %dma_start3A_221 = tpu.memref_slice %arg5[%dma_start3A_219, %dma_start3A_220] : memref<10000x128xf32, #tpu.memory_space<vmem_shared>> -> memref<10000x128xf32, #tpu.memory_space<vmem_shared>>
      tpu.enqueue_indirect_dma source(%dma_start3A_218 : memref<16x128xf32, #tpu.memory_space<vmem>>) target(%dma_start3A_221 : memref<10000x128xf32, #tpu.memory_space<vmem_shared>>) offsets(%arg22 : memref<16xi32, #tpu.memory_space<vmem>>) semaphore(%run_scoped3A : memref<!tpu.dma_semaphore, #tpu.memory_space<semaphore_mem>>) {add = true}
      %dma_wait3A_222 = arith.constant 0 : i32
      %dma_wait3A_223 = arith.constant 0 : i32
      %dma_wait3A_224 = tpu.memref_slice %arg6[%dma_wait3A_222, %dma_wait3A_223] : memref<128x128xf32, #tpu.memory_space<vmem>> -> memref<16x128xf32, #tpu.memory_space<vmem>>
      %dma_wait3A_225 = arith.constant 0 : i32
      %dma_wait3A_226 = arith.constant 0 : i32
      %dma_wait3A_227 = tpu.memref_slice %arg5[%dma_wait3A_225, %dma_wait3A_226] : memref<10000x128xf32, #tpu.memory_space<vmem_shared>> -> memref<10000x128xf32, #tpu.memory_space<vmem_shared>>
      tpu.wait_indirect_dma semaphore(%run_scoped3A : memref<!tpu.dma_semaphore, #tpu.memory_space<semaphore_mem>>) src(%dma_wait3A_224 : memref<16x128xf32, #tpu.memory_space<vmem>>) dst(%dma_wait3A_227 : memref<10000x128xf32, #tpu.memory_space<vmem_shared>>)
      tpu.yield
    }) : () -> ()
    %barrier3A_159 = arith.constant 0 : index
    tpu.barrier barrier_id(%barrier3A_159)
    %add3A_160 = arith.constant 0 : i32
    %add3A_161 = arith.addi %arg1, %add3A_160 : i32
    %lt3A_162 = arith.constant 125 : i32
    %lt3A_163 = arith.cmpi slt, %add3A_161, %lt3A_162 : i32
    %convert_element_type3A_164 = arith.extui %lt3A_163 : i1 to i32
    %cond3A_165 = arith.constant 0 : i32
    %cond3A_166 = arith.cmpi ne, %convert_element_type3A_164, %cond3A_165 : i32
    scf.if %cond3A_166 {
      %mul3A_216 = arith.constant 80 : i32
      %mul3A_217 = arith.muli %add3A_161, %mul3A_216 : i32
      %mul3A_218 = arith.constant 10000 : i32
      %mul3A_219 = arith.muli %arg0, %mul3A_218 : i32
      %mul3A_220 = arith.constant 80 : i32
      %mul3A_221 = arith.muli %add3A_161, %mul3A_220 : i32
      %add3A_222 = arith.addi %mul3A_219, %mul3A_221 : i32
      "tpu.region"() ({
        %run_scoped3A = tpu.sem_alloc : memref<!tpu.dma_semaphore, #tpu.memory_space<semaphore_mem>>
        %dma_start3A_223 = arith.constant 0 : i32
        %dma_start3A_224 = tpu.memref_slice %arg4[%add3A_222, %dma_start3A_223] : memref<20000x128xf32, #tpu.memory_space<hbm>> -> memref<80x128xf32, #tpu.memory_space<hbm>>
        %dma_start3A_225 = arith.constant 0 : i32
        %dma_start3A_226 = tpu.memref_slice %arg5[%mul3A_217, %dma_start3A_225] : memref<10000x128xf32, #tpu.memory_space<vmem_shared>> -> memref<80x128xf32, #tpu.memory_space<vmem_shared>>
        tpu.enqueue_dma source(%dma_start3A_226 : memref<80x128xf32, #tpu.memory_space<vmem_shared>>) target(%dma_start3A_224 : memref<80x128xf32, #tpu.memory_space<hbm>>) target_semaphore(%run_scoped3A : memref<!tpu.dma_semaphore, #tpu.memory_space<semaphore_mem>>)
        %dma_wait3A_227 = arith.constant 0 : i32
        %dma_wait3A_228 = tpu.memref_slice %arg4[%add3A_222, %dma_wait3A_227] : memref<20000x128xf32, #tpu.memory_space<hbm>> -> memref<80x128xf32, #tpu.memory_space<hbm>>
        %dma_wait3A_229 = arith.constant 0 : i32
        %dma_wait3A_230 = tpu.memref_slice %arg5[%mul3A_217, %dma_wait3A_229] : memref<10000x128xf32, #tpu.memory_space<vmem_shared>> -> memref<80x128xf32, #tpu.memory_space<vmem_shared>>
        tpu.wait_dma2 semaphore(%run_scoped3A : memref<!tpu.dma_semaphore, #tpu.memory_space<semaphore_mem>>) src(%dma_wait3A_230 : memref<80x128xf32, #tpu.memory_space<vmem_shared>>) dst(%dma_wait3A_228 : memref<80x128xf32, #tpu.memory_space<hbm>>)
        tpu.yield
      }) : () -> ()
    } else {
    }
    %add3A_167 = arith.constant 16 : i32
    %add3A_168 = arith.addi %arg1, %add3A_167 : i32
    %lt3A_169 = arith.constant 125 : i32
    %lt3A_170 = arith.cmpi slt, %add3A_168, %lt3A_169 : i32
    %convert_element_type3A_171 = arith.extui %lt3A_170 : i1 to i32
    %cond3A_172 = arith.constant 0 : i32
    %cond3A_173 = arith.cmpi ne, %convert_element_type3A_171, %cond3A_172 : i32
    scf.if %cond3A_173 {
      %mul3A_216 = arith.constant 80 : i32
      %mul3A_217 = arith.muli %add3A_168, %mul3A_216 : i32
      %mul3A_218 = arith.constant 10000 : i32
      %mul3A_219 = arith.muli %arg0, %mul3A_218 : i32
      %mul3A_220 = arith.constant 80 : i32
      %mul3A_221 = arith.muli %add3A_168, %mul3A_220 : i32
      %add3A_222 = arith.addi %mul3A_219, %mul3A_221 : i32
      "tpu.region"() ({
        %run_scoped3A = tpu.sem_alloc : memref<!tpu.dma_semaphore, #tpu.memory_space<semaphore_mem>>
        %dma_start3A_223 = arith.constant 0 : i32
        %dma_start3A_224 = tpu.memref_slice %arg4[%add3A_222, %dma_start3A_223] : memref<20000x128xf32, #tpu.memory_space<hbm>> -> memref<80x128xf32, #tpu.memory_space<hbm>>
        %dma_start3A_225 = arith.constant 0 : i32
        %dma_start3A_226 = tpu.memref_slice %arg5[%mul3A_217, %dma_start3A_225] : memref<10000x128xf32, #tpu.memory_space<vmem_shared>> -> memref<80x128xf32, #tpu.memory_space<vmem_shared>>
        tpu.enqueue_dma source(%dma_start3A_226 : memref<80x128xf32, #tpu.memory_space<vmem_shared>>) target(%dma_start3A_224 : memref<80x128xf32, #tpu.memory_space<hbm>>) target_semaphore(%run_scoped3A : memref<!tpu.dma_semaphore, #tpu.memory_space<semaphore_mem>>)
        %dma_wait3A_227 = arith.constant 0 : i32
        %dma_wait3A_228 = tpu.memref_slice %arg4[%add3A_222, %dma_wait3A_227] : memref<20000x128xf32, #tpu.memory_space<hbm>> -> memref<80x128xf32, #tpu.memory_space<hbm>>
        %dma_wait3A_229 = arith.constant 0 : i32
        %dma_wait3A_230 = tpu.memref_slice %arg5[%mul3A_217, %dma_wait3A_229] : memref<10000x128xf32, #tpu.memory_space<vmem_shared>> -> memref<80x128xf32, #tpu.memory_space<vmem_shared>>
        tpu.wait_dma2 semaphore(%run_scoped3A : memref<!tpu.dma_semaphore, #tpu.memory_space<semaphore_mem>>) src(%dma_wait3A_230 : memref<80x128xf32, #tpu.memory_space<vmem_shared>>) dst(%dma_wait3A_228 : memref<80x128xf32, #tpu.memory_space<hbm>>)
        tpu.yield
      }) : () -> ()
    } else {
    }
    %add3A_174 = arith.constant 32 : i32
    %add3A_175 = arith.addi %arg1, %add3A_174 : i32
    %lt3A_176 = arith.constant 125 : i32
    %lt3A_177 = arith.cmpi slt, %add3A_175, %lt3A_176 : i32
    %convert_element_type3A_178 = arith.extui %lt3A_177 : i1 to i32
    %cond3A_179 = arith.constant 0 : i32
    %cond3A_180 = arith.cmpi ne, %convert_element_type3A_178, %cond3A_179 : i32
    scf.if %cond3A_180 {
      %mul3A_216 = arith.constant 80 : i32
      %mul3A_217 = arith.muli %add3A_175, %mul3A_216 : i32
      %mul3A_218 = arith.constant 10000 : i32
      %mul3A_219 = arith.muli %arg0, %mul3A_218 : i32
      %mul3A_220 = arith.constant 80 : i32
      %mul3A_221 = arith.muli %add3A_175, %mul3A_220 : i32
      %add3A_222 = arith.addi %mul3A_219, %mul3A_221 : i32
      "tpu.region"() ({
        %run_scoped3A = tpu.sem_alloc : memref<!tpu.dma_semaphore, #tpu.memory_space<semaphore_mem>>
        %dma_start3A_223 = arith.constant 0 : i32
        %dma_start3A_224 = tpu.memref_slice %arg4[%add3A_222, %dma_start3A_223] : memref<20000x128xf32, #tpu.memory_space<hbm>> -> memref<80x128xf32, #tpu.memory_space<hbm>>
        %dma_start3A_225 = arith.constant 0 : i32
        %dma_start3A_226 = tpu.memref_slice %arg5[%mul3A_217, %dma_start3A_225] : memref<10000x128xf32, #tpu.memory_space<vmem_shared>> -> memref<80x128xf32, #tpu.memory_space<vmem_shared>>
        tpu.enqueue_dma source(%dma_start3A_226 : memref<80x128xf32, #tpu.memory_space<vmem_shared>>) target(%dma_start3A_224 : memref<80x128xf32, #tpu.memory_space<hbm>>) target_semaphore(%run_scoped3A : memref<!tpu.dma_semaphore, #tpu.memory_space<semaphore_mem>>)
        %dma_wait3A_227 = arith.constant 0 : i32
        %dma_wait3A_228 = tpu.memref_slice %arg4[%add3A_222, %dma_wait3A_227] : memref<20000x128xf32, #tpu.memory_space<hbm>> -> memref<80x128xf32, #tpu.memory_space<hbm>>
        %dma_wait3A_229 = arith.constant 0 : i32
        %dma_wait3A_230 = tpu.memref_slice %arg5[%mul3A_217, %dma_wait3A_229] : memref<10000x128xf32, #tpu.memory_space<vmem_shared>> -> memref<80x128xf32, #tpu.memory_space<vmem_shared>>
        tpu.wait_dma2 semaphore(%run_scoped3A : memref<!tpu.dma_semaphore, #tpu.memory_space<semaphore_mem>>) src(%dma_wait3A_230 : memref<80x128xf32, #tpu.memory_space<vmem_shared>>) dst(%dma_wait3A_228 : memref<80x128xf32, #tpu.memory_space<hbm>>)
        tpu.yield
      }) : () -> ()
    } else {
    }
    %add3A_181 = arith.constant 48 : i32
    %add3A_182 = arith.addi %arg1, %add3A_181 : i32
    %lt3A_183 = arith.constant 125 : i32
    %lt3A_184 = arith.cmpi slt, %add3A_182, %lt3A_183 : i32
    %convert_element_type3A_185 = arith.extui %lt3A_184 : i1 to i32
    %cond3A_186 = arith.constant 0 : i32
    %cond3A_187 = arith.cmpi ne, %convert_element_type3A_185, %cond3A_186 : i32
    scf.if %cond3A_187 {
      %mul3A_216 = arith.constant 80 : i32
      %mul3A_217 = arith.muli %add3A_182, %mul3A_216 : i32
      %mul3A_218 = arith.constant 10000 : i32
      %mul3A_219 = arith.muli %arg0, %mul3A_218 : i32
      %mul3A_220 = arith.constant 80 : i32
      %mul3A_221 = arith.muli %add3A_182, %mul3A_220 : i32
      %add3A_222 = arith.addi %mul3A_219, %mul3A_221 : i32
      "tpu.region"() ({
        %run_scoped3A = tpu.sem_alloc : memref<!tpu.dma_semaphore, #tpu.memory_space<semaphore_mem>>
        %dma_start3A_223 = arith.constant 0 : i32
        %dma_start3A_224 = tpu.memref_slice %arg4[%add3A_222, %dma_start3A_223] : memref<20000x128xf32, #tpu.memory_space<hbm>> -> memref<80x128xf32, #tpu.memory_space<hbm>>
        %dma_start3A_225 = arith.constant 0 : i32
        %dma_start3A_226 = tpu.memref_slice %arg5[%mul3A_217, %dma_start3A_225] : memref<10000x128xf32, #tpu.memory_space<vmem_shared>> -> memref<80x128xf32, #tpu.memory_space<vmem_shared>>
        tpu.enqueue_dma source(%dma_start3A_226 : memref<80x128xf32, #tpu.memory_space<vmem_shared>>) target(%dma_start3A_224 : memref<80x128xf32, #tpu.memory_space<hbm>>) target_semaphore(%run_scoped3A : memref<!tpu.dma_semaphore, #tpu.memory_space<semaphore_mem>>)
        %dma_wait3A_227 = arith.constant 0 : i32
        %dma_wait3A_228 = tpu.memref_slice %arg4[%add3A_222, %dma_wait3A_227] : memref<20000x128xf32, #tpu.memory_space<hbm>> -> memref<80x128xf32, #tpu.memory_space<hbm>>
        %dma_wait3A_229 = arith.constant 0 : i32
        %dma_wait3A_230 = tpu.memref_slice %arg5[%mul3A_217, %dma_wait3A_229] : memref<10000x128xf32, #tpu.memory_space<vmem_shared>> -> memref<80x128xf32, #tpu.memory_space<vmem_shared>>
        tpu.wait_dma2 semaphore(%run_scoped3A : memref<!tpu.dma_semaphore, #tpu.memory_space<semaphore_mem>>) src(%dma_wait3A_230 : memref<80x128xf32, #tpu.memory_space<vmem_shared>>) dst(%dma_wait3A_228 : memref<80x128xf32, #tpu.memory_space<hbm>>)
        tpu.yield
      }) : () -> ()
    } else {
    }
    %add3A_188 = arith.constant 64 : i32
    %add3A_189 = arith.addi %arg1, %add3A_188 : i32
    %lt3A_190 = arith.constant 125 : i32
    %lt3A_191 = arith.cmpi slt, %add3A_189, %lt3A_190 : i32
    %convert_element_type3A_192 = arith.extui %lt3A_191 : i1 to i32
    %cond3A_193 = arith.constant 0 : i32
    %cond3A_194 = arith.cmpi ne, %convert_element_type3A_192, %cond3A_193 : i32
    scf.if %cond3A_194 {
      %mul3A_216 = arith.constant 80 : i32
      %mul3A_217 = arith.muli %add3A_189, %mul3A_216 : i32
      %mul3A_218 = arith.constant 10000 : i32
      %mul3A_219 = arith.muli %arg0, %mul3A_218 : i32
      %mul3A_220 = arith.constant 80 : i32
      %mul3A_221 = arith.muli %add3A_189, %mul3A_220 : i32
      %add3A_222 = arith.addi %mul3A_219, %mul3A_221 : i32
      "tpu.region"() ({
        %run_scoped3A = tpu.sem_alloc : memref<!tpu.dma_semaphore, #tpu.memory_space<semaphore_mem>>
        %dma_start3A_223 = arith.constant 0 : i32
        %dma_start3A_224 = tpu.memref_slice %arg4[%add3A_222, %dma_start3A_223] : memref<20000x128xf32, #tpu.memory_space<hbm>> -> memref<80x128xf32, #tpu.memory_space<hbm>>
        %dma_start3A_225 = arith.constant 0 : i32
        %dma_start3A_226 = tpu.memref_slice %arg5[%mul3A_217, %dma_start3A_225] : memref<10000x128xf32, #tpu.memory_space<vmem_shared>> -> memref<80x128xf32, #tpu.memory_space<vmem_shared>>
        tpu.enqueue_dma source(%dma_start3A_226 : memref<80x128xf32, #tpu.memory_space<vmem_shared>>) target(%dma_start3A_224 : memref<80x128xf32, #tpu.memory_space<hbm>>) target_semaphore(%run_scoped3A : memref<!tpu.dma_semaphore, #tpu.memory_space<semaphore_mem>>)
        %dma_wait3A_227 = arith.constant 0 : i32
        %dma_wait3A_228 = tpu.memref_slice %arg4[%add3A_222, %dma_wait3A_227] : memref<20000x128xf32, #tpu.memory_space<hbm>> -> memref<80x128xf32, #tpu.memory_space<hbm>>
        %dma_wait3A_229 = arith.constant 0 : i32
        %dma_wait3A_230 = tpu.memref_slice %arg5[%mul3A_217, %dma_wait3A_229] : memref<10000x128xf32, #tpu.memory_space<vmem_shared>> -> memref<80x128xf32, #tpu.memory_space<vmem_shared>>
        tpu.wait_dma2 semaphore(%run_scoped3A : memref<!tpu.dma_semaphore, #tpu.memory_space<semaphore_mem>>) src(%dma_wait3A_230 : memref<80x128xf32, #tpu.memory_space<vmem_shared>>) dst(%dma_wait3A_228 : memref<80x128xf32, #tpu.memory_space<hbm>>)
        tpu.yield
      }) : () -> ()
    } else {
    }
    %add3A_195 = arith.constant 80 : i32
    %add3A_196 = arith.addi %arg1, %add3A_195 : i32
    %lt3A_197 = arith.constant 125 : i32
    %lt3A_198 = arith.cmpi slt, %add3A_196, %lt3A_197 : i32
    %convert_element_type3A_199 = arith.extui %lt3A_198 : i1 to i32
    %cond3A_200 = arith.constant 0 : i32
    %cond3A_201 = arith.cmpi ne, %convert_element_type3A_199, %cond3A_200 : i32
    scf.if %cond3A_201 {
      %mul3A_216 = arith.constant 80 : i32
      %mul3A_217 = arith.muli %add3A_196, %mul3A_216 : i32
      %mul3A_218 = arith.constant 10000 : i32
      %mul3A_219 = arith.muli %arg0, %mul3A_218 : i32
      %mul3A_220 = arith.constant 80 : i32
      %mul3A_221 = arith.muli %add3A_196, %mul3A_220 : i32
      %add3A_222 = arith.addi %mul3A_219, %mul3A_221 : i32
      "tpu.region"() ({
        %run_scoped3A = tpu.sem_alloc : memref<!tpu.dma_semaphore, #tpu.memory_space<semaphore_mem>>
        %dma_start3A_223 = arith.constant 0 : i32
        %dma_start3A_224 = tpu.memref_slice %arg4[%add3A_222, %dma_start3A_223] : memref<20000x128xf32, #tpu.memory_space<hbm>> -> memref<80x128xf32, #tpu.memory_space<hbm>>
        %dma_start3A_225 = arith.constant 0 : i32
        %dma_start3A_226 = tpu.memref_slice %arg5[%mul3A_217, %dma_start3A_225] : memref<10000x128xf32, #tpu.memory_space<vmem_shared>> -> memref<80x128xf32, #tpu.memory_space<vmem_shared>>
        tpu.enqueue_dma source(%dma_start3A_226 : memref<80x128xf32, #tpu.memory_space<vmem_shared>>) target(%dma_start3A_224 : memref<80x128xf32, #tpu.memory_space<hbm>>) target_semaphore(%run_scoped3A : memref<!tpu.dma_semaphore, #tpu.memory_space<semaphore_mem>>)
        %dma_wait3A_227 = arith.constant 0 : i32
        %dma_wait3A_228 = tpu.memref_slice %arg4[%add3A_222, %dma_wait3A_227] : memref<20000x128xf32, #tpu.memory_space<hbm>> -> memref<80x128xf32, #tpu.memory_space<hbm>>
        %dma_wait3A_229 = arith.constant 0 : i32
        %dma_wait3A_230 = tpu.memref_slice %arg5[%mul3A_217, %dma_wait3A_229] : memref<10000x128xf32, #tpu.memory_space<vmem_shared>> -> memref<80x128xf32, #tpu.memory_space<vmem_shared>>
        tpu.wait_dma2 semaphore(%run_scoped3A : memref<!tpu.dma_semaphore, #tpu.memory_space<semaphore_mem>>) src(%dma_wait3A_230 : memref<80x128xf32, #tpu.memory_space<vmem_shared>>) dst(%dma_wait3A_228 : memref<80x128xf32, #tpu.memory_space<hbm>>)
        tpu.yield
      }) : () -> ()
    } else {
    }
    %add3A_202 = arith.constant 96 : i32
    %add3A_203 = arith.addi %arg1, %add3A_202 : i32
    %lt3A_204 = arith.constant 125 : i32
    %lt3A_205 = arith.cmpi slt, %add3A_203, %lt3A_204 : i32
    %convert_element_type3A_206 = arith.extui %lt3A_205 : i1 to i32
    %cond3A_207 = arith.constant 0 : i32
    %cond3A_208 = arith.cmpi ne, %convert_element_type3A_206, %cond3A_207 : i32
    scf.if %cond3A_208 {
      %mul3A_216 = arith.constant 80 : i32
      %mul3A_217 = arith.muli %add3A_203, %mul3A_216 : i32
      %mul3A_218 = arith.constant 10000 : i32
      %mul3A_219 = arith.muli %arg0, %mul3A_218 : i32
      %mul3A_220 = arith.constant 80 : i32
      %mul3A_221 = arith.muli %add3A_203, %mul3A_220 : i32
      %add3A_222 = arith.addi %mul3A_219, %mul3A_221 : i32
      "tpu.region"() ({
        %run_scoped3A = tpu.sem_alloc : memref<!tpu.dma_semaphore, #tpu.memory_space<semaphore_mem>>
        %dma_start3A_223 = arith.constant 0 : i32
        %dma_start3A_224 = tpu.memref_slice %arg4[%add3A_222, %dma_start3A_223] : memref<20000x128xf32, #tpu.memory_space<hbm>> -> memref<80x128xf32, #tpu.memory_space<hbm>>
        %dma_start3A_225 = arith.constant 0 : i32
        %dma_start3A_226 = tpu.memref_slice %arg5[%mul3A_217, %dma_start3A_225] : memref<10000x128xf32, #tpu.memory_space<vmem_shared>> -> memref<80x128xf32, #tpu.memory_space<vmem_shared>>
        tpu.enqueue_dma source(%dma_start3A_226 : memref<80x128xf32, #tpu.memory_space<vmem_shared>>) target(%dma_start3A_224 : memref<80x128xf32, #tpu.memory_space<hbm>>) target_semaphore(%run_scoped3A : memref<!tpu.dma_semaphore, #tpu.memory_space<semaphore_mem>>)
        %dma_wait3A_227 = arith.constant 0 : i32
        %dma_wait3A_228 = tpu.memref_slice %arg4[%add3A_222, %dma_wait3A_227] : memref<20000x128xf32, #tpu.memory_space<hbm>> -> memref<80x128xf32, #tpu.memory_space<hbm>>
        %dma_wait3A_229 = arith.constant 0 : i32
        %dma_wait3A_230 = tpu.memref_slice %arg5[%mul3A_217, %dma_wait3A_229] : memref<10000x128xf32, #tpu.memory_space<vmem_shared>> -> memref<80x128xf32, #tpu.memory_space<vmem_shared>>
        tpu.wait_dma2 semaphore(%run_scoped3A : memref<!tpu.dma_semaphore, #tpu.memory_space<semaphore_mem>>) src(%dma_wait3A_230 : memref<80x128xf32, #tpu.memory_space<vmem_shared>>) dst(%dma_wait3A_228 : memref<80x128xf32, #tpu.memory_space<hbm>>)
        tpu.yield
      }) : () -> ()
    } else {
    }
    %add3A_209 = arith.constant 112 : i32
    %add3A_210 = arith.addi %arg1, %add3A_209 : i32
    %lt3A_211 = arith.constant 125 : i32
    %lt3A_212 = arith.cmpi slt, %add3A_210, %lt3A_211 : i32
    %convert_element_type3A_213 = arith.extui %lt3A_212 : i1 to i32
    %cond3A_214 = arith.constant 0 : i32
    %cond3A_215 = arith.cmpi ne, %convert_element_type3A_213, %cond3A_214 : i32
    scf.if %cond3A_215 {
      %mul3A_216 = arith.constant 80 : i32
      %mul3A_217 = arith.muli %add3A_210, %mul3A_216 : i32
      %mul3A_218 = arith.constant 10000 : i32
      %mul3A_219 = arith.muli %arg0, %mul3A_218 : i32
      %mul3A_220 = arith.constant 80 : i32
      %mul3A_221 = arith.muli %add3A_210, %mul3A_220 : i32
      %add3A_222 = arith.addi %mul3A_219, %mul3A_221 : i32
      "tpu.region"() ({
        %run_scoped3A = tpu.sem_alloc : memref<!tpu.dma_semaphore, #tpu.memory_space<semaphore_mem>>
        %dma_start3A_223 = arith.constant 0 : i32
        %dma_start3A_224 = tpu.memref_slice %arg4[%add3A_222, %dma_start3A_223] : memref<20000x128xf32, #tpu.memory_space<hbm>> -> memref<80x128xf32, #tpu.memory_space<hbm>>
        %dma_start3A_225 = arith.constant 0 : i32
        %dma_start3A_226 = tpu.memref_slice %arg5[%mul3A_217, %dma_start3A_225] : memref<10000x128xf32, #tpu.memory_space<vmem_shared>> -> memref<80x128xf32, #tpu.memory_space<vmem_shared>>
        tpu.enqueue_dma source(%dma_start3A_226 : memref<80x128xf32, #tpu.memory_space<vmem_shared>>) target(%dma_start3A_224 : memref<80x128xf32, #tpu.memory_space<hbm>>) target_semaphore(%run_scoped3A : memref<!tpu.dma_semaphore, #tpu.memory_space<semaphore_mem>>)
        %dma_wait3A_227 = arith.constant 0 : i32
        %dma_wait3A_228 = tpu.memref_slice %arg4[%add3A_222, %dma_wait3A_227] : memref<20000x128xf32, #tpu.memory_space<hbm>> -> memref<80x128xf32, #tpu.memory_space<hbm>>
        %dma_wait3A_229 = arith.constant 0 : i32
        %dma_wait3A_230 = tpu.memref_slice %arg5[%mul3A_217, %dma_wait3A_229] : memref<10000x128xf32, #tpu.memory_space<vmem_shared>> -> memref<80x128xf32, #tpu.memory_space<vmem_shared>>
        tpu.wait_dma2 semaphore(%run_scoped3A : memref<!tpu.dma_semaphore, #tpu.memory_space<semaphore_mem>>) src(%dma_wait3A_230 : memref<80x128xf32, #tpu.memory_space<vmem_shared>>) dst(%dma_wait3A_228 : memref<80x128xf32, #tpu.memory_space<hbm>>)
        tpu.yield
      }) : () -> ()
    } else {
    }
    return
  }
}

module attributes {stable_mosaic.version = 14 : i64} {
  func.func @_combmm_body(%arg0: i32, %arg1: memref<2000x128xf32, #tpu.memory_space<vmem>>, %arg2: memref<2000x128xf32, #tpu.memory_space<vmem>>, %arg3: memref<2000x128xf32, #tpu.memory_space<vmem>>, %arg4: memref<2000x1xf32, #tpu.memory_space<vmem>>, %arg5: memref<1x128xf32, #tpu.memory_space<vmem>>, %arg6: memref<128x128xf32, #tpu.memory_space<vmem>>, %arg7: memref<2000x128xf32, #tpu.memory_space<vmem>>) attributes {dimension_semantics = [#tpu.dimension_semantics<arbitrary>], iteration_bounds = array<i64: 5>, scalar_prefetch = 0 : i64, scratch_operands = 0 : i64, tpu.core_type = #tpu.core_type<tc>, window_params = [{transform_indices = @transform_0, window_bounds = array<i64: 2000, 128>}, {transform_indices = @transform_1, window_bounds = array<i64: 2000, 128>}, {transform_indices = @transform_2, window_bounds = array<i64: 2000, 128>}, {transform_indices = @transform_3, window_bounds = array<i64: 2000, 1>}, {pipeline_mode = #tpu.pipeline_mode<synchronous>, transform_indices = @transform_4, window_bounds = array<i64: 1, 128>}, {pipeline_mode = #tpu.pipeline_mode<synchronous>, transform_indices = @transform_5, window_bounds = array<i64: 128, 128>}, {transform_indices = @transform_6, window_bounds = array<i64: 2000, 128>}]} {
    %get3A = arith.constant 0 : index
    %get3A_0 = arith.constant 0 : index
    %get3A_1 = vector.load %arg4[%get3A, %get3A_0] : memref<2000x1xf32, #tpu.memory_space<vmem>>, vector<2000x1xf32>
    %get3A_2 = arith.constant 0 : index
    %get3A_3 = arith.constant 0 : index
    %get3A_4 = vector.load %arg1[%get3A_2, %get3A_3] : memref<2000x128xf32, #tpu.memory_space<vmem>>, vector<2000x128xf32>
    %get3A_5 = arith.constant 0 : index
    %get3A_6 = arith.constant 0 : index
    %get3A_7 = vector.load %arg2[%get3A_5, %get3A_6] : memref<2000x128xf32, #tpu.memory_space<vmem>>, vector<2000x128xf32>
    %add3A = arith.addf %get3A_4, %get3A_7 : vector<2000x128xf32>
    %get3A_8 = arith.constant 0 : index
    %get3A_9 = arith.constant 0 : index
    %get3A_10 = vector.load %arg3[%get3A_8, %get3A_9] : memref<2000x128xf32, #tpu.memory_space<vmem>>, vector<2000x128xf32>
    %add3A_11 = arith.addf %add3A, %get3A_10 : vector<2000x128xf32>
    %mul3A = vector.broadcast %get3A_1 : vector<2000x1xf32> to vector<2000x128xf32>
    %mul3A_12 = arith.mulf %mul3A, %add3A_11 : vector<2000x128xf32>
    %get3A_13 = arith.constant 0 : index
    %get3A_14 = arith.constant 0 : index
    %get3A_15 = vector.load %arg5[%get3A_13, %get3A_14] : memref<1x128xf32, #tpu.memory_space<vmem>>, vector<1x128xf32>
    %add3A_16 = vector.broadcast %get3A_15 : vector<1x128xf32> to vector<2000x128xf32>
    %add3A_17 = arith.addf %mul3A_12, %add3A_16 : vector<2000x128xf32>
    %max3A = arith.constant 0.000000e+00 : f32
    %max3A_18 = vector.broadcast %max3A : f32 to vector<2000x128xf32>
    %max3A_19 = arith.maximumf %add3A_17, %max3A_18 : vector<2000x128xf32>
    %get3A_20 = arith.constant 0 : index
    %get3A_21 = arith.constant 0 : index
    %get3A_22 = vector.load %arg6[%get3A_20, %get3A_21] : memref<128x128xf32, #tpu.memory_space<vmem>>, vector<128x128xf32>
    %dot_general3A = arith.constant dense<0.000000e+00> : vector<2000x128xf32>
    %dot_general3A_23 = tpu.matmul %max3A_19, %get3A_22, %dot_general3A {dimension_numbers = #tpu.dot_dimension_numbers<[1], [0], [0], [1], [0, 0, 1, 1], [], []>, transpose_lhs_hint = false} : vector<2000x128xf32>, vector<128x128xf32>, vector<2000x128xf32> -> vector<2000x128xf32>
    %get3A_24 = arith.constant 0 : index
    %get3A_25 = arith.constant 0 : index
    %get3A_26 = vector.load %arg4[%get3A_24, %get3A_25] : memref<2000x1xf32, #tpu.memory_space<vmem>>, vector<2000x1xf32>
    %mul3A_27 = vector.broadcast %get3A_26 : vector<2000x1xf32> to vector<2000x128xf32>
    %mul3A_28 = arith.mulf %dot_general3A_23, %mul3A_27 : vector<2000x128xf32>
    %swap3A = arith.constant 0 : index
    %swap3A_29 = arith.constant 0 : index
    %swap3A_30 = vector.load %arg7[%swap3A, %swap3A_29] : memref<2000x128xf32, #tpu.memory_space<vmem>>, vector<2000x128xf32>
    tpu.vector_store %arg7[%swap3A, %swap3A_29], %mul3A_28 {strides = array<i32>} : memref<2000x128xf32, #tpu.memory_space<vmem>>, vector<2000x128xf32>,
    return
  }
  func.func @transform_0(%arg0: i32) -> (i32, i32) {
    %c0_i32 = arith.constant 0 : i32
    %c0_i32_0 = arith.constant 0 : i32
    return %arg0, %c0_i32 : i32, i32
  }
  func.func @transform_1(%arg0: i32) -> (i32, i32) {
    %add3A = arith.constant 5 : i32
    %add3A_0 = arith.addi %arg0, %add3A : i32
    %c0_i32 = arith.constant 0 : i32
    %c0_i32_1 = arith.constant 0 : i32
    return %add3A_0, %c0_i32 : i32, i32
  }
  func.func @transform_2(%arg0: i32) -> (i32, i32) {
    %c0_i32 = arith.constant 0 : i32
    %c0_i32_0 = arith.constant 0 : i32
    return %arg0, %c0_i32 : i32, i32
  }
  func.func @transform_3(%arg0: i32) -> (i32, i32) {
    %c0_i32 = arith.constant 0 : i32
    %c0_i32_0 = arith.constant 0 : i32
    return %arg0, %c0_i32 : i32, i32
  }
  func.func @transform_4(%arg0: i32) -> (i32, i32) {
    %c0_i32 = arith.constant 0 : i32
    %c0_i32_0 = arith.constant 0 : i32
    %c0_i32_1 = arith.constant 0 : i32
    return %c0_i32, %c0_i32_0 : i32, i32
  }
  func.func @transform_5(%arg0: i32) -> (i32, i32) {
    %c0_i32 = arith.constant 0 : i32
    %c0_i32_0 = arith.constant 0 : i32
    %c0_i32_1 = arith.constant 0 : i32
    return %c0_i32, %c0_i32_0 : i32, i32
  }
  func.func @transform_6(%arg0: i32) -> (i32, i32) {
    %c0_i32 = arith.constant 0 : i32
    %c0_i32_0 = arith.constant 0 : i32
    return %arg0, %c0_i32 : i32, i32
  }
}

module attributes {stable_mosaic.version = 14 : i64} {
  func.func @_mm_body(%arg0: i32, %arg1: memref<2000x128xf32, #tpu.memory_space<vmem>>, %arg2: memref<128x128xf32, #tpu.memory_space<vmem>>, %arg3: memref<2000x1xf32, #tpu.memory_space<vmem>>, %arg4: memref<2000x128xf32, #tpu.memory_space<vmem>>) attributes {dimension_semantics = [#tpu.dimension_semantics<arbitrary>], iteration_bounds = array<i64: 5>, scalar_prefetch = 0 : i64, scratch_operands = 0 : i64, tpu.core_type = #tpu.core_type<tc>, window_params = [{transform_indices = @transform_0, window_bounds = array<i64: 2000, 128>}, {pipeline_mode = #tpu.pipeline_mode<synchronous>, transform_indices = @transform_1, window_bounds = array<i64: 128, 128>}, {transform_indices = @transform_2, window_bounds = array<i64: 2000, 1>}, {transform_indices = @transform_3, window_bounds = array<i64: 2000, 128>}]} {
    %get3A = arith.constant 0 : index
    %get3A_0 = arith.constant 0 : index
    %get3A_1 = vector.load %arg1[%get3A, %get3A_0] : memref<2000x128xf32, #tpu.memory_space<vmem>>, vector<2000x128xf32>
    %get3A_2 = arith.constant 0 : index
    %get3A_3 = arith.constant 0 : index
    %get3A_4 = vector.load %arg2[%get3A_2, %get3A_3] : memref<128x128xf32, #tpu.memory_space<vmem>>, vector<128x128xf32>
    %dot_general3A = arith.constant dense<0.000000e+00> : vector<2000x128xf32>
    %dot_general3A_5 = tpu.matmul %get3A_1, %get3A_4, %dot_general3A {dimension_numbers = #tpu.dot_dimension_numbers<[1], [0], [0], [1], [0, 0, 1, 1], [], []>, transpose_lhs_hint = false} : vector<2000x128xf32>, vector<128x128xf32>, vector<2000x128xf32> -> vector<2000x128xf32>
    %get3A_6 = arith.constant 0 : index
    %get3A_7 = arith.constant 0 : index
    %get3A_8 = vector.load %arg3[%get3A_6, %get3A_7] : memref<2000x1xf32, #tpu.memory_space<vmem>>, vector<2000x1xf32>
    %mul3A = vector.broadcast %get3A_8 : vector<2000x1xf32> to vector<2000x128xf32>
    %mul3A_9 = arith.mulf %dot_general3A_5, %mul3A : vector<2000x128xf32>
    %swap3A = arith.constant 0 : index
    %swap3A_10 = arith.constant 0 : index
    %swap3A_11 = vector.load %arg4[%swap3A, %swap3A_10] : memref<2000x128xf32, #tpu.memory_space<vmem>>, vector<2000x128xf32>
    tpu.vector_store %arg4[%swap3A, %swap3A_10], %mul3A_9 {strides = array<i32>} : memref<2000x128xf32, #tpu.memory_space<vmem>>, vector<2000x128xf32>,
    return
  }
  func.func @transform_0(%arg0: i32) -> (i32, i32) {
    %c0_i32 = arith.constant 0 : i32
    %c0_i32_0 = arith.constant 0 : i32
    return %arg0, %c0_i32 : i32, i32
  }
  func.func @transform_1(%arg0: i32) -> (i32, i32) {
    %c0_i32 = arith.constant 0 : i32
    %c0_i32_0 = arith.constant 0 : i32
    %c0_i32_1 = arith.constant 0 : i32
    return %c0_i32, %c0_i32_0 : i32, i32
  }
  func.func @transform_2(%arg0: i32) -> (i32, i32) {
    %c0_i32 = arith.constant 0 : i32
    %c0_i32_0 = arith.constant 0 : i32
    return %arg0, %c0_i32 : i32, i32
  }
  func.func @transform_3(%arg0: i32) -> (i32, i32) {
    %c0_i32 = arith.constant 0 : i32
    %c0_i32_0 = arith.constant 0 : i32
    return %arg0, %c0_i32 : i32, i32
  }
}

module attributes {stable_mosaic.version = 14 : i64} {
  func.func @_prep_body(%arg0: memref<32x1x10000xf32, #tpu.memory_space<vmem>>, %arg1: memref<1x10000xf32, #tpu.memory_space<vmem>>, %arg2: memref<10000x1xf32, #tpu.memory_space<vmem>>) attributes {dimension_semantics = [], scalar_prefetch = 0 : i64, scratch_operands = 0 : i64, tpu.core_type = #tpu.core_type<tc>} {
    %get3A = arith.constant 0 : index
    %get3A_0 = arith.constant 0 : index
    %get3A_1 = arith.constant 0 : index
    %get3A_2 = vector.load %arg0[%get3A, %get3A_0, %get3A_1] : memref<32x1x10000xf32, #tpu.memory_space<vmem>>, vector<32x1x10000xf32>
    %reduce_sum3A = arith.constant dense<0.000000e+00> : vector<1x10000xf32>
    %reduce_sum3A_3 = vector.multi_reduction <add>, %get3A_2, %reduce_sum3A [0] : vector<32x1x10000xf32> to vector<1x10000xf32>
    %add3A = arith.constant 1.000000e+00 : f32
    %add3A_4 = vector.broadcast %add3A : f32 to vector<1x10000xf32>
    %add3A_5 = arith.addf %reduce_sum3A_3, %add3A_4 : vector<1x10000xf32>
    %rsqrt3A = math.rsqrt %add3A_5 : vector<1x10000xf32>
    %swap3A = arith.constant 0 : index
    %swap3A_6 = arith.constant 0 : index
    %swap3A_7 = vector.load %arg1[%swap3A, %swap3A_6] : memref<1x10000xf32, #tpu.memory_space<vmem>>, vector<1x10000xf32>
    tpu.vector_store %arg1[%swap3A, %swap3A_6], %rsqrt3A {strides = array<i32>} : memref<1x10000xf32, #tpu.memory_space<vmem>>, vector<1x10000xf32>,
    %transpose3A = tpu.transpose %rsqrt3A, [1, 0] : vector<1x10000xf32> -> vector<10000x1xf32>
    %swap3A_8 = arith.constant 0 : index
    %swap3A_9 = arith.constant 0 : index
    %swap3A_10 = vector.load %arg2[%swap3A_8, %swap3A_9] : memref<10000x1xf32, #tpu.memory_space<vmem>>, vector<10000x1xf32>
    tpu.vector_store %arg2[%swap3A_8, %swap3A_9], %transpose3A {strides = array<i32>} : memref<10000x1xf32, #tpu.memory_space<vmem>>, vector<10000x1xf32>,
    return
  }
}

module attributes {stable_mosaic.version = 14 : i64} {
  func.func @_combz_body(%arg0: memref<20000x128xf32, #tpu.memory_space<vmem>>, %arg1: memref<10000x128xf32, #tpu.memory_space<vmem>>, %arg2: memref<10000x1xf32, #tpu.memory_space<vmem>>, %arg3: memref<1x128xf32, #tpu.memory_space<vmem>>, %arg4: memref<128x1xf32, #tpu.memory_space<vmem>>, %arg5: memref<10000xf32, #tpu.memory_space<vmem>>) attributes {dimension_semantics = [], scalar_prefetch = 0 : i64, scratch_operands = 0 : i64, tpu.core_type = #tpu.core_type<tc>} {
    %get3A = arith.constant 0 : index
    %get3A_0 = arith.constant 0 : index
    %get3A_1 = vector.load %arg0[%get3A, %get3A_0] : memref<20000x128xf32, #tpu.memory_space<vmem>>, vector<10000x128xf32>
    %get3A_2 = arith.constant 10000 : index
    %get3A_3 = arith.constant 0 : index
    %get3A_4 = vector.load %arg0[%get3A_2, %get3A_3] : memref<20000x128xf32, #tpu.memory_space<vmem>>, vector<10000x128xf32>
    %add3A = arith.addf %get3A_1, %get3A_4 : vector<10000x128xf32>
    %get3A_5 = arith.constant 0 : index
    %get3A_6 = arith.constant 0 : index
    %get3A_7 = vector.load %arg2[%get3A_5, %get3A_6] : memref<10000x1xf32, #tpu.memory_space<vmem>>, vector<10000x1xf32>
    %get3A_8 = arith.constant 0 : index
    %get3A_9 = arith.constant 0 : index
    %get3A_10 = vector.load %arg1[%get3A_8, %get3A_9] : memref<10000x128xf32, #tpu.memory_space<vmem>>, vector<10000x128xf32>
    %add3A_11 = arith.addf %add3A, %get3A_10 : vector<10000x128xf32>
    %mul3A = vector.broadcast %get3A_7 : vector<10000x1xf32> to vector<10000x128xf32>
    %mul3A_12 = arith.mulf %mul3A, %add3A_11 : vector<10000x128xf32>
    %get3A_13 = arith.constant 0 : index
    %get3A_14 = arith.constant 0 : index
    %get3A_15 = vector.load %arg3[%get3A_13, %get3A_14] : memref<1x128xf32, #tpu.memory_space<vmem>>, vector<1x128xf32>
    %add3A_16 = vector.broadcast %get3A_15 : vector<1x128xf32> to vector<10000x128xf32>
    %add3A_17 = arith.addf %mul3A_12, %add3A_16 : vector<10000x128xf32>
    %max3A = arith.constant 0.000000e+00 : f32
    %max3A_18 = vector.broadcast %max3A : f32 to vector<10000x128xf32>
    %max3A_19 = arith.maximumf %add3A_17, %max3A_18 : vector<10000x128xf32>
    %get3A_20 = arith.constant 0 : index
    %get3A_21 = arith.constant 0 : index
    %get3A_22 = vector.load %arg4[%get3A_20, %get3A_21] : memref<128x1xf32, #tpu.memory_space<vmem>>, vector<128x1xf32>
    %dot_general3A = arith.constant dense<0.000000e+00> : vector<10000x1xf32>
    %dot_general3A_23 = tpu.matmul %max3A_19, %get3A_22, %dot_general3A {dimension_numbers = #tpu.dot_dimension_numbers<[1], [0], [0], [1], [0, 0, 1, 1], [], []>, transpose_lhs_hint = false} : vector<10000x128xf32>, vector<128x1xf32>, vector<10000x1xf32> -> vector<10000x1xf32>
    %get3A_24 = arith.constant 0 : index
    %get3A_25 = arith.constant 0 : index
    %get3A_26 = vector.load %arg2[%get3A_24, %get3A_25] : memref<10000x1xf32, #tpu.memory_space<vmem>>, vector<10000x1xf32>
    %mul3A_27 = arith.mulf %dot_general3A_23, %get3A_26 : vector<10000x1xf32>
    %squeeze3A = vector.shape_cast %mul3A_27 : vector<10000x1xf32> to vector<10000xf32>
    %swap3A = arith.constant 0 : index
    %swap3A_28 = vector.load %arg5[%swap3A] : memref<10000xf32, #tpu.memory_space<vmem>>, vector<10000xf32>
    tpu.vector_store %arg5[%swap3A], %squeeze3A {strides = array<i32>} : memref<10000xf32, #tpu.memory_space<vmem>>, vector<10000xf32>,
    return
  }
}

module attributes {stable_mosaic.version = 14 : i64} {
  func.func @_comb3_body(%arg0: memref<32x1x10000xf32, #tpu.memory_space<vmem>>, %arg1: memref<10000xf32, #tpu.memory_space<vmem>>, %arg2: memref<1x10000xf32, #tpu.memory_space<vmem>>, %arg3: memref<1x1xf32, #tpu.memory_space<vmem>>, %arg4: memref<1x10000xf32, #tpu.memory_space<vmem>>) attributes {dimension_semantics = [], scalar_prefetch = 0 : i64, scratch_operands = 0 : i64, tpu.core_type = #tpu.core_type<tc>} {
    %get3A = arith.constant 0 : index
    %get3A_0 = arith.constant 0 : index
    %get3A_1 = arith.constant 0 : index
    %get3A_2 = vector.load %arg0[%get3A, %get3A_0, %get3A_1] : memref<32x1x10000xf32, #tpu.memory_space<vmem>>, vector<32x1x10000xf32>
    %reduce_sum3A = arith.constant dense<0.000000e+00> : vector<1x10000xf32>
    %reduce_sum3A_3 = vector.multi_reduction <add>, %get3A_2, %reduce_sum3A [0] : vector<32x1x10000xf32> to vector<1x10000xf32>
    %get3A_4 = arith.constant 0 : index
    %get3A_5 = vector.load %arg1[%get3A_4] : memref<10000xf32, #tpu.memory_space<vmem>>, vector<10000xf32>
    %reshape3A = vector.shape_cast %get3A_5 : vector<10000xf32> to vector<1x10000xf32>
    %get3A_6 = arith.constant 0 : index
    %get3A_7 = arith.constant 0 : index
    %get3A_8 = vector.load %arg2[%get3A_6, %get3A_7] : memref<1x10000xf32, #tpu.memory_space<vmem>>, vector<1x10000xf32>
    %add3A = arith.addf %reduce_sum3A_3, %reshape3A : vector<1x10000xf32>
    %mul3A = arith.mulf %get3A_8, %add3A : vector<1x10000xf32>
    %get3A_9 = arith.constant 0 : index
    %get3A_10 = arith.constant 0 : index
    %get3A_11 = vector.load %arg3[%get3A_9, %get3A_10] : memref<1x1xf32, #tpu.memory_space<vmem>>, vector<1x1xf32>
    %get3A_12 = vector.extract %get3A_11[0, 0] : f32 from vector<1x1xf32>
    %add3A_13 = vector.broadcast %get3A_12 : f32 to vector<1x10000xf32>
    %add3A_14 = arith.addf %mul3A, %add3A_13 : vector<1x10000xf32>
    %swap3A = arith.constant 0 : index
    %swap3A_15 = arith.constant 0 : index
    %swap3A_16 = vector.load %arg4[%swap3A, %swap3A_15] : memref<1x10000xf32, #tpu.memory_space<vmem>>, vector<1x10000xf32>
    tpu.vector_store %arg4[%swap3A, %swap3A_15], %add3A_14 {strides = array<i32>} : memref<1x10000xf32, #tpu.memory_space<vmem>>, vector<1x10000xf32>,
    return
  }
}

</mosaic_0001>

<sc_bundles>
// kernel: kernel.11.cloned.1.call-start
scs
__scs_entry_jumppad:
0x0: {  	(pc) =	sbr.rel $0x88, $3  }
0x1: {  	(tag) =	ssettag $0x0;
	lr =	simm.s32 $0x1  }
0x2: {  	[smem:$0x3F99] =	sst lr;
	_ =	strace $0xD0000000  }
0x3: {  	_ = 	snop  }
0x4: {  	_ = 	snop  }
0x5: {  	_ = 	snop  }
0x6: {  	_ = 	snop  }
0x7: {  	_ = 	snop  }
__scs_overlays_trampoline_lowered:
0x8: {  	[smem:$0x3FA8] =	sst s0  }
0x9: {  	[smem:$0x3FA9] =	sst s1  }
0xa: {  	[smem:$0x3FAA] =	sst s2  }
0xb: {  	[smem:$0x3FAB] =	sst s3  }
0xc: {  	[smem:$0x3FAC] =	sst s4  }
0xd: {  	[smem:$0x3FAD] =	sst s5  }
0xe: {  	[smem:$0x3FAE] =	sst s6  }
0xf: {  	[smem:$0x3FAF] =	sst s7  }
0x10: {  	[smem:$0x3FB0] =	sst s8  }
0x11: {  	[smem:$0x3FB1] =	sst s9;
	s0 =	simm.s32 @!p0 $0x0  }
0x12: {  	s1 =	sld [smem:$0x3F97];
	s0 =	simm.s32 @p0 $0x1  }
0x13: {  	[smem:$0x3FB2] =	sst s0;
	s0 =	simm.s32 @!p1 $0x0  }
0x14: {  	s2 =	sld [smem:$0x3F96];
	s0 =	simm.s32 @p1 $0x1  }
0x15: {  	[smem:$0x3FB3] =	sst s0;
	s0 =	simm.s32 @!p2 $0x0  }
0x16: {  	s3 =	sld [smem:$0x3FDB];
	s0 =	simm.s32 @p2 $0x1  }
0x17: {  	s4 =	simm.s32 $0x1BF5;
	[smem:$0x3FB5] =	sst s0  }
0x18: {  	s0 =	sld [smem:$0x3F98];
	_ =	swait.ge [sflag:s4], $0x0  }
0x19: {  	s7 =	sld [smem:$0x3F99]  }
0x1a: {  	s8 =	sadd.s32 $0xFFFFE003, lr  }
0x1b: {  	s9 =	sadd.s32 $0xFFFFFEF7, lr;
	s5 =	simm.s32 $0xFFFFFFFF;
	p2 =	slt.u32 s8, $0xFFFFF086  }
0x1c: {  	p1 =	slt.u32 s9, $0xF7A;
	s5 =	simm.s32 @!p2 $0x0  }
0x1d: {  	s5 =	simm.s32 @p1 $0x1;
	p0 =	seq.s32 s7, s2  }
0x1e: {  	s7 =	smul.u32 @!p0 $0xF7A, s2;
	p2 =	seq.s32 @!p0 s5, $0x0  }
0x1f: {  	s9 =	smul.u32 $0xF7A, s1;
	s8 =	simm.s32 @!p0 $0x1BF5;
	p2 =	por !p2, p0  }
0x20: {  	[sflag:s8] =	ssyncset.s32 @!p0 $0xFFFFF086;
	s6 =	sadd.s32 @!p0 s3, s7;
	s7 =	simm.s32 @!p0 $0x108  }
0x21: {  	s3 =	sadd.s32 s3, s9;
	s6 =	sadd.s32 @!p0 $0x88, s6;
	s7 =	simm.s32 @p2 $0x1082  }
0x22: {  	[simem:s7], [sflag:s8] =	dma.local @!p0 [hbm:s6], $0xF7A  }
0x23: {  	s9 =	sor.u32 $0xD0000000, s2;
	s6 =	simm.s32 $0x108;
	_ =	swait.ge @!p0 [sflag:s8], $0x0  }
0x24: {  	s3 =	sadd.s32 $0x88, s3;
	s6 =	simm.s32 @!p1 $0x1082;
	[sflag:s4] =	ssyncset.s32 $0xFFFFF086  }
0x25: {  	[simem:s6], [sflag:s4] =	dma.local [hbm:s3], $0xF7A  }
0x26: {  	[smem:$0x3F99] =	sst s1;
	(tag) =	ssettag s2;
	_ =	strace s9  }
0x27: {  	s1 =	sld [smem:$0x3FA9]  }
0x28: {  	s2 =	sld [smem:$0x3FAA]  }
0x29: {  	s4 =	sld [smem:$0x3FAC]  }
0x2a: {  	p0 =	seq.s32 s5, $0x0;
	s5 =	sld [smem:$0x3FAD]  }
0x2b: {  	s6 =	sld [smem:$0x3FAE]  }
0x2c: {  	s7 =	sld [smem:$0x3FAF]  }
0x2d: {  	s3 =	simm.s32 $0x108;
	s8 =	sld [smem:$0x3FB0]  }
0x2e: {  	s3 =	simm.s32 @!p0 $0x1082;
	s9 =	sld [smem:$0x3FB1]  }
0x2f: {  	lr =	sadd.s32 s0, s3;
	s0 =	sld [smem:$0x3FA8]  }
0x30: {  	s3 =	sld [smem:$0x3FAB]  }
0x31: {  	[smem:$0x3FB4] =	sst s10  }
0x32: {  	s10 =	sld [smem:$0x3FB2];
	_ =	sdelay $0x3  }
0x33: {  	p0 =	seq.s32 s10, $0x1;
	s10 =	sld [smem:$0x3FB4];
	_ =	sdelay $0x3  }
0x34: {  	[smem:$0x3FB4] =	sst s10  }
0x35: {  	s10 =	sld [smem:$0x3FB3];
	_ =	sdelay $0x3  }
0x36: {  	p1 =	seq.s32 s10, $0x1;
	s10 =	sld [smem:$0x3FB4];
	_ =	sdelay $0x3  }
0x37: {  	[smem:$0x3FB4] =	sst s10  }
0x38: {  	s10 =	sld [smem:$0x3FB5]  }
0x39: {  	_ = 	snop;
	(pc) =	sbr.ind lr, $3  }
0x3a: {  	_ = 	snop  }
0x3b: {  	_ = 	snop  }
0x3c: {  	p2 =	seq.s32 s10, $0x1;
	s10 =	sld [smem:$0x3FB4]  }
0x3d: {  	_ =	shalt  }
0x3e: {  	_ =	shalt  }
0x3f: {  	_ =	shalt  }
0x40: {  	_ =	shalt  }
0x41: {  	_ =	shalt  }
0x42: {  	_ =	shalt  }
0x43: {  	_ =	shalt  }
0x44: {  	_ =	shalt  }
0x45: {  	_ =	shalt  }
0x46: {  	_ =	shalt  }
0x47: {  	_ =	shalt  }
0x48: {  	_ =	shalt  }
0x49: {  	_ =	shalt  }
0x4a: {  	_ =	shalt  }
0x4b: {  	_ =	shalt  }
0x4c: {  	_ =	shalt  }
0x4d: {  	_ =	shalt  }
0x4e: {  	_ =	shalt  }
0x4f: {  	_ =	shalt  }
0x50: {  	_ =	shalt  }
0x51: {  	_ =	shalt  }
0x52: {  	_ =	shalt  }
0x53: {  	_ =	shalt  }
0x54: {  	_ =	shalt  }
0x55: {  	_ =	shalt  }
0x56: {  	_ =	shalt  }
0x57: {  	_ =	shalt  }
0x58: {  	_ =	shalt  }
0x59: {  	_ =	shalt  }
0x5a: {  	_ =	shalt  }
0x5b: {  	_ =	shalt  }
0x5c: {  	_ =	shalt  }
0x5d: {  	_ =	shalt  }
0x5e: {  	_ =	shalt  }
0x5f: {  	_ =	shalt  }
0x60: {  	_ =	shalt  }
0x61: {  	_ =	shalt  }
0x62: {  	_ =	shalt  }
0x63: {  	_ =	shalt  }
0x64: {  	_ =	shalt  }
0x65: {  	_ =	shalt  }
0x66: {  	_ =	shalt  }
0x67: {  	_ =	shalt  }
0x68: {  	_ =	shalt  }
0x69: {  	_ =	shalt  }
0x6a: {  	_ =	shalt  }
0x6b: {  	_ =	shalt  }
0x6c: {  	_ =	shalt  }
0x6d: {  	_ =	shalt  }
0x6e: {  	_ =	shalt  }
0x6f: {  	_ =	shalt  }
0x70: {  	_ =	shalt  }
0x71: {  	_ =	shalt  }
0x72: {  	_ =	shalt  }
0x73: {  	_ =	shalt  }
0x74: {  	_ =	shalt  }
0x75: {  	_ =	shalt  }
0x76: {  	_ =	shalt  }
0x77: {  	_ =	shalt  }
0x78: {  	_ =	shalt  }
0x79: {  	_ =	shalt  }
0x7a: {  	_ =	shalt  }
0x7b: {  	_ =	shalt  }
0x7c: {  	_ =	shalt  }
0x7d: {  	_ =	shalt  }
0x7e: {  	_ =	shalt  }
0x7f: {  	_ =	shalt  }
0x80: {  	_ =	shalt  }
0x81: {  	_ =	shalt  }
0x82: {  	_ =	shalt  }
0x83: {  	_ =	shalt  }
0x84: {  	_ =	shalt  }
0x85: {  	_ =	shalt  }
0x86: {  	_ =	shalt  }
0x87: {  	_ =	shalt  }
.Lfunc_end0:
.L_simem_size_0:
called_computation_lowered:
.L_overlay_start_0:
0x88: {  	s2 =	sld [smem:$0x3FD9]  }
0x89: {  	s3 =	sld [smem:$0x3FFE];
	_ =	sdelay $0x1  }
0x8a: {  	s1 =	srdreg.scid  }
0x8b: {  	s0 =	sand.u32 $0x1, s1  }
0x8c: {  	s16 =	sshll.u32 s0, $0xA;
	s2 =	sadd.s32 s3, s2  }
0x8d: {  	s2 =	sadd.s32 s2, s16  }
0x8e: {  	[smem:$0x3FC0] =	sst s2  }
0x8f: {  	_ = 	snop  }
0x90: {  	(tm) =	ssettm $0x1  }
0x91: {  	s17 =	sld [smem:$0x3FFB];
	_ =	sdelay $0x3  }
0x92: {  	_ =	strace s17  }
0x93: {  	s2 =	sld [smem:$0x3FFC];
	_ =	sdelay $0x3  }
0x94: {  	_ =	strace s2  }
0x95: {  	s2 =	sld [smem:$0x3FFD];
	_ =	sdelay $0x3  }
0x96: {  	_ =	strace s2  }
0x97: {  	_ =	strace $0x8FFFFFFF  }
0x98: {  	s18 =	sld [smem:$0x3FDB];
	_ =	sdelay $0x1  }
0x99: {  	s19 =	simm.s32 $_scs_section_size  }
0x9a: {  	s4 =	simm.s32 $_size__tile_overlayer_lowered;
	s5 =	simm.s32 $_tile_overlayer_lowered  }
0x9b: {  	s22 =	simm.s32 $0x1BFF;
	s21 =	sshll.u32 s5, $0x1;
	s2 =	sadd.s32 s19, s18  }
0x9c: {  	s6 =	simm.s32 $0x0;
	s20 =	sshll.u32 s4, $0x1;
	s4 =	sadd.s32 s21, s2  }
0x9d: {  	[timem:s6], [sflag:s22] =	dma.local [hbm:s4], s20  }
0x9e: {  	_ =	swait.ge [sflag:s22], s20  }
0x9f: {  	s3 =	ssub.s32 $0x0, s20;
	[sflag:s22] =	ssyncset.done $0x0  }
0xa0: {  	[sflag:s22] =	ssyncadd.s32 s3;
	_ =	sdelay $0x1  }
0xa1: {  	s23 =	simm.s32 $0x1B8B  }
0xa2: {  	_ =	swait.ge [sflag:s23], $0x1  }
0xa3: {  	[sflag:s23] =	ssyncset.done $0x0  }
0xa4: {  	s25 =	simm.s32 $0x1B8E;
	s24 =	sld [smem:$0x3FFE];
	[sflag:s23] =	ssyncadd.s32 $0xFFFFFFFF  }
0xa5: {  	s26 =	simm.s32 $execute0_lowered;
	[smem:$0x3FD2] =	sst s25  }
0xa6: {  	s4 =	sshll.u32 s26, $0x1;
	_ =	strace $0x80000046;
	[dreg:$0x1] =	wrdreg $0xFFFFFFFF  }
0xa7: {  	s28 =	simm.s32 $_size_execute0_lowered;
	s2 =	sadd.s32 s2, s4;
	[dreg:$0x0] =	wrdreg $0x0  }
0xa8: {  	s4 =	sshll.u32 s28, $0x1;
	[dreg:$0x2] =	wrdreg s2  }
0xa9: {  	[dreg:$0x3] =	wrdreg s4  }
0xaa: {  	[dreg:$0x4] =	wrdreg $0xC0  }
0xab: {  	_ =	task [dreg:s6], $0x5FFFF  }
0xac: {  	[dreg:$0x1] =	wrdreg $0xFFFFFFFF  }
0xad: {  	[dreg:$0x0] =	wrdreg $0x60  }
0xae: {  	[dreg:$0x2] =	wrdreg s24  }
0xaf: {  	[dreg:$0x3] =	wrdreg $0x9  }
0xb0: {  	_ =	task.clear_ibuf [dreg:s6], $0x4FFFF;
	_ =	strace $0x90000046  }
0xb1: {  	s29 =	simm.s32 $0x9;
	_ =	strace $0x80000048  }
0xb2: {  	_ =	swait.ge [sflag:s29], $0x1  }
0xb3: {  	[sflag:s29] =	ssyncadd.s32 $0xFFFFFFFF  }
0xb4: {  	_ =	strace $0x90000048  }
0xb5: {  	_ =	sfence  }
0xb6: {  	s30 =	sld [smem:$0x0];
	_ =	sdelay $0x2  }
0xb7: {  	s31 =	sshll.u32 s1, $0xD;
	s1 =	sshrl.u32 s1, $0x2  }
0xb8: {  	s3 =	sand.u32 $0x4000, s31;
	s1 =	sadd.s32 s1, s30  }
0xb9: {  	s0 =	sor.u32 s3, s0;
	s1 =	sshll.u32 s1, $0x11  }
0xba: {  	s0 =	sor.u32 s1, s0  }
0xbb: {  	s0 =	sadd.s32 $0x8F2B, s0  }
0xbc: {  	[sflag:s0] =	ssyncadd.remote.s32 $0x1  }
0xbd: {  	_ =	sfence.sel $0xFFFF  }
0xbe: {  	[dreg:$0x0] =	wrdreg $0xFFFFFFFF;
	(pc) =	sbr.abs _section_cstart, $3  }
0xbf: {  	[dreg:$0x1] =	wrdreg $0xFFFFFFFF  }
0xc0: {  	_ =	task.clear_ibuf [dreg:s6], $0x2FFFF;
	_ =	strace $0x9FFFFFFF  }
0xc1: {  	(tm) =	ssettm $0x7FFFFFFF  }
tec
execute0_lowered:
.L_overlay_start_1:
0x0: {  	(tag) =	ssettag $0x1  }
0x1: {  	s1 =	srdreg.scid;
	s0 =	stileid.u32  }
0x2: {  	s3 =	sand.u32 $0x1, s1;
	s30 =	sshll.u32 s0, $0x1  }
0x3: {  	s4 =	rddreg [dreg:$0x0];
	s5 =	sor.u32 s3, s30  }
0x4: {  	s2 =	simm.s32 $0x0;
	s8 =	simm.s32 $0x0;
	s6 =	smul.u32 $0x2710, s5  }
0x5: {  	[smem:$0x7FF] =	sst s2;
	s3 =	ssub.s32 $0x2, s3;
	s5 =	smul.u32 $0x4F0, s5  }
0x6: {  	s1 =	rddreg [dreg:$0x1];
	_ =	strace $0x80000047;
	s7 =	sshrl.u32 s3, $0x1  }
0x7: {  	s7 =	ssub.s32 s3, s7;
	s6 =	sshrl.u32 s6, $0x3;
	s5 =	sadd.s32 s5, s4  }
0x8: {  	s31 =	sadd.s32 s4, s6;
	s4 =	sadd.s32 $0x17000, s5;
	s5 =	smax.u32 s7, $0x1  }
0x9: {  	v0 =	vimm.f32 $0.0e+00;
	v1 =	vimm.f32 $1.000000000e+00;
	s6 =	simm.s32 $0x2780;
	s7 =	simm.s32 $0x1;
	s3 =	sadd.s32 $0xD240, s31  }
.LBB2_1:
0xa: {  	[tilespmem:s6], [sflag:$0x1] =	stream.linear.gather [hbm4b:s3+s2], $0x2710, $0x38;
	[tilespmem:$0x4F00] =	vst v63  }
0xb: {  	_ =	swait.ge [sflag:s7], $0x2710  }
0xc: {  	[sflag:s7] =	ssyncset.done $0x0  }
0xd: {  	s9 =	simm.s32 $0x0;
	[sflag:s7] =	ssyncadd.s32 $0xFFFFD8F0  }
.LBB2_2:
0xe: {  	p0 =	sne.s32 s9, $0x9C00  }
.Ltmp0:
0xf: {  	_ = 	snop;
	(pc) =	sbr.rel @p0 .LBB2_2-.Ltmp0, $3  }
0x10: {  	_ =	sdelay $0x1  }
0x11: {  	s10 =	sshra.s32 s9, $0x2  }
0x12: {  	s9 =	sadd.s32 $0x40, s9;
	[tilespmem:s10+$0x0] =	vst v0  }
0x13: {  	s10 =	simm.s32 $0x0;
	s9 =	simm.s32 $0x40  }
.LBB2_4:
0x14: {  	p0 =	sne.s32 s9, $0x9C00;
	v2 =	vld [tilespmem:s10+$0x2780];
	_ =	sdelay $0x3  }
.Ltmp1:
0x15: {  	(pc) =	sbr.rel @p0 .LBB2_4-.Ltmp1, $2  }
0x16: {  	_ =	sdelay $0x2  }
0x17: {  	s10 =	sshra.s32 s9, $0x2;
	s9 =	sadd.s32 $0x40, s9;
	[tilespmem:v2+s2+$0x0] =	vst.idx.add.f32.msk $0xffff, v1  }
0x18: {  	v2 =	vld [tilespmem:s10+$0x2780];
	_ =	sdelay $0x5  }
0x19: {  	s8 =	sadd.s32 $0x1, s8  }
0x1a: {  	p0 =	sne.s32 s8, s5  }
.Ltmp2:
0x1b: {  	[tilespmem:v2+s2+$0x0] =	vst.idx.add.f32.msk $0xffff, v1;
	(pc) =	sbr.rel @p0 .LBB2_1-.Ltmp2, $4  }
0x1c: {  	[hbm4b:s4+s2] =	stream.linear.scatter [tilespmem:s2], [sflag:$0x1], $0x2780, $0x38;
	[tilespmem:$0x4F00] =	vst v63  }
0x1d: {  	_ =	swait.ge [sflag:s7], $0x2780  }
0x1e: {  	[sflag:s7] =	ssyncset.done $0x0  }
0x1f: {  	[sflag:s7] =	ssyncadd.s32 $0xFFFFD880  }
0x20: {  	_ =	sfence.sel $0x180000  }
0x21: {  	[bflag:$0x0] =	sbarrier.arrive $0xFFFF  }
0x22: {  	p0 =	sne.s32 s0, $0x0;
	_ =	strace $0x90000047  }
0x23: {  	s0 =	sadd.s32 @!p0 $0x100000, s1;
	[bflag:$0x2] =	sbarrier.arrive $0xFFFF  }
0x24: {  	[sflag:s0] =	ssyncadd.tile.s32 @!p0 $0x1;
	_ =	shalt  }
.Lfunc_end2:
_tile_overlayer_lowered:
.L_overlay_start_2:
0x25: {  	(tag) =	ssettag $0x2  }
0x26: {  	s0 =	rddreg [dreg:$0x0];
	s2 =	stileid.u32  }
0x27: {  	s1 =	rddreg [dreg:$0x1];
	p0 =	sne.s32 s2, $0x0  }
0x28: {  	s3 =	rddreg [dreg:$0x2];
	[bflag:$0x3] =	sbarrier.arrive $0xFFFF;
	s2 =	simm.s32 @!p0 $0x1C01  }
0x29: {  	[timem:s3], [sflag:s2] =	dma.local @!p0 [hbm:s0], s1  }
0x2a: {  	s0 =	simm.s32 @!p0 $0x1  }
0x2b: {  	_ =	swait.ge @!p0 [sflag:s0], s1  }
0x2c: {  	s1 =	ssub.s32 @!p0 $0x0, s1;
	[sflag:s0] =	ssyncset.done @!p0 $0x0  }
0x2d: {  	[sflag:s0] =	ssyncadd.s32 @!p0 s1  }
0x2e: {  	[bflag:$0x3] =	sbarrier.arrive $0xFFFF  }
0x2f: {  	_ =	shalt  }

// kernel: kernel.14.cloned.1.call-start
scs
__scs_entry_jumppad:
0x0: {  	(pc) =	sbr.rel $0x88, $3  }
0x1: {  	(tag) =	ssettag $0x0;
	lr =	simm.s32 $0x1  }
0x2: {  	[smem:$0x3F99] =	sst lr;
	_ =	strace $0xD0000000  }
0x3: {  	_ = 	snop  }
0x4: {  	_ = 	snop  }
0x5: {  	_ = 	snop  }
0x6: {  	_ = 	snop  }
0x7: {  	_ = 	snop  }
__scs_overlays_trampoline_lowered:
0x8: {  	[smem:$0x3FA8] =	sst s0  }
0x9: {  	[smem:$0x3FA9] =	sst s1  }
0xa: {  	[smem:$0x3FAA] =	sst s2  }
0xb: {  	[smem:$0x3FAB] =	sst s3  }
0xc: {  	[smem:$0x3FAC] =	sst s4  }
0xd: {  	[smem:$0x3FAD] =	sst s5  }
0xe: {  	[smem:$0x3FAE] =	sst s6  }
0xf: {  	[smem:$0x3FAF] =	sst s7  }
0x10: {  	[smem:$0x3FB0] =	sst s8  }
0x11: {  	[smem:$0x3FB1] =	sst s9;
	s0 =	simm.s32 @!p0 $0x0  }
0x12: {  	s1 =	sld [smem:$0x3F97];
	s0 =	simm.s32 @p0 $0x1  }
0x13: {  	[smem:$0x3FB2] =	sst s0;
	s0 =	simm.s32 @!p1 $0x0  }
0x14: {  	s2 =	sld [smem:$0x3F96];
	s0 =	simm.s32 @p1 $0x1  }
0x15: {  	[smem:$0x3FB3] =	sst s0;
	s0 =	simm.s32 @!p2 $0x0  }
0x16: {  	s3 =	sld [smem:$0x3FDB];
	s0 =	simm.s32 @p2 $0x1  }
0x17: {  	s4 =	simm.s32 $0x1BF5;
	[smem:$0x3FB5] =	sst s0  }
0x18: {  	s0 =	sld [smem:$0x3F98];
	_ =	swait.ge [sflag:s4], $0x0  }
0x19: {  	s7 =	sld [smem:$0x3F99]  }
0x1a: {  	s8 =	sadd.s32 $0xFFFFE003, lr  }
0x1b: {  	s9 =	sadd.s32 $0xFFFFFEF7, lr;
	s5 =	simm.s32 $0xFFFFFFFF;
	p2 =	slt.u32 s8, $0xFFFFF086  }
0x1c: {  	p1 =	slt.u32 s9, $0xF7A;
	s5 =	simm.s32 @!p2 $0x0  }
0x1d: {  	s5 =	simm.s32 @p1 $0x1;
	p0 =	seq.s32 s7, s2  }
0x1e: {  	s7 =	smul.u32 @!p0 $0xF7A, s2;
	p2 =	seq.s32 @!p0 s5, $0x0  }
0x1f: {  	s9 =	smul.u32 $0xF7A, s1;
	s8 =	simm.s32 @!p0 $0x1BF5;
	p2 =	por !p2, p0  }
0x20: {  	[sflag:s8] =	ssyncset.s32 @!p0 $0xFFFFF086;
	s6 =	sadd.s32 @!p0 s3, s7;
	s7 =	simm.s32 @!p0 $0x108  }
0x21: {  	s3 =	sadd.s32 s3, s9;
	s6 =	sadd.s32 @!p0 $0x88, s6;
	s7 =	simm.s32 @p2 $0x1082  }
0x22: {  	[simem:s7], [sflag:s8] =	dma.local @!p0 [hbm:s6], $0xF7A  }
0x23: {  	s9 =	sor.u32 $0xD0000000, s2;
	s6 =	simm.s32 $0x108;
	_ =	swait.ge @!p0 [sflag:s8], $0x0  }
0x24: {  	s3 =	sadd.s32 $0x88, s3;
	s6 =	simm.s32 @!p1 $0x1082;
	[sflag:s4] =	ssyncset.s32 $0xFFFFF086  }
0x25: {  	[simem:s6], [sflag:s4] =	dma.local [hbm:s3], $0xF7A  }
0x26: {  	[smem:$0x3F99] =	sst s1;
	(tag) =	ssettag s2;
	_ =	strace s9  }
0x27: {  	s1 =	sld [smem:$0x3FA9]  }
0x28: {  	s2 =	sld [smem:$0x3FAA]  }
0x29: {  	s4 =	sld [smem:$0x3FAC]  }
0x2a: {  	p0 =	seq.s32 s5, $0x0;
	s5 =	sld [smem:$0x3FAD]  }
0x2b: {  	s6 =	sld [smem:$0x3FAE]  }
0x2c: {  	s7 =	sld [smem:$0x3FAF]  }
0x2d: {  	s3 =	simm.s32 $0x108;
	s8 =	sld [smem:$0x3FB0]  }
0x2e: {  	s3 =	simm.s32 @!p0 $0x1082;
	s9 =	sld [smem:$0x3FB1]  }
0x2f: {  	lr =	sadd.s32 s0, s3;
	s0 =	sld [smem:$0x3FA8]  }
0x30: {  	s3 =	sld [smem:$0x3FAB]  }
0x31: {  	[smem:$0x3FB4] =	sst s10  }
0x32: {  	s10 =	sld [smem:$0x3FB2];
	_ =	sdelay $0x3  }
0x33: {  	p0 =	seq.s32 s10, $0x1;
	s10 =	sld [smem:$0x3FB4];
	_ =	sdelay $0x3  }
0x34: {  	[smem:$0x3FB4] =	sst s10  }
0x35: {  	s10 =	sld [smem:$0x3FB3];
	_ =	sdelay $0x3  }
0x36: {  	p1 =	seq.s32 s10, $0x1;
	s10 =	sld [smem:$0x3FB4];
	_ =	sdelay $0x3  }
0x37: {  	[smem:$0x3FB4] =	sst s10  }
0x38: {  	s10 =	sld [smem:$0x3FB5]  }
0x39: {  	_ = 	snop;
	(pc) =	sbr.ind lr, $3  }
0x3a: {  	_ = 	snop  }
0x3b: {  	_ = 	snop  }
0x3c: {  	p2 =	seq.s32 s10, $0x1;
	s10 =	sld [smem:$0x3FB4]  }
0x3d: {  	_ =	shalt  }
0x3e: {  	_ =	shalt  }
0x3f: {  	_ =	shalt  }
0x40: {  	_ =	shalt  }
0x41: {  	_ =	shalt  }
0x42: {  	_ =	shalt  }
0x43: {  	_ =	shalt  }
0x44: {  	_ =	shalt  }
0x45: {  	_ =	shalt  }
0x46: {  	_ =	shalt  }
0x47: {  	_ =	shalt  }
0x48: {  	_ =	shalt  }
0x49: {  	_ =	shalt  }
0x4a: {  	_ =	shalt  }
0x4b: {  	_ =	shalt  }
0x4c: {  	_ =	shalt  }
0x4d: {  	_ =	shalt  }
0x4e: {  	_ =	shalt  }
0x4f: {  	_ =	shalt  }
0x50: {  	_ =	shalt  }
0x51: {  	_ =	shalt  }
0x52: {  	_ =	shalt  }
0x53: {  	_ =	shalt  }
0x54: {  	_ =	shalt  }
0x55: {  	_ =	shalt  }
0x56: {  	_ =	shalt  }
0x57: {  	_ =	shalt  }
0x58: {  	_ =	shalt  }
0x59: {  	_ =	shalt  }
0x5a: {  	_ =	shalt  }
0x5b: {  	_ =	shalt  }
0x5c: {  	_ =	shalt  }
0x5d: {  	_ =	shalt  }
0x5e: {  	_ =	shalt  }
0x5f: {  	_ =	shalt  }
0x60: {  	_ =	shalt  }
0x61: {  	_ =	shalt  }
0x62: {  	_ =	shalt  }
0x63: {  	_ =	shalt  }
0x64: {  	_ =	shalt  }
0x65: {  	_ =	shalt  }
0x66: {  	_ =	shalt  }
0x67: {  	_ =	shalt  }
0x68: {  	_ =	shalt  }
0x69: {  	_ =	shalt  }
0x6a: {  	_ =	shalt  }
0x6b: {  	_ =	shalt  }
0x6c: {  	_ =	shalt  }
0x6d: {  	_ =	shalt  }
0x6e: {  	_ =	shalt  }
0x6f: {  	_ =	shalt  }
0x70: {  	_ =	shalt  }
0x71: {  	_ =	shalt  }
0x72: {  	_ =	shalt  }
0x73: {  	_ =	shalt  }
0x74: {  	_ =	shalt  }
0x75: {  	_ =	shalt  }
0x76: {  	_ =	shalt  }
0x77: {  	_ =	shalt  }
0x78: {  	_ =	shalt  }
0x79: {  	_ =	shalt  }
0x7a: {  	_ =	shalt  }
0x7b: {  	_ =	shalt  }
0x7c: {  	_ =	shalt  }
0x7d: {  	_ =	shalt  }
0x7e: {  	_ =	shalt  }
0x7f: {  	_ =	shalt  }
0x80: {  	_ =	shalt  }
0x81: {  	_ =	shalt  }
0x82: {  	_ =	shalt  }
0x83: {  	_ =	shalt  }
0x84: {  	_ =	shalt  }
0x85: {  	_ =	shalt  }
0x86: {  	_ =	shalt  }
0x87: {  	_ =	shalt  }
.Lfunc_end0:
.L_simem_size_0:
called_computation.1_lowered:
.L_overlay_start_0:
0x88: {  	s2 =	sld [smem:$0x3FD9]  }
0x89: {  	s3 =	sld [smem:$0x3FFE];
	_ =	sdelay $0x1  }
0x8a: {  	s1 =	srdreg.scid  }
0x8b: {  	s0 =	sand.u32 $0x1, s1  }
0x8c: {  	s16 =	sshll.u32 s0, $0xA;
	s2 =	sadd.s32 s3, s2  }
0x8d: {  	s2 =	sadd.s32 s2, s16  }
0x8e: {  	[smem:$0x3FC0] =	sst s2  }
0x8f: {  	_ = 	snop  }
0x90: {  	(tm) =	ssettm $0x1  }
0x91: {  	s17 =	sld [smem:$0x3FFB];
	_ =	sdelay $0x3  }
0x92: {  	_ =	strace s17  }
0x93: {  	s2 =	sld [smem:$0x3FFC];
	_ =	sdelay $0x3  }
0x94: {  	_ =	strace s2  }
0x95: {  	s2 =	sld [smem:$0x3FFD];
	_ =	sdelay $0x3  }
0x96: {  	_ =	strace s2  }
0x97: {  	_ =	strace $0x8FFFFFFF  }
0x98: {  	s18 =	sld [smem:$0x3FDB];
	_ =	sdelay $0x1  }
0x99: {  	s19 =	simm.s32 $_scs_section_size  }
0x9a: {  	s4 =	simm.s32 $_size__tile_overlayer_lowered;
	s5 =	simm.s32 $_tile_overlayer_lowered  }
0x9b: {  	s22 =	simm.s32 $0x1BFF;
	s21 =	sshll.u32 s5, $0x1;
	s2 =	sadd.s32 s19, s18  }
0x9c: {  	s6 =	simm.s32 $0x0;
	s20 =	sshll.u32 s4, $0x1;
	s4 =	sadd.s32 s21, s2  }
0x9d: {  	[timem:s6], [sflag:s22] =	dma.local [hbm:s4], s20  }
0x9e: {  	_ =	swait.ge [sflag:s22], s20  }
0x9f: {  	s3 =	ssub.s32 $0x0, s20;
	[sflag:s22] =	ssyncset.done $0x0  }
0xa0: {  	[sflag:s22] =	ssyncadd.s32 s3;
	_ =	sdelay $0x1  }
0xa1: {  	s23 =	simm.s32 $0x1B8B  }
0xa2: {  	_ =	swait.ge [sflag:s23], $0x1  }
0xa3: {  	[sflag:s23] =	ssyncset.done $0x0  }
0xa4: {  	s25 =	simm.s32 $0x1B8E;
	s24 =	sld [smem:$0x3FFE];
	[sflag:s23] =	ssyncadd.s32 $0xFFFFFFFF  }
0xa5: {  	s26 =	simm.s32 $execute0_lowered;
	[smem:$0x3FD2] =	sst s25  }
0xa6: {  	s4 =	sshll.u32 s26, $0x1;
	_ =	strace $0x80000049;
	[dreg:$0x1] =	wrdreg $0xFFFFFFFF  }
0xa7: {  	s28 =	simm.s32 $_size_execute0_lowered;
	s2 =	sadd.s32 s2, s4;
	[dreg:$0x0] =	wrdreg $0x0  }
0xa8: {  	s4 =	sshll.u32 s28, $0x1;
	[dreg:$0x2] =	wrdreg s2  }
0xa9: {  	[dreg:$0x3] =	wrdreg s4  }
0xaa: {  	[dreg:$0x4] =	wrdreg $0xC0  }
0xab: {  	_ =	task [dreg:s6], $0x5FFFF  }
0xac: {  	[dreg:$0x1] =	wrdreg $0xFFFFFFFF  }
0xad: {  	[dreg:$0x0] =	wrdreg $0x60  }
0xae: {  	[dreg:$0x2] =	wrdreg s24  }
0xaf: {  	[dreg:$0x3] =	wrdreg $0x0  }
0xb0: {  	[dreg:$0x4] =	wrdreg $0x9  }
0xb1: {  	_ =	task.clear_ibuf [dreg:s6], $0x5FFFF;
	_ =	strace $0x90000049  }
0xb2: {  	s29 =	simm.s32 $0x9;
	_ =	strace $0x8000004B  }
0xb3: {  	_ =	swait.ge [sflag:s29], $0x1  }
0xb4: {  	[sflag:s29] =	ssyncadd.s32 $0xFFFFFFFF  }
0xb5: {  	_ =	strace $0x9000004B  }
0xb6: {  	_ =	sfence  }
0xb7: {  	s30 =	sld [smem:$0x0];
	_ =	sdelay $0x2  }
0xb8: {  	s31 =	sshll.u32 s1, $0xD;
	s1 =	sshrl.u32 s1, $0x2  }
0xb9: {  	s3 =	sand.u32 $0x4000, s31;
	s1 =	sadd.s32 s1, s30  }
0xba: {  	s0 =	sor.u32 s3, s0;
	s1 =	sshll.u32 s1, $0x11  }
0xbb: {  	s0 =	sor.u32 s1, s0  }
0xbc: {  	s0 =	sadd.s32 $0x8F2B, s0  }
0xbd: {  	[sflag:s0] =	ssyncadd.remote.s32 $0x1  }
0xbe: {  	_ =	sfence.sel $0xFFFF  }
0xbf: {  	[dreg:$0x0] =	wrdreg $0xFFFFFFFF;
	(pc) =	sbr.abs _section_cstart, $3  }
0xc0: {  	[dreg:$0x1] =	wrdreg $0xFFFFFFFF  }
0xc1: {  	_ =	task.clear_ibuf [dreg:s6], $0x2FFFF;
	_ =	strace $0x9FFFFFFF  }
0xc2: {  	(tm) =	ssettm $0x7FFFFFFF  }
0xc3: {  	_ =	shalt  }
tec
execute0_lowered:
.L_overlay_start_1:
0x0: {  	(tag) =	ssettag $0x1  }
0x1: {  	s25 =	stileid.u32  }
0x2: {  	s5 =	smul.u32 $0xA000, s25  }
0x3: {  	s11 =	smul.u32 $0x50, s25  }
0x4: {  	s4 =	sor.u32 $0x10, s25;
	s23 =	smul.u32 $0x4E20, s25  }
0x5: {  	s0 =	srdreg.scid;
	s7 =	sor.u32 $0x20, s25;
	s6 =	smul.u32 $0xA000, s4  }
0x6: {  	s0 =	sand.u32 $0x1, s0;
	s8 =	smul.u32 $0xA000, s7  }
0x7: {  	s10 =	smul.u32 $0x2710, s0  }
0x8: {  	s12 =	smul.u32 $0x50, s4  }
0x9: {  	s13 =	sor.u32 $0x30, s25;
	s7 =	smul.u32 $0x50, s7  }
0xa: {  	s14 =	sor.u32 $0x40, s25;
	s15 =	smul.u32 $0x50, s13  }
0xb: {  	s16 =	sor.u32 $0x50, s25;
	s17 =	smul.u32 $0x50, s14  }
0xc: {  	s9 =	rddreg [dreg:$0x0];
	s18 =	sor.u32 $0x60, s25;
	s19 =	smul.u32 $0x50, s16  }
0xd: {  	s2 =	rddreg [dreg:$0x1];
	s21 =	sor.u32 $0x70, s25;
	s22 =	smul.u32 $0x50, s18  }
0xe: {  	s3 =	simm.s32 $0x0;
	s28 =	simm.s32 $0x1FB00;
	s24 =	smul.u32 $0x50, s21  }
0xf: {  	s29 =	simm.s32 $0x1FE00;
	s1 =	sshll.u32 s25, $0x1;
	s26 =	smul.u32 $0xA000, s13  }
0x10: {  	[smem:$0x7FF] =	sst s3;
	p0 =	sgt.u32 s25, $0xC;
	s30 =	smul.u32 $0xA000, s14  }
0x11: {  	s1 =	sor.u32 s0, s1;
	_ =	strace $0x8000004A;
	s13 =	smul.u32 $0xA000, s16  }
0x12: {  	s4 =	sadd.s32 $0x17000, s9;
	s0 =	ssub.s32 $0x2, s0;
	s18 =	smul.u32 $0xA000, s18  }
0x13: {  	s1 =	smul.u32 $0x2710, s1;
	s20 =	sshrl.u32 s0, $0x1;
	s5 =	sshrl.u32 s5, $0x2  }
0x14: {  	s20 =	ssub.s32 s0, s20;
	s11 =	sadd.s32 s11, s10;
	s12 =	sadd.s32 s10, s12  }
0x15: {  	s7 =	sadd.s32 s10, s7;
	s15 =	sadd.s32 s10, s15;
	s17 =	sadd.s32 s10, s17  }
0x16: {  	s19 =	sadd.s32 s10, s19;
	s22 =	sadd.s32 s10, s22;
	s24 =	sadd.s32 s10, s24  }
0x17: {  	s0 =	sadd.s32 s10, s23;
	s23 =	sadd.s32 $0x3600, s9;
	s9 =	sadd.s32 $0x3E200, s9  }
0x18: {  	s31 =	sadd.s32 s5, s2;
	s6 =	sshrl.u32 s6, $0x2;
	s8 =	sshrl.u32 s8, $0x2  }
0x19: {  	s26 =	sshrl.u32 s26, $0x2;
	s5 =	sshrl.u32 s30, $0x2;
	s30 =	smul.u32 $0xA000, s21  }
0x1a: {  	s13 =	sshrl.u32 s13, $0x2;
	s16 =	sadd.s32 s6, s2;
	s14 =	sadd.s32 s8, s2  }
0x1b: {  	s8 =	sadd.s32 s26, s2;
	s5 =	sadd.s32 s5, s2;
	[dreg:$0x3] =	wrdreg s23  }
0x1c: {  	s1 =	sshrl.u32 s1, $0x3;
	s26 =	sshll.u32 s11, $0x4;
	[dreg:$0x4] =	wrdreg s31  }
0x1d: {  	s10 =	sshll.u32 s7, $0x4;
	s11 =	sshll.u32 s15, $0x4;
	[dreg:$0x6] =	wrdreg s14  }
0x1e: {  	s15 =	sshll.u32 s22, $0x4;
	s20 =	smax.u32 s20, $0x1;
	[dreg:$0x7] =	wrdreg s8  }
0x1f: {  	[dreg:$0x8] =	wrdreg s5;
	s5 =	sadd.s32 s13, s2;
	s14 =	sshrl.u32 s18, $0x2  }
0x20: {  	s18 =	sshrl.u32 s30, $0x2;
	s8 =	sadd.s32 s23, s1;
	[dreg:$0x15] =	wrdreg s20  }
0x21: {  	s30 =	sshll.u32 s12, $0x4;
	s1 =	sadd.s32 s9, s26;
	[dreg:$0x5] =	wrdreg s16  }
0x22: {  	s12 =	sshll.u32 s17, $0x4;
	s17 =	sshll.u32 s24, $0x4;
	[dreg:$0x9] =	wrdreg s5  }
0x23: {  	s24 =	sadd.s32 $0x380, s0;
	s5 =	sadd.s32 s14, s2;
	[dreg:$0xd] =	wrdreg s1  }
0x24: {  	s21 =	sadd.s32 s18, s2;
	s6 =	sadd.s32 s9, s30;
	[dreg:$0xc] =	wrdreg s8  }
0x25: {  	s1 =	sadd.s32 s9, s10;
	s13 =	sadd.s32 s9, s12;
	[dreg:$0xa] =	wrdreg s5  }
0x26: {  	s14 =	sshll.u32 s19, $0x4;
	s18 =	sadd.s32 s9, s17;
	[dreg:$0xb] =	wrdreg s21  }
0x27: {  	s19 =	sadd.s32 $0x4E500, s0;
	s26 =	sshrl.u32 s24, $0x3;
	[dreg:$0xe] =	wrdreg s6  }
0x28: {  	s30 =	sadd.s32 $0x4E600, s0;
	s17 =	sadd.s32 $0x4E380, s0;
	[dreg:$0xf] =	wrdreg s1  }
0x29: {  	s24 =	sadd.s32 $0x20, s8;
	s25 =	sadd.s32 $0x9C60, s8;
	[dreg:$0x11] =	wrdreg s13  }
0x2a: {  	s1 =	sadd.s32 s9, s11;
	[dreg:$0x14] =	wrdreg s18;
	s21 =	sadd.s32 $0x4E580, s0  }
0x2b: {  	s5 =	sshrl.u32 s30, $0x3;
	s6 =	sadd.s32 $0x400, s0;
	s11 =	sadd.s32 $0x280, s0  }
0x2c: {  	s13 =	sadd.s32 $0x4E400, s0;
	s18 =	sadd.s32 $0x300, s0;
	[smem:$0x7FA] =	sst s24  }
0x2d: {  	[smem:$0x7FB] =	sst s25;
	s30 =	sadd.s32 $0xA120, s8;
	s24 =	simm.s32 $0x6  }
0x2e: {  	s25 =	simm.s32 $0xC;
	[dreg:$0x10] =	wrdreg s1;
	s1 =	sadd.s32 s9, s14  }
0x2f: {  	s22 =	sshrl.u32 s21, $0x3;
	s7 =	sshrl.u32 s6, $0x3;
	s12 =	sshrl.u32 s11, $0x3  }
0x30: {  	s14 =	sshrl.u32 s13, $0x3;
	s6 =	sshrl.u32 s17, $0x3;
	[dreg:$0x1e] =	wrdreg s18  }
0x31: {  	s21 =	sadd.s32 $0x9C40, s8;
	[smem:$0x7FD] =	sst s30;
	s18 =	simm.s32 $0x13880  }
0x32: {  	s17 =	simm.s32 $0xD;
	s11 =	simm.s32 $0x1FA00;
	s13 =	simm.s32 $0x4  }
0x33: {  	[dreg:$0x12] =	wrdreg s1;
	s1 =	sadd.s32 s9, s15;
	s9 =	sadd.s32 $0x4E480, s0  }
0x34: {  	s15 =	sadd.s32 $0x200, s0;
	s0 =	sadd.s32 $0x180, s0;
	[smem:$0x7F7] =	sst s21  }
0x35: {  	s20 =	sadd.s32 s6, s23;
	[dreg:$0x13] =	wrdreg s1;
	s1 =	sshrl.u32 s19, $0x3  }
0x36: {  	[smem:$0x7F5] =	sst s20;
	s0 =	sshrl.u32 s0, $0x3;
	s1 =	sadd.s32 s1, s23  }
0x37: {  	s21 =	simm.s32 $0x1FA80;
	s0 =	sadd.s32 s0, s23;
	[dreg:$0x16] =	wrdreg s1  }
0x38: {  	s10 =	sshrl.u32 s9, $0x3;
	s1 =	sadd.s32 s22, s23;
	[smem:$0x7F6] =	sst s0  }
0x39: {  	s9 =	simm.s32 $0x1B880;
	s22 =	sadd.s32 $0x10, s8;
	[dreg:$0x17] =	wrdreg s1  }
0x3a: {  	s20 =	simm.s32 $0xA;
	s1 =	sadd.s32 s26, s23;
	[smem:$0x7F8] =	sst s22  }
0x3b: {  	s0 =	simm.s32 $0x5;
	s26 =	sadd.s32 $0x4E0, s8;
	[dreg:$0x18] =	wrdreg s1  }
0x3c: {  	s22 =	simm.s32 $0x80;
	s1 =	sadd.s32 s5, s23;
	[smem:$0x7FC] =	sst s26  }
0x3d: {  	s5 =	sshrl.u32 s15, $0x3;
	s15 =	simm.s32 $0x0;
	[dreg:$0x19] =	wrdreg s1  }
0x3e: {  	s1 =	sadd.s32 s7, s23;
	s19 =	sadd.s32 s5, s23;
	s7 =	simm.s32 $0x1FC80  }
0x3f: {  	s5 =	simm.s32 $0x3;
	[dreg:$0x1a] =	wrdreg s1;
	s1 =	sadd.s32 s10, s23  }
.Ltmp0:
0x40: {  	[dreg:$0x1f] =	wrdreg s19;
	s10 =	simm.s32 $0x1;
	(pc) =	sbr.rel .LBB2_1-.Ltmp0, $4  }
0x41: {  	s19 =	simm.s32 $0xB;
	[dreg:$0x1b] =	wrdreg s1;
	s1 =	sadd.s32 s12, s23  }
0x42: {  	s12 =	simm.s32 $0x1FD00;
	[dreg:$0x1c] =	wrdreg s1;
	s1 =	sadd.s32 s14, s23  }
0x43: {  	s23 =	sadd.s32 $0x9C50, s8;
	s14 =	simm.s32 $0x17880;
	[dreg:$0x1d] =	wrdreg s1  }
0x44: {  	v0 =	vimm.f32 $0.0e+00;
	s8 =	simm.s32 $0x9;
	[smem:$0x7F9] =	sst s23;
	s23 =	simm.s32 $0x2  }
.LBB2_6:
0x45: {  	_ =	swait.ge [sflag:s13], $0x4000  }
0x46: {  	[sflag:s13] =	ssyncset.done $0x0  }
0x47: {  	[sflag:s13] =	ssyncadd.s32 $0xFFFFC000  }
0x48: {  	_ =	swait.ge [sflag:s0], $0x4000  }
0x49: {  	[sflag:s0] =	ssyncset.done $0x0  }
0x4a: {  	[sflag:s0] =	ssyncadd.s32 $0xFFFFC000  }
0x4b: {  	_ =	swait.ge [sflag:s24], $0x4000  }
0x4c: {  	s1 =	sld [smem:$0x7FC]  }
0x4d: {  	[sflag:s24] =	ssyncset.done $0x0  }
0x4e: {  	s6 =	simm.s32 $0x1FE80;
	s17 =	simm.s32 $0xD;
	[sflag:s24] =	ssyncadd.s32 $0xFFFFC000  }
0x4f: {  	[tilespmem:s6], [sflag:$0xD] =	stream.linear.gather [hbm4b:s1+s3], $0x10, $0x38;
	[tilespmem:$0x1FF80] =	vst v63  }
0x50: {  	_ =	swait.ge [sflag:s17], $0x10  }
0x51: {  	s26 =	sld [smem:$0x7FD]  }
0x52: {  	[sflag:s17] =	ssyncset.done $0x0  }
0x53: {  	s15 =	simm.s32 $0x1FF00;
	[sflag:s17] =	ssyncadd.s32 $0xFFFFFFF0  }
0x54: {  	[tilespmem:s15], [sflag:$0xD] =	stream.linear.gather [hbm4b:s26+s3], $0x10, $0x38;
	[tilespmem:$0x1FF80] =	vst v63  }
0x55: {  	_ =	swait.ge [sflag:s17], $0x10  }
0x56: {  	[sflag:s17] =	ssyncset.done $0x0  }
0x57: {  	s30 =	simm.s32 $0x10;
	[sflag:s17] =	ssyncadd.s32 $0xFFFFFFF0  }
0x58: {  	[tilespmem:s18], [sflag:$0x1] =	stream.indirect.gather [hbm4b:s4+s30], $0x80, s6, s30, $0xb8;
	[tilespmem:$0x1FF80] =	vst v63  }
0x59: {  	_ =	swait.ge [sflag:s10], $0x800  }
0x5a: {  	[sflag:s10] =	ssyncset.done $0x0  }
0x5b: {  	[sflag:s10] =	ssyncadd.s32 $0xFFFFF800  }
0x5c: {  	[spmem:s2] =	stream.indirect.scatter.add.f32 [tilespmem:s18], [sflag:$0xD], $0x80, s15, s30, $0xb8;
	[tilespmem:$0x1FF80] =	vst v63  }
0x5d: {  	_ =	swait.ge [sflag:s17], $0x800  }
0x5e: {  	[sflag:s17] =	ssyncset.done $0x0  }
0x5f: {  	[sflag:s17] =	ssyncadd.s32 $0xFFFFF800  }
0x60: {  	s6 =	stileid.u32;
	[bflag:$0x0] =	sbarrier.arrive $0xFFFF  }
0x61: {  	s1 =	sshll.u32 s6, $0x6;
	s31 =	rddreg [dreg:$0x4]  }
0x62: {  	s1 =	sor.u32 $0x1C0D, s1;
	s16 =	rddreg [dreg:$0xd];
	s15 =	sshrl.u32 s31, $0x3  }
0x63: {  	[hbm:s16], [sflag:s1] =	dma.local [spmem:s15], $0x500  }
0x64: {  	_ =	swait.ge [sflag:s17], $0x500  }
0x65: {  	[sflag:s17] =	ssyncset.done $0x0;
	s16 =	rddreg [dreg:$0x5]  }
0x66: {  	s30 =	rddreg [dreg:$0xe];
	[sflag:s17] =	ssyncadd.s32 $0xFFFFFB00;
	s26 =	sshrl.u32 s16, $0x3  }
0x67: {  	[hbm:s30], [sflag:s1] =	dma.local [spmem:s26], $0x500  }
0x68: {  	_ =	swait.ge [sflag:s17], $0x500  }
0x69: {  	[sflag:s17] =	ssyncset.done $0x0;
	s26 =	rddreg [dreg:$0x6]  }
0x6a: {  	s30 =	rddreg [dreg:$0xf];
	[sflag:s17] =	ssyncadd.s32 $0xFFFFFB00;
	s6 =	sshrl.u32 s26, $0x3  }
0x6b: {  	[hbm:s30], [sflag:s1] =	dma.local [spmem:s6], $0x500  }
0x6c: {  	_ =	swait.ge [sflag:s17], $0x500  }
0x6d: {  	[sflag:s17] =	ssyncset.done $0x0;
	s26 =	rddreg [dreg:$0x7]  }
0x6e: {  	s30 =	rddreg [dreg:$0x10];
	[sflag:s17] =	ssyncadd.s32 $0xFFFFFB00;
	s6 =	sshrl.u32 s26, $0x3  }
0x6f: {  	[hbm:s30], [sflag:s1] =	dma.local [spmem:s6], $0x500  }
0x70: {  	_ =	swait.ge [sflag:s17], $0x500  }
0x71: {  	[sflag:s17] =	ssyncset.done $0x0;
	s26 =	rddreg [dreg:$0x8]  }
0x72: {  	s30 =	rddreg [dreg:$0x11];
	[sflag:s17] =	ssyncadd.s32 $0xFFFFFB00;
	s6 =	sshrl.u32 s26, $0x3  }
0x73: {  	[hbm:s30], [sflag:s1] =	dma.local [spmem:s6], $0x500  }
0x74: {  	_ =	swait.ge [sflag:s17], $0x500  }
0x75: {  	[sflag:s17] =	ssyncset.done $0x0;
	s26 =	rddreg [dreg:$0x9]  }
0x76: {  	s30 =	rddreg [dreg:$0x12];
	[sflag:s17] =	ssyncadd.s32 $0xFFFFFB00;
	s6 =	sshrl.u32 s26, $0x3  }
0x77: {  	[hbm:s30], [sflag:s1] =	dma.local [spmem:s6], $0x500  }
0x78: {  	_ =	swait.ge [sflag:s17], $0x500  }
0x79: {  	[sflag:s17] =	ssyncset.done $0x0;
	s26 =	rddreg [dreg:$0xa]  }
0x7a: {  	s30 =	rddreg [dreg:$0x13];
	[sflag:s17] =	ssyncadd.s32 $0xFFFFFB00;
	s6 =	sshrl.u32 s26, $0x3  }
0x7b: {  	[hbm:s30], [sflag:s1] =	dma.local [spmem:s6], $0x500  }
0x7c: {  	_ =	swait.ge [sflag:s17], $0x500  }
0x7d: {  	[sflag:s17] =	ssyncset.done $0x0;
	s6 =	rddreg [dreg:$0xb]  }
0x7e: {  	s15 =	rddreg [dreg:$0x14];
	[sflag:s17] =	ssyncadd.s32 $0xFFFFFB00;
	s6 =	sshrl.u32 @!p0 s6, $0x3  }
0x7f: {  	[hbm:s15], [sflag:s1] =	dma.local @!p0 [spmem:s6], $0x500  }
0x80: {  	s1 =	simm.s32 @!p0 $0xD  }
0x81: {  	_ =	swait.ge @!p0 [sflag:s1], $0x500  }
0x82: {  	s26 =	sld [smem:$0x7F4];
	_ =	sdelay $0x2  }
0x83: {  	s30 =	rddreg [dreg:$0x15];
	s15 =	sadd.s32 $0x1, s26  }
0x84: {  	p1 =	sne.s32 s15, s30  }
.Ltmp1:
0x85: {  	_ = 	snop;
	(pc) =	sbr.rel @!p1 .LBB2_7-.Ltmp1, $3  }
0x86: {  	_ =	sdelay $0x1  }
0x87: {  	[sflag:s1] =	ssyncset.done @!p0 $0x0  }
0x88: {  	[sflag:s1] =	ssyncadd.s32 @!p0 $0xFFFFFB00  }
.LBB2_1:
0x89: {  	[smem:$0x7F4] =	sst s15;
	s26 =	simm.s32 $0x0;
	s30 =	simm.s32 $0x200  }
.LBB2_2:
0x8a: {  	p1 =	sne.s32 s30, $0x9E00;
	[tilespmem:s26+$0x138F0] =	vst v0  }
0x8b: {  	[tilespmem:s26+$0x13880] =	vst v0  }
0x8c: {  	[tilespmem:s26+$0x13890] =	vst v0  }
.Ltmp2:
0x8d: {  	[tilespmem:s26+$0x138A0] =	vst v0;
	(pc) =	sbr.rel @p1 .LBB2_2-.Ltmp2, $4  }
0x8e: {  	[tilespmem:s26+$0x138B0] =	vst v0  }
0x8f: {  	[tilespmem:s26+$0x138C0] =	vst v0  }
0x90: {  	[tilespmem:s26+$0x138D0] =	vst v0  }
0x91: {  	[tilespmem:s26+$0x138E0] =	vst v0;
	s26 =	sshra.s32 s30, $0x2;
	s30 =	sadd.s32 $0x200, s30  }
0x92: {  	[tilespmem:s26+$0x138F0] =	vst v0  }
0x93: {  	[tilespmem:s26+$0x13880] =	vst v0  }
0x94: {  	[tilespmem:s26+$0x13890] =	vst v0  }
0x95: {  	[tilespmem:s26+$0x138A0] =	vst v0  }
0x96: {  	[tilespmem:s26+$0x138B0] =	vst v0  }
0x97: {  	[tilespmem:s26+$0x138C0] =	vst v0  }
0x98: {  	[tilespmem:s26+$0x138D0] =	vst v0  }
0x99: {  	[tilespmem:s26+$0x138E0] =	vst v0  }
0x9a: {  	[spmem:s31] =	stream.linear.scatter [tilespmem:s18], [sflag:$0xD], $0x2800, $0x38;
	[tilespmem:$0x1FF80] =	vst v63  }
0x9b: {  	_ =	swait.ge [sflag:s17], $0x2800  }
0x9c: {  	[sflag:s17] =	ssyncset.done $0x0  }
0x9d: {  	[sflag:s17] =	ssyncadd.s32 $0xFFFFD800  }
0x9e: {  	[spmem:s16] =	stream.linear.scatter [tilespmem:s18], [sflag:$0xD], $0x2800, $0x38;
	[tilespmem:$0x1FF80] =	vst v63  }
0x9f: {  	_ =	swait.ge [sflag:s17], $0x2800  }
0xa0: {  	[sflag:s17] =	ssyncset.done $0x0  }
0xa1: {  	s1 =	rddreg [dreg:$0x6];
	[sflag:s17] =	ssyncadd.s32 $0xFFFFD800  }
0xa2: {  	[spmem:s1] =	stream.linear.scatter [tilespmem:s18], [sflag:$0xD], $0x2800, $0x38;
	[tilespmem:$0x1FF80] =	vst v63  }
0xa3: {  	_ =	swait.ge [sflag:s17], $0x2800  }
0xa4: {  	[sflag:s17] =	ssyncset.done $0x0  }
0xa5: {  	s26 =	rddreg [dreg:$0x7];
	[sflag:s17] =	ssyncadd.s32 $0xFFFFD800  }
0xa6: {  	[spmem:s26] =	stream.linear.scatter [tilespmem:s18], [sflag:$0xD], $0x2800, $0x38;
	[tilespmem:$0x1FF80] =	vst v63  }
0xa7: {  	_ =	swait.ge [sflag:s17], $0x2800  }
0xa8: {  	[sflag:s17] =	ssyncset.done $0x0  }
0xa9: {  	s31 =	rddreg [dreg:$0x8];
	[sflag:s17] =	ssyncadd.s32 $0xFFFFD800  }
0xaa: {  	[spmem:s31] =	stream.linear.scatter [tilespmem:s18], [sflag:$0xD], $0x2800, $0x38;
	[tilespmem:$0x1FF80] =	vst v63  }
0xab: {  	_ =	swait.ge [sflag:s17], $0x2800  }
0xac: {  	[sflag:s17] =	ssyncset.done $0x0  }
0xad: {  	s6 =	rddreg [dreg:$0x9];
	[sflag:s17] =	ssyncadd.s32 $0xFFFFD800  }
0xae: {  	[spmem:s6] =	stream.linear.scatter [tilespmem:s18], [sflag:$0xD], $0x2800, $0x38;
	[tilespmem:$0x1FF80] =	vst v63  }
0xaf: {  	_ =	swait.ge [sflag:s17], $0x2800  }
0xb0: {  	[sflag:s17] =	ssyncset.done $0x0  }
0xb1: {  	s15 =	rddreg [dreg:$0xa];
	[sflag:s17] =	ssyncadd.s32 $0xFFFFD800  }
0xb2: {  	[spmem:s15] =	stream.linear.scatter [tilespmem:s18], [sflag:$0xD], $0x2800, $0x38;
	[tilespmem:$0x1FF80] =	vst v63  }
0xb3: {  	_ =	swait.ge [sflag:s17], $0x2800  }
0xb4: {  	[sflag:s17] =	ssyncset.done $0x0  }
0xb5: {  	s26 =	simm.s32 @!p0 $0x13880;
	s1 =	rddreg [dreg:$0xb];
	[sflag:s17] =	ssyncadd.s32 $0xFFFFD800  }
0xb6: {  	[spmem:s1] =	stream.linear.scatter @!p0 [tilespmem:s26], [sflag:$0xD], $0x2800, $0x38;
	[tilespmem:$0x1FF80] =	vst v63  }
0xb7: {  	s26 =	simm.s32 @!p0 $0xD  }
0xb8: {  	_ =	swait.ge @!p0 [sflag:s26], $0x2800  }
0xb9: {  	[sflag:s26] =	ssyncset.done @!p0 $0x0  }
0xba: {  	[sflag:s26] =	ssyncadd.s32 @!p0 $0xFFFFD800  }
0xbb: {  	[bflag:$0x0] =	sbarrier.arrive $0xFFFF  }
0xbc: {  	s16 =	rddreg [dreg:$0xc]  }
0xbd: {  	s6 =	simm.s32 $0x1F880;
	s26 =	simm.s32 $0x0;
	s17 =	sld [smem:$0x7F7]  }
0xbe: {  	[tilespmem:s6], [sflag:$0x7] =	stream.linear.gather [hbm4b:s16+s26], $0x80, $0x38;
	[tilespmem:$0x1FF80] =	vst v63  }
0xbf: {  	s31 =	simm.s32 $0x7;
	s15 =	simm.s32 $0x1FB80  }
0xc0: {  	[tilespmem:s15], [sflag:$0x7] =	stream.linear.gather [hbm4b:s17+s26], $0x80, $0x38;
	[tilespmem:$0x1FF80] =	vst v63  }
0xc1: {  	_ =	swait.ge [sflag:s31], $0x80  }
0xc2: {  	[sflag:s31] =	ssyncset.done $0x0  }
0xc3: {  	[sflag:s31] =	ssyncadd.s32 $0xFFFFFF80  }
0xc4: {  	_ =	swait.ge [sflag:s31], $0x80  }
0xc5: {  	[sflag:s31] =	ssyncset.done $0x0  }
0xc6: {  	s15 =	sld [smem:$0x7F8];
	[sflag:s31] =	ssyncadd.s32 $0xFFFFFF80  }
0xc7: {  	[tilespmem:s18], [sflag:$0x1] =	stream.indirect.gather [hbm4b:s4+s22], $0x80, s6, s22, $0xb8;
	[tilespmem:$0x1FF80] =	vst v63  }
0xc8: {  	s16 =	simm.s32 $0x1F900;
	s17 =	sld [smem:$0x7F9]  }
0xc9: {  	[tilespmem:s16], [sflag:$0x8] =	stream.linear.gather [hbm4b:s15+s26], $0x80, $0x38;
	[tilespmem:$0x1FF80] =	vst v63  }
0xca: {  	s31 =	simm.s32 $0x1FC00;
	s15 =	simm.s32 $0x8  }
0xcb: {  	[tilespmem:s31], [sflag:$0x8] =	stream.linear.gather [hbm4b:s17+s26], $0x80, $0x38;
	[tilespmem:$0x1FF80] =	vst v63  }
0xcc: {  	_ =	swait.ge [sflag:s15], $0x80  }
0xcd: {  	[sflag:s15] =	ssyncset.done $0x0  }
0xce: {  	[sflag:s15] =	ssyncadd.s32 $0xFFFFFF80  }
0xcf: {  	_ =	swait.ge [sflag:s15], $0x80  }
0xd0: {  	[sflag:s15] =	ssyncset.done $0x0  }
0xd1: {  	[sflag:s15] =	ssyncadd.s32 $0xFFFFFF80  }
0xd2: {  	[tilespmem:s14], [sflag:$0x2] =	stream.indirect.gather [hbm4b:s4+s22], $0x80, s16, s22, $0xb8;
	[tilespmem:$0x1FF80] =	vst v63  }
0xd3: {  	s16 =	sld [smem:$0x7FA];
	_ =	sdelay $0x1  }
0xd4: {  	s17 =	simm.s32 $0x1F980;
	s31 =	sld [smem:$0x7FB]  }
0xd5: {  	[tilespmem:s17], [sflag:$0x9] =	stream.linear.gather [hbm4b:s16+s26], $0x80, $0x38;
	[tilespmem:$0x1FF80] =	vst v63  }
0xd6: {  	_ = 	snop  }
0xd7: {  	[tilespmem:s7], [sflag:$0x9] =	stream.linear.gather [hbm4b:s31+s26], $0x80, $0x38;
	[tilespmem:$0x1FF80] =	vst v63  }
0xd8: {  	_ =	swait.ge [sflag:s8], $0x80  }
0xd9: {  	[sflag:s8] =	ssyncset.done $0x0  }
0xda: {  	[sflag:s8] =	ssyncadd.s32 $0xFFFFFF80  }
0xdb: {  	_ =	swait.ge [sflag:s8], $0x80  }
0xdc: {  	[sflag:s8] =	ssyncset.done $0x0  }
0xdd: {  	s30 =	rddreg [dreg:$0x1e];
	[sflag:s8] =	ssyncadd.s32 $0xFFFFFF80  }
0xde: {  	[tilespmem:s9], [sflag:$0x3] =	stream.indirect.gather [hbm4b:s4+s22], $0x80, s17, s22, $0xb8;
	[tilespmem:$0x1FF80] =	vst v63  }
.LBB2_4:
0xdf: {  	_ =	swait.ge [sflag:s10], $0x4000  }
0xe0: {  	[sflag:s10] =	ssyncset.done $0x0;
	s6 =	sld [smem:$0x7F6]  }
0xe1: {  	s1 =	simm.s32 $0x1FB80;
	s15 =	sld [smem:$0x7F5];
	[sflag:s10] =	ssyncadd.s32 $0xFFFFC000  }
0xe2: {  	[spmem:s2] =	stream.indirect.scatter.add.f32 [tilespmem:s18], [sflag:$0x4], $0x80, s1, s22, $0xb8;
	[tilespmem:$0x1FF80] =	vst v63  }
0xe3: {  	s31 =	sadd.s32 s26, s6  }
0xe4: {  	[tilespmem:s11], [sflag:$0xA] =	stream.linear.gather [hbm4b:s31+s3], $0x80, $0x38;
	[tilespmem:$0x1FF80] =	vst v63  }
0xe5: {  	s16 =	sadd.s32 s26, s15  }
0xe6: {  	[tilespmem:s12], [sflag:$0xA] =	stream.linear.gather [hbm4b:s16+s3], $0x80, $0x38;
	[tilespmem:$0x1FF80] =	vst v63  }
0xe7: {  	_ =	swait.ge [sflag:s13], $0x4000  }
0xe8: {  	[sflag:s13] =	ssyncset.done $0x0  }
0xe9: {  	[sflag:s13] =	ssyncadd.s32 $0xFFFFC000  }
0xea: {  	_ =	swait.ge [sflag:s20], $0x80  }
0xeb: {  	[sflag:s20] =	ssyncset.done $0x0  }
0xec: {  	[sflag:s20] =	ssyncadd.s32 $0xFFFFFF80  }
0xed: {  	_ =	swait.ge [sflag:s20], $0x80  }
0xee: {  	[sflag:s20] =	ssyncset.done $0x0  }
0xef: {  	[sflag:s20] =	ssyncadd.s32 $0xFFFFFF80  }
0xf0: {  	[tilespmem:s18], [sflag:$0x1] =	stream.indirect.gather [hbm4b:s4+s22], $0x80, s11, s22, $0xb8;
	[tilespmem:$0x1FF80] =	vst v63  }
0xf1: {  	_ =	swait.ge [sflag:s23], $0x4000  }
0xf2: {  	[sflag:s23] =	ssyncset.done $0x0  }
0xf3: {  	s17 =	simm.s32 $0x1FC00;
	s31 =	rddreg [dreg:$0x1f];
	[sflag:s23] =	ssyncadd.s32 $0xFFFFC000  }
0xf4: {  	[spmem:s2] =	stream.indirect.scatter.add.f32 [tilespmem:s14], [sflag:$0x5], $0x80, s17, s22, $0xb8;
	[tilespmem:$0x1FF80] =	vst v63  }
0xf5: {  	s15 =	rddreg [dreg:$0x1d];
	s6 =	sadd.s32 s26, s31  }
0xf6: {  	[tilespmem:s21], [sflag:$0xB] =	stream.linear.gather [hbm4b:s6+s3], $0x80, $0x38;
	[tilespmem:$0x1FF80] =	vst v63  }
0xf7: {  	s16 =	sadd.s32 s26, s15;
	s17 =	simm.s32 $0x1FD80  }
0xf8: {  	[tilespmem:s17], [sflag:$0xB] =	stream.linear.gather [hbm4b:s16+s3], $0x80, $0x38;
	[tilespmem:$0x1FF80] =	vst v63  }
0xf9: {  	_ =	swait.ge [sflag:s0], $0x4000  }
0xfa: {  	[sflag:s0] =	ssyncset.done $0x0  }
0xfb: {  	[sflag:s0] =	ssyncadd.s32 $0xFFFFC000  }
0xfc: {  	_ =	swait.ge [sflag:s19], $0x80  }
0xfd: {  	[sflag:s19] =	ssyncset.done $0x0  }
0xfe: {  	[sflag:s19] =	ssyncadd.s32 $0xFFFFFF80  }
0xff: {  	_ =	swait.ge [sflag:s19], $0x80  }
0x100: {  	[sflag:s19] =	ssyncset.done $0x0  }
0x101: {  	[sflag:s19] =	ssyncadd.s32 $0xFFFFFF80  }
0x102: {  	[tilespmem:s14], [sflag:$0x2] =	stream.indirect.gather [hbm4b:s4+s22], $0x80, s21, s22, $0xb8;
	[tilespmem:$0x1FF80] =	vst v63  }
0x103: {  	_ =	swait.ge [sflag:s5], $0x4000  }
0x104: {  	[sflag:s5] =	ssyncset.done $0x0  }
0x105: {  	s6 =	rddreg [dreg:$0x1c];
	[sflag:s5] =	ssyncadd.s32 $0xFFFFC000  }
0x106: {  	[spmem:s2] =	stream.indirect.scatter.add.f32 [tilespmem:s9], [sflag:$0x6], $0x80, s7, s22, $0xb8;
	[tilespmem:$0x1FF80] =	vst v63  }
0x107: {  	s16 =	rddreg [dreg:$0x1b];
	s15 =	sadd.s32 s26, s6  }
0x108: {  	[tilespmem:s28], [sflag:$0xC] =	stream.linear.gather [hbm4b:s15+s3], $0x80, $0x38;
	[tilespmem:$0x1FF80] =	vst v63  }
0x109: {  	s17 =	sadd.s32 s26, s16  }
0x10a: {  	[tilespmem:s29], [sflag:$0xC] =	stream.linear.gather [hbm4b:s17+s3], $0x80, $0x38;
	[tilespmem:$0x1FF80] =	vst v63  }
0x10b: {  	_ =	swait.ge [sflag:s24], $0x4000  }
0x10c: {  	[sflag:s24] =	ssyncset.done $0x0  }
0x10d: {  	[sflag:s24] =	ssyncadd.s32 $0xFFFFC000  }
0x10e: {  	_ =	swait.ge [sflag:s25], $0x80  }
0x10f: {  	[sflag:s25] =	ssyncset.done $0x0  }
0x110: {  	[sflag:s25] =	ssyncadd.s32 $0xFFFFFF80  }
0x111: {  	_ =	swait.ge [sflag:s25], $0x80  }
0x112: {  	[sflag:s25] =	ssyncset.done $0x0  }
0x113: {  	[sflag:s25] =	ssyncadd.s32 $0xFFFFFF80  }
0x114: {  	[tilespmem:s9], [sflag:$0x3] =	stream.indirect.gather [hbm4b:s4+s22], $0x80, s28, s22, $0xb8;
	[tilespmem:$0x1FF80] =	vst v63  }
0x115: {  	_ =	swait.ge [sflag:s10], $0x4000  }
0x116: {  	p1 =	seq.s32 s26, $0x480;
	[sflag:s10] =	ssyncset.done $0x0  }
0x117: {  	s31 =	simm.s32 @p1 $0x2;
	[sflag:s10] =	ssyncadd.s32 $0xFFFFC000  }
0x118: {  	[spmem:s2] =	stream.indirect.scatter.add.f32 [tilespmem:s18], [sflag:$0x4], $0x80, s12, s22, $0xb8;
	[tilespmem:$0x1FF80] =	vst v63  }
0x119: {  	_ =	swait.ge @p1 [sflag:s31], $0x4000  }
0x11a: {  	s1 =	simm.s32 @p1 $0x1FD80;
	[sflag:s31] =	ssyncset.done @p1 $0x0  }
0x11b: {  	s15 =	simm.s32 @p1 $0x17880;
	[sflag:s31] =	ssyncadd.s32 @p1 $0xFFFFC000;
	s31 =	simm.s32 @p1 $0x80  }
0x11c: {  	[spmem:s2] =	stream.indirect.scatter.add.f32 @p1 [tilespmem:s15], [sflag:$0x5], $0x80, s1, s31, $0xb8;
	[tilespmem:$0x1FF80] =	vst v63  }
0x11d: {  	s6 =	rddreg [dreg:$0x3];
	s1 =	sshrl.u32 @!p1 s30, $0x3  }
0x11e: {  	s15 =	simm.s32 @!p1 $0x0;
	s31 =	simm.s32 @!p1 $0x1F880;
	s1 =	sadd.s32 @!p1 s6, s1  }
0x11f: {  	[tilespmem:s31], [sflag:$0x7] =	stream.linear.gather @!p1 [hbm4b:s1+s15], $0x80, $0x38;
	[tilespmem:$0x1FF80] =	vst v63  }
0x120: {  	s1 =	rddreg [dreg:$0x16]  }
0x121: {  	s16 =	simm.s32 @!p1 $0x1FB80;
	s1 =	sadd.s32 @!p1 s26, s1  }
0x122: {  	[tilespmem:s16], [sflag:$0x7] =	stream.linear.gather @!p1 [hbm4b:s1+s15], $0x80, $0x38;
	[tilespmem:$0x1FF80] =	vst v63  }
0x123: {  	s1 =	simm.s32 @!p1 $0x4  }
0x124: {  	_ =	swait.ge @!p1 [sflag:s1], $0x4000  }
0x125: {  	[sflag:s1] =	ssyncset.done @!p1 $0x0  }
0x126: {  	[sflag:s1] =	ssyncadd.s32 @!p1 $0xFFFFC000;
	s1 =	simm.s32 @!p1 $0x7  }
0x127: {  	_ =	swait.ge @!p1 [sflag:s1], $0x80  }
0x128: {  	[sflag:s1] =	ssyncset.done @!p1 $0x0  }
0x129: {  	[sflag:s1] =	ssyncadd.s32 @!p1 $0xFFFFFF80  }
0x12a: {  	_ =	swait.ge @!p1 [sflag:s1], $0x80  }
0x12b: {  	[sflag:s1] =	ssyncset.done @!p1 $0x0  }
0x12c: {  	s16 =	simm.s32 @!p1 $0x13880;
	[sflag:s1] =	ssyncadd.s32 @!p1 $0xFFFFFF80;
	s1 =	simm.s32 @!p1 $0x80  }
0x12d: {  	[tilespmem:s16], [sflag:$0x1] =	stream.indirect.gather @!p1 [hbm4b:s4+s1], $0x80, s31, s1, $0xb8;
	[tilespmem:$0x1FF80] =	vst v63  }
0x12e: {  	s16 =	simm.s32 @!p1 $0x2  }
0x12f: {  	_ =	swait.ge @!p1 [sflag:s16], $0x4000  }
0x130: {  	s31 =	simm.s32 @!p1 $0x17880;
	[sflag:s16] =	ssyncset.done @!p1 $0x0  }
0x131: {  	s6 =	rddreg [dreg:$0x18];
	[sflag:s16] =	ssyncadd.s32 @!p1 $0xFFFFC000;
	s16 =	simm.s32 @!p1 $0x1FD80  }
0x132: {  	[spmem:s2] =	stream.indirect.scatter.add.f32 @!p1 [tilespmem:s31], [sflag:$0x5], $0x80, s16, s1, $0xb8;
	[tilespmem:$0x1FF80] =	vst v63  }
0x133: {  	s17 =	simm.s32 @!p1 $0x1F900;
	s16 =	sadd.s32 @!p1 s26, s6;
	s6 =	rddreg [dreg:$0x17]  }
0x134: {  	[tilespmem:s17], [sflag:$0x8] =	stream.linear.gather @!p1 [hbm4b:s16+s15], $0x80, $0x38;
	[tilespmem:$0x1FF80] =	vst v63  }
0x135: {  	s16 =	sadd.s32 @!p1 s26, s6;
	s6 =	simm.s32 @!p1 $0x1FC00  }
0x136: {  	[tilespmem:s6], [sflag:$0x8] =	stream.linear.gather @!p1 [hbm4b:s16+s15], $0x80, $0x38;
	[tilespmem:$0x1FF80] =	vst v63  }
0x137: {  	s6 =	simm.s32 @!p1 $0x5  }
0x138: {  	_ =	swait.ge @!p1 [sflag:s6], $0x4000  }
0x139: {  	[sflag:s6] =	ssyncset.done @!p1 $0x0  }
0x13a: {  	[sflag:s6] =	ssyncadd.s32 @!p1 $0xFFFFC000;
	s6 =	simm.s32 @!p1 $0x8  }
0x13b: {  	_ =	swait.ge @!p1 [sflag:s6], $0x80  }
0x13c: {  	[sflag:s6] =	ssyncset.done @!p1 $0x0  }
0x13d: {  	[sflag:s6] =	ssyncadd.s32 @!p1 $0xFFFFFF80  }
0x13e: {  	_ =	swait.ge @!p1 [sflag:s6], $0x80  }
0x13f: {  	[sflag:s6] =	ssyncset.done @!p1 $0x0  }
0x140: {  	[sflag:s6] =	ssyncadd.s32 @!p1 $0xFFFFFF80  }
0x141: {  	[tilespmem:s31], [sflag:$0x2] =	stream.indirect.gather @!p1 [hbm4b:s4+s1], $0x80, s17, s1, $0xb8;
	[tilespmem:$0x1FF80] =	vst v63  }
.Ltmp3:
0x142: {  	_ = 	snop;
	(pc) =	sbr.rel @p1 .LBB2_6-.Ltmp3, $4  }
0x143: {  	_ =	swait.ge [sflag:s5], $0x4000  }
0x144: {  	[sflag:s5] =	ssyncset.done $0x0  }
0x145: {  	[sflag:s5] =	ssyncadd.s32 $0xFFFFC000  }
0x146: {  	[spmem:s2] =	stream.indirect.scatter.add.f32 [tilespmem:s9], [sflag:$0x6], $0x80, s29, s22, $0xb8;
	[tilespmem:$0x1FF80] =	vst v63  }
0x147: {  	s1 =	rddreg [dreg:$0x1a]  }
0x148: {  	s6 =	simm.s32 $0x1F980;
	s31 =	rddreg [dreg:$0x19];
	s1 =	sadd.s32 s26, s1  }
0x149: {  	[tilespmem:s6], [sflag:$0x9] =	stream.linear.gather [hbm4b:s1+s3], $0x80, $0x38;
	[tilespmem:$0x1FF80] =	vst v63  }
0x14a: {  	s1 =	sadd.s32 s26, s31  }
0x14b: {  	[tilespmem:s7], [sflag:$0x9] =	stream.linear.gather [hbm4b:s1+s3], $0x80, $0x38;
	[tilespmem:$0x1FF80] =	vst v63  }
0x14c: {  	_ =	swait.ge [sflag:s24], $0x4000  }
0x14d: {  	[sflag:s24] =	ssyncset.done $0x0  }
0x14e: {  	[sflag:s24] =	ssyncadd.s32 $0xFFFFC000  }
0x14f: {  	_ =	swait.ge [sflag:s8], $0x80  }
0x150: {  	[sflag:s8] =	ssyncset.done $0x0  }
.Ltmp4:
0x151: {  	[sflag:s8] =	ssyncadd.s32 $0xFFFFFF80;
	(pc) =	sbr.rel .LBB2_4-.Ltmp4, $4  }
0x152: {  	_ =	swait.ge [sflag:s8], $0x80  }
0x153: {  	[sflag:s8] =	ssyncset.done $0x0  }
0x154: {  	s30 =	sadd.s32 $0x300, s30;
	s26 =	sadd.s32 $0x60, s26;
	[sflag:s8] =	ssyncadd.s32 $0xFFFFFF80  }
0x155: {  	[tilespmem:s9], [sflag:$0x3] =	stream.indirect.gather [hbm4b:s4+s22], $0x80, s6, s22, $0xb8;
	[tilespmem:$0x1FF80] =	vst v63  }
.LBB2_7:
0x156: {  	_ =	sfence.sel $0x180000  }
0x157: {  	[bflag:$0x0] =	sbarrier.arrive $0xFFFF  }
0x158: {  	_ =	strace $0x9000004A  }
0x159: {  	s0 =	stileid.u32;
	[bflag:$0x2] =	sbarrier.arrive $0xFFFF  }
0x15a: {  	p0 =	sne.s32 s0, $0x0;
	s0 =	rddreg [dreg:$0x2]  }
0x15b: {  	s0 =	sadd.s32 @!p0 $0x100000, s0  }
0x15c: {  	[sflag:s0] =	ssyncadd.tile.s32 @!p0 $0x1;
	_ =	shalt  }
.Lfunc_end2:
_tile_overlayer_lowered:
.L_overlay_start_2:
0x15d: {  	(tag) =	ssettag $0x2  }
0x15e: {  	s0 =	rddreg [dreg:$0x0];
	s2 =	stileid.u32  }
0x15f: {  	s1 =	rddreg [dreg:$0x1];
	p0 =	sne.s32 s2, $0x0  }
0x160: {  	s3 =	rddreg [dreg:$0x2];
	[bflag:$0x3] =	sbarrier.arrive $0xFFFF;
	s2 =	simm.s32 @!p0 $0x1C0D  }
0x161: {  	[timem:s3], [sflag:s2] =	dma.local @!p0 [hbm:s0], s1  }
0x162: {  	s0 =	simm.s32 @!p0 $0xD  }
0x163: {  	_ =	swait.ge @!p0 [sflag:s0], s1  }
0x164: {  	s1 =	ssub.s32 @!p0 $0x0, s1;
	[sflag:s0] =	ssyncset.done @!p0 $0x0  }
0x165: {  	[sflag:s0] =	ssyncadd.s32 @!p0 s1  }
0x166: {  	[bflag:$0x3] =	sbarrier.arrive $0xFFFF  }
0x167: {  	_ =	shalt  }

// kernel: kernel.17.cloned.1.call-start
scs
__scs_entry_jumppad:
0x0: {  	(pc) =	sbr.rel $0x88, $3  }
0x1: {  	(tag) =	ssettag $0x0;
	lr =	simm.s32 $0x1  }
0x2: {  	[smem:$0x3F99] =	sst lr;
	_ =	strace $0xD0000000  }
0x3: {  	_ = 	snop  }
0x4: {  	_ = 	snop  }
0x5: {  	_ = 	snop  }
0x6: {  	_ = 	snop  }
0x7: {  	_ = 	snop  }
__scs_overlays_trampoline_lowered:
0x8: {  	[smem:$0x3FA8] =	sst s0  }
0x9: {  	[smem:$0x3FA9] =	sst s1  }
0xa: {  	[smem:$0x3FAA] =	sst s2  }
0xb: {  	[smem:$0x3FAB] =	sst s3  }
0xc: {  	[smem:$0x3FAC] =	sst s4  }
0xd: {  	[smem:$0x3FAD] =	sst s5  }
0xe: {  	[smem:$0x3FAE] =	sst s6  }
0xf: {  	[smem:$0x3FAF] =	sst s7  }
0x10: {  	[smem:$0x3FB0] =	sst s8  }
0x11: {  	[smem:$0x3FB1] =	sst s9;
	s0 =	simm.s32 @!p0 $0x0  }
0x12: {  	s1 =	sld [smem:$0x3F97];
	s0 =	simm.s32 @p0 $0x1  }
0x13: {  	[smem:$0x3FB2] =	sst s0;
	s0 =	simm.s32 @!p1 $0x0  }
0x14: {  	s2 =	sld [smem:$0x3F96];
	s0 =	simm.s32 @p1 $0x1  }
0x15: {  	[smem:$0x3FB3] =	sst s0;
	s0 =	simm.s32 @!p2 $0x0  }
0x16: {  	s3 =	sld [smem:$0x3FDB];
	s0 =	simm.s32 @p2 $0x1  }
0x17: {  	s4 =	simm.s32 $0x1BF5;
	[smem:$0x3FB5] =	sst s0  }
0x18: {  	s0 =	sld [smem:$0x3F98];
	_ =	swait.ge [sflag:s4], $0x0  }
0x19: {  	s7 =	sld [smem:$0x3F99]  }
0x1a: {  	s8 =	sadd.s32 $0xFFFFE003, lr  }
0x1b: {  	s9 =	sadd.s32 $0xFFFFFEF7, lr;
	s5 =	simm.s32 $0xFFFFFFFF;
	p2 =	slt.u32 s8, $0xFFFFF086  }
0x1c: {  	p1 =	slt.u32 s9, $0xF7A;
	s5 =	simm.s32 @!p2 $0x0  }
0x1d: {  	s5 =	simm.s32 @p1 $0x1;
	p0 =	seq.s32 s7, s2  }
0x1e: {  	s7 =	smul.u32 @!p0 $0xF7A, s2;
	p2 =	seq.s32 @!p0 s5, $0x0  }
0x1f: {  	s9 =	smul.u32 $0xF7A, s1;
	s8 =	simm.s32 @!p0 $0x1BF5;
	p2 =	por !p2, p0  }
0x20: {  	[sflag:s8] =	ssyncset.s32 @!p0 $0xFFFFF086;
	s6 =	sadd.s32 @!p0 s3, s7;
	s7 =	simm.s32 @!p0 $0x108  }
0x21: {  	s3 =	sadd.s32 s3, s9;
	s6 =	sadd.s32 @!p0 $0x88, s6;
	s7 =	simm.s32 @p2 $0x1082  }
0x22: {  	[simem:s7], [sflag:s8] =	dma.local @!p0 [hbm:s6], $0xF7A  }
0x23: {  	s9 =	sor.u32 $0xD0000000, s2;
	s6 =	simm.s32 $0x108;
	_ =	swait.ge @!p0 [sflag:s8], $0x0  }
0x24: {  	s3 =	sadd.s32 $0x88, s3;
	s6 =	simm.s32 @!p1 $0x1082;
	[sflag:s4] =	ssyncset.s32 $0xFFFFF086  }
0x25: {  	[simem:s6], [sflag:s4] =	dma.local [hbm:s3], $0xF7A  }
0x26: {  	[smem:$0x3F99] =	sst s1;
	(tag) =	ssettag s2;
	_ =	strace s9  }
0x27: {  	s1 =	sld [smem:$0x3FA9]  }
0x28: {  	s2 =	sld [smem:$0x3FAA]  }
0x29: {  	s4 =	sld [smem:$0x3FAC]  }
0x2a: {  	p0 =	seq.s32 s5, $0x0;
	s5 =	sld [smem:$0x3FAD]  }
0x2b: {  	s6 =	sld [smem:$0x3FAE]  }
0x2c: {  	s7 =	sld [smem:$0x3FAF]  }
0x2d: {  	s3 =	simm.s32 $0x108;
	s8 =	sld [smem:$0x3FB0]  }
0x2e: {  	s3 =	simm.s32 @!p0 $0x1082;
	s9 =	sld [smem:$0x3FB1]  }
0x2f: {  	lr =	sadd.s32 s0, s3;
	s0 =	sld [smem:$0x3FA8]  }
0x30: {  	s3 =	sld [smem:$0x3FAB]  }
0x31: {  	[smem:$0x3FB4] =	sst s10  }
0x32: {  	s10 =	sld [smem:$0x3FB2];
	_ =	sdelay $0x3  }
0x33: {  	p0 =	seq.s32 s10, $0x1;
	s10 =	sld [smem:$0x3FB4];
	_ =	sdelay $0x3  }
0x34: {  	[smem:$0x3FB4] =	sst s10  }
0x35: {  	s10 =	sld [smem:$0x3FB3];
	_ =	sdelay $0x3  }
0x36: {  	p1 =	seq.s32 s10, $0x1;
	s10 =	sld [smem:$0x3FB4];
	_ =	sdelay $0x3  }
0x37: {  	[smem:$0x3FB4] =	sst s10  }
0x38: {  	s10 =	sld [smem:$0x3FB5]  }
0x39: {  	_ = 	snop;
	(pc) =	sbr.ind lr, $3  }
0x3a: {  	_ = 	snop  }
0x3b: {  	_ = 	snop  }
0x3c: {  	p2 =	seq.s32 s10, $0x1;
	s10 =	sld [smem:$0x3FB4]  }
0x3d: {  	_ =	shalt  }
0x3e: {  	_ =	shalt  }
0x3f: {  	_ =	shalt  }
0x40: {  	_ =	shalt  }
0x41: {  	_ =	shalt  }
0x42: {  	_ =	shalt  }
0x43: {  	_ =	shalt  }
0x44: {  	_ =	shalt  }
0x45: {  	_ =	shalt  }
0x46: {  	_ =	shalt  }
0x47: {  	_ =	shalt  }
0x48: {  	_ =	shalt  }
0x49: {  	_ =	shalt  }
0x4a: {  	_ =	shalt  }
0x4b: {  	_ =	shalt  }
0x4c: {  	_ =	shalt  }
0x4d: {  	_ =	shalt  }
0x4e: {  	_ =	shalt  }
0x4f: {  	_ =	shalt  }
0x50: {  	_ =	shalt  }
0x51: {  	_ =	shalt  }
0x52: {  	_ =	shalt  }
0x53: {  	_ =	shalt  }
0x54: {  	_ =	shalt  }
0x55: {  	_ =	shalt  }
0x56: {  	_ =	shalt  }
0x57: {  	_ =	shalt  }
0x58: {  	_ =	shalt  }
0x59: {  	_ =	shalt  }
0x5a: {  	_ =	shalt  }
0x5b: {  	_ =	shalt  }
0x5c: {  	_ =	shalt  }
0x5d: {  	_ =	shalt  }
0x5e: {  	_ =	shalt  }
0x5f: {  	_ =	shalt  }
0x60: {  	_ =	shalt  }
0x61: {  	_ =	shalt  }
0x62: {  	_ =	shalt  }
0x63: {  	_ =	shalt  }
0x64: {  	_ =	shalt  }
0x65: {  	_ =	shalt  }
0x66: {  	_ =	shalt  }
0x67: {  	_ =	shalt  }
0x68: {  	_ =	shalt  }
0x69: {  	_ =	shalt  }
0x6a: {  	_ =	shalt  }
0x6b: {  	_ =	shalt  }
0x6c: {  	_ =	shalt  }
0x6d: {  	_ =	shalt  }
0x6e: {  	_ =	shalt  }
0x6f: {  	_ =	shalt  }
0x70: {  	_ =	shalt  }
0x71: {  	_ =	shalt  }
0x72: {  	_ =	shalt  }
0x73: {  	_ =	shalt  }
0x74: {  	_ =	shalt  }
0x75: {  	_ =	shalt  }
0x76: {  	_ =	shalt  }
0x77: {  	_ =	shalt  }
0x78: {  	_ =	shalt  }
0x79: {  	_ =	shalt  }
0x7a: {  	_ =	shalt  }
0x7b: {  	_ =	shalt  }
0x7c: {  	_ =	shalt  }
0x7d: {  	_ =	shalt  }
0x7e: {  	_ =	shalt  }
0x7f: {  	_ =	shalt  }
0x80: {  	_ =	shalt  }
0x81: {  	_ =	shalt  }
0x82: {  	_ =	shalt  }
0x83: {  	_ =	shalt  }
0x84: {  	_ =	shalt  }
0x85: {  	_ =	shalt  }
0x86: {  	_ =	shalt  }
0x87: {  	_ =	shalt  }
.Lfunc_end0:
.L_simem_size_0:
called_computation.2_lowered:
.L_overlay_start_0:
0x88: {  	s2 =	sld [smem:$0x3FD9]  }
0x89: {  	s3 =	sld [smem:$0x3FFE];
	_ =	sdelay $0x1  }
0x8a: {  	s1 =	srdreg.scid  }
0x8b: {  	s0 =	sand.u32 $0x1, s1  }
0x8c: {  	s16 =	sshll.u32 s0, $0xA;
	s2 =	sadd.s32 s3, s2  }
0x8d: {  	s2 =	sadd.s32 s2, s16  }
0x8e: {  	[smem:$0x3FC0] =	sst s2  }
0x8f: {  	_ = 	snop  }
0x90: {  	(tm) =	ssettm $0x1  }
0x91: {  	s17 =	sld [smem:$0x3FFB];
	_ =	sdelay $0x3  }
0x92: {  	_ =	strace s17  }
0x93: {  	s2 =	sld [smem:$0x3FFC];
	_ =	sdelay $0x3  }
0x94: {  	_ =	strace s2  }
0x95: {  	s2 =	sld [smem:$0x3FFD];
	_ =	sdelay $0x3  }
0x96: {  	_ =	strace s2  }
0x97: {  	_ =	strace $0x8FFFFFFF  }
0x98: {  	s18 =	sld [smem:$0x3FDB];
	_ =	sdelay $0x1  }
0x99: {  	s19 =	simm.s32 $_scs_section_size  }
0x9a: {  	s4 =	simm.s32 $_size__tile_overlayer_lowered;
	s5 =	simm.s32 $_tile_overlayer_lowered  }
0x9b: {  	s22 =	simm.s32 $0x1BFF;
	s21 =	sshll.u32 s5, $0x1;
	s2 =	sadd.s32 s19, s18  }
0x9c: {  	s6 =	simm.s32 $0x0;
	s20 =	sshll.u32 s4, $0x1;
	s4 =	sadd.s32 s21, s2  }
0x9d: {  	[timem:s6], [sflag:s22] =	dma.local [hbm:s4], s20  }
0x9e: {  	_ =	swait.ge [sflag:s22], s20  }
0x9f: {  	s3 =	ssub.s32 $0x0, s20;
	[sflag:s22] =	ssyncset.done $0x0  }
0xa0: {  	[sflag:s22] =	ssyncadd.s32 s3;
	_ =	sdelay $0x1  }
0xa1: {  	s23 =	simm.s32 $0x1B8B  }
0xa2: {  	_ =	swait.ge [sflag:s23], $0x1  }
0xa3: {  	[sflag:s23] =	ssyncset.done $0x0  }
0xa4: {  	s25 =	simm.s32 $0x1B8E;
	s24 =	sld [smem:$0x3FFE];
	[sflag:s23] =	ssyncadd.s32 $0xFFFFFFFF  }
0xa5: {  	s26 =	simm.s32 $execute0_lowered;
	[smem:$0x3FD2] =	sst s25  }
0xa6: {  	s4 =	sshll.u32 s26, $0x1;
	_ =	strace $0x8000004C;
	[dreg:$0x1] =	wrdreg $0xFFFFFFFF  }
0xa7: {  	s28 =	simm.s32 $_size_execute0_lowered;
	s2 =	sadd.s32 s2, s4;
	[dreg:$0x0] =	wrdreg $0x0  }
0xa8: {  	s4 =	sshll.u32 s28, $0x1;
	[dreg:$0x2] =	wrdreg s2  }
0xa9: {  	[dreg:$0x3] =	wrdreg s4  }
0xaa: {  	[dreg:$0x4] =	wrdreg $0xC0  }
0xab: {  	_ =	task [dreg:s6], $0x5FFFF  }
0xac: {  	[dreg:$0x1] =	wrdreg $0xFFFFFFFF  }
0xad: {  	[dreg:$0x0] =	wrdreg $0x60  }
0xae: {  	[dreg:$0x2] =	wrdreg s24  }
0xaf: {  	[dreg:$0x3] =	wrdreg $0x0  }
0xb0: {  	[dreg:$0x4] =	wrdreg $0x9  }
0xb1: {  	_ =	task.clear_ibuf [dreg:s6], $0x5FFFF;
	_ =	strace $0x9000004C  }
0xb2: {  	s29 =	simm.s32 $0x9;
	_ =	strace $0x8000004E  }
0xb3: {  	_ =	swait.ge [sflag:s29], $0x1  }
0xb4: {  	[sflag:s29] =	ssyncadd.s32 $0xFFFFFFFF  }
0xb5: {  	_ =	strace $0x9000004E  }
0xb6: {  	_ =	sfence  }
0xb7: {  	s30 =	sld [smem:$0x0];
	_ =	sdelay $0x2  }
0xb8: {  	s31 =	sshll.u32 s1, $0xD;
	s1 =	sshrl.u32 s1, $0x2  }
0xb9: {  	s3 =	sand.u32 $0x4000, s31;
	s1 =	sadd.s32 s1, s30  }
0xba: {  	s0 =	sor.u32 s3, s0;
	s1 =	sshll.u32 s1, $0x11  }
0xbb: {  	s0 =	sor.u32 s1, s0  }
0xbc: {  	s0 =	sadd.s32 $0x8F2B, s0  }
0xbd: {  	[sflag:s0] =	ssyncadd.remote.s32 $0x1  }
0xbe: {  	_ =	sfence.sel $0xFFFF  }
0xbf: {  	[dreg:$0x0] =	wrdreg $0xFFFFFFFF;
	(pc) =	sbr.abs _section_cstart, $3  }
0xc0: {  	[dreg:$0x1] =	wrdreg $0xFFFFFFFF  }
0xc1: {  	_ =	task.clear_ibuf [dreg:s6], $0x2FFFF;
	_ =	strace $0x9FFFFFFF  }
0xc2: {  	(tm) =	ssettm $0x7FFFFFFF  }
0xc3: {  	_ =	shalt  }
tec
execute0_lowered:
.L_overlay_start_1:
0x0: {  	(tag) =	ssettag $0x1  }
0x1: {  	s25 =	stileid.u32  }
0x2: {  	s5 =	smul.u32 $0xA000, s25  }
0x3: {  	s11 =	smul.u32 $0x50, s25  }
0x4: {  	s4 =	sor.u32 $0x10, s25;
	s23 =	smul.u32 $0x4E20, s25  }
0x5: {  	s0 =	srdreg.scid;
	s7 =	sor.u32 $0x20, s25;
	s6 =	smul.u32 $0xA000, s4  }
0x6: {  	s0 =	sand.u32 $0x1, s0;
	s8 =	smul.u32 $0xA000, s7  }
0x7: {  	s10 =	smul.u32 $0x2710, s0  }
0x8: {  	s12 =	smul.u32 $0x50, s4  }
0x9: {  	s13 =	sor.u32 $0x30, s25;
	s7 =	smul.u32 $0x50, s7  }
0xa: {  	s14 =	sor.u32 $0x40, s25;
	s15 =	smul.u32 $0x50, s13  }
0xb: {  	s16 =	sor.u32 $0x50, s25;
	s17 =	smul.u32 $0x50, s14  }
0xc: {  	s9 =	rddreg [dreg:$0x0];
	s18 =	sor.u32 $0x60, s25;
	s19 =	smul.u32 $0x50, s16  }
0xd: {  	s2 =	rddreg [dreg:$0x1];
	s21 =	sor.u32 $0x70, s25;
	s22 =	smul.u32 $0x50, s18  }
0xe: {  	s3 =	simm.s32 $0x0;
	s28 =	simm.s32 $0x1FB00;
	s24 =	smul.u32 $0x50, s21  }
0xf: {  	s29 =	simm.s32 $0x1FE00;
	s1 =	sshll.u32 s25, $0x1;
	s26 =	smul.u32 $0xA000, s13  }
0x10: {  	[smem:$0x7FF] =	sst s3;
	p0 =	sgt.u32 s25, $0xC;
	s30 =	smul.u32 $0xA000, s14  }
0x11: {  	s1 =	sor.u32 s0, s1;
	_ =	strace $0x8000004D;
	s13 =	smul.u32 $0xA000, s16  }
0x12: {  	s4 =	sadd.s32 $0x17000, s9;
	s0 =	ssub.s32 $0x2, s0;
	s18 =	smul.u32 $0xA000, s18  }
0x13: {  	s1 =	smul.u32 $0x2710, s1;
	s20 =	sshrl.u32 s0, $0x1;
	s5 =	sshrl.u32 s5, $0x2  }
0x14: {  	s20 =	ssub.s32 s0, s20;
	s11 =	sadd.s32 s11, s10;
	s12 =	sadd.s32 s10, s12  }
0x15: {  	s7 =	sadd.s32 s10, s7;
	s15 =	sadd.s32 s10, s15;
	s17 =	sadd.s32 s10, s17  }
0x16: {  	s19 =	sadd.s32 s10, s19;
	s22 =	sadd.s32 s10, s22;
	s24 =	sadd.s32 s10, s24  }
0x17: {  	s0 =	sadd.s32 s10, s23;
	s23 =	sadd.s32 $0x3600, s9;
	s9 =	sadd.s32 $0x3E200, s9  }
0x18: {  	s31 =	sadd.s32 s5, s2;
	s6 =	sshrl.u32 s6, $0x2;
	s8 =	sshrl.u32 s8, $0x2  }
0x19: {  	s26 =	sshrl.u32 s26, $0x2;
	s5 =	sshrl.u32 s30, $0x2;
	s30 =	smul.u32 $0xA000, s21  }
0x1a: {  	s13 =	sshrl.u32 s13, $0x2;
	s16 =	sadd.s32 s6, s2;
	s14 =	sadd.s32 s8, s2  }
0x1b: {  	s8 =	sadd.s32 s26, s2;
	s5 =	sadd.s32 s5, s2;
	[dreg:$0x3] =	wrdreg s23  }
0x1c: {  	s1 =	sshrl.u32 s1, $0x3;
	s26 =	sshll.u32 s11, $0x4;
	[dreg:$0x4] =	wrdreg s31  }
0x1d: {  	s10 =	sshll.u32 s7, $0x4;
	s11 =	sshll.u32 s15, $0x4;
	[dreg:$0x6] =	wrdreg s14  }
0x1e: {  	s15 =	sshll.u32 s22, $0x4;
	s20 =	smax.u32 s20, $0x1;
	[dreg:$0x7] =	wrdreg s8  }
0x1f: {  	[dreg:$0x8] =	wrdreg s5;
	s5 =	sadd.s32 s13, s2;
	s14 =	sshrl.u32 s18, $0x2  }
0x20: {  	s18 =	sshrl.u32 s30, $0x2;
	s8 =	sadd.s32 s23, s1;
	[dreg:$0x15] =	wrdreg s20  }
0x21: {  	s30 =	sshll.u32 s12, $0x4;
	s1 =	sadd.s32 s9, s26;
	[dreg:$0x5] =	wrdreg s16  }
0x22: {  	s12 =	sshll.u32 s17, $0x4;
	s17 =	sshll.u32 s24, $0x4;
	[dreg:$0x9] =	wrdreg s5  }
0x23: {  	s24 =	sadd.s32 $0x380, s0;
	s5 =	sadd.s32 s14, s2;
	[dreg:$0xd] =	wrdreg s1  }
0x24: {  	s21 =	sadd.s32 s18, s2;
	s6 =	sadd.s32 s9, s30;
	[dreg:$0xc] =	wrdreg s8  }
0x25: {  	s1 =	sadd.s32 s9, s10;
	s13 =	sadd.s32 s9, s12;
	[dreg:$0xa] =	wrdreg s5  }
0x26: {  	s14 =	sshll.u32 s19, $0x4;
	s18 =	sadd.s32 s9, s17;
	[dreg:$0xb] =	wrdreg s21  }
0x27: {  	s19 =	sadd.s32 $0x4E500, s0;
	s26 =	sshrl.u32 s24, $0x3;
	[dreg:$0xe] =	wrdreg s6  }
0x28: {  	s30 =	sadd.s32 $0x4E600, s0;
	s17 =	sadd.s32 $0x4E380, s0;
	[dreg:$0xf] =	wrdreg s1  }
0x29: {  	s24 =	sadd.s32 $0x20, s8;
	s25 =	sadd.s32 $0x9C60, s8;
	[dreg:$0x11] =	wrdreg s13  }
0x2a: {  	s1 =	sadd.s32 s9, s11;
	[dreg:$0x14] =	wrdreg s18;
	s21 =	sadd.s32 $0x4E580, s0  }
0x2b: {  	s5 =	sshrl.u32 s30, $0x3;
	s6 =	sadd.s32 $0x400, s0;
	s11 =	sadd.s32 $0x280, s0  }
0x2c: {  	s13 =	sadd.s32 $0x4E400, s0;
	s18 =	sadd.s32 $0x300, s0;
	[smem:$0x7FA] =	sst s24  }
0x2d: {  	[smem:$0x7FB] =	sst s25;
	s30 =	sadd.s32 $0xA120, s8;
	s24 =	simm.s32 $0x6  }
0x2e: {  	s25 =	simm.s32 $0xC;
	[dreg:$0x10] =	wrdreg s1;
	s1 =	sadd.s32 s9, s14  }
0x2f: {  	s22 =	sshrl.u32 s21, $0x3;
	s7 =	sshrl.u32 s6, $0x3;
	s12 =	sshrl.u32 s11, $0x3  }
0x30: {  	s14 =	sshrl.u32 s13, $0x3;
	s6 =	sshrl.u32 s17, $0x3;
	[dreg:$0x1e] =	wrdreg s18  }
0x31: {  	s21 =	sadd.s32 $0x9C40, s8;
	[smem:$0x7FD] =	sst s30;
	s18 =	simm.s32 $0x13880  }
0x32: {  	s17 =	simm.s32 $0xD;
	s11 =	simm.s32 $0x1FA00;
	s13 =	simm.s32 $0x4  }
0x33: {  	[dreg:$0x12] =	wrdreg s1;
	s1 =	sadd.s32 s9, s15;
	s9 =	sadd.s32 $0x4E480, s0  }
0x34: {  	s15 =	sadd.s32 $0x200, s0;
	s0 =	sadd.s32 $0x180, s0;
	[smem:$0x7F7] =	sst s21  }
0x35: {  	s20 =	sadd.s32 s6, s23;
	[dreg:$0x13] =	wrdreg s1;
	s1 =	sshrl.u32 s19, $0x3  }
0x36: {  	[smem:$0x7F5] =	sst s20;
	s0 =	sshrl.u32 s0, $0x3;
	s1 =	sadd.s32 s1, s23  }
0x37: {  	s21 =	simm.s32 $0x1FA80;
	s0 =	sadd.s32 s0, s23;
	[dreg:$0x16] =	wrdreg s1  }
0x38: {  	s10 =	sshrl.u32 s9, $0x3;
	s1 =	sadd.s32 s22, s23;
	[smem:$0x7F6] =	sst s0  }
0x39: {  	s9 =	simm.s32 $0x1B880;
	s22 =	sadd.s32 $0x10, s8;
	[dreg:$0x17] =	wrdreg s1  }
0x3a: {  	s20 =	simm.s32 $0xA;
	s1 =	sadd.s32 s26, s23;
	[smem:$0x7F8] =	sst s22  }
0x3b: {  	s0 =	simm.s32 $0x5;
	s26 =	sadd.s32 $0x4E0, s8;
	[dreg:$0x18] =	wrdreg s1  }
0x3c: {  	s22 =	simm.s32 $0x80;
	s1 =	sadd.s32 s5, s23;
	[smem:$0x7FC] =	sst s26  }
0x3d: {  	s5 =	sshrl.u32 s15, $0x3;
	s15 =	simm.s32 $0x0;
	[dreg:$0x19] =	wrdreg s1  }
0x3e: {  	s1 =	sadd.s32 s7, s23;
	s19 =	sadd.s32 s5, s23;
	s7 =	simm.s32 $0x1FC80  }
0x3f: {  	s5 =	simm.s32 $0x3;
	[dreg:$0x1a] =	wrdreg s1;
	s1 =	sadd.s32 s10, s23  }
.Ltmp0:
0x40: {  	[dreg:$0x1f] =	wrdreg s19;
	s10 =	simm.s32 $0x1;
	(pc) =	sbr.rel .LBB2_1-.Ltmp0, $4  }
0x41: {  	s19 =	simm.s32 $0xB;
	[dreg:$0x1b] =	wrdreg s1;
	s1 =	sadd.s32 s12, s23  }
0x42: {  	s12 =	simm.s32 $0x1FD00;
	[dreg:$0x1c] =	wrdreg s1;
	s1 =	sadd.s32 s14, s23  }
0x43: {  	s23 =	sadd.s32 $0x9C50, s8;
	s14 =	simm.s32 $0x17880;
	[dreg:$0x1d] =	wrdreg s1  }
0x44: {  	v0 =	vimm.f32 $0.0e+00;
	s8 =	simm.s32 $0x9;
	[smem:$0x7F9] =	sst s23;
	s23 =	simm.s32 $0x2  }
.LBB2_6:
0x45: {  	_ =	swait.ge [sflag:s13], $0x4000  }
0x46: {  	[sflag:s13] =	ssyncset.done $0x0  }
0x47: {  	[sflag:s13] =	ssyncadd.s32 $0xFFFFC000  }
0x48: {  	_ =	swait.ge [sflag:s0], $0x4000  }
0x49: {  	[sflag:s0] =	ssyncset.done $0x0  }
0x4a: {  	[sflag:s0] =	ssyncadd.s32 $0xFFFFC000  }
0x4b: {  	_ =	swait.ge [sflag:s24], $0x4000  }
0x4c: {  	s1 =	sld [smem:$0x7FC]  }
0x4d: {  	[sflag:s24] =	ssyncset.done $0x0  }
0x4e: {  	s6 =	simm.s32 $0x1FE80;
	s17 =	simm.s32 $0xD;
	[sflag:s24] =	ssyncadd.s32 $0xFFFFC000  }
0x4f: {  	[tilespmem:s6], [sflag:$0xD] =	stream.linear.gather [hbm4b:s1+s3], $0x10, $0x38;
	[tilespmem:$0x1FF80] =	vst v63  }
0x50: {  	_ =	swait.ge [sflag:s17], $0x10  }
0x51: {  	s26 =	sld [smem:$0x7FD]  }
0x52: {  	[sflag:s17] =	ssyncset.done $0x0  }
0x53: {  	s15 =	simm.s32 $0x1FF00;
	[sflag:s17] =	ssyncadd.s32 $0xFFFFFFF0  }
0x54: {  	[tilespmem:s15], [sflag:$0xD] =	stream.linear.gather [hbm4b:s26+s3], $0x10, $0x38;
	[tilespmem:$0x1FF80] =	vst v63  }
0x55: {  	_ =	swait.ge [sflag:s17], $0x10  }
0x56: {  	[sflag:s17] =	ssyncset.done $0x0  }
0x57: {  	s30 =	simm.s32 $0x10;
	[sflag:s17] =	ssyncadd.s32 $0xFFFFFFF0  }
0x58: {  	[tilespmem:s18], [sflag:$0x1] =	stream.indirect.gather [hbm4b:s4+s30], $0x80, s6, s30, $0xb8;
	[tilespmem:$0x1FF80] =	vst v63  }
0x59: {  	_ =	swait.ge [sflag:s10], $0x800  }
0x5a: {  	[sflag:s10] =	ssyncset.done $0x0  }
0x5b: {  	[sflag:s10] =	ssyncadd.s32 $0xFFFFF800  }
0x5c: {  	[spmem:s2] =	stream.indirect.scatter.add.f32 [tilespmem:s18], [sflag:$0xD], $0x80, s15, s30, $0xb8;
	[tilespmem:$0x1FF80] =	vst v63  }
0x5d: {  	_ =	swait.ge [sflag:s17], $0x800  }
0x5e: {  	[sflag:s17] =	ssyncset.done $0x0  }
0x5f: {  	[sflag:s17] =	ssyncadd.s32 $0xFFFFF800  }
0x60: {  	s6 =	stileid.u32;
	[bflag:$0x0] =	sbarrier.arrive $0xFFFF  }
0x61: {  	s1 =	sshll.u32 s6, $0x6;
	s31 =	rddreg [dreg:$0x4]  }
0x62: {  	s1 =	sor.u32 $0x1C0D, s1;
	s16 =	rddreg [dreg:$0xd];
	s15 =	sshrl.u32 s31, $0x3  }
0x63: {  	[hbm:s16], [sflag:s1] =	dma.local [spmem:s15], $0x500  }
0x64: {  	_ =	swait.ge [sflag:s17], $0x500  }
0x65: {  	[sflag:s17] =	ssyncset.done $0x0;
	s16 =	rddreg [dreg:$0x5]  }
0x66: {  	s30 =	rddreg [dreg:$0xe];
	[sflag:s17] =	ssyncadd.s32 $0xFFFFFB00;
	s26 =	sshrl.u32 s16, $0x3  }
0x67: {  	[hbm:s30], [sflag:s1] =	dma.local [spmem:s26], $0x500  }
0x68: {  	_ =	swait.ge [sflag:s17], $0x500  }
0x69: {  	[sflag:s17] =	ssyncset.done $0x0;
	s26 =	rddreg [dreg:$0x6]  }
0x6a: {  	s30 =	rddreg [dreg:$0xf];
	[sflag:s17] =	ssyncadd.s32 $0xFFFFFB00;
	s6 =	sshrl.u32 s26, $0x3  }
0x6b: {  	[hbm:s30], [sflag:s1] =	dma.local [spmem:s6], $0x500  }
0x6c: {  	_ =	swait.ge [sflag:s17], $0x500  }
0x6d: {  	[sflag:s17] =	ssyncset.done $0x0;
	s26 =	rddreg [dreg:$0x7]  }
0x6e: {  	s30 =	rddreg [dreg:$0x10];
	[sflag:s17] =	ssyncadd.s32 $0xFFFFFB00;
	s6 =	sshrl.u32 s26, $0x3  }
0x6f: {  	[hbm:s30], [sflag:s1] =	dma.local [spmem:s6], $0x500  }
0x70: {  	_ =	swait.ge [sflag:s17], $0x500  }
0x71: {  	[sflag:s17] =	ssyncset.done $0x0;
	s26 =	rddreg [dreg:$0x8]  }
0x72: {  	s30 =	rddreg [dreg:$0x11];
	[sflag:s17] =	ssyncadd.s32 $0xFFFFFB00;
	s6 =	sshrl.u32 s26, $0x3  }
0x73: {  	[hbm:s30], [sflag:s1] =	dma.local [spmem:s6], $0x500  }
0x74: {  	_ =	swait.ge [sflag:s17], $0x500  }
0x75: {  	[sflag:s17] =	ssyncset.done $0x0;
	s26 =	rddreg [dreg:$0x9]  }
0x76: {  	s30 =	rddreg [dreg:$0x12];
	[sflag:s17] =	ssyncadd.s32 $0xFFFFFB00;
	s6 =	sshrl.u32 s26, $0x3  }
0x77: {  	[hbm:s30], [sflag:s1] =	dma.local [spmem:s6], $0x500  }
0x78: {  	_ =	swait.ge [sflag:s17], $0x500  }
0x79: {  	[sflag:s17] =	ssyncset.done $0x0;
	s26 =	rddreg [dreg:$0xa]  }
0x7a: {  	s30 =	rddreg [dreg:$0x13];
	[sflag:s17] =	ssyncadd.s32 $0xFFFFFB00;
	s6 =	sshrl.u32 s26, $0x3  }
0x7b: {  	[hbm:s30], [sflag:s1] =	dma.local [spmem:s6], $0x500  }
0x7c: {  	_ =	swait.ge [sflag:s17], $0x500  }
0x7d: {  	[sflag:s17] =	ssyncset.done $0x0;
	s6 =	rddreg [dreg:$0xb]  }
0x7e: {  	s15 =	rddreg [dreg:$0x14];
	[sflag:s17] =	ssyncadd.s32 $0xFFFFFB00;
	s6 =	sshrl.u32 @!p0 s6, $0x3  }
0x7f: {  	[hbm:s15], [sflag:s1] =	dma.local @!p0 [spmem:s6], $0x500  }
0x80: {  	s1 =	simm.s32 @!p0 $0xD  }
0x81: {  	_ =	swait.ge @!p0 [sflag:s1], $0x500  }
0x82: {  	s26 =	sld [smem:$0x7F4];
	_ =	sdelay $0x2  }
0x83: {  	s30 =	rddreg [dreg:$0x15];
	s15 =	sadd.s32 $0x1, s26  }
0x84: {  	p1 =	sne.s32 s15, s30  }
.Ltmp1:
0x85: {  	_ = 	snop;
	(pc) =	sbr.rel @!p1 .LBB2_7-.Ltmp1, $3  }
0x86: {  	_ =	sdelay $0x1  }
0x87: {  	[sflag:s1] =	ssyncset.done @!p0 $0x0  }
0x88: {  	[sflag:s1] =	ssyncadd.s32 @!p0 $0xFFFFFB00  }
.LBB2_1:
0x89: {  	[smem:$0x7F4] =	sst s15;
	s26 =	simm.s32 $0x0;
	s30 =	simm.s32 $0x200  }
.LBB2_2:
0x8a: {  	p1 =	sne.s32 s30, $0x9E00;
	[tilespmem:s26+$0x138F0] =	vst v0  }
0x8b: {  	[tilespmem:s26+$0x13880] =	vst v0  }
0x8c: {  	[tilespmem:s26+$0x13890] =	vst v0  }
.Ltmp2:
0x8d: {  	[tilespmem:s26+$0x138A0] =	vst v0;
	(pc) =	sbr.rel @p1 .LBB2_2-.Ltmp2, $4  }
0x8e: {  	[tilespmem:s26+$0x138B0] =	vst v0  }
0x8f: {  	[tilespmem:s26+$0x138C0] =	vst v0  }
0x90: {  	[tilespmem:s26+$0x138D0] =	vst v0  }
0x91: {  	[tilespmem:s26+$0x138E0] =	vst v0;
	s26 =	sshra.s32 s30, $0x2;
	s30 =	sadd.s32 $0x200, s30  }
0x92: {  	[tilespmem:s26+$0x138F0] =	vst v0  }
0x93: {  	[tilespmem:s26+$0x13880] =	vst v0  }
0x94: {  	[tilespmem:s26+$0x13890] =	vst v0  }
0x95: {  	[tilespmem:s26+$0x138A0] =	vst v0  }
0x96: {  	[tilespmem:s26+$0x138B0] =	vst v0  }
0x97: {  	[tilespmem:s26+$0x138C0] =	vst v0  }
0x98: {  	[tilespmem:s26+$0x138D0] =	vst v0  }
0x99: {  	[tilespmem:s26+$0x138E0] =	vst v0  }
0x9a: {  	[spmem:s31] =	stream.linear.scatter [tilespmem:s18], [sflag:$0xD], $0x2800, $0x38;
	[tilespmem:$0x1FF80] =	vst v63  }
0x9b: {  	_ =	swait.ge [sflag:s17], $0x2800  }
0x9c: {  	[sflag:s17] =	ssyncset.done $0x0  }
0x9d: {  	[sflag:s17] =	ssyncadd.s32 $0xFFFFD800  }
0x9e: {  	[spmem:s16] =	stream.linear.scatter [tilespmem:s18], [sflag:$0xD], $0x2800, $0x38;
	[tilespmem:$0x1FF80] =	vst v63  }
0x9f: {  	_ =	swait.ge [sflag:s17], $0x2800  }
0xa0: {  	[sflag:s17] =	ssyncset.done $0x0  }
0xa1: {  	s1 =	rddreg [dreg:$0x6];
	[sflag:s17] =	ssyncadd.s32 $0xFFFFD800  }
0xa2: {  	[spmem:s1] =	stream.linear.scatter [tilespmem:s18], [sflag:$0xD], $0x2800, $0x38;
	[tilespmem:$0x1FF80] =	vst v63  }
0xa3: {  	_ =	swait.ge [sflag:s17], $0x2800  }
0xa4: {  	[sflag:s17] =	ssyncset.done $0x0  }
0xa5: {  	s26 =	rddreg [dreg:$0x7];
	[sflag:s17] =	ssyncadd.s32 $0xFFFFD800  }
0xa6: {  	[spmem:s26] =	stream.linear.scatter [tilespmem:s18], [sflag:$0xD], $0x2800, $0x38;
	[tilespmem:$0x1FF80] =	vst v63  }
0xa7: {  	_ =	swait.ge [sflag:s17], $0x2800  }
0xa8: {  	[sflag:s17] =	ssyncset.done $0x0  }
0xa9: {  	s31 =	rddreg [dreg:$0x8];
	[sflag:s17] =	ssyncadd.s32 $0xFFFFD800  }
0xaa: {  	[spmem:s31] =	stream.linear.scatter [tilespmem:s18], [sflag:$0xD], $0x2800, $0x38;
	[tilespmem:$0x1FF80] =	vst v63  }
0xab: {  	_ =	swait.ge [sflag:s17], $0x2800  }
0xac: {  	[sflag:s17] =	ssyncset.done $0x0  }
0xad: {  	s6 =	rddreg [dreg:$0x9];
	[sflag:s17] =	ssyncadd.s32 $0xFFFFD800  }
0xae: {  	[spmem:s6] =	stream.linear.scatter [tilespmem:s18], [sflag:$0xD], $0x2800, $0x38;
	[tilespmem:$0x1FF80] =	vst v63  }
0xaf: {  	_ =	swait.ge [sflag:s17], $0x2800  }
0xb0: {  	[sflag:s17] =	ssyncset.done $0x0  }
0xb1: {  	s15 =	rddreg [dreg:$0xa];
	[sflag:s17] =	ssyncadd.s32 $0xFFFFD800  }
0xb2: {  	[spmem:s15] =	stream.linear.scatter [tilespmem:s18], [sflag:$0xD], $0x2800, $0x38;
	[tilespmem:$0x1FF80] =	vst v63  }
0xb3: {  	_ =	swait.ge [sflag:s17], $0x2800  }
0xb4: {  	[sflag:s17] =	ssyncset.done $0x0  }
0xb5: {  	s26 =	simm.s32 @!p0 $0x13880;
	s1 =	rddreg [dreg:$0xb];
	[sflag:s17] =	ssyncadd.s32 $0xFFFFD800  }
0xb6: {  	[spmem:s1] =	stream.linear.scatter @!p0 [tilespmem:s26], [sflag:$0xD], $0x2800, $0x38;
	[tilespmem:$0x1FF80] =	vst v63  }
0xb7: {  	s26 =	simm.s32 @!p0 $0xD  }
0xb8: {  	_ =	swait.ge @!p0 [sflag:s26], $0x2800  }
0xb9: {  	[sflag:s26] =	ssyncset.done @!p0 $0x0  }
0xba: {  	[sflag:s26] =	ssyncadd.s32 @!p0 $0xFFFFD800  }
0xbb: {  	[bflag:$0x0] =	sbarrier.arrive $0xFFFF  }
0xbc: {  	s16 =	rddreg [dreg:$0xc]  }
0xbd: {  	s6 =	simm.s32 $0x1F880;
	s26 =	simm.s32 $0x0;
	s17 =	sld [smem:$0x7F7]  }
0xbe: {  	[tilespmem:s6], [sflag:$0x7] =	stream.linear.gather [hbm4b:s16+s26], $0x80, $0x38;
	[tilespmem:$0x1FF80] =	vst v63  }
0xbf: {  	s31 =	simm.s32 $0x7;
	s15 =	simm.s32 $0x1FB80  }
0xc0: {  	[tilespmem:s15], [sflag:$0x7] =	stream.linear.gather [hbm4b:s17+s26], $0x80, $0x38;
	[tilespmem:$0x1FF80] =	vst v63  }
0xc1: {  	_ =	swait.ge [sflag:s31], $0x80  }
0xc2: {  	[sflag:s31] =	ssyncset.done $0x0  }
0xc3: {  	[sflag:s31] =	ssyncadd.s32 $0xFFFFFF80  }
0xc4: {  	_ =	swait.ge [sflag:s31], $0x80  }
0xc5: {  	[sflag:s31] =	ssyncset.done $0x0  }
0xc6: {  	s15 =	sld [smem:$0x7F8];
	[sflag:s31] =	ssyncadd.s32 $0xFFFFFF80  }
0xc7: {  	[tilespmem:s18], [sflag:$0x1] =	stream.indirect.gather [hbm4b:s4+s22], $0x80, s6, s22, $0xb8;
	[tilespmem:$0x1FF80] =	vst v63  }
0xc8: {  	s16 =	simm.s32 $0x1F900;
	s17 =	sld [smem:$0x7F9]  }
0xc9: {  	[tilespmem:s16], [sflag:$0x8] =	stream.linear.gather [hbm4b:s15+s26], $0x80, $0x38;
	[tilespmem:$0x1FF80] =	vst v63  }
0xca: {  	s31 =	simm.s32 $0x1FC00;
	s15 =	simm.s32 $0x8  }
0xcb: {  	[tilespmem:s31], [sflag:$0x8] =	stream.linear.gather [hbm4b:s17+s26], $0x80, $0x38;
	[tilespmem:$0x1FF80] =	vst v63  }
0xcc: {  	_ =	swait.ge [sflag:s15], $0x80  }
0xcd: {  	[sflag:s15] =	ssyncset.done $0x0  }
0xce: {  	[sflag:s15] =	ssyncadd.s32 $0xFFFFFF80  }
0xcf: {  	_ =	swait.ge [sflag:s15], $0x80  }
0xd0: {  	[sflag:s15] =	ssyncset.done $0x0  }
0xd1: {  	[sflag:s15] =	ssyncadd.s32 $0xFFFFFF80  }
0xd2: {  	[tilespmem:s14], [sflag:$0x2] =	stream.indirect.gather [hbm4b:s4+s22], $0x80, s16, s22, $0xb8;
	[tilespmem:$0x1FF80] =	vst v63  }
0xd3: {  	s16 =	sld [smem:$0x7FA];
	_ =	sdelay $0x1  }
0xd4: {  	s17 =	simm.s32 $0x1F980;
	s31 =	sld [smem:$0x7FB]  }
0xd5: {  	[tilespmem:s17], [sflag:$0x9] =	stream.linear.gather [hbm4b:s16+s26], $0x80, $0x38;
	[tilespmem:$0x1FF80] =	vst v63  }
0xd6: {  	_ = 	snop  }
0xd7: {  	[tilespmem:s7], [sflag:$0x9] =	stream.linear.gather [hbm4b:s31+s26], $0x80, $0x38;
	[tilespmem:$0x1FF80] =	vst v63  }
0xd8: {  	_ =	swait.ge [sflag:s8], $0x80  }
0xd9: {  	[sflag:s8] =	ssyncset.done $0x0  }
0xda: {  	[sflag:s8] =	ssyncadd.s32 $0xFFFFFF80  }
0xdb: {  	_ =	swait.ge [sflag:s8], $0x80  }
0xdc: {  	[sflag:s8] =	ssyncset.done $0x0  }
0xdd: {  	s30 =	rddreg [dreg:$0x1e];
	[sflag:s8] =	ssyncadd.s32 $0xFFFFFF80  }
0xde: {  	[tilespmem:s9], [sflag:$0x3] =	stream.indirect.gather [hbm4b:s4+s22], $0x80, s17, s22, $0xb8;
	[tilespmem:$0x1FF80] =	vst v63  }
.LBB2_4:
0xdf: {  	_ =	swait.ge [sflag:s10], $0x4000  }
0xe0: {  	[sflag:s10] =	ssyncset.done $0x0;
	s6 =	sld [smem:$0x7F6]  }
0xe1: {  	s1 =	simm.s32 $0x1FB80;
	s15 =	sld [smem:$0x7F5];
	[sflag:s10] =	ssyncadd.s32 $0xFFFFC000  }
0xe2: {  	[spmem:s2] =	stream.indirect.scatter.add.f32 [tilespmem:s18], [sflag:$0x4], $0x80, s1, s22, $0xb8;
	[tilespmem:$0x1FF80] =	vst v63  }
0xe3: {  	s31 =	sadd.s32 s26, s6  }
0xe4: {  	[tilespmem:s11], [sflag:$0xA] =	stream.linear.gather [hbm4b:s31+s3], $0x80, $0x38;
	[tilespmem:$0x1FF80] =	vst v63  }
0xe5: {  	s16 =	sadd.s32 s26, s15  }
0xe6: {  	[tilespmem:s12], [sflag:$0xA] =	stream.linear.gather [hbm4b:s16+s3], $0x80, $0x38;
	[tilespmem:$0x1FF80] =	vst v63  }
0xe7: {  	_ =	swait.ge [sflag:s13], $0x4000  }
0xe8: {  	[sflag:s13] =	ssyncset.done $0x0  }
0xe9: {  	[sflag:s13] =	ssyncadd.s32 $0xFFFFC000  }
0xea: {  	_ =	swait.ge [sflag:s20], $0x80  }
0xeb: {  	[sflag:s20] =	ssyncset.done $0x0  }
0xec: {  	[sflag:s20] =	ssyncadd.s32 $0xFFFFFF80  }
0xed: {  	_ =	swait.ge [sflag:s20], $0x80  }
0xee: {  	[sflag:s20] =	ssyncset.done $0x0  }
0xef: {  	[sflag:s20] =	ssyncadd.s32 $0xFFFFFF80  }
0xf0: {  	[tilespmem:s18], [sflag:$0x1] =	stream.indirect.gather [hbm4b:s4+s22], $0x80, s11, s22, $0xb8;
	[tilespmem:$0x1FF80] =	vst v63  }
0xf1: {  	_ =	swait.ge [sflag:s23], $0x4000  }
0xf2: {  	[sflag:s23] =	ssyncset.done $0x0  }
0xf3: {  	s17 =	simm.s32 $0x1FC00;
	s31 =	rddreg [dreg:$0x1f];
	[sflag:s23] =	ssyncadd.s32 $0xFFFFC000  }
0xf4: {  	[spmem:s2] =	stream.indirect.scatter.add.f32 [tilespmem:s14], [sflag:$0x5], $0x80, s17, s22, $0xb8;
	[tilespmem:$0x1FF80] =	vst v63  }
0xf5: {  	s15 =	rddreg [dreg:$0x1d];
	s6 =	sadd.s32 s26, s31  }
0xf6: {  	[tilespmem:s21], [sflag:$0xB] =	stream.linear.gather [hbm4b:s6+s3], $0x80, $0x38;
	[tilespmem:$0x1FF80] =	vst v63  }
0xf7: {  	s16 =	sadd.s32 s26, s15;
	s17 =	simm.s32 $0x1FD80  }
0xf8: {  	[tilespmem:s17], [sflag:$0xB] =	stream.linear.gather [hbm4b:s16+s3], $0x80, $0x38;
	[tilespmem:$0x1FF80] =	vst v63  }
0xf9: {  	_ =	swait.ge [sflag:s0], $0x4000  }
0xfa: {  	[sflag:s0] =	ssyncset.done $0x0  }
0xfb: {  	[sflag:s0] =	ssyncadd.s32 $0xFFFFC000  }
0xfc: {  	_ =	swait.ge [sflag:s19], $0x80  }
0xfd: {  	[sflag:s19] =	ssyncset.done $0x0  }
0xfe: {  	[sflag:s19] =	ssyncadd.s32 $0xFFFFFF80  }
0xff: {  	_ =	swait.ge [sflag:s19], $0x80  }
0x100: {  	[sflag:s19] =	ssyncset.done $0x0  }
0x101: {  	[sflag:s19] =	ssyncadd.s32 $0xFFFFFF80  }
0x102: {  	[tilespmem:s14], [sflag:$0x2] =	stream.indirect.gather [hbm4b:s4+s22], $0x80, s21, s22, $0xb8;
	[tilespmem:$0x1FF80] =	vst v63  }
0x103: {  	_ =	swait.ge [sflag:s5], $0x4000  }
0x104: {  	[sflag:s5] =	ssyncset.done $0x0  }
0x105: {  	s6 =	rddreg [dreg:$0x1c];
	[sflag:s5] =	ssyncadd.s32 $0xFFFFC000  }
0x106: {  	[spmem:s2] =	stream.indirect.scatter.add.f32 [tilespmem:s9], [sflag:$0x6], $0x80, s7, s22, $0xb8;
	[tilespmem:$0x1FF80] =	vst v63  }
0x107: {  	s16 =	rddreg [dreg:$0x1b];
	s15 =	sadd.s32 s26, s6  }
0x108: {  	[tilespmem:s28], [sflag:$0xC] =	stream.linear.gather [hbm4b:s15+s3], $0x80, $0x38;
	[tilespmem:$0x1FF80] =	vst v63  }
0x109: {  	s17 =	sadd.s32 s26, s16  }
0x10a: {  	[tilespmem:s29], [sflag:$0xC] =	stream.linear.gather [hbm4b:s17+s3], $0x80, $0x38;
	[tilespmem:$0x1FF80] =	vst v63  }
0x10b: {  	_ =	swait.ge [sflag:s24], $0x4000  }
0x10c: {  	[sflag:s24] =	ssyncset.done $0x0  }
0x10d: {  	[sflag:s24] =	ssyncadd.s32 $0xFFFFC000  }
0x10e: {  	_ =	swait.ge [sflag:s25], $0x80  }
0x10f: {  	[sflag:s25] =	ssyncset.done $0x0  }
0x110: {  	[sflag:s25] =	ssyncadd.s32 $0xFFFFFF80  }
0x111: {  	_ =	swait.ge [sflag:s25], $0x80  }
0x112: {  	[sflag:s25] =	ssyncset.done $0x0  }
0x113: {  	[sflag:s25] =	ssyncadd.s32 $0xFFFFFF80  }
0x114: {  	[tilespmem:s9], [sflag:$0x3] =	stream.indirect.gather [hbm4b:s4+s22], $0x80, s28, s22, $0xb8;
	[tilespmem:$0x1FF80] =	vst v63  }
0x115: {  	_ =	swait.ge [sflag:s10], $0x4000  }
0x116: {  	p1 =	seq.s32 s26, $0x480;
	[sflag:s10] =	ssyncset.done $0x0  }
0x117: {  	s31 =	simm.s32 @p1 $0x2;
	[sflag:s10] =	ssyncadd.s32 $0xFFFFC000  }
0x118: {  	[spmem:s2] =	stream.indirect.scatter.add.f32 [tilespmem:s18], [sflag:$0x4], $0x80, s12, s22, $0xb8;
	[tilespmem:$0x1FF80] =	vst v63  }
0x119: {  	_ =	swait.ge @p1 [sflag:s31], $0x4000  }
0x11a: {  	s1 =	simm.s32 @p1 $0x1FD80;
	[sflag:s31] =	ssyncset.done @p1 $0x0  }
0x11b: {  	s15 =	simm.s32 @p1 $0x17880;
	[sflag:s31] =	ssyncadd.s32 @p1 $0xFFFFC000;
	s31 =	simm.s32 @p1 $0x80  }
0x11c: {  	[spmem:s2] =	stream.indirect.scatter.add.f32 @p1 [tilespmem:s15], [sflag:$0x5], $0x80, s1, s31, $0xb8;
	[tilespmem:$0x1FF80] =	vst v63  }
0x11d: {  	s6 =	rddreg [dreg:$0x3];
	s1 =	sshrl.u32 @!p1 s30, $0x3  }
0x11e: {  	s15 =	simm.s32 @!p1 $0x0;
	s31 =	simm.s32 @!p1 $0x1F880;
	s1 =	sadd.s32 @!p1 s6, s1  }
0x11f: {  	[tilespmem:s31], [sflag:$0x7] =	stream.linear.gather @!p1 [hbm4b:s1+s15], $0x80, $0x38;
	[tilespmem:$0x1FF80] =	vst v63  }
0x120: {  	s1 =	rddreg [dreg:$0x16]  }
0x121: {  	s16 =	simm.s32 @!p1 $0x1FB80;
	s1 =	sadd.s32 @!p1 s26, s1  }
0x122: {  	[tilespmem:s16], [sflag:$0x7] =	stream.linear.gather @!p1 [hbm4b:s1+s15], $0x80, $0x38;
	[tilespmem:$0x1FF80] =	vst v63  }
0x123: {  	s1 =	simm.s32 @!p1 $0x4  }
0x124: {  	_ =	swait.ge @!p1 [sflag:s1], $0x4000  }
0x125: {  	[sflag:s1] =	ssyncset.done @!p1 $0x0  }
0x126: {  	[sflag:s1] =	ssyncadd.s32 @!p1 $0xFFFFC000;
	s1 =	simm.s32 @!p1 $0x7  }
0x127: {  	_ =	swait.ge @!p1 [sflag:s1], $0x80  }
0x128: {  	[sflag:s1] =	ssyncset.done @!p1 $0x0  }
0x129: {  	[sflag:s1] =	ssyncadd.s32 @!p1 $0xFFFFFF80  }
0x12a: {  	_ =	swait.ge @!p1 [sflag:s1], $0x80  }
0x12b: {  	[sflag:s1] =	ssyncset.done @!p1 $0x0  }
0x12c: {  	s16 =	simm.s32 @!p1 $0x13880;
	[sflag:s1] =	ssyncadd.s32 @!p1 $0xFFFFFF80;
	s1 =	simm.s32 @!p1 $0x80  }
0x12d: {  	[tilespmem:s16], [sflag:$0x1] =	stream.indirect.gather @!p1 [hbm4b:s4+s1], $0x80, s31, s1, $0xb8;
	[tilespmem:$0x1FF80] =	vst v63  }
0x12e: {  	s16 =	simm.s32 @!p1 $0x2  }
0x12f: {  	_ =	swait.ge @!p1 [sflag:s16], $0x4000  }
0x130: {  	s31 =	simm.s32 @!p1 $0x17880;
	[sflag:s16] =	ssyncset.done @!p1 $0x0  }
0x131: {  	s6 =	rddreg [dreg:$0x18];
	[sflag:s16] =	ssyncadd.s32 @!p1 $0xFFFFC000;
	s16 =	simm.s32 @!p1 $0x1FD80  }
0x132: {  	[spmem:s2] =	stream.indirect.scatter.add.f32 @!p1 [tilespmem:s31], [sflag:$0x5], $0x80, s16, s1, $0xb8;
	[tilespmem:$0x1FF80] =	vst v63  }
0x133: {  	s17 =	simm.s32 @!p1 $0x1F900;
	s16 =	sadd.s32 @!p1 s26, s6;
	s6 =	rddreg [dreg:$0x17]  }
0x134: {  	[tilespmem:s17], [sflag:$0x8] =	stream.linear.gather @!p1 [hbm4b:s16+s15], $0x80, $0x38;
	[tilespmem:$0x1FF80] =	vst v63  }
0x135: {  	s16 =	sadd.s32 @!p1 s26, s6;
	s6 =	simm.s32 @!p1 $0x1FC00  }
0x136: {  	[tilespmem:s6], [sflag:$0x8] =	stream.linear.gather @!p1 [hbm4b:s16+s15], $0x80, $0x38;
	[tilespmem:$0x1FF80] =	vst v63  }
0x137: {  	s6 =	simm.s32 @!p1 $0x5  }
0x138: {  	_ =	swait.ge @!p1 [sflag:s6], $0x4000  }
0x139: {  	[sflag:s6] =	ssyncset.done @!p1 $0x0  }
0x13a: {  	[sflag:s6] =	ssyncadd.s32 @!p1 $0xFFFFC000;
	s6 =	simm.s32 @!p1 $0x8  }
0x13b: {  	_ =	swait.ge @!p1 [sflag:s6], $0x80  }
0x13c: {  	[sflag:s6] =	ssyncset.done @!p1 $0x0  }
0x13d: {  	[sflag:s6] =	ssyncadd.s32 @!p1 $0xFFFFFF80  }
0x13e: {  	_ =	swait.ge @!p1 [sflag:s6], $0x80  }
0x13f: {  	[sflag:s6] =	ssyncset.done @!p1 $0x0  }
0x140: {  	[sflag:s6] =	ssyncadd.s32 @!p1 $0xFFFFFF80  }
0x141: {  	[tilespmem:s31], [sflag:$0x2] =	stream.indirect.gather @!p1 [hbm4b:s4+s1], $0x80, s17, s1, $0xb8;
	[tilespmem:$0x1FF80] =	vst v63  }
.Ltmp3:
0x142: {  	_ = 	snop;
	(pc) =	sbr.rel @p1 .LBB2_6-.Ltmp3, $4  }
0x143: {  	_ =	swait.ge [sflag:s5], $0x4000  }
0x144: {  	[sflag:s5] =	ssyncset.done $0x0  }
0x145: {  	[sflag:s5] =	ssyncadd.s32 $0xFFFFC000  }
0x146: {  	[spmem:s2] =	stream.indirect.scatter.add.f32 [tilespmem:s9], [sflag:$0x6], $0x80, s29, s22, $0xb8;
	[tilespmem:$0x1FF80] =	vst v63  }
0x147: {  	s1 =	rddreg [dreg:$0x1a]  }
0x148: {  	s6 =	simm.s32 $0x1F980;
	s31 =	rddreg [dreg:$0x19];
	s1 =	sadd.s32 s26, s1  }
0x149: {  	[tilespmem:s6], [sflag:$0x9] =	stream.linear.gather [hbm4b:s1+s3], $0x80, $0x38;
	[tilespmem:$0x1FF80] =	vst v63  }
0x14a: {  	s1 =	sadd.s32 s26, s31  }
0x14b: {  	[tilespmem:s7], [sflag:$0x9] =	stream.linear.gather [hbm4b:s1+s3], $0x80, $0x38;
	[tilespmem:$0x1FF80] =	vst v63  }
0x14c: {  	_ =	swait.ge [sflag:s24], $0x4000  }
0x14d: {  	[sflag:s24] =	ssyncset.done $0x0  }
0x14e: {  	[sflag:s24] =	ssyncadd.s32 $0xFFFFC000  }
0x14f: {  	_ =	swait.ge [sflag:s8], $0x80  }
0x150: {  	[sflag:s8] =	ssyncset.done $0x0  }
.Ltmp4:
0x151: {  	[sflag:s8] =	ssyncadd.s32 $0xFFFFFF80;
	(pc) =	sbr.rel .LBB2_4-.Ltmp4, $4  }
0x152: {  	_ =	swait.ge [sflag:s8], $0x80  }
0x153: {  	[sflag:s8] =	ssyncset.done $0x0  }
0x154: {  	s30 =	sadd.s32 $0x300, s30;
	s26 =	sadd.s32 $0x60, s26;
	[sflag:s8] =	ssyncadd.s32 $0xFFFFFF80  }
0x155: {  	[tilespmem:s9], [sflag:$0x3] =	stream.indirect.gather [hbm4b:s4+s22], $0x80, s6, s22, $0xb8;
	[tilespmem:$0x1FF80] =	vst v63  }
.LBB2_7:
0x156: {  	_ =	sfence.sel $0x180000  }
0x157: {  	[bflag:$0x0] =	sbarrier.arrive $0xFFFF  }
0x158: {  	_ =	strace $0x9000004D  }
0x159: {  	s0 =	stileid.u32;
	[bflag:$0x2] =	sbarrier.arrive $0xFFFF  }
0x15a: {  	p0 =	sne.s32 s0, $0x0;
	s0 =	rddreg [dreg:$0x2]  }
0x15b: {  	s0 =	sadd.s32 @!p0 $0x100000, s0  }
0x15c: {  	[sflag:s0] =	ssyncadd.tile.s32 @!p0 $0x1;
	_ =	shalt  }
.Lfunc_end2:
_tile_overlayer_lowered:
.L_overlay_start_2:
0x15d: {  	(tag) =	ssettag $0x2  }
0x15e: {  	s0 =	rddreg [dreg:$0x0];
	s2 =	stileid.u32  }
0x15f: {  	s1 =	rddreg [dreg:$0x1];
	p0 =	sne.s32 s2, $0x0  }
0x160: {  	s3 =	rddreg [dreg:$0x2];
	[bflag:$0x3] =	sbarrier.arrive $0xFFFF;
	s2 =	simm.s32 @!p0 $0x1C0D  }
0x161: {  	[timem:s3], [sflag:s2] =	dma.local @!p0 [hbm:s0], s1  }
0x162: {  	s0 =	simm.s32 @!p0 $0xD  }
0x163: {  	_ =	swait.ge @!p0 [sflag:s0], s1  }
0x164: {  	s1 =	ssub.s32 @!p0 $0x0, s1;
	[sflag:s0] =	ssyncset.done @!p0 $0x0  }
0x165: {  	[sflag:s0] =	ssyncadd.s32 @!p0 s1  }
0x166: {  	[bflag:$0x3] =	sbarrier.arrive $0xFFFF  }
0x167: {  	_ =	shalt  }

// kernel: kernel.20.cloned.1.call-start
scs
__scs_entry_jumppad:
0x0: {  	(pc) =	sbr.rel $0x88, $3  }
0x1: {  	(tag) =	ssettag $0x0;
	lr =	simm.s32 $0x1  }
0x2: {  	[smem:$0x3F99] =	sst lr;
	_ =	strace $0xD0000000  }
0x3: {  	_ = 	snop  }
0x4: {  	_ = 	snop  }
0x5: {  	_ = 	snop  }
0x6: {  	_ = 	snop  }
0x7: {  	_ = 	snop  }
__scs_overlays_trampoline_lowered:
0x8: {  	[smem:$0x3FA8] =	sst s0  }
0x9: {  	[smem:$0x3FA9] =	sst s1  }
0xa: {  	[smem:$0x3FAA] =	sst s2  }
0xb: {  	[smem:$0x3FAB] =	sst s3  }
0xc: {  	[smem:$0x3FAC] =	sst s4  }
0xd: {  	[smem:$0x3FAD] =	sst s5  }
0xe: {  	[smem:$0x3FAE] =	sst s6  }
0xf: {  	[smem:$0x3FAF] =	sst s7  }
0x10: {  	[smem:$0x3FB0] =	sst s8  }
0x11: {  	[smem:$0x3FB1] =	sst s9;
	s0 =	simm.s32 @!p0 $0x0  }
0x12: {  	s1 =	sld [smem:$0x3F97];
	s0 =	simm.s32 @p0 $0x1  }
0x13: {  	[smem:$0x3FB2] =	sst s0;
	s0 =	simm.s32 @!p1 $0x0  }
0x14: {  	s2 =	sld [smem:$0x3F96];
	s0 =	simm.s32 @p1 $0x1  }
0x15: {  	[smem:$0x3FB3] =	sst s0;
	s0 =	simm.s32 @!p2 $0x0  }
0x16: {  	s3 =	sld [smem:$0x3FDB];
	s0 =	simm.s32 @p2 $0x1  }
0x17: {  	s4 =	simm.s32 $0x1BF5;
	[smem:$0x3FB5] =	sst s0  }
0x18: {  	s0 =	sld [smem:$0x3F98];
	_ =	swait.ge [sflag:s4], $0x0  }
0x19: {  	s7 =	sld [smem:$0x3F99]  }
0x1a: {  	s8 =	sadd.s32 $0xFFFFE003, lr  }
0x1b: {  	s9 =	sadd.s32 $0xFFFFFEF7, lr;
	s5 =	simm.s32 $0xFFFFFFFF;
	p2 =	slt.u32 s8, $0xFFFFF086  }
0x1c: {  	p1 =	slt.u32 s9, $0xF7A;
	s5 =	simm.s32 @!p2 $0x0  }
0x1d: {  	s5 =	simm.s32 @p1 $0x1;
	p0 =	seq.s32 s7, s2  }
0x1e: {  	s7 =	smul.u32 @!p0 $0xF7A, s2;
	p2 =	seq.s32 @!p0 s5, $0x0  }
0x1f: {  	s9 =	smul.u32 $0xF7A, s1;
	s8 =	simm.s32 @!p0 $0x1BF5;
	p2 =	por !p2, p0  }
0x20: {  	[sflag:s8] =	ssyncset.s32 @!p0 $0xFFFFF086;
	s6 =	sadd.s32 @!p0 s3, s7;
	s7 =	simm.s32 @!p0 $0x108  }
0x21: {  	s3 =	sadd.s32 s3, s9;
	s6 =	sadd.s32 @!p0 $0x88, s6;
	s7 =	simm.s32 @p2 $0x1082  }
0x22: {  	[simem:s7], [sflag:s8] =	dma.local @!p0 [hbm:s6], $0xF7A  }
0x23: {  	s9 =	sor.u32 $0xD0000000, s2;
	s6 =	simm.s32 $0x108;
	_ =	swait.ge @!p0 [sflag:s8], $0x0  }
0x24: {  	s3 =	sadd.s32 $0x88, s3;
	s6 =	simm.s32 @!p1 $0x1082;
	[sflag:s4] =	ssyncset.s32 $0xFFFFF086  }
0x25: {  	[simem:s6], [sflag:s4] =	dma.local [hbm:s3], $0xF7A  }
0x26: {  	[smem:$0x3F99] =	sst s1;
	(tag) =	ssettag s2;
	_ =	strace s9  }
0x27: {  	s1 =	sld [smem:$0x3FA9]  }
0x28: {  	s2 =	sld [smem:$0x3FAA]  }
0x29: {  	s4 =	sld [smem:$0x3FAC]  }
0x2a: {  	p0 =	seq.s32 s5, $0x0;
	s5 =	sld [smem:$0x3FAD]  }
0x2b: {  	s6 =	sld [smem:$0x3FAE]  }
0x2c: {  	s7 =	sld [smem:$0x3FAF]  }
0x2d: {  	s3 =	simm.s32 $0x108;
	s8 =	sld [smem:$0x3FB0]  }
0x2e: {  	s3 =	simm.s32 @!p0 $0x1082;
	s9 =	sld [smem:$0x3FB1]  }
0x2f: {  	lr =	sadd.s32 s0, s3;
	s0 =	sld [smem:$0x3FA8]  }
0x30: {  	s3 =	sld [smem:$0x3FAB]  }
0x31: {  	[smem:$0x3FB4] =	sst s10  }
0x32: {  	s10 =	sld [smem:$0x3FB2];
	_ =	sdelay $0x3  }
0x33: {  	p0 =	seq.s32 s10, $0x1;
	s10 =	sld [smem:$0x3FB4];
	_ =	sdelay $0x3  }
0x34: {  	[smem:$0x3FB4] =	sst s10  }
0x35: {  	s10 =	sld [smem:$0x3FB3];
	_ =	sdelay $0x3  }
0x36: {  	p1 =	seq.s32 s10, $0x1;
	s10 =	sld [smem:$0x3FB4];
	_ =	sdelay $0x3  }
0x37: {  	[smem:$0x3FB4] =	sst s10  }
0x38: {  	s10 =	sld [smem:$0x3FB5]  }
0x39: {  	_ = 	snop;
	(pc) =	sbr.ind lr, $3  }
0x3a: {  	_ = 	snop  }
0x3b: {  	_ = 	snop  }
0x3c: {  	p2 =	seq.s32 s10, $0x1;
	s10 =	sld [smem:$0x3FB4]  }
0x3d: {  	_ =	shalt  }
0x3e: {  	_ =	shalt  }
0x3f: {  	_ =	shalt  }
0x40: {  	_ =	shalt  }
0x41: {  	_ =	shalt  }
0x42: {  	_ =	shalt  }
0x43: {  	_ =	shalt  }
0x44: {  	_ =	shalt  }
0x45: {  	_ =	shalt  }
0x46: {  	_ =	shalt  }
0x47: {  	_ =	shalt  }
0x48: {  	_ =	shalt  }
0x49: {  	_ =	shalt  }
0x4a: {  	_ =	shalt  }
0x4b: {  	_ =	shalt  }
0x4c: {  	_ =	shalt  }
0x4d: {  	_ =	shalt  }
0x4e: {  	_ =	shalt  }
0x4f: {  	_ =	shalt  }
0x50: {  	_ =	shalt  }
0x51: {  	_ =	shalt  }
0x52: {  	_ =	shalt  }
0x53: {  	_ =	shalt  }
0x54: {  	_ =	shalt  }
0x55: {  	_ =	shalt  }
0x56: {  	_ =	shalt  }
0x57: {  	_ =	shalt  }
0x58: {  	_ =	shalt  }
0x59: {  	_ =	shalt  }
0x5a: {  	_ =	shalt  }
0x5b: {  	_ =	shalt  }
0x5c: {  	_ =	shalt  }
0x5d: {  	_ =	shalt  }
0x5e: {  	_ =	shalt  }
0x5f: {  	_ =	shalt  }
0x60: {  	_ =	shalt  }
0x61: {  	_ =	shalt  }
0x62: {  	_ =	shalt  }
0x63: {  	_ =	shalt  }
0x64: {  	_ =	shalt  }
0x65: {  	_ =	shalt  }
0x66: {  	_ =	shalt  }
0x67: {  	_ =	shalt  }
0x68: {  	_ =	shalt  }
0x69: {  	_ =	shalt  }
0x6a: {  	_ =	shalt  }
0x6b: {  	_ =	shalt  }
0x6c: {  	_ =	shalt  }
0x6d: {  	_ =	shalt  }
0x6e: {  	_ =	shalt  }
0x6f: {  	_ =	shalt  }
0x70: {  	_ =	shalt  }
0x71: {  	_ =	shalt  }
0x72: {  	_ =	shalt  }
0x73: {  	_ =	shalt  }
0x74: {  	_ =	shalt  }
0x75: {  	_ =	shalt  }
0x76: {  	_ =	shalt  }
0x77: {  	_ =	shalt  }
0x78: {  	_ =	shalt  }
0x79: {  	_ =	shalt  }
0x7a: {  	_ =	shalt  }
0x7b: {  	_ =	shalt  }
0x7c: {  	_ =	shalt  }
0x7d: {  	_ =	shalt  }
0x7e: {  	_ =	shalt  }
0x7f: {  	_ =	shalt  }
0x80: {  	_ =	shalt  }
0x81: {  	_ =	shalt  }
0x82: {  	_ =	shalt  }
0x83: {  	_ =	shalt  }
0x84: {  	_ =	shalt  }
0x85: {  	_ =	shalt  }
0x86: {  	_ =	shalt  }
0x87: {  	_ =	shalt  }
.Lfunc_end0:
.L_simem_size_0:
called_computation.3_lowered:
.L_overlay_start_0:
0x88: {  	s2 =	sld [smem:$0x3FD9]  }
0x89: {  	s3 =	sld [smem:$0x3FFE];
	_ =	sdelay $0x1  }
0x8a: {  	s1 =	srdreg.scid  }
0x8b: {  	s0 =	sand.u32 $0x1, s1  }
0x8c: {  	s16 =	sshll.u32 s0, $0xA;
	s2 =	sadd.s32 s3, s2  }
0x8d: {  	s2 =	sadd.s32 s2, s16  }
0x8e: {  	[smem:$0x3FC0] =	sst s2  }
0x8f: {  	_ = 	snop  }
0x90: {  	(tm) =	ssettm $0x1  }
0x91: {  	s17 =	sld [smem:$0x3FFB];
	_ =	sdelay $0x3  }
0x92: {  	_ =	strace s17  }
0x93: {  	s2 =	sld [smem:$0x3FFC];
	_ =	sdelay $0x3  }
0x94: {  	_ =	strace s2  }
0x95: {  	s2 =	sld [smem:$0x3FFD];
	_ =	sdelay $0x3  }
0x96: {  	_ =	strace s2  }
0x97: {  	_ =	strace $0x8FFFFFFF  }
0x98: {  	s18 =	sld [smem:$0x3FDB];
	_ =	sdelay $0x1  }
0x99: {  	s19 =	simm.s32 $_scs_section_size  }
0x9a: {  	s4 =	simm.s32 $_size__tile_overlayer_lowered;
	s5 =	simm.s32 $_tile_overlayer_lowered  }
0x9b: {  	s22 =	simm.s32 $0x1BFF;
	s21 =	sshll.u32 s5, $0x1;
	s2 =	sadd.s32 s19, s18  }
0x9c: {  	s6 =	simm.s32 $0x0;
	s20 =	sshll.u32 s4, $0x1;
	s4 =	sadd.s32 s21, s2  }
0x9d: {  	[timem:s6], [sflag:s22] =	dma.local [hbm:s4], s20  }
0x9e: {  	_ =	swait.ge [sflag:s22], s20  }
0x9f: {  	s3 =	ssub.s32 $0x0, s20;
	[sflag:s22] =	ssyncset.done $0x0  }
0xa0: {  	[sflag:s22] =	ssyncadd.s32 s3;
	_ =	sdelay $0x1  }
0xa1: {  	s23 =	simm.s32 $0x1B8B  }
0xa2: {  	_ =	swait.ge [sflag:s23], $0x1  }
0xa3: {  	[sflag:s23] =	ssyncset.done $0x0  }
0xa4: {  	s25 =	simm.s32 $0x1B8E;
	s24 =	sld [smem:$0x3FFE];
	[sflag:s23] =	ssyncadd.s32 $0xFFFFFFFF  }
0xa5: {  	s26 =	simm.s32 $execute0_lowered;
	[smem:$0x3FD2] =	sst s25  }
0xa6: {  	s4 =	sshll.u32 s26, $0x1;
	_ =	strace $0x8000004F;
	[dreg:$0x1] =	wrdreg $0xFFFFFFFF  }
0xa7: {  	s28 =	simm.s32 $_size_execute0_lowered;
	s2 =	sadd.s32 s2, s4;
	[dreg:$0x0] =	wrdreg $0x0  }
0xa8: {  	s4 =	sshll.u32 s28, $0x1;
	[dreg:$0x2] =	wrdreg s2  }
0xa9: {  	[dreg:$0x3] =	wrdreg s4  }
0xaa: {  	[dreg:$0x4] =	wrdreg $0xC0  }
0xab: {  	_ =	task [dreg:s6], $0x5FFFF  }
0xac: {  	[dreg:$0x1] =	wrdreg $0xFFFFFFFF  }
0xad: {  	[dreg:$0x0] =	wrdreg $0x60  }
0xae: {  	[dreg:$0x2] =	wrdreg s24  }
0xaf: {  	[dreg:$0x3] =	wrdreg $0x9  }
0xb0: {  	_ =	task.clear_ibuf [dreg:s6], $0x4FFFF;
	_ =	strace $0x9000004F  }
0xb1: {  	s29 =	simm.s32 $0x9;
	_ =	strace $0x80000051  }
0xb2: {  	_ =	swait.ge [sflag:s29], $0x1  }
0xb3: {  	[sflag:s29] =	ssyncadd.s32 $0xFFFFFFFF  }
0xb4: {  	_ =	strace $0x90000051  }
0xb5: {  	_ =	sfence  }
0xb6: {  	s30 =	sld [smem:$0x0];
	_ =	sdelay $0x2  }
0xb7: {  	s31 =	sshll.u32 s1, $0xD;
	s1 =	sshrl.u32 s1, $0x2  }
0xb8: {  	s3 =	sand.u32 $0x4000, s31;
	s1 =	sadd.s32 s1, s30  }
0xb9: {  	s0 =	sor.u32 s3, s0;
	s1 =	sshll.u32 s1, $0x11  }
0xba: {  	s0 =	sor.u32 s1, s0  }
0xbb: {  	s0 =	sadd.s32 $0x8F2B, s0  }
0xbc: {  	[sflag:s0] =	ssyncadd.remote.s32 $0x1  }
0xbd: {  	_ =	sfence.sel $0xFFFF  }
0xbe: {  	[dreg:$0x0] =	wrdreg $0xFFFFFFFF;
	(pc) =	sbr.abs _section_cstart, $3  }
0xbf: {  	[dreg:$0x1] =	wrdreg $0xFFFFFFFF  }
0xc0: {  	_ =	task.clear_ibuf [dreg:s6], $0x2FFFF;
	_ =	strace $0x9FFFFFFF  }
0xc1: {  	(tm) =	ssettm $0x7FFFFFFF  }
tec
execute0_lowered:
.L_overlay_start_1:
0x0: {  	(tag) =	ssettag $0x1  }
0x1: {  	s1 =	srdreg.scid  }
0x2: {  	s0 =	stileid.u32;
	s4 =	rddreg [dreg:$0x0];
	s2 =	simm.s32 $0x0  }
0x3: {  	s10 =	simm.s32 $0x7680;
	s3 =	sand.u32 $0x1, s1;
	s5 =	sshll.u32 s0, $0x1  }
0x4: {  	s11 =	simm.s32 $0x2780;
	s1 =	rddreg [dreg:$0x1];
	s5 =	sor.u32 s3, s5  }
0x5: {  	s12 =	simm.s32 $0x0;
	[smem:$0x7FF] =	sst s2;
	s6 =	smul.u32 $0x2710, s5  }
0x6: {  	_ =	strace $0x80000050;
	s7 =	ssub.s32 $0x2, s3;
	s3 =	sadd.s32 $0x17000, s4  }
0x7: {  	s5 =	smul.u32 $0x4F0, s5;
	s8 =	sshrl.u32 s7, $0x1;
	s6 =	sshrl.u32 s6, $0x3  }
0x8: {  	s7 =	ssub.s32 s7, s8;
	s8 =	simm.s32 $0x1;
	s6 =	sadd.s32 s6, s4  }
0x9: {  	s9 =	sadd.s32 s5, s4;
	s7 =	smax.u32 s7, $0x1;
	s4 =	sadd.s32 $0x3600, s6  }
0xa: {  	v0 =	vimm.f32 $0.0e+00;
	s5 =	sadd.s32 $0xD240, s6;
	s6 =	sadd.s32 $0x17600, s9;
	s9 =	simm.s32 $0x4F00  }
.LBB2_1:
0xb: {  	[tilespmem:s2], [sflag:$0x1] =	stream.linear.gather [hbm4b:s3+s2], $0x2780, $0x38;
	[tilespmem:$0x9E00] =	vst v63  }
0xc: {  	_ =	swait.ge [sflag:s8], $0x2780  }
0xd: {  	[sflag:s8] =	ssyncset.done $0x0  }
0xe: {  	[sflag:s8] =	ssyncadd.s32 $0xFFFFD880  }
0xf: {  	[tilespmem:s9], [sflag:$0x1] =	stream.linear.gather [hbm4b:s4+s2], $0x2710, $0x38;
	[tilespmem:$0x9E00] =	vst v63  }
0x10: {  	_ =	swait.ge [sflag:s8], $0x2710  }
0x11: {  	[sflag:s8] =	ssyncset.done $0x0  }
0x12: {  	[sflag:s8] =	ssyncadd.s32 $0xFFFFD8F0  }
0x13: {  	[tilespmem:s10], [sflag:$0x1] =	stream.linear.gather [hbm4b:s5+s2], $0x2710, $0x38;
	[tilespmem:$0x9E00] =	vst v63  }
0x14: {  	_ =	swait.ge [sflag:s8], $0x2710  }
0x15: {  	[sflag:s8] =	ssyncset.done $0x0  }
0x16: {  	s13 =	simm.s32 $0x0;
	[sflag:s8] =	ssyncadd.s32 $0xFFFFD8F0  }
.LBB2_2:
0x17: {  	p0 =	sne.s32 s13, $0x9C00  }
.Ltmp0:
0x18: {  	_ = 	snop;
	(pc) =	sbr.rel @p0 .LBB2_2-.Ltmp0, $3  }
0x19: {  	_ =	sdelay $0x1  }
0x1a: {  	s14 =	sshra.s32 s13, $0x2  }
0x1b: {  	s13 =	sadd.s32 $0x40, s13;
	[tilespmem:s14+$0x2780] =	vst v0  }
0x1c: {  	s14 =	simm.s32 $0x0;
	s13 =	simm.s32 $0x40  }
.LBB2_4:
0x1d: {  	p0 =	sne.s32 s13, $0x9C00;
	v1 =	vld [tilespmem:s14+$0x4F00];
	_ =	sdelay $0x5  }
0x1e: {  	v2 =	vld [tilespmem:s14+$0x7680];
	_ =	sdelay $0x1  }
0x1f: {  	v1 =	vld.idx.msk [tilespmem:v1+s2+$0x0], $0xffff;
	_ =	sdelay $0x1  }
.Ltmp1:
0x20: {  	(pc) =	sbr.rel @p0 .LBB2_4-.Ltmp1, $2  }
0x21: {  	_ =	sdelay $0x2  }
0x22: {  	s14 =	sshra.s32 s13, $0x2;
	s13 =	sadd.s32 $0x40, s13;
	[tilespmem:v2+s11+$0x0] =	vst.idx.add.f32.msk $0xffff, v1  }
0x23: {  	v1 =	vld [tilespmem:s14+$0x4F00];
	_ =	sdelay $0x4  }
0x24: {  	v2 =	vld [tilespmem:s14+$0x7680];
	_ =	sdelay $0x2  }
0x25: {  	v1 =	vld.idx.msk [tilespmem:v1+s2+$0x0], $0xffff;
	_ =	sdelay $0x2  }
0x26: {  	s12 =	sadd.s32 $0x1, s12  }
0x27: {  	p0 =	sne.s32 s12, s7  }
.Ltmp2:
0x28: {  	[tilespmem:v2+s11+$0x0] =	vst.idx.add.f32.msk $0xffff, v1;
	(pc) =	sbr.rel @p0 .LBB2_1-.Ltmp2, $4  }
0x29: {  	[hbm4b:s6+s2] =	stream.linear.scatter [tilespmem:s11], [sflag:$0x1], $0x2780, $0x38;
	[tilespmem:$0x9E00] =	vst v63  }
0x2a: {  	_ =	swait.ge [sflag:s8], $0x2780  }
0x2b: {  	[sflag:s8] =	ssyncset.done $0x0  }
0x2c: {  	[sflag:s8] =	ssyncadd.s32 $0xFFFFD880  }
0x2d: {  	_ =	sfence.sel $0x180000  }
0x2e: {  	[bflag:$0x0] =	sbarrier.arrive $0xFFFF  }
0x2f: {  	p0 =	sne.s32 s0, $0x0;
	_ =	strace $0x90000050  }
0x30: {  	s0 =	sadd.s32 @!p0 $0x100000, s1;
	[bflag:$0x2] =	sbarrier.arrive $0xFFFF  }
0x31: {  	[sflag:s0] =	ssyncadd.tile.s32 @!p0 $0x1;
	_ =	shalt  }
.Lfunc_end2:
_tile_overlayer_lowered:
.L_overlay_start_2:
0x32: {  	(tag) =	ssettag $0x2  }
0x33: {  	s0 =	rddreg [dreg:$0x0];
	s2 =	stileid.u32  }
0x34: {  	s1 =	rddreg [dreg:$0x1];
	p0 =	sne.s32 s2, $0x0  }
0x35: {  	s3 =	rddreg [dreg:$0x2];
	[bflag:$0x3] =	sbarrier.arrive $0xFFFF;
	s2 =	simm.s32 @!p0 $0x1C01  }
0x36: {  	[timem:s3], [sflag:s2] =	dma.local @!p0 [hbm:s0], s1  }
0x37: {  	s0 =	simm.s32 @!p0 $0x1  }
0x38: {  	_ =	swait.ge @!p0 [sflag:s0], s1  }
0x39: {  	s1 =	ssub.s32 @!p0 $0x0, s1;
	[sflag:s0] =	ssyncset.done @!p0 $0x0  }
0x3a: {  	[sflag:s0] =	ssyncadd.s32 @!p0 s1  }
0x3b: {  	[bflag:$0x3] =	sbarrier.arrive $0xFFFF  }
0x3c: {  	_ =	shalt  }

</sc_bundles>
